<compile_context>
chip_gen: v7x
topology: tpu7x:2x2x1
jax: 0.10.2.dev20260603
libtpu: 0.0.44.dev20260713+nightly
codegen_flags: <defaults>
</compile_context>

<pallas_src>
import jax
import jax.numpy as jnp
from jax import lax
from jax.experimental import pallas as pl
from jax.experimental.pallas import tpu as pltpu
from jax.experimental.pallas import tpu_sc as plsc

N = 10000
E = 320000
D = 128
H = 2
S = 10000
SP = 10240
NC = 2
NS = 16
L = 16

CH = 2000
KB = 80
SLC = SP // NS
E_TILE = E // NS
E_WORK = E // (NC * NS)

_F32 = jnp.float32



def _dense_body(x_ref, ws_ref, wd_ref, wh_ref, asr_ref, adt_ref,
                og_ref, ot_ref):
    x = x_ref[...]
    ws = ws_ref[...]
    wd = wd_ref[...]
    wh = wh_ref[...]
    asr = asr_ref[...]
    adt = adt_ref[...]
    v0 = jnp.sum(wd[:, :D] * asr[0][None, :], axis=1)
    v1 = jnp.sum(wd[:, D:] * asr[1][None, :], axis=1)
    u0 = jnp.sum(ws[:, :D] * adt[0][None, :], axis=1)
    u1 = jnp.sum(ws[:, D:] * adt[1][None, :], axis=1)
    vu = jnp.stack([v0, v1, u0, u1], axis=1)
    vu = jnp.concatenate([vu, jnp.zeros((D, D - 4), _F32)], axis=1)
    m0 = 0.5 * jnp.dot(ws[:, :D], wh, precision=jax.lax.Precision.HIGHEST)
    m1 = 0.5 * jnp.dot(ws[:, D:], wh, precision=jax.lax.Precision.HIGHEST)
    og_ref[...] = jnp.concatenate(
        [jnp.dot(x, m0, preferred_element_type=_F32,
                 precision=jax.lax.Precision.HIGHEST),
         jnp.dot(x, m1, preferred_element_type=_F32,
                 precision=jax.lax.Precision.HIGHEST)], axis=1)
    ot_ref[...] = jnp.dot(x, vu, preferred_element_type=_F32,
                 precision=jax.lax.Precision.HIGHEST)


def _dense_call(n_features, W_src, W_dst, W_high, att_src, att_dst):
    grid = 10
    rows = N // grid
    return pl.pallas_call(
        _dense_body,
        grid=(grid,),
        in_specs=[
            pl.BlockSpec((rows, D), lambda i: (i, 0)),
            pl.BlockSpec((D, H * D), lambda i: (0, 0)),
            pl.BlockSpec((D, H * D), lambda i: (0, 0)),
            pl.BlockSpec((D, D), lambda i: (0, 0)),
            pl.BlockSpec((H, D), lambda i: (0, 0)),
            pl.BlockSpec((H, D), lambda i: (0, 0)),
        ],
        out_specs=[
            pl.BlockSpec((rows, H * D), lambda i: (i, 0)),
            pl.BlockSpec((rows, D), lambda i: (i, 0)),
        ],
        out_shape=[
            jax.ShapeDtypeStruct((N, H * D), _F32),
            jax.ShapeDtypeStruct((N, D), _F32),
        ],
    )(n_features, W_src, W_dst, W_high, att_src, att_dst)


def _combine_body(p_ref, b_ref, o_ref):
    o_ref[...] = p_ref[0] + p_ref[1] + b_ref[...]


def _combine_call(out_p, b_high):
    grid = 10
    rows = S // grid
    return pl.pallas_call(
        _combine_body,
        grid=(grid,),
        in_specs=[
            pl.BlockSpec((NC, rows, D), lambda i: (0, i, 0)),
            pl.BlockSpec((1, D), lambda i: (0, 0)),
        ],
        out_specs=pl.BlockSpec((rows, D), lambda i: (i, 0)),
        out_shape=jax.ShapeDtypeStruct((S, D), _F32),
    )(out_p, b_high.reshape(1, D))



def _leaky_exp(sv, tv):
    a = sv + tv
    a = jnp.where(a > 0, a, a * _F32(0.2))
    return jnp.exp(a)


def _sc_body(src_hbm, dst_hbm, ts0_hbm, ts1_hbm, td0_hbm, td1_hbm, g_hbm,
             alpha_hbm, outp_hbm, ev_hbm,
             src_c, dst_c, val, albuf,
             sl_cnt, sl_x, sl_red, sl_tmp,
             stage, seg_s0, seg_s1, seg_r0, seg_r1, out_acc,
             sem, sem2, sem3, sem4, sem5):
    c = lax.axis_index("c")
    t = lax.axis_index("s")
    wid = c * NS + t
    seg_lo = t * SLC
    iota = lax.iota(jnp.int32, L)
    zs = jnp.zeros((L,), _F32)

    def _zero1d(ref, n):
        def body(i, _):
            ref[pl.ds(i * L, L)] = zs
            return 0
        lax.fori_loop(0, n // L, body, 0)

    def _dupadd(d, pairs):
        for acc, v in pairs:
            plsc.addupdate_scatter(acc, [d], v)

    def _stage_chunk(base, n):
        d1 = pltpu.async_copy(src_hbm.at[pl.ds(base, n)],
                              src_c.at[pl.ds(0, n)] if n != CH else src_c, sem)
        d2 = pltpu.async_copy(dst_hbm.at[pl.ds(base, n)],
                              dst_c.at[pl.ds(0, n)] if n != CH else dst_c, sem)
        d1.wait()
        d2.wait()

    def _reduce_acc(acc, result, sl):
        _zero1d(result, SLC)

        def round_body(r, _):
            par = lax.rem(r, 2)
            owner = lax.rem(t + r, NS)
            pltpu.sync_copy(acc.at[pl.ds(owner * SLC, SLC)],
                            stage.at[pl.ds(par * SP + t * SLC, SLC)])
            plsc.subcore_barrier()
            srow = lax.rem(t - r + NS, NS)
            pltpu.sync_copy(stage.at[pl.ds(par * SP + srow * SLC, SLC)], sl)

            def addv(i, _):
                w = pl.ds(i * L, L)
                result[w] = result[w] + sl[w]
                return 0

            lax.fori_loop(0, SLC // L, addv, 0)
            return 0

        lax.fori_loop(0, NS, round_body, 0)

    def _p0(zc):
        def zrow(i, _):
            r = i // (D // L)
            q = lax.rem(i, D // L)
            zc[r, pl.ds(q * L, L)] = zs
            return 0
        lax.fori_loop(0, KB * (D // L), zrow, 0)
        for j in range(SLC // KB):
            pltpu.sync_copy(zc, out_acc.at[pl.ds(seg_lo + j * KB, KB), :])

    pl.run_scoped(_p0, pltpu.VMEM((KB, D), _F32))
    plsc.subcore_barrier()

    def _p1a(acc_a, acc_b, tab):
        _zero1d(acc_a, SP)
        _zero1d(acc_b, SP)
        pltpu.sync_copy(ts0_hbm, tab)
        ones = jnp.ones((L,), _F32)

        def chunk(k, _):
            base = t * E_TILE + k * CH
            _stage_chunk(base, CH)

            def body(j, _):
                w = pl.ds(j * L, L)
                s = src_c[w]
                d = dst_c[w]
                _dupadd(d, [(acc_a, ones), (acc_b, plsc.load_gather(tab, [s]))])
                return 0

            lax.fori_loop(0, CH // L, body, 0)
            return 0

        lax.fori_loop(0, E_TILE // CH, chunk, 0)
        plsc.subcore_barrier()
        _reduce_acc(acc_a, sl_cnt, sl_tmp)
        _reduce_acc(acc_b, sl_x, sl_tmp)

    pl.run_scoped(_p1a, pltpu.VMEM((SP,), _F32), pltpu.VMEM((SP,), _F32),
                  pltpu.VMEM((SP,), _F32))

    def _p1b(acc_a, tab):
        _zero1d(acc_a, SP)
        pltpu.sync_copy(ts1_hbm, tab)

        def chunk(k, _):
            base = t * E_TILE + k * CH
            _stage_chunk(base, CH)

            def body(j, _):
                w = pl.ds(j * L, L)
                s = src_c[w]
                d = dst_c[w]
                _dupadd(d, [(acc_a, plsc.load_gather(tab, [s]))])
                return 0

            lax.fori_loop(0, CH // L, body, 0)
            return 0

        lax.fori_loop(0, E_TILE // CH, chunk, 0)
        plsc.subcore_barrier()
        _reduce_acc(acc_a, sl_red, sl_tmp)

    pl.run_scoped(_p1b, pltpu.VMEM((SP,), _F32), pltpu.VMEM((SP,), _F32))

    def s_slice(i, _):
        w = pl.ds(i * L, L)
        cm = jnp.maximum(sl_cnt[w], _F32(1.0))
        sl_x[w] = sl_x[w] / cm
        sl_red[w] = sl_red[w] / cm
        return 0

    lax.fori_loop(0, SLC // L, s_slice, 0)
    pltpu.sync_copy(sl_x, seg_s0.at[pl.ds(seg_lo, SLC)])
    pltpu.sync_copy(sl_red, seg_s1.at[pl.ds(seg_lo, SLC)])
    plsc.subcore_barrier()

    def _p2(h, seg_s, seg_r, ts_hbm):
        def scoped(acc, tab_s, tab_t):
            _zero1d(acc, SP)
            pltpu.sync_copy(seg_s, tab_s)
            pltpu.sync_copy(ts_hbm, tab_t)

            def chunk(k, _):
                base = t * E_TILE + k * CH
                _stage_chunk(base, CH)

                def body(j, _):
                    w = pl.ds(j * L, L)
                    s = src_c[w]
                    d = dst_c[w]
                    e = _leaky_exp(plsc.load_gather(tab_s, [d]),
                                   plsc.load_gather(tab_t, [s]))
                    val[w] = e
                    _dupadd(d, [(acc, e)])
                    return 0

                lax.fori_loop(0, CH // L, body, 0)
                pltpu.sync_copy(val, ev_hbm.at[pl.ds(h * E + base, CH)])
                return 0

            lax.fori_loop(0, E_TILE // CH, chunk, 0)
            plsc.subcore_barrier()
            _reduce_acc(acc, sl_red, sl_tmp)

            def r_slice(i, _):
                w = pl.ds(i * L, L)
                sl_red[w] = _F32(1.0) / (sl_red[w] + _F32(1e-16))
                return 0

            lax.fori_loop(0, SLC // L, r_slice, 0)
            pltpu.sync_copy(sl_red, seg_r.at[pl.ds(seg_lo, SLC)])

        pl.run_scoped(scoped, pltpu.VMEM((SP,), _F32),
                      pltpu.VMEM((SP,), _F32), pltpu.VMEM((SP,), _F32))

    _p2(0, seg_s0, seg_r0, td0_hbm)
    _p2(1, seg_s1, seg_r1, td1_hbm)
    plsc.subcore_barrier()

    def _p2c(tab_r0, tab_r1):
        pltpu.sync_copy(seg_r0, tab_r0)
        pltpu.sync_copy(seg_r1, tab_r1)

        def chunk(k, _):
            base = t * E_TILE + k * CH
            _stage_chunk(base, CH)
            for h, tab in ((0, tab_r0), (1, tab_r1)):
                pltpu.sync_copy(ev_hbm.at[pl.ds(h * E + base, CH)], val)

                def body(j, _):
                    w = pl.ds(j * L, L)
                    d = dst_c[w]
                    a = val[w] * plsc.load_gather(tab, [d])
                    pos = (iota + j * L) * 2 + h
                    plsc.store_scatter(albuf, [pos], a)
                    return 0

                lax.fori_loop(0, CH // L, body, 0)
            pltpu.sync_copy(albuf, alpha_hbm.at[pl.ds(2 * base, 2 * CH)])
            return 0

        lax.fori_loop(0, E_TILE // CH, chunk, 0)

    pl.run_scoped(_p2c, pltpu.VMEM((SP,), _F32), pltpu.VMEM((SP,), _F32))
    plsc.subcore_barrier()

    KU = KB // 2
    UNITS = E_WORK // KU

    def _p3(rows0, rows1, con0, con1, ss0, ss1, sd0, sd1, ab0, ab1,
            sx0, sx1):
        bufs = ((rows0, con0, ss0, sd0, ab0, sem2, sem4, sx0),
                (rows1, con1, ss1, sd1, ab1, sem3, sem5, sx1))

        def prefetch(u, bs):
            rows_b, _, ss_b, sd_b, ab_b, sem_g, _, _ = bs
            base = wid * E_WORK + u * KU
            d1 = pltpu.async_copy(src_hbm.at[pl.ds(base, KU)], ss_b, sem)
            d2 = pltpu.async_copy(dst_hbm.at[pl.ds(base, KU)], sd_b, sem)
            d3 = pltpu.async_copy(alpha_hbm.at[pl.ds(2 * base, 2 * KU)],
                                  ab_b, sem)
            d1.wait()
            d2.wait()
            d3.wait()
            pltpu.async_copy(g_hbm.at[ss_b], rows_b, sem_g)

        def consume(bs, wait_prev_scatter):
            rows_b, con_b, _, sd_b, ab_b, sem_g, sem_s, sx_b = bs
            pltpu.make_async_copy(g_hbm.at[pl.ds(0, KU)], rows_b, sem_g).wait()
            if wait_prev_scatter:
                pltpu.make_async_copy(con_b, out_acc.at[sx_b], sem_s).wait()
            for j in range(KU // L):
                sx_b[pl.ds(j * L, L)] = sd_b[pl.ds(j * L, L)]
            tail = (KU // L) * L
            tv = plsc.load_gather(sd_b, [jnp.minimum(tail + iota, KU - 1)])
            plsc.store_scatter(sx_b, [tail + iota], tv, mask=iota < (KU - tail))

            def edge(ep, _):
                for sub in range(2):
                    e = ep * 2 + sub
                    a0 = plsc.load_gather(ab_b,
                                          [jnp.full((L,), 2 * e, jnp.int32)])
                    a1 = plsc.load_gather(ab_b,
                                          [jnp.full((L,), 2 * e + 1, jnp.int32)])
                    for q in range(D // L):
                        r0 = rows_b[e, pl.ds(q * L, L)]
                        r1 = rows_b[e, pl.ds(D + q * L, L)]
                        con_b[e, pl.ds(q * L, L)] = a0 * r0 + a1 * r1
                return 0

            lax.fori_loop(0, KU // 2, edge, 0)
            pltpu.async_copy(con_b, out_acc.at[sx_b], sem_s, add=True)

        prefetch(0, bufs[0])
        prefetch(1, bufs[1])
        consume(bufs[0], False)
        prefetch(2, bufs[0])
        consume(bufs[1], False)
        prefetch(3, bufs[1])

        def pair(i, _):
            for par in range(2):
                bs = bufs[par]
                consume(bs, True)
                prefetch(2 * i + 4 + par, bs)
            return 0

        lax.fori_loop(0, UNITS // 2 - 2, pair, 0)
        consume(bufs[0], True)
        consume(bufs[1], True)
        for bs in bufs:
            pltpu.make_async_copy(bs[1], out_acc.at[bs[7]], bs[6]).wait()

    pl.run_scoped(_p3,
                  pltpu.VMEM((KB // 2, H * D), _F32),
                  pltpu.VMEM((KB // 2, H * D), _F32),
                  pltpu.VMEM((KB // 2, D), _F32),
                  pltpu.VMEM((KB // 2, D), _F32),
                  pltpu.VMEM((KB // 2,), jnp.int32),
                  pltpu.VMEM((KB // 2,), jnp.int32),
                  pltpu.VMEM((KB // 2,), jnp.int32),
                  pltpu.VMEM((KB // 2,), jnp.int32),
                  pltpu.VMEM((KB,), _F32),
                  pltpu.VMEM((KB,), _F32),
                  pltpu.VMEM((KB // 2,), jnp.int32),
                  pltpu.VMEM((KB // 2,), jnp.int32))
    plsc.subcore_barrier()

    pltpu.sync_copy(out_acc.at[pl.ds(seg_lo, SLC), :],
                    outp_hbm.at[c, pl.ds(seg_lo, SLC), :])


def _sc_call(src, dst, ts0, ts1, td0, td1, g):
    mesh = plsc.VectorSubcoreMesh(core_axis_name="c", subcore_axis_name="s",
                                  num_cores=NC, num_subcores=NS)
    f = pl.kernel(
        _sc_body,
        out_type=[
            jax.ShapeDtypeStruct((E * H,), _F32),
            jax.ShapeDtypeStruct((NC, SP, D), _F32),
            jax.ShapeDtypeStruct((E * H,), _F32),
        ],
        mesh=mesh,
        compiler_params=pltpu.CompilerParams(needs_layout_passes=False),
        scratch_types=[
            pltpu.VMEM((CH,), jnp.int32),
            pltpu.VMEM((CH,), jnp.int32),
            pltpu.VMEM((CH,), _F32),
            pltpu.VMEM((H * CH,), _F32),
            pltpu.VMEM((SLC,), _F32),
            pltpu.VMEM((SLC,), _F32),
            pltpu.VMEM((SLC,), _F32),
            pltpu.VMEM((SLC,), _F32),
            pltpu.VMEM_SHARED((2 * SP,), _F32),
            pltpu.VMEM_SHARED((SP,), _F32),
            pltpu.VMEM_SHARED((SP,), _F32),
            pltpu.VMEM_SHARED((SP,), _F32),
            pltpu.VMEM_SHARED((SP,), _F32),
            pltpu.VMEM_SHARED((SP, D), _F32),
            pltpu.SemaphoreType.DMA,
            pltpu.SemaphoreType.DMA,
            pltpu.SemaphoreType.DMA,
            pltpu.SemaphoreType.DMA,
            pltpu.SemaphoreType.DMA,
        ],
    )
    return f(src, dst, ts0, ts1, td0, td1, g)


def kernel(n_features, n2h_graph, W_src, W_dst, att_src, att_dst, W_high, b_high):
    src = n2h_graph[0]
    dst = n2h_graph[1]
    g, tcols = _dense_call(n_features, W_src, W_dst, W_high,
                           att_src[0], att_dst[0])
    pad = SP - N
    ts0 = jnp.pad(tcols[:, 0], (0, pad))
    ts1 = jnp.pad(tcols[:, 1], (0, pad))
    td0 = jnp.pad(tcols[:, 2], (0, pad))
    td1 = jnp.pad(tcols[:, 3], (0, pad))
    alpha_flat, out_p, _ = _sc_call(src, dst, ts0, ts1, td0, td1, g)
    out = _combine_call(out_p[:, :S, :], b_high)
    return out, alpha_flat.reshape(E, H)

# --- scband reference (transcript-rebuilt; emitter-appended) ---
"""Pipeline reference for scband-high-agg-13374528160104 (READ-ONLY COPY).

The authoritative reference and input builder live on the scoring server;
editing this copy changes nothing except your own understanding.
"""

import jax, jax.numpy as jnp
import numpy as np

N_NODES = 10000
N_EDGES = 320000
D = 128
H = 2
NUM_SEG = 10000


def _glorot(key, shape, fan_in, fan_out):
    limit = float(np.sqrt(6.0 / (fan_in + fan_out)))
    return jax.random.uniform(key, shape, jnp.float32, -limit, limit)


def setup_inputs(seed: int = 0) -> dict:
    key = jax.random.key(seed)
    ks = jax.random.split(key, 9)
    n_features = jax.random.normal(ks[0], (N_NODES, D), jnp.float32)
    n2h_graph = jax.random.randint(ks[1], (2, N_EDGES), 0, NUM_SEG, dtype=jnp.int32)
    W_src = _glorot(ks[2], (D, H * D), D, H * D)
    W_dst = _glorot(ks[3], (D, H * D), D, H * D)
    att_src = _glorot(ks[4], (1, H, D), H, D)
    att_dst = _glorot(ks[5], (1, H, D), H, D)
    W_high = _glorot(ks[6], (D, D), D, D)
    b_high = jnp.zeros((D,), jnp.float32)
    return {"n_features": n_features, "n2h_graph": n2h_graph, "W_src": W_src, "W_dst": W_dst, "att_src": att_src, "att_dst": att_dst, "W_high": W_high, "b_high": b_high}


def reference(n_features, n2h_graph, W_src, W_dst, att_src, att_dst, W_high, b_high):
    src = n2h_graph[0]
    dst = n2h_graph[1]
    nn_features = jnp.take(n_features, src, axis=0)  # [E, D]
    # scatter mean over dst -> higher-order features
    seg_sum = jax.ops.segment_sum(nn_features, dst, num_segments=NUM_SEG)
    cnt = jax.ops.segment_sum(jnp.ones((N_EDGES,), jnp.float32), dst, num_segments=NUM_SEG)
    h_features = seg_sum / jnp.clip(cnt, 1.0)[:, None]
    h_high = jnp.take(h_features, dst, axis=0)  # [E, D]
    h_node = jnp.reshape(nn_features @ W_src, (-1, H, D))
    h_high = jnp.reshape(h_high @ W_dst, (-1, H, D))
    alpha_src = jnp.sum(h_high * att_src, axis=-1)  # [E, H]
    alpha_dst = jnp.sum(h_node * att_dst, axis=-1)  # [E, H]
    alpha = jax.nn.leaky_relu(alpha_src + alpha_dst, negative_slope=0.2)
    # segment softmax over dst (torch_geometric style)
    amax = jax.ops.segment_max(alpha, dst, num_segments=NUM_SEG)
    amax = jnp.where(jnp.isfinite(amax), amax, 0.0)
    alpha = jnp.exp(alpha - jnp.take(amax, dst, axis=0))
    asum = jax.ops.segment_sum(alpha, dst, num_segments=NUM_SEG)
    alpha = alpha / (jnp.take(asum, dst, axis=0) + 1e-16)
    h_node = h_node * alpha[:, :, None]
    h_node = jnp.mean(h_node, axis=1)  # [E, D]
    out = jax.ops.segment_sum(h_node, dst, num_segments=NUM_SEG)
    out = out @ W_high + b_high
    return out, alpha

if __name__ == "__main__":
    import jax
    _d = setup_inputs()
    print(jax.jit(kernel)(*tuple(_d.values())))

</pallas_src>

<mosaic_0001>
#map = affine_map<(d0, d1) -> (0)>
#map1 = affine_map<(d0, d1) -> (0, 0)>
#map2 = affine_map<(d0, d1) -> (0, 0, 0)>
module attributes {stable_mosaic.version = 14 : i64} {
  func.func @_sc_body(%arg0: i32, %arg1: i32, %arg2: memref<320000xi32, #tpu.memory_space<hbm>>, %arg3: memref<320000xi32, #tpu.memory_space<hbm>>, %arg4: memref<10240xf32, #tpu.memory_space<hbm>>, %arg5: memref<10240xf32, #tpu.memory_space<hbm>>, %arg6: memref<10240xf32, #tpu.memory_space<hbm>>, %arg7: memref<10240xf32, #tpu.memory_space<hbm>>, %arg8: memref<10000x256xf32, #tpu.memory_space<hbm>>, %arg9: memref<640000xf32, #tpu.memory_space<hbm>>, %arg10: memref<2x10240x128xf32, #tpu.memory_space<hbm>>, %arg11: memref<640000xf32, #tpu.memory_space<hbm>>, %arg12: memref<2000xi32, #tpu.memory_space<vmem>>, %arg13: memref<2000xi32, #tpu.memory_space<vmem>>, %arg14: memref<2000xf32, #tpu.memory_space<vmem>>, %arg15: memref<4000xf32, #tpu.memory_space<vmem>>, %arg16: memref<640xf32, #tpu.memory_space<vmem>>, %arg17: memref<640xf32, #tpu.memory_space<vmem>>, %arg18: memref<640xf32, #tpu.memory_space<vmem>>, %arg19: memref<640xf32, #tpu.memory_space<vmem>>, %arg20: memref<20480xf32, #tpu.memory_space<vmem_shared>>, %arg21: memref<10240xf32, #tpu.memory_space<vmem_shared>>, %arg22: memref<10240xf32, #tpu.memory_space<vmem_shared>>, %arg23: memref<10240xf32, #tpu.memory_space<vmem_shared>>, %arg24: memref<10240xf32, #tpu.memory_space<vmem_shared>>, %arg25: memref<10240x128xf32, #tpu.memory_space<vmem_shared>>, %arg26: memref<!tpu.dma_semaphore, #tpu.memory_space<semaphore_mem>>, %arg27: memref<!tpu.dma_semaphore, #tpu.memory_space<semaphore_mem>>, %arg28: memref<!tpu.dma_semaphore, #tpu.memory_space<semaphore_mem>>, %arg29: memref<!tpu.dma_semaphore, #tpu.memory_space<semaphore_mem>>, %arg30: memref<!tpu.dma_semaphore, #tpu.memory_space<semaphore_mem>>) attributes {dimension_semantics = [#tpu.dimension_semantics<core_parallel>, #tpu.dimension_semantics<subcore_parallel>], iteration_bounds = array<i64: 2, 16>, scalar_prefetch = 0 : i64, scratch_operands = 19 : i64, tpu.core_type = #tpu.core_type<sc_vector_subcore>, window_params = [{transform_indices = #map}, {transform_indices = #map}, {transform_indices = #map}, {transform_indices = #map}, {transform_indices = #map}, {transform_indices = #map}, {transform_indices = #map1}, {transform_indices = #map}, {transform_indices = #map2}, {transform_indices = #map}]} {
    %mul3A = arith.constant 16 : i32
    %mul3A_0 = arith.muli %arg0, %mul3A : i32
    %add3A = arith.addi %mul3A_0, %arg1 : i32
    %mul3A_1 = arith.constant 640 : i32
    %mul3A_2 = arith.muli %arg1, %mul3A_1 : i32
    %iota3A = tpu.iota {dimensions = array<i32: 0>} : vector<16xi32>
    %broadcast_in_dim3A = arith.constant 0.000000e+00 : f32
    %broadcast_in_dim3A_3 = vector.broadcast %broadcast_in_dim3A : f32 to vector<16xf32>
    "tpu.region"() ({
      %run_scoped3A = memref.alloca() : memref<80x128xf32, #tpu.memory_space<vmem>>
      %scan3A_14 = arith.constant 0 : i32
      %scan3A_15 = arith.constant 0 : i32
      %scan3A_16 = arith.constant 640 : i32
      %scan3A_17 = arith.addi %scan3A_15, %scan3A_16 : i32
      %scan3A_18 = arith.constant 1 : i32
      %scan3A_19 = scf.for %scan3A_37 = %scan3A_15 to %scan3A_17 step %scan3A_18 iter_args(%scan3A_38 = %scan3A_14) -> (i32)  : i32 {
        %jit3A = arith.constant 8 : i32
        %div3A = arith.divsi %scan3A_37, %jit3A : i32
        %sign3A = arith.constant 0 : i32
        %sign3A_39 = arith.cmpi sgt, %scan3A_37, %sign3A : i32
        %sign3A_40 = arith.extui %sign3A_39 : i1 to i32
        %sign3A_41 = arith.constant 0 : i32
        %sign3A_42 = arith.cmpi slt, %scan3A_37, %sign3A_41 : i32
        %sign3A_43 = arith.extui %sign3A_42 : i1 to i32
        %sign3A_44 = arith.subi %sign3A_40, %sign3A_43 : i32
        %sign3A_45 = arith.constant 0 : i32
        %sign3A_46 = arith.cmpi sgt, %jit3A, %sign3A_45 : i32
        %sign3A_47 = arith.extui %sign3A_46 : i1 to i32
        %sign3A_48 = arith.constant 0 : i32
        %sign3A_49 = arith.cmpi slt, %jit3A, %sign3A_48 : i32
        %sign3A_50 = arith.extui %sign3A_49 : i1 to i32
        %sign3A_51 = arith.subi %sign3A_47, %sign3A_50 : i32
        %ne3A = arith.cmpi ne, %sign3A_44, %sign3A_51 : i32
        %rem3A = arith.remsi %scan3A_37, %jit3A : i32
        %ne3A_52 = arith.constant 0 : i32
        %ne3A_53 = arith.cmpi ne, %rem3A, %ne3A_52 : i32
        %and3A = arith.andi %ne3A, %ne3A_53 : i1
        %sub3A = arith.constant 1 : i32
        %sub3A_54 = arith.subi %div3A, %sub3A : i32
        %select_n3A = arith.select %and3A, %sub3A_54, %div3A : i32
        %rem3A_55 = arith.constant 8 : i32
        %rem3A_56 = arith.remsi %scan3A_37, %rem3A_55 : i32
        %mul3A_57 = arith.constant 16 : i32
        %mul3A_58 = arith.muli %rem3A_56, %mul3A_57 : i32
        %swap3A = arith.index_cast %select_n3A : i32 to index
        %swap3A_59 = arith.index_cast %mul3A_58 : i32 to index
        %swap3A_60 = tpu.vector_load %run_scoped3A[%swap3A, %swap3A_59] {strides = array<i32>} : memref<80x128xf32, #tpu.memory_space<vmem>>, vector<16xf32>,
        tpu.vector_store %run_scoped3A[%swap3A, %swap3A_59], %broadcast_in_dim3A_3 {strides = array<i32>} : memref<80x128xf32, #tpu.memory_space<vmem>>, vector<16xf32>,
        %scan3A_61 = arith.constant 0 : i32
        scf.yield %scan3A_61 : i32
      }
      %scan3A_20 = arith.constant 640 : i32
      %add3A_21 = arith.constant 0 : i32
      %add3A_22 = arith.addi %mul3A_2, %add3A_21 : i32
      "tpu.region"() ({
        %run_scoped3A_37 = tpu.sem_alloc : memref<!tpu.dma_semaphore, #tpu.memory_space<semaphore_mem>>
        %dma_start3A = arith.constant 0 : i32
        %dma_start3A_38 = tpu.memref_slice %arg25[%add3A_22, %dma_start3A] : memref<10240x128xf32, #tpu.memory_space<vmem_shared>> -> memref<80x128xf32, #tpu.memory_space<vmem_shared>>
        %dma_start3A_39 = arith.constant 0 : i32
        %dma_start3A_40 = tpu.memref_slice %arg25[%add3A_22, %dma_start3A_39] : memref<10240x128xf32, #tpu.memory_space<vmem_shared>> -> memref<80x128xf32, #tpu.memory_space<vmem_shared>>
        tpu.enqueue_dma source(%run_scoped3A : memref<80x128xf32, #tpu.memory_space<vmem>>) target(%dma_start3A_40 : memref<80x128xf32, #tpu.memory_space<vmem_shared>>) target_semaphore(%run_scoped3A_37 : memref<!tpu.dma_semaphore, #tpu.memory_space<semaphore_mem>>)
        %dma_wait3A = arith.constant 0 : i32
        %dma_wait3A_41 = tpu.memref_slice %arg25[%add3A_22, %dma_wait3A] : memref<10240x128xf32, #tpu.memory_space<vmem_shared>> -> memref<80x128xf32, #tpu.memory_space<vmem_shared>>
        %dma_wait3A_42 = arith.constant 0 : i32
        %dma_wait3A_43 = tpu.memref_slice %arg25[%add3A_22, %dma_wait3A_42] : memref<10240x128xf32, #tpu.memory_space<vmem_shared>> -> memref<80x128xf32, #tpu.memory_space<vmem_shared>>
        tpu.wait_dma2 semaphore(%run_scoped3A_37 : memref<!tpu.dma_semaphore, #tpu.memory_space<semaphore_mem>>) src(%run_scoped3A : memref<80x128xf32, #tpu.memory_space<vmem>>) dst(%dma_wait3A_43 : memref<80x128xf32, #tpu.memory_space<vmem_shared>>)
        tpu.yield
      }) : () -> ()
      %add3A_23 = arith.constant 80 : i32
      %add3A_24 = arith.addi %mul3A_2, %add3A_23 : i32
      "tpu.region"() ({
        %run_scoped3A_37 = tpu.sem_alloc : memref<!tpu.dma_semaphore, #tpu.memory_space<semaphore_mem>>
        %dma_start3A = arith.constant 0 : i32
        %dma_start3A_38 = tpu.memref_slice %arg25[%add3A_24, %dma_start3A] : memref<10240x128xf32, #tpu.memory_space<vmem_shared>> -> memref<80x128xf32, #tpu.memory_space<vmem_shared>>
        %dma_start3A_39 = arith.constant 0 : i32
        %dma_start3A_40 = tpu.memref_slice %arg25[%add3A_24, %dma_start3A_39] : memref<10240x128xf32, #tpu.memory_space<vmem_shared>> -> memref<80x128xf32, #tpu.memory_space<vmem_shared>>
        tpu.enqueue_dma source(%run_scoped3A : memref<80x128xf32, #tpu.memory_space<vmem>>) target(%dma_start3A_40 : memref<80x128xf32, #tpu.memory_space<vmem_shared>>) target_semaphore(%run_scoped3A_37 : memref<!tpu.dma_semaphore, #tpu.memory_space<semaphore_mem>>)
        %dma_wait3A = arith.constant 0 : i32
        %dma_wait3A_41 = tpu.memref_slice %arg25[%add3A_24, %dma_wait3A] : memref<10240x128xf32, #tpu.memory_space<vmem_shared>> -> memref<80x128xf32, #tpu.memory_space<vmem_shared>>
        %dma_wait3A_42 = arith.constant 0 : i32
        %dma_wait3A_43 = tpu.memref_slice %arg25[%add3A_24, %dma_wait3A_42] : memref<10240x128xf32, #tpu.memory_space<vmem_shared>> -> memref<80x128xf32, #tpu.memory_space<vmem_shared>>
        tpu.wait_dma2 semaphore(%run_scoped3A_37 : memref<!tpu.dma_semaphore, #tpu.memory_space<semaphore_mem>>) src(%run_scoped3A : memref<80x128xf32, #tpu.memory_space<vmem>>) dst(%dma_wait3A_43 : memref<80x128xf32, #tpu.memory_space<vmem_shared>>)
        tpu.yield
      }) : () -> ()
      %add3A_25 = arith.constant 160 : i32
      %add3A_26 = arith.addi %mul3A_2, %add3A_25 : i32
      "tpu.region"() ({
        %run_scoped3A_37 = tpu.sem_alloc : memref<!tpu.dma_semaphore, #tpu.memory_space<semaphore_mem>>
        %dma_start3A = arith.constant 0 : i32
        %dma_start3A_38 = tpu.memref_slice %arg25[%add3A_26, %dma_start3A] : memref<10240x128xf32, #tpu.memory_space<vmem_shared>> -> memref<80x128xf32, #tpu.memory_space<vmem_shared>>
        %dma_start3A_39 = arith.constant 0 : i32
        %dma_start3A_40 = tpu.memref_slice %arg25[%add3A_26, %dma_start3A_39] : memref<10240x128xf32, #tpu.memory_space<vmem_shared>> -> memref<80x128xf32, #tpu.memory_space<vmem_shared>>
        tpu.enqueue_dma source(%run_scoped3A : memref<80x128xf32, #tpu.memory_space<vmem>>) target(%dma_start3A_40 : memref<80x128xf32, #tpu.memory_space<vmem_shared>>) target_semaphore(%run_scoped3A_37 : memref<!tpu.dma_semaphore, #tpu.memory_space<semaphore_mem>>)
        %dma_wait3A = arith.constant 0 : i32
        %dma_wait3A_41 = tpu.memref_slice %arg25[%add3A_26, %dma_wait3A] : memref<10240x128xf32, #tpu.memory_space<vmem_shared>> -> memref<80x128xf32, #tpu.memory_space<vmem_shared>>
        %dma_wait3A_42 = arith.constant 0 : i32
        %dma_wait3A_43 = tpu.memref_slice %arg25[%add3A_26, %dma_wait3A_42] : memref<10240x128xf32, #tpu.memory_space<vmem_shared>> -> memref<80x128xf32, #tpu.memory_space<vmem_shared>>
        tpu.wait_dma2 semaphore(%run_scoped3A_37 : memref<!tpu.dma_semaphore, #tpu.memory_space<semaphore_mem>>) src(%run_scoped3A : memref<80x128xf32, #tpu.memory_space<vmem>>) dst(%dma_wait3A_43 : memref<80x128xf32, #tpu.memory_space<vmem_shared>>)
        tpu.yield
      }) : () -> ()
      %add3A_27 = arith.constant 240 : i32
      %add3A_28 = arith.addi %mul3A_2, %add3A_27 : i32
      "tpu.region"() ({
        %run_scoped3A_37 = tpu.sem_alloc : memref<!tpu.dma_semaphore, #tpu.memory_space<semaphore_mem>>
        %dma_start3A = arith.constant 0 : i32
        %dma_start3A_38 = tpu.memref_slice %arg25[%add3A_28, %dma_start3A] : memref<10240x128xf32, #tpu.memory_space<vmem_shared>> -> memref<80x128xf32, #tpu.memory_space<vmem_shared>>
        %dma_start3A_39 = arith.constant 0 : i32
        %dma_start3A_40 = tpu.memref_slice %arg25[%add3A_28, %dma_start3A_39] : memref<10240x128xf32, #tpu.memory_space<vmem_shared>> -> memref<80x128xf32, #tpu.memory_space<vmem_shared>>
        tpu.enqueue_dma source(%run_scoped3A : memref<80x128xf32, #tpu.memory_space<vmem>>) target(%dma_start3A_40 : memref<80x128xf32, #tpu.memory_space<vmem_shared>>) target_semaphore(%run_scoped3A_37 : memref<!tpu.dma_semaphore, #tpu.memory_space<semaphore_mem>>)
        %dma_wait3A = arith.constant 0 : i32
        %dma_wait3A_41 = tpu.memref_slice %arg25[%add3A_28, %dma_wait3A] : memref<10240x128xf32, #tpu.memory_space<vmem_shared>> -> memref<80x128xf32, #tpu.memory_space<vmem_shared>>
        %dma_wait3A_42 = arith.constant 0 : i32
        %dma_wait3A_43 = tpu.memref_slice %arg25[%add3A_28, %dma_wait3A_42] : memref<10240x128xf32, #tpu.memory_space<vmem_shared>> -> memref<80x128xf32, #tpu.memory_space<vmem_shared>>
        tpu.wait_dma2 semaphore(%run_scoped3A_37 : memref<!tpu.dma_semaphore, #tpu.memory_space<semaphore_mem>>) src(%run_scoped3A : memref<80x128xf32, #tpu.memory_space<vmem>>) dst(%dma_wait3A_43 : memref<80x128xf32, #tpu.memory_space<vmem_shared>>)
        tpu.yield
      }) : () -> ()
      %add3A_29 = arith.constant 320 : i32
      %add3A_30 = arith.addi %mul3A_2, %add3A_29 : i32
      "tpu.region"() ({
        %run_scoped3A_37 = tpu.sem_alloc : memref<!tpu.dma_semaphore, #tpu.memory_space<semaphore_mem>>
        %dma_start3A = arith.constant 0 : i32
        %dma_start3A_38 = tpu.memref_slice %arg25[%add3A_30, %dma_start3A] : memref<10240x128xf32, #tpu.memory_space<vmem_shared>> -> memref<80x128xf32, #tpu.memory_space<vmem_shared>>
        %dma_start3A_39 = arith.constant 0 : i32
        %dma_start3A_40 = tpu.memref_slice %arg25[%add3A_30, %dma_start3A_39] : memref<10240x128xf32, #tpu.memory_space<vmem_shared>> -> memref<80x128xf32, #tpu.memory_space<vmem_shared>>
        tpu.enqueue_dma source(%run_scoped3A : memref<80x128xf32, #tpu.memory_space<vmem>>) target(%dma_start3A_40 : memref<80x128xf32, #tpu.memory_space<vmem_shared>>) target_semaphore(%run_scoped3A_37 : memref<!tpu.dma_semaphore, #tpu.memory_space<semaphore_mem>>)
        %dma_wait3A = arith.constant 0 : i32
        %dma_wait3A_41 = tpu.memref_slice %arg25[%add3A_30, %dma_wait3A] : memref<10240x128xf32, #tpu.memory_space<vmem_shared>> -> memref<80x128xf32, #tpu.memory_space<vmem_shared>>
        %dma_wait3A_42 = arith.constant 0 : i32
        %dma_wait3A_43 = tpu.memref_slice %arg25[%add3A_30, %dma_wait3A_42] : memref<10240x128xf32, #tpu.memory_space<vmem_shared>> -> memref<80x128xf32, #tpu.memory_space<vmem_shared>>
        tpu.wait_dma2 semaphore(%run_scoped3A_37 : memref<!tpu.dma_semaphore, #tpu.memory_space<semaphore_mem>>) src(%run_scoped3A : memref<80x128xf32, #tpu.memory_space<vmem>>) dst(%dma_wait3A_43 : memref<80x128xf32, #tpu.memory_space<vmem_shared>>)
        tpu.yield
      }) : () -> ()
      %add3A_31 = arith.constant 400 : i32
      %add3A_32 = arith.addi %mul3A_2, %add3A_31 : i32
      "tpu.region"() ({
        %run_scoped3A_37 = tpu.sem_alloc : memref<!tpu.dma_semaphore, #tpu.memory_space<semaphore_mem>>
        %dma_start3A = arith.constant 0 : i32
        %dma_start3A_38 = tpu.memref_slice %arg25[%add3A_32, %dma_start3A] : memref<10240x128xf32, #tpu.memory_space<vmem_shared>> -> memref<80x128xf32, #tpu.memory_space<vmem_shared>>
        %dma_start3A_39 = arith.constant 0 : i32
        %dma_start3A_40 = tpu.memref_slice %arg25[%add3A_32, %dma_start3A_39] : memref<10240x128xf32, #tpu.memory_space<vmem_shared>> -> memref<80x128xf32, #tpu.memory_space<vmem_shared>>
        tpu.enqueue_dma source(%run_scoped3A : memref<80x128xf32, #tpu.memory_space<vmem>>) target(%dma_start3A_40 : memref<80x128xf32, #tpu.memory_space<vmem_shared>>) target_semaphore(%run_scoped3A_37 : memref<!tpu.dma_semaphore, #tpu.memory_space<semaphore_mem>>)
        %dma_wait3A = arith.constant 0 : i32
        %dma_wait3A_41 = tpu.memref_slice %arg25[%add3A_32, %dma_wait3A] : memref<10240x128xf32, #tpu.memory_space<vmem_shared>> -> memref<80x128xf32, #tpu.memory_space<vmem_shared>>
        %dma_wait3A_42 = arith.constant 0 : i32
        %dma_wait3A_43 = tpu.memref_slice %arg25[%add3A_32, %dma_wait3A_42] : memref<10240x128xf32, #tpu.memory_space<vmem_shared>> -> memref<80x128xf32, #tpu.memory_space<vmem_shared>>
        tpu.wait_dma2 semaphore(%run_scoped3A_37 : memref<!tpu.dma_semaphore, #tpu.memory_space<semaphore_mem>>) src(%run_scoped3A : memref<80x128xf32, #tpu.memory_space<vmem>>) dst(%dma_wait3A_43 : memref<80x128xf32, #tpu.memory_space<vmem_shared>>)
        tpu.yield
      }) : () -> ()
      %add3A_33 = arith.constant 480 : i32
      %add3A_34 = arith.addi %mul3A_2, %add3A_33 : i32
      "tpu.region"() ({
        %run_scoped3A_37 = tpu.sem_alloc : memref<!tpu.dma_semaphore, #tpu.memory_space<semaphore_mem>>
        %dma_start3A = arith.constant 0 : i32
        %dma_start3A_38 = tpu.memref_slice %arg25[%add3A_34, %dma_start3A] : memref<10240x128xf32, #tpu.memory_space<vmem_shared>> -> memref<80x128xf32, #tpu.memory_space<vmem_shared>>
        %dma_start3A_39 = arith.constant 0 : i32
        %dma_start3A_40 = tpu.memref_slice %arg25[%add3A_34, %dma_start3A_39] : memref<10240x128xf32, #tpu.memory_space<vmem_shared>> -> memref<80x128xf32, #tpu.memory_space<vmem_shared>>
        tpu.enqueue_dma source(%run_scoped3A : memref<80x128xf32, #tpu.memory_space<vmem>>) target(%dma_start3A_40 : memref<80x128xf32, #tpu.memory_space<vmem_shared>>) target_semaphore(%run_scoped3A_37 : memref<!tpu.dma_semaphore, #tpu.memory_space<semaphore_mem>>)
        %dma_wait3A = arith.constant 0 : i32
        %dma_wait3A_41 = tpu.memref_slice %arg25[%add3A_34, %dma_wait3A] : memref<10240x128xf32, #tpu.memory_space<vmem_shared>> -> memref<80x128xf32, #tpu.memory_space<vmem_shared>>
        %dma_wait3A_42 = arith.constant 0 : i32
        %dma_wait3A_43 = tpu.memref_slice %arg25[%add3A_34, %dma_wait3A_42] : memref<10240x128xf32, #tpu.memory_space<vmem_shared>> -> memref<80x128xf32, #tpu.memory_space<vmem_shared>>
        tpu.wait_dma2 semaphore(%run_scoped3A_37 : memref<!tpu.dma_semaphore, #tpu.memory_space<semaphore_mem>>) src(%run_scoped3A : memref<80x128xf32, #tpu.memory_space<vmem>>) dst(%dma_wait3A_43 : memref<80x128xf32, #tpu.memory_space<vmem_shared>>)
        tpu.yield
      }) : () -> ()
      %add3A_35 = arith.constant 560 : i32
      %add3A_36 = arith.addi %mul3A_2, %add3A_35 : i32
      "tpu.region"() ({
        %run_scoped3A_37 = tpu.sem_alloc : memref<!tpu.dma_semaphore, #tpu.memory_space<semaphore_mem>>
        %dma_start3A = arith.constant 0 : i32
        %dma_start3A_38 = tpu.memref_slice %arg25[%add3A_36, %dma_start3A] : memref<10240x128xf32, #tpu.memory_space<vmem_shared>> -> memref<80x128xf32, #tpu.memory_space<vmem_shared>>
        %dma_start3A_39 = arith.constant 0 : i32
        %dma_start3A_40 = tpu.memref_slice %arg25[%add3A_36, %dma_start3A_39] : memref<10240x128xf32, #tpu.memory_space<vmem_shared>> -> memref<80x128xf32, #tpu.memory_space<vmem_shared>>
        tpu.enqueue_dma source(%run_scoped3A : memref<80x128xf32, #tpu.memory_space<vmem>>) target(%dma_start3A_40 : memref<80x128xf32, #tpu.memory_space<vmem_shared>>) target_semaphore(%run_scoped3A_37 : memref<!tpu.dma_semaphore, #tpu.memory_space<semaphore_mem>>)
        %dma_wait3A = arith.constant 0 : i32
        %dma_wait3A_41 = tpu.memref_slice %arg25[%add3A_36, %dma_wait3A] : memref<10240x128xf32, #tpu.memory_space<vmem_shared>> -> memref<80x128xf32, #tpu.memory_space<vmem_shared>>
        %dma_wait3A_42 = arith.constant 0 : i32
        %dma_wait3A_43 = tpu.memref_slice %arg25[%add3A_36, %dma_wait3A_42] : memref<10240x128xf32, #tpu.memory_space<vmem_shared>> -> memref<80x128xf32, #tpu.memory_space<vmem_shared>>
        tpu.wait_dma2 semaphore(%run_scoped3A_37 : memref<!tpu.dma_semaphore, #tpu.memory_space<semaphore_mem>>) src(%run_scoped3A : memref<80x128xf32, #tpu.memory_space<vmem>>) dst(%dma_wait3A_43 : memref<80x128xf32, #tpu.memory_space<vmem_shared>>)
        tpu.yield
      }) : () -> ()
      tpu.yield
    }) : () -> ()
    %barrier3A = arith.constant 0 : index
    tpu.barrier barrier_id(%barrier3A)
    "tpu.region"() ({
      %run_scoped3A = memref.alloca() : memref<10240xf32, #tpu.memory_space<vmem>>
      %run_scoped3A_14 = memref.alloca() : memref<10240xf32, #tpu.memory_space<vmem>>
      %run_scoped3A_15 = memref.alloca() : memref<10240xf32, #tpu.memory_space<vmem>>
      %scan3A_16 = arith.constant 0 : i32
      %scan3A_17 = arith.constant 0 : i32
      %scan3A_18 = arith.constant 640 : i32
      %scan3A_19 = arith.addi %scan3A_17, %scan3A_18 : i32
      %scan3A_20 = arith.constant 1 : i32
      %scan3A_21 = scf.for %scan3A_68 = %scan3A_17 to %scan3A_19 step %scan3A_20 iter_args(%scan3A_69 = %scan3A_16) -> (i32)  : i32 {
        %mul3A_70 = arith.constant 16 : i32
        %mul3A_71 = arith.muli %scan3A_68, %mul3A_70 : i32
        %swap3A = arith.index_cast %mul3A_71 : i32 to index
        %swap3A_72 = tpu.vector_load %run_scoped3A[%swap3A] {strides = array<i32>} : memref<10240xf32, #tpu.memory_space<vmem>>, vector<16xf32>,
        tpu.vector_store %run_scoped3A[%swap3A], %broadcast_in_dim3A_3 {strides = array<i32>} : memref<10240xf32, #tpu.memory_space<vmem>>, vector<16xf32>,
        %scan3A_73 = arith.constant 0 : i32
        scf.yield %scan3A_73 : i32
      }
      %scan3A_22 = arith.constant 640 : i32
      %scan3A_23 = arith.constant 0 : i32
      %scan3A_24 = arith.constant 0 : i32
      %scan3A_25 = arith.constant 640 : i32
      %scan3A_26 = arith.addi %scan3A_24, %scan3A_25 : i32
      %scan3A_27 = arith.constant 1 : i32
      %scan3A_28 = scf.for %scan3A_68 = %scan3A_24 to %scan3A_26 step %scan3A_27 iter_args(%scan3A_69 = %scan3A_23) -> (i32)  : i32 {
        %mul3A_70 = arith.constant 16 : i32
        %mul3A_71 = arith.muli %scan3A_68, %mul3A_70 : i32
        %swap3A = arith.index_cast %mul3A_71 : i32 to index
        %swap3A_72 = tpu.vector_load %run_scoped3A_14[%swap3A] {strides = array<i32>} : memref<10240xf32, #tpu.memory_space<vmem>>, vector<16xf32>,
        tpu.vector_store %run_scoped3A_14[%swap3A], %broadcast_in_dim3A_3 {strides = array<i32>} : memref<10240xf32, #tpu.memory_space<vmem>>, vector<16xf32>,
        %scan3A_73 = arith.constant 0 : i32
        scf.yield %scan3A_73 : i32
      }
      %scan3A_29 = arith.constant 640 : i32
      "tpu.region"() ({
        %run_scoped3A_68 = tpu.sem_alloc : memref<!tpu.dma_semaphore, #tpu.memory_space<semaphore_mem>>
        tpu.enqueue_dma source(%arg4 : memref<10240xf32, #tpu.memory_space<hbm>>) target(%run_scoped3A_15 : memref<10240xf32, #tpu.memory_space<vmem>>) target_semaphore(%run_scoped3A_68 : memref<!tpu.dma_semaphore, #tpu.memory_space<semaphore_mem>>)
        tpu.wait_dma2 semaphore(%run_scoped3A_68 : memref<!tpu.dma_semaphore, #tpu.memory_space<semaphore_mem>>) src(%arg4 : memref<10240xf32, #tpu.memory_space<hbm>>) dst(%run_scoped3A_15 : memref<10240xf32, #tpu.memory_space<vmem>>)
        tpu.yield
      }) : () -> ()
      %broadcast_in_dim3A_30 = arith.constant 1.000000e+00 : f32
      %broadcast_in_dim3A_31 = vector.broadcast %broadcast_in_dim3A_30 : f32 to vector<16xf32>
      %scan3A_32 = arith.constant 0 : i32
      %scan3A_33 = arith.constant 0 : i32
      %scan3A_34 = arith.constant 10 : i32
      %scan3A_35 = arith.addi %scan3A_33, %scan3A_34 : i32
      %scan3A_36 = arith.constant 1 : i32
      %scan3A_37 = scf.for %scan3A_68 = %scan3A_33 to %scan3A_35 step %scan3A_36 iter_args(%scan3A_69 = %scan3A_32) -> (i32)  : i32 {
        %mul3A_70 = arith.constant 20000 : i32
        %mul3A_71 = arith.muli %arg1, %mul3A_70 : i32
        %mul3A_72 = arith.constant 2000 : i32
        %mul3A_73 = arith.muli %scan3A_68, %mul3A_72 : i32
        %add3A_74 = arith.addi %mul3A_71, %mul3A_73 : i32
        %dma_start3A = tpu.memref_slice %arg2[%add3A_74] : memref<320000xi32, #tpu.memory_space<hbm>> -> memref<2000xi32, #tpu.memory_space<hbm>>
        %dma_start3A_75 = tpu.memref_slice %arg2[%add3A_74] : memref<320000xi32, #tpu.memory_space<hbm>> -> memref<2000xi32, #tpu.memory_space<hbm>>
        tpu.enqueue_dma source(%dma_start3A_75 : memref<2000xi32, #tpu.memory_space<hbm>>) target(%arg12 : memref<2000xi32, #tpu.memory_space<vmem>>) target_semaphore(%arg26 : memref<!tpu.dma_semaphore, #tpu.memory_space<semaphore_mem>>)
        %dma_start3A_76 = tpu.memref_slice %arg3[%add3A_74] : memref<320000xi32, #tpu.memory_space<hbm>> -> memref<2000xi32, #tpu.memory_space<hbm>>
        %dma_start3A_77 = tpu.memref_slice %arg3[%add3A_74] : memref<320000xi32, #tpu.memory_space<hbm>> -> memref<2000xi32, #tpu.memory_space<hbm>>
        tpu.enqueue_dma source(%dma_start3A_77 : memref<2000xi32, #tpu.memory_space<hbm>>) target(%arg13 : memref<2000xi32, #tpu.memory_space<vmem>>) target_semaphore(%arg26 : memref<!tpu.dma_semaphore, #tpu.memory_space<semaphore_mem>>)
        %dma_wait3A = tpu.memref_slice %arg2[%add3A_74] : memref<320000xi32, #tpu.memory_space<hbm>> -> memref<2000xi32, #tpu.memory_space<hbm>>
        %dma_wait3A_78 = tpu.memref_slice %arg2[%add3A_74] : memref<320000xi32, #tpu.memory_space<hbm>> -> memref<2000xi32, #tpu.memory_space<hbm>>
        tpu.wait_dma2 semaphore(%arg26 : memref<!tpu.dma_semaphore, #tpu.memory_space<semaphore_mem>>) src(%dma_wait3A_78 : memref<2000xi32, #tpu.memory_space<hbm>>) dst(%arg12 : memref<2000xi32, #tpu.memory_space<vmem>>)
        %dma_wait3A_79 = tpu.memref_slice %arg3[%add3A_74] : memref<320000xi32, #tpu.memory_space<hbm>> -> memref<2000xi32, #tpu.memory_space<hbm>>
        %dma_wait3A_80 = tpu.memref_slice %arg3[%add3A_74] : memref<320000xi32, #tpu.memory_space<hbm>> -> memref<2000xi32, #tpu.memory_space<hbm>>
        tpu.wait_dma2 semaphore(%arg26 : memref<!tpu.dma_semaphore, #tpu.memory_space<semaphore_mem>>) src(%dma_wait3A_80 : memref<2000xi32, #tpu.memory_space<hbm>>) dst(%arg13 : memref<2000xi32, #tpu.memory_space<vmem>>)
        %scan3A_81 = arith.constant 0 : i32
        %scan3A_82 = arith.constant 0 : i32
        %scan3A_83 = arith.constant 125 : i32
        %scan3A_84 = arith.addi %scan3A_82, %scan3A_83 : i32
        %scan3A_85 = arith.constant 1 : i32
        %scan3A_86 = scf.for %scan3A_89 = %scan3A_82 to %scan3A_84 step %scan3A_85 iter_args(%scan3A_90 = %scan3A_81) -> (i32)  : i32 {
          %mul3A_91 = arith.constant 16 : i32
          %mul3A_92 = arith.muli %scan3A_89, %mul3A_91 : i32
          %get3A = arith.index_cast %mul3A_92 : i32 to index
          %get3A_93 = tpu.vector_load %arg12[%get3A] {strides = array<i32>} : memref<2000xi32, #tpu.memory_space<vmem>>, vector<16xi32>,
          %get3A_94 = arith.index_cast %mul3A_92 : i32 to index
          %get3A_95 = tpu.vector_load %arg13[%get3A_94] {strides = array<i32>} : memref<2000xi32, #tpu.memory_space<vmem>>, vector<16xi32>,
          %gather3A = tpu.vector_load_idx %run_scoped3A_15[%get3A_93] : memref<10240xf32, #tpu.memory_space<vmem>>[vector<16xi32>], vector<16xf32>,
          tpu.vector_store_idx %run_scoped3A[%get3A_95], %broadcast_in_dim3A_31 {add = true} : memref<10240xf32, #tpu.memory_space<vmem>>[vector<16xi32>], vector<16xf32>,
          tpu.vector_store_idx %run_scoped3A_14[%get3A_95], %gather3A {add = true} : memref<10240xf32, #tpu.memory_space<vmem>>[vector<16xi32>], vector<16xf32>,
          %scan3A_96 = arith.constant 0 : i32
          scf.yield %scan3A_96 : i32
        }
        %scan3A_87 = arith.constant 125 : i32
        %scan3A_88 = arith.constant 0 : i32
        scf.yield %scan3A_88 : i32
      }
      %scan3A_38 = arith.constant 10 : i32
      %barrier3A_39 = arith.constant 0 : index
      tpu.barrier barrier_id(%barrier3A_39)
      %scan3A_40 = arith.constant 0 : i32
      %scan3A_41 = arith.constant 0 : i32
      %scan3A_42 = arith.constant 40 : i32
      %scan3A_43 = arith.addi %scan3A_41, %scan3A_42 : i32
      %scan3A_44 = arith.constant 1 : i32
      %scan3A_45 = scf.for %scan3A_68 = %scan3A_41 to %scan3A_43 step %scan3A_44 iter_args(%scan3A_69 = %scan3A_40) -> (i32)  : i32 {
        %mul3A_70 = arith.constant 16 : i32
        %mul3A_71 = arith.muli %scan3A_68, %mul3A_70 : i32
        %swap3A = arith.index_cast %mul3A_71 : i32 to index
        %swap3A_72 = tpu.vector_load %arg16[%swap3A] {strides = array<i32>} : memref<640xf32, #tpu.memory_space<vmem>>, vector<16xf32>,
        tpu.vector_store %arg16[%swap3A], %broadcast_in_dim3A_3 {strides = array<i32>} : memref<640xf32, #tpu.memory_space<vmem>>, vector<16xf32>,
        %scan3A_73 = arith.constant 0 : i32
        scf.yield %scan3A_73 : i32
      }
      %scan3A_46 = arith.constant 40 : i32
      %scan3A_47 = arith.constant 0 : i32
      %scan3A_48 = arith.constant 0 : i32
      %scan3A_49 = arith.constant 16 : i32
      %scan3A_50 = arith.addi %scan3A_48, %scan3A_49 : i32
      %scan3A_51 = arith.constant 1 : i32
      %scan3A_52 = scf.for %scan3A_68 = %scan3A_48 to %scan3A_50 step %scan3A_51 iter_args(%scan3A_69 = %scan3A_47) -> (i32)  : i32 {
        %rem3A = arith.constant 2 : i32
        %rem3A_70 = arith.remsi %scan3A_68, %rem3A : i32
        %add3A_71 = arith.addi %arg1, %scan3A_68 : i32
        %rem3A_72 = arith.constant 16 : i32
        %rem3A_73 = arith.remsi %add3A_71, %rem3A_72 : i32
        %mul3A_74 = arith.constant 640 : i32
        %mul3A_75 = arith.muli %rem3A_73, %mul3A_74 : i32
        %mul3A_76 = arith.constant 10240 : i32
        %mul3A_77 = arith.muli %rem3A_70, %mul3A_76 : i32
        %mul3A_78 = arith.constant 640 : i32
        %mul3A_79 = arith.muli %arg1, %mul3A_78 : i32
        %add3A_80 = arith.addi %mul3A_77, %mul3A_79 : i32
        "tpu.region"() ({
          %run_scoped3A_99 = tpu.sem_alloc : memref<!tpu.dma_semaphore, #tpu.memory_space<semaphore_mem>>
          %dma_start3A = tpu.memref_slice %run_scoped3A[%mul3A_75] : memref<10240xf32, #tpu.memory_space<vmem>> -> memref<640xf32, #tpu.memory_space<vmem>>
          %dma_start3A_100 = tpu.memref_slice %arg20[%add3A_80] : memref<20480xf32, #tpu.memory_space<vmem_shared>> -> memref<640xf32, #tpu.memory_space<vmem_shared>>
          %dma_start3A_101 = tpu.memref_slice %arg20[%add3A_80] : memref<20480xf32, #tpu.memory_space<vmem_shared>> -> memref<640xf32, #tpu.memory_space<vmem_shared>>
          %dma_start3A_102 = tpu.memref_slice %run_scoped3A[%mul3A_75] : memref<10240xf32, #tpu.memory_space<vmem>> -> memref<640xf32, #tpu.memory_space<vmem>>
          tpu.enqueue_dma source(%dma_start3A_102 : memref<640xf32, #tpu.memory_space<vmem>>) target(%dma_start3A_101 : memref<640xf32, #tpu.memory_space<vmem_shared>>) target_semaphore(%run_scoped3A_99 : memref<!tpu.dma_semaphore, #tpu.memory_space<semaphore_mem>>)
          %dma_wait3A = tpu.memref_slice %run_scoped3A[%mul3A_75] : memref<10240xf32, #tpu.memory_space<vmem>> -> memref<640xf32, #tpu.memory_space<vmem>>
          %dma_wait3A_103 = tpu.memref_slice %arg20[%add3A_80] : memref<20480xf32, #tpu.memory_space<vmem_shared>> -> memref<640xf32, #tpu.memory_space<vmem_shared>>
          %dma_wait3A_104 = tpu.memref_slice %arg20[%add3A_80] : memref<20480xf32, #tpu.memory_space<vmem_shared>> -> memref<640xf32, #tpu.memory_space<vmem_shared>>
          %dma_wait3A_105 = tpu.memref_slice %run_scoped3A[%mul3A_75] : memref<10240xf32, #tpu.memory_space<vmem>> -> memref<640xf32, #tpu.memory_space<vmem>>
          tpu.wait_dma2 semaphore(%run_scoped3A_99 : memref<!tpu.dma_semaphore, #tpu.memory_space<semaphore_mem>>) src(%dma_wait3A_105 : memref<640xf32, #tpu.memory_space<vmem>>) dst(%dma_wait3A_104 : memref<640xf32, #tpu.memory_space<vmem_shared>>)
          tpu.yield
        }) : () -> ()
        %barrier3A_81 = arith.constant 0 : index
        tpu.barrier barrier_id(%barrier3A_81)
        %sub3A = arith.subi %arg1, %scan3A_68 : i32
        %add3A_82 = arith.constant 16 : i32
        %add3A_83 = arith.addi %sub3A, %add3A_82 : i32
        %rem3A_84 = arith.constant 16 : i32
        %rem3A_85 = arith.remsi %add3A_83, %rem3A_84 : i32
        %mul3A_86 = arith.constant 10240 : i32
        %mul3A_87 = arith.muli %rem3A_70, %mul3A_86 : i32
        %mul3A_88 = arith.constant 640 : i32
        %mul3A_89 = arith.muli %rem3A_85, %mul3A_88 : i32
        %add3A_90 = arith.addi %mul3A_87, %mul3A_89 : i32
        "tpu.region"() ({
          %run_scoped3A_99 = tpu.sem_alloc : memref<!tpu.dma_semaphore, #tpu.memory_space<semaphore_mem>>
          %dma_start3A = tpu.memref_slice %arg20[%add3A_90] : memref<20480xf32, #tpu.memory_space<vmem_shared>> -> memref<640xf32, #tpu.memory_space<vmem_shared>>
          %dma_start3A_100 = tpu.memref_slice %arg20[%add3A_90] : memref<20480xf32, #tpu.memory_space<vmem_shared>> -> memref<640xf32, #tpu.memory_space<vmem_shared>>
          tpu.enqueue_dma source(%dma_start3A_100 : memref<640xf32, #tpu.memory_space<vmem_shared>>) target(%arg19 : memref<640xf32, #tpu.memory_space<vmem>>) target_semaphore(%run_scoped3A_99 : memref<!tpu.dma_semaphore, #tpu.memory_space<semaphore_mem>>)
          %dma_wait3A = tpu.memref_slice %arg20[%add3A_90] : memref<20480xf32, #tpu.memory_space<vmem_shared>> -> memref<640xf32, #tpu.memory_space<vmem_shared>>
          %dma_wait3A_101 = tpu.memref_slice %arg20[%add3A_90] : memref<20480xf32, #tpu.memory_space<vmem_shared>> -> memref<640xf32, #tpu.memory_space<vmem_shared>>
          tpu.wait_dma2 semaphore(%run_scoped3A_99 : memref<!tpu.dma_semaphore, #tpu.memory_space<semaphore_mem>>) src(%dma_wait3A_101 : memref<640xf32, #tpu.memory_space<vmem_shared>>) dst(%arg19 : memref<640xf32, #tpu.memory_space<vmem>>)
          tpu.yield
        }) : () -> ()
        %scan3A_91 = arith.constant 0 : i32
        %scan3A_92 = arith.constant 0 : i32
        %scan3A_93 = arith.constant 40 : i32
        %scan3A_94 = arith.addi %scan3A_92, %scan3A_93 : i32
        %scan3A_95 = arith.constant 1 : i32
        %scan3A_96 = scf.for %scan3A_99 = %scan3A_92 to %scan3A_94 step %scan3A_95 iter_args(%scan3A_100 = %scan3A_91) -> (i32)  : i32 {
          %mul3A_101 = arith.constant 16 : i32
          %mul3A_102 = arith.muli %scan3A_99, %mul3A_101 : i32
          %get3A = arith.index_cast %mul3A_102 : i32 to index
          %get3A_103 = tpu.vector_load %arg16[%get3A] {strides = array<i32>} : memref<640xf32, #tpu.memory_space<vmem>>, vector<16xf32>,
          %get3A_104 = arith.index_cast %mul3A_102 : i32 to index
          %get3A_105 = tpu.vector_load %arg19[%get3A_104] {strides = array<i32>} : memref<640xf32, #tpu.memory_space<vmem>>, vector<16xf32>,
          %add3A_106 = arith.addf %get3A_103, %get3A_105 : vector<16xf32>
          %swap3A = arith.index_cast %mul3A_102 : i32 to index
          %swap3A_107 = tpu.vector_load %arg16[%swap3A] {strides = array<i32>} : memref<640xf32, #tpu.memory_space<vmem>>, vector<16xf32>,
          tpu.vector_store %arg16[%swap3A], %add3A_106 {strides = array<i32>} : memref<640xf32, #tpu.memory_space<vmem>>, vector<16xf32>,
          %scan3A_108 = arith.constant 0 : i32
          scf.yield %scan3A_108 : i32
        }
        %scan3A_97 = arith.constant 40 : i32
        %scan3A_98 = arith.constant 0 : i32
        scf.yield %scan3A_98 : i32
      }
      %scan3A_53 = arith.constant 16 : i32
      %scan3A_54 = arith.constant 0 : i32
      %scan3A_55 = arith.constant 0 : i32
      %scan3A_56 = arith.constant 40 : i32
      %scan3A_57 = arith.addi %scan3A_55, %scan3A_56 : i32
      %scan3A_58 = arith.constant 1 : i32
      %scan3A_59 = scf.for %scan3A_68 = %scan3A_55 to %scan3A_57 step %scan3A_58 iter_args(%scan3A_69 = %scan3A_54) -> (i32)  : i32 {
        %mul3A_70 = arith.constant 16 : i32
        %mul3A_71 = arith.muli %scan3A_68, %mul3A_70 : i32
        %swap3A = arith.index_cast %mul3A_71 : i32 to index
        %swap3A_72 = tpu.vector_load %arg17[%swap3A] {strides = array<i32>} : memref<640xf32, #tpu.memory_space<vmem>>, vector<16xf32>,
        tpu.vector_store %arg17[%swap3A], %broadcast_in_dim3A_3 {strides = array<i32>} : memref<640xf32, #tpu.memory_space<vmem>>, vector<16xf32>,
        %scan3A_73 = arith.constant 0 : i32
        scf.yield %scan3A_73 : i32
      }
      %scan3A_60 = arith.constant 40 : i32
      %scan3A_61 = arith.constant 0 : i32
      %scan3A_62 = arith.constant 0 : i32
      %scan3A_63 = arith.constant 16 : i32
      %scan3A_64 = arith.addi %scan3A_62, %scan3A_63 : i32
      %scan3A_65 = arith.constant 1 : i32
      %scan3A_66 = scf.for %scan3A_68 = %scan3A_62 to %scan3A_64 step %scan3A_65 iter_args(%scan3A_69 = %scan3A_61) -> (i32)  : i32 {
        %rem3A = arith.constant 2 : i32
        %rem3A_70 = arith.remsi %scan3A_68, %rem3A : i32
        %add3A_71 = arith.addi %arg1, %scan3A_68 : i32
        %rem3A_72 = arith.constant 16 : i32
        %rem3A_73 = arith.remsi %add3A_71, %rem3A_72 : i32
        %mul3A_74 = arith.constant 640 : i32
        %mul3A_75 = arith.muli %rem3A_73, %mul3A_74 : i32
        %mul3A_76 = arith.constant 10240 : i32
        %mul3A_77 = arith.muli %rem3A_70, %mul3A_76 : i32
        %mul3A_78 = arith.constant 640 : i32
        %mul3A_79 = arith.muli %arg1, %mul3A_78 : i32
        %add3A_80 = arith.addi %mul3A_77, %mul3A_79 : i32
        "tpu.region"() ({
          %run_scoped3A_99 = tpu.sem_alloc : memref<!tpu.dma_semaphore, #tpu.memory_space<semaphore_mem>>
          %dma_start3A = tpu.memref_slice %run_scoped3A_14[%mul3A_75] : memref<10240xf32, #tpu.memory_space<vmem>> -> memref<640xf32, #tpu.memory_space<vmem>>
          %dma_start3A_100 = tpu.memref_slice %arg20[%add3A_80] : memref<20480xf32, #tpu.memory_space<vmem_shared>> -> memref<640xf32, #tpu.memory_space<vmem_shared>>
          %dma_start3A_101 = tpu.memref_slice %arg20[%add3A_80] : memref<20480xf32, #tpu.memory_space<vmem_shared>> -> memref<640xf32, #tpu.memory_space<vmem_shared>>
          %dma_start3A_102 = tpu.memref_slice %run_scoped3A_14[%mul3A_75] : memref<10240xf32, #tpu.memory_space<vmem>> -> memref<640xf32, #tpu.memory_space<vmem>>
          tpu.enqueue_dma source(%dma_start3A_102 : memref<640xf32, #tpu.memory_space<vmem>>) target(%dma_start3A_101 : memref<640xf32, #tpu.memory_space<vmem_shared>>) target_semaphore(%run_scoped3A_99 : memref<!tpu.dma_semaphore, #tpu.memory_space<semaphore_mem>>)
          %dma_wait3A = tpu.memref_slice %run_scoped3A_14[%mul3A_75] : memref<10240xf32, #tpu.memory_space<vmem>> -> memref<640xf32, #tpu.memory_space<vmem>>
          %dma_wait3A_103 = tpu.memref_slice %arg20[%add3A_80] : memref<20480xf32, #tpu.memory_space<vmem_shared>> -> memref<640xf32, #tpu.memory_space<vmem_shared>>
          %dma_wait3A_104 = tpu.memref_slice %arg20[%add3A_80] : memref<20480xf32, #tpu.memory_space<vmem_shared>> -> memref<640xf32, #tpu.memory_space<vmem_shared>>
          %dma_wait3A_105 = tpu.memref_slice %run_scoped3A_14[%mul3A_75] : memref<10240xf32, #tpu.memory_space<vmem>> -> memref<640xf32, #tpu.memory_space<vmem>>
          tpu.wait_dma2 semaphore(%run_scoped3A_99 : memref<!tpu.dma_semaphore, #tpu.memory_space<semaphore_mem>>) src(%dma_wait3A_105 : memref<640xf32, #tpu.memory_space<vmem>>) dst(%dma_wait3A_104 : memref<640xf32, #tpu.memory_space<vmem_shared>>)
          tpu.yield
        }) : () -> ()
        %barrier3A_81 = arith.constant 0 : index
        tpu.barrier barrier_id(%barrier3A_81)
        %sub3A = arith.subi %arg1, %scan3A_68 : i32
        %add3A_82 = arith.constant 16 : i32
        %add3A_83 = arith.addi %sub3A, %add3A_82 : i32
        %rem3A_84 = arith.constant 16 : i32
        %rem3A_85 = arith.remsi %add3A_83, %rem3A_84 : i32
        %mul3A_86 = arith.constant 10240 : i32
        %mul3A_87 = arith.muli %rem3A_70, %mul3A_86 : i32
        %mul3A_88 = arith.constant 640 : i32
        %mul3A_89 = arith.muli %rem3A_85, %mul3A_88 : i32
        %add3A_90 = arith.addi %mul3A_87, %mul3A_89 : i32
        "tpu.region"() ({
          %run_scoped3A_99 = tpu.sem_alloc : memref<!tpu.dma_semaphore, #tpu.memory_space<semaphore_mem>>
          %dma_start3A = tpu.memref_slice %arg20[%add3A_90] : memref<20480xf32, #tpu.memory_space<vmem_shared>> -> memref<640xf32, #tpu.memory_space<vmem_shared>>
          %dma_start3A_100 = tpu.memref_slice %arg20[%add3A_90] : memref<20480xf32, #tpu.memory_space<vmem_shared>> -> memref<640xf32, #tpu.memory_space<vmem_shared>>
          tpu.enqueue_dma source(%dma_start3A_100 : memref<640xf32, #tpu.memory_space<vmem_shared>>) target(%arg19 : memref<640xf32, #tpu.memory_space<vmem>>) target_semaphore(%run_scoped3A_99 : memref<!tpu.dma_semaphore, #tpu.memory_space<semaphore_mem>>)
          %dma_wait3A = tpu.memref_slice %arg20[%add3A_90] : memref<20480xf32, #tpu.memory_space<vmem_shared>> -> memref<640xf32, #tpu.memory_space<vmem_shared>>
          %dma_wait3A_101 = tpu.memref_slice %arg20[%add3A_90] : memref<20480xf32, #tpu.memory_space<vmem_shared>> -> memref<640xf32, #tpu.memory_space<vmem_shared>>
          tpu.wait_dma2 semaphore(%run_scoped3A_99 : memref<!tpu.dma_semaphore, #tpu.memory_space<semaphore_mem>>) src(%dma_wait3A_101 : memref<640xf32, #tpu.memory_space<vmem_shared>>) dst(%arg19 : memref<640xf32, #tpu.memory_space<vmem>>)
          tpu.yield
        }) : () -> ()
        %scan3A_91 = arith.constant 0 : i32
        %scan3A_92 = arith.constant 0 : i32
        %scan3A_93 = arith.constant 40 : i32
        %scan3A_94 = arith.addi %scan3A_92, %scan3A_93 : i32
        %scan3A_95 = arith.constant 1 : i32
        %scan3A_96 = scf.for %scan3A_99 = %scan3A_92 to %scan3A_94 step %scan3A_95 iter_args(%scan3A_100 = %scan3A_91) -> (i32)  : i32 {
          %mul3A_101 = arith.constant 16 : i32
          %mul3A_102 = arith.muli %scan3A_99, %mul3A_101 : i32
          %get3A = arith.index_cast %mul3A_102 : i32 to index
          %get3A_103 = tpu.vector_load %arg17[%get3A] {strides = array<i32>} : memref<640xf32, #tpu.memory_space<vmem>>, vector<16xf32>,
          %get3A_104 = arith.index_cast %mul3A_102 : i32 to index
          %get3A_105 = tpu.vector_load %arg19[%get3A_104] {strides = array<i32>} : memref<640xf32, #tpu.memory_space<vmem>>, vector<16xf32>,
          %add3A_106 = arith.addf %get3A_103, %get3A_105 : vector<16xf32>
          %swap3A = arith.index_cast %mul3A_102 : i32 to index
          %swap3A_107 = tpu.vector_load %arg17[%swap3A] {strides = array<i32>} : memref<640xf32, #tpu.memory_space<vmem>>, vector<16xf32>,
          tpu.vector_store %arg17[%swap3A], %add3A_106 {strides = array<i32>} : memref<640xf32, #tpu.memory_space<vmem>>, vector<16xf32>,
          %scan3A_108 = arith.constant 0 : i32
          scf.yield %scan3A_108 : i32
        }
        %scan3A_97 = arith.constant 40 : i32
        %scan3A_98 = arith.constant 0 : i32
        scf.yield %scan3A_98 : i32
      }
      %scan3A_67 = arith.constant 16 : i32
      tpu.yield
    }) : () -> ()
    "tpu.region"() ({
      %run_scoped3A = memref.alloca() : memref<10240xf32, #tpu.memory_space<vmem>>
      %run_scoped3A_14 = memref.alloca() : memref<10240xf32, #tpu.memory_space<vmem>>
      %scan3A_15 = arith.constant 0 : i32
      %scan3A_16 = arith.constant 0 : i32
      %scan3A_17 = arith.constant 640 : i32
      %scan3A_18 = arith.addi %scan3A_16, %scan3A_17 : i32
      %scan3A_19 = arith.constant 1 : i32
      %scan3A_20 = scf.for %scan3A_44 = %scan3A_16 to %scan3A_18 step %scan3A_19 iter_args(%scan3A_45 = %scan3A_15) -> (i32)  : i32 {
        %mul3A_46 = arith.constant 16 : i32
        %mul3A_47 = arith.muli %scan3A_44, %mul3A_46 : i32
        %swap3A = arith.index_cast %mul3A_47 : i32 to index
        %swap3A_48 = tpu.vector_load %run_scoped3A[%swap3A] {strides = array<i32>} : memref<10240xf32, #tpu.memory_space<vmem>>, vector<16xf32>,
        tpu.vector_store %run_scoped3A[%swap3A], %broadcast_in_dim3A_3 {strides = array<i32>} : memref<10240xf32, #tpu.memory_space<vmem>>, vector<16xf32>,
        %scan3A_49 = arith.constant 0 : i32
        scf.yield %scan3A_49 : i32
      }
      %scan3A_21 = arith.constant 640 : i32
      "tpu.region"() ({
        %run_scoped3A_44 = tpu.sem_alloc : memref<!tpu.dma_semaphore, #tpu.memory_space<semaphore_mem>>
        tpu.enqueue_dma source(%arg5 : memref<10240xf32, #tpu.memory_space<hbm>>) target(%run_scoped3A_14 : memref<10240xf32, #tpu.memory_space<vmem>>) target_semaphore(%run_scoped3A_44 : memref<!tpu.dma_semaphore, #tpu.memory_space<semaphore_mem>>)
        tpu.wait_dma2 semaphore(%run_scoped3A_44 : memref<!tpu.dma_semaphore, #tpu.memory_space<semaphore_mem>>) src(%arg5 : memref<10240xf32, #tpu.memory_space<hbm>>) dst(%run_scoped3A_14 : memref<10240xf32, #tpu.memory_space<vmem>>)
        tpu.yield
      }) : () -> ()
      %scan3A_22 = arith.constant 0 : i32
      %scan3A_23 = arith.constant 0 : i32
      %scan3A_24 = arith.constant 10 : i32
      %scan3A_25 = arith.addi %scan3A_23, %scan3A_24 : i32
      %scan3A_26 = arith.constant 1 : i32
      %scan3A_27 = scf.for %scan3A_44 = %scan3A_23 to %scan3A_25 step %scan3A_26 iter_args(%scan3A_45 = %scan3A_22) -> (i32)  : i32 {
        %mul3A_46 = arith.constant 20000 : i32
        %mul3A_47 = arith.muli %arg1, %mul3A_46 : i32
        %mul3A_48 = arith.constant 2000 : i32
        %mul3A_49 = arith.muli %scan3A_44, %mul3A_48 : i32
        %add3A_50 = arith.addi %mul3A_47, %mul3A_49 : i32
        %dma_start3A = tpu.memref_slice %arg2[%add3A_50] : memref<320000xi32, #tpu.memory_space<hbm>> -> memref<2000xi32, #tpu.memory_space<hbm>>
        %dma_start3A_51 = tpu.memref_slice %arg2[%add3A_50] : memref<320000xi32, #tpu.memory_space<hbm>> -> memref<2000xi32, #tpu.memory_space<hbm>>
        tpu.enqueue_dma source(%dma_start3A_51 : memref<2000xi32, #tpu.memory_space<hbm>>) target(%arg12 : memref<2000xi32, #tpu.memory_space<vmem>>) target_semaphore(%arg26 : memref<!tpu.dma_semaphore, #tpu.memory_space<semaphore_mem>>)
        %dma_start3A_52 = tpu.memref_slice %arg3[%add3A_50] : memref<320000xi32, #tpu.memory_space<hbm>> -> memref<2000xi32, #tpu.memory_space<hbm>>
        %dma_start3A_53 = tpu.memref_slice %arg3[%add3A_50] : memref<320000xi32, #tpu.memory_space<hbm>> -> memref<2000xi32, #tpu.memory_space<hbm>>
        tpu.enqueue_dma source(%dma_start3A_53 : memref<2000xi32, #tpu.memory_space<hbm>>) target(%arg13 : memref<2000xi32, #tpu.memory_space<vmem>>) target_semaphore(%arg26 : memref<!tpu.dma_semaphore, #tpu.memory_space<semaphore_mem>>)
        %dma_wait3A = tpu.memref_slice %arg2[%add3A_50] : memref<320000xi32, #tpu.memory_space<hbm>> -> memref<2000xi32, #tpu.memory_space<hbm>>
        %dma_wait3A_54 = tpu.memref_slice %arg2[%add3A_50] : memref<320000xi32, #tpu.memory_space<hbm>> -> memref<2000xi32, #tpu.memory_space<hbm>>
        tpu.wait_dma2 semaphore(%arg26 : memref<!tpu.dma_semaphore, #tpu.memory_space<semaphore_mem>>) src(%dma_wait3A_54 : memref<2000xi32, #tpu.memory_space<hbm>>) dst(%arg12 : memref<2000xi32, #tpu.memory_space<vmem>>)
        %dma_wait3A_55 = tpu.memref_slice %arg3[%add3A_50] : memref<320000xi32, #tpu.memory_space<hbm>> -> memref<2000xi32, #tpu.memory_space<hbm>>
        %dma_wait3A_56 = tpu.memref_slice %arg3[%add3A_50] : memref<320000xi32, #tpu.memory_space<hbm>> -> memref<2000xi32, #tpu.memory_space<hbm>>
        tpu.wait_dma2 semaphore(%arg26 : memref<!tpu.dma_semaphore, #tpu.memory_space<semaphore_mem>>) src(%dma_wait3A_56 : memref<2000xi32, #tpu.memory_space<hbm>>) dst(%arg13 : memref<2000xi32, #tpu.memory_space<vmem>>)
        %scan3A_57 = arith.constant 0 : i32
        %scan3A_58 = arith.constant 0 : i32
        %scan3A_59 = arith.constant 125 : i32
        %scan3A_60 = arith.addi %scan3A_58, %scan3A_59 : i32
        %scan3A_61 = arith.constant 1 : i32
        %scan3A_62 = scf.for %scan3A_65 = %scan3A_58 to %scan3A_60 step %scan3A_61 iter_args(%scan3A_66 = %scan3A_57) -> (i32)  : i32 {
          %mul3A_67 = arith.constant 16 : i32
          %mul3A_68 = arith.muli %scan3A_65, %mul3A_67 : i32
          %get3A = arith.index_cast %mul3A_68 : i32 to index
          %get3A_69 = tpu.vector_load %arg12[%get3A] {strides = array<i32>} : memref<2000xi32, #tpu.memory_space<vmem>>, vector<16xi32>,
          %get3A_70 = arith.index_cast %mul3A_68 : i32 to index
          %get3A_71 = tpu.vector_load %arg13[%get3A_70] {strides = array<i32>} : memref<2000xi32, #tpu.memory_space<vmem>>, vector<16xi32>,
          %gather3A = tpu.vector_load_idx %run_scoped3A_14[%get3A_69] : memref<10240xf32, #tpu.memory_space<vmem>>[vector<16xi32>], vector<16xf32>,
          tpu.vector_store_idx %run_scoped3A[%get3A_71], %gather3A {add = true} : memref<10240xf32, #tpu.memory_space<vmem>>[vector<16xi32>], vector<16xf32>,
          %scan3A_72 = arith.constant 0 : i32
          scf.yield %scan3A_72 : i32
        }
        %scan3A_63 = arith.constant 125 : i32
        %scan3A_64 = arith.constant 0 : i32
        scf.yield %scan3A_64 : i32
      }
      %scan3A_28 = arith.constant 10 : i32
      %barrier3A_29 = arith.constant 0 : index
      tpu.barrier barrier_id(%barrier3A_29)
      %scan3A_30 = arith.constant 0 : i32
      %scan3A_31 = arith.constant 0 : i32
      %scan3A_32 = arith.constant 40 : i32
      %scan3A_33 = arith.addi %scan3A_31, %scan3A_32 : i32
      %scan3A_34 = arith.constant 1 : i32
      %scan3A_35 = scf.for %scan3A_44 = %scan3A_31 to %scan3A_33 step %scan3A_34 iter_args(%scan3A_45 = %scan3A_30) -> (i32)  : i32 {
        %mul3A_46 = arith.constant 16 : i32
        %mul3A_47 = arith.muli %scan3A_44, %mul3A_46 : i32
        %swap3A = arith.index_cast %mul3A_47 : i32 to index
        %swap3A_48 = tpu.vector_load %arg18[%swap3A] {strides = array<i32>} : memref<640xf32, #tpu.memory_space<vmem>>, vector<16xf32>,
        tpu.vector_store %arg18[%swap3A], %broadcast_in_dim3A_3 {strides = array<i32>} : memref<640xf32, #tpu.memory_space<vmem>>, vector<16xf32>,
        %scan3A_49 = arith.constant 0 : i32
        scf.yield %scan3A_49 : i32
      }
      %scan3A_36 = arith.constant 40 : i32
      %scan3A_37 = arith.constant 0 : i32
      %scan3A_38 = arith.constant 0 : i32
      %scan3A_39 = arith.constant 16 : i32
      %scan3A_40 = arith.addi %scan3A_38, %scan3A_39 : i32
      %scan3A_41 = arith.constant 1 : i32
      %scan3A_42 = scf.for %scan3A_44 = %scan3A_38 to %scan3A_40 step %scan3A_41 iter_args(%scan3A_45 = %scan3A_37) -> (i32)  : i32 {
        %rem3A = arith.constant 2 : i32
        %rem3A_46 = arith.remsi %scan3A_44, %rem3A : i32
        %add3A_47 = arith.addi %arg1, %scan3A_44 : i32
        %rem3A_48 = arith.constant 16 : i32
        %rem3A_49 = arith.remsi %add3A_47, %rem3A_48 : i32
        %mul3A_50 = arith.constant 640 : i32
        %mul3A_51 = arith.muli %rem3A_49, %mul3A_50 : i32
        %mul3A_52 = arith.constant 10240 : i32
        %mul3A_53 = arith.muli %rem3A_46, %mul3A_52 : i32
        %mul3A_54 = arith.constant 640 : i32
        %mul3A_55 = arith.muli %arg1, %mul3A_54 : i32
        %add3A_56 = arith.addi %mul3A_53, %mul3A_55 : i32
        "tpu.region"() ({
          %run_scoped3A_75 = tpu.sem_alloc : memref<!tpu.dma_semaphore, #tpu.memory_space<semaphore_mem>>
          %dma_start3A = tpu.memref_slice %run_scoped3A[%mul3A_51] : memref<10240xf32, #tpu.memory_space<vmem>> -> memref<640xf32, #tpu.memory_space<vmem>>
          %dma_start3A_76 = tpu.memref_slice %arg20[%add3A_56] : memref<20480xf32, #tpu.memory_space<vmem_shared>> -> memref<640xf32, #tpu.memory_space<vmem_shared>>
          %dma_start3A_77 = tpu.memref_slice %arg20[%add3A_56] : memref<20480xf32, #tpu.memory_space<vmem_shared>> -> memref<640xf32, #tpu.memory_space<vmem_shared>>
          %dma_start3A_78 = tpu.memref_slice %run_scoped3A[%mul3A_51] : memref<10240xf32, #tpu.memory_space<vmem>> -> memref<640xf32, #tpu.memory_space<vmem>>
          tpu.enqueue_dma source(%dma_start3A_78 : memref<640xf32, #tpu.memory_space<vmem>>) target(%dma_start3A_77 : memref<640xf32, #tpu.memory_space<vmem_shared>>) target_semaphore(%run_scoped3A_75 : memref<!tpu.dma_semaphore, #tpu.memory_space<semaphore_mem>>)
          %dma_wait3A = tpu.memref_slice %run_scoped3A[%mul3A_51] : memref<10240xf32, #tpu.memory_space<vmem>> -> memref<640xf32, #tpu.memory_space<vmem>>
          %dma_wait3A_79 = tpu.memref_slice %arg20[%add3A_56] : memref<20480xf32, #tpu.memory_space<vmem_shared>> -> memref<640xf32, #tpu.memory_space<vmem_shared>>
          %dma_wait3A_80 = tpu.memref_slice %arg20[%add3A_56] : memref<20480xf32, #tpu.memory_space<vmem_shared>> -> memref<640xf32, #tpu.memory_space<vmem_shared>>
          %dma_wait3A_81 = tpu.memref_slice %run_scoped3A[%mul3A_51] : memref<10240xf32, #tpu.memory_space<vmem>> -> memref<640xf32, #tpu.memory_space<vmem>>
          tpu.wait_dma2 semaphore(%run_scoped3A_75 : memref<!tpu.dma_semaphore, #tpu.memory_space<semaphore_mem>>) src(%dma_wait3A_81 : memref<640xf32, #tpu.memory_space<vmem>>) dst(%dma_wait3A_80 : memref<640xf32, #tpu.memory_space<vmem_shared>>)
          tpu.yield
        }) : () -> ()
        %barrier3A_57 = arith.constant 0 : index
        tpu.barrier barrier_id(%barrier3A_57)
        %sub3A = arith.subi %arg1, %scan3A_44 : i32
        %add3A_58 = arith.constant 16 : i32
        %add3A_59 = arith.addi %sub3A, %add3A_58 : i32
        %rem3A_60 = arith.constant 16 : i32
        %rem3A_61 = arith.remsi %add3A_59, %rem3A_60 : i32
        %mul3A_62 = arith.constant 10240 : i32
        %mul3A_63 = arith.muli %rem3A_46, %mul3A_62 : i32
        %mul3A_64 = arith.constant 640 : i32
        %mul3A_65 = arith.muli %rem3A_61, %mul3A_64 : i32
        %add3A_66 = arith.addi %mul3A_63, %mul3A_65 : i32
        "tpu.region"() ({
          %run_scoped3A_75 = tpu.sem_alloc : memref<!tpu.dma_semaphore, #tpu.memory_space<semaphore_mem>>
          %dma_start3A = tpu.memref_slice %arg20[%add3A_66] : memref<20480xf32, #tpu.memory_space<vmem_shared>> -> memref<640xf32, #tpu.memory_space<vmem_shared>>
          %dma_start3A_76 = tpu.memref_slice %arg20[%add3A_66] : memref<20480xf32, #tpu.memory_space<vmem_shared>> -> memref<640xf32, #tpu.memory_space<vmem_shared>>
          tpu.enqueue_dma source(%dma_start3A_76 : memref<640xf32, #tpu.memory_space<vmem_shared>>) target(%arg19 : memref<640xf32, #tpu.memory_space<vmem>>) target_semaphore(%run_scoped3A_75 : memref<!tpu.dma_semaphore, #tpu.memory_space<semaphore_mem>>)
          %dma_wait3A = tpu.memref_slice %arg20[%add3A_66] : memref<20480xf32, #tpu.memory_space<vmem_shared>> -> memref<640xf32, #tpu.memory_space<vmem_shared>>
          %dma_wait3A_77 = tpu.memref_slice %arg20[%add3A_66] : memref<20480xf32, #tpu.memory_space<vmem_shared>> -> memref<640xf32, #tpu.memory_space<vmem_shared>>
          tpu.wait_dma2 semaphore(%run_scoped3A_75 : memref<!tpu.dma_semaphore, #tpu.memory_space<semaphore_mem>>) src(%dma_wait3A_77 : memref<640xf32, #tpu.memory_space<vmem_shared>>) dst(%arg19 : memref<640xf32, #tpu.memory_space<vmem>>)
          tpu.yield
        }) : () -> ()
        %scan3A_67 = arith.constant 0 : i32
        %scan3A_68 = arith.constant 0 : i32
        %scan3A_69 = arith.constant 40 : i32
        %scan3A_70 = arith.addi %scan3A_68, %scan3A_69 : i32
        %scan3A_71 = arith.constant 1 : i32
        %scan3A_72 = scf.for %scan3A_75 = %scan3A_68 to %scan3A_70 step %scan3A_71 iter_args(%scan3A_76 = %scan3A_67) -> (i32)  : i32 {
          %mul3A_77 = arith.constant 16 : i32
          %mul3A_78 = arith.muli %scan3A_75, %mul3A_77 : i32
          %get3A = arith.index_cast %mul3A_78 : i32 to index
          %get3A_79 = tpu.vector_load %arg18[%get3A] {strides = array<i32>} : memref<640xf32, #tpu.memory_space<vmem>>, vector<16xf32>,
          %get3A_80 = arith.index_cast %mul3A_78 : i32 to index
          %get3A_81 = tpu.vector_load %arg19[%get3A_80] {strides = array<i32>} : memref<640xf32, #tpu.memory_space<vmem>>, vector<16xf32>,
          %add3A_82 = arith.addf %get3A_79, %get3A_81 : vector<16xf32>
          %swap3A = arith.index_cast %mul3A_78 : i32 to index
          %swap3A_83 = tpu.vector_load %arg18[%swap3A] {strides = array<i32>} : memref<640xf32, #tpu.memory_space<vmem>>, vector<16xf32>,
          tpu.vector_store %arg18[%swap3A], %add3A_82 {strides = array<i32>} : memref<640xf32, #tpu.memory_space<vmem>>, vector<16xf32>,
          %scan3A_84 = arith.constant 0 : i32
          scf.yield %scan3A_84 : i32
        }
        %scan3A_73 = arith.constant 40 : i32
        %scan3A_74 = arith.constant 0 : i32
        scf.yield %scan3A_74 : i32
      }
      %scan3A_43 = arith.constant 16 : i32
      tpu.yield
    }) : () -> ()
    %scan3A = arith.constant 0 : i32
    %scan3A_4 = arith.constant 0 : i32
    %scan3A_5 = arith.constant 40 : i32
    %scan3A_6 = arith.addi %scan3A_4, %scan3A_5 : i32
    %scan3A_7 = arith.constant 1 : i32
    %scan3A_8 = scf.for %scan3A_14 = %scan3A_4 to %scan3A_6 step %scan3A_7 iter_args(%scan3A_15 = %scan3A) -> (i32)  : i32 {
      %mul3A_16 = arith.constant 16 : i32
      %mul3A_17 = arith.muli %scan3A_14, %mul3A_16 : i32
      %get3A = arith.index_cast %mul3A_17 : i32 to index
      %get3A_18 = tpu.vector_load %arg16[%get3A] {strides = array<i32>} : memref<640xf32, #tpu.memory_space<vmem>>, vector<16xf32>,
      %max3A = arith.constant 1.000000e+00 : f32
      %max3A_19 = vector.broadcast %max3A : f32 to vector<16xf32>
      %max3A_20 = arith.maximumf %get3A_18, %max3A_19 : vector<16xf32>
      %get3A_21 = arith.index_cast %mul3A_17 : i32 to index
      %get3A_22 = tpu.vector_load %arg17[%get3A_21] {strides = array<i32>} : memref<640xf32, #tpu.memory_space<vmem>>, vector<16xf32>,
      %div3A = arith.divf %get3A_22, %max3A_20 : vector<16xf32>
      %swap3A = arith.index_cast %mul3A_17 : i32 to index
      %swap3A_23 = tpu.vector_load %arg17[%swap3A] {strides = array<i32>} : memref<640xf32, #tpu.memory_space<vmem>>, vector<16xf32>,
      tpu.vector_store %arg17[%swap3A], %div3A {strides = array<i32>} : memref<640xf32, #tpu.memory_space<vmem>>, vector<16xf32>,
      %get3A_24 = arith.index_cast %mul3A_17 : i32 to index
      %get3A_25 = tpu.vector_load %arg18[%get3A_24] {strides = array<i32>} : memref<640xf32, #tpu.memory_space<vmem>>, vector<16xf32>,
      %div3A_26 = arith.divf %get3A_25, %max3A_20 : vector<16xf32>
      %swap3A_27 = arith.index_cast %mul3A_17 : i32 to index
      %swap3A_28 = tpu.vector_load %arg18[%swap3A_27] {strides = array<i32>} : memref<640xf32, #tpu.memory_space<vmem>>, vector<16xf32>,
      tpu.vector_store %arg18[%swap3A_27], %div3A_26 {strides = array<i32>} : memref<640xf32, #tpu.memory_space<vmem>>, vector<16xf32>,
      %scan3A_29 = arith.constant 0 : i32
      scf.yield %scan3A_29 : i32
    }
    %scan3A_9 = arith.constant 40 : i32
    "tpu.region"() ({
      %run_scoped3A = tpu.sem_alloc : memref<!tpu.dma_semaphore, #tpu.memory_space<semaphore_mem>>
      %dma_start3A = tpu.memref_slice %arg21[%mul3A_2] : memref<10240xf32, #tpu.memory_space<vmem_shared>> -> memref<640xf32, #tpu.memory_space<vmem_shared>>
      %dma_start3A_14 = tpu.memref_slice %arg21[%mul3A_2] : memref<10240xf32, #tpu.memory_space<vmem_shared>> -> memref<640xf32, #tpu.memory_space<vmem_shared>>
      tpu.enqueue_dma source(%arg17 : memref<640xf32, #tpu.memory_space<vmem>>) target(%dma_start3A_14 : memref<640xf32, #tpu.memory_space<vmem_shared>>) target_semaphore(%run_scoped3A : memref<!tpu.dma_semaphore, #tpu.memory_space<semaphore_mem>>)
      %dma_wait3A = tpu.memref_slice %arg21[%mul3A_2] : memref<10240xf32, #tpu.memory_space<vmem_shared>> -> memref<640xf32, #tpu.memory_space<vmem_shared>>
      %dma_wait3A_15 = tpu.memref_slice %arg21[%mul3A_2] : memref<10240xf32, #tpu.memory_space<vmem_shared>> -> memref<640xf32, #tpu.memory_space<vmem_shared>>
      tpu.wait_dma2 semaphore(%run_scoped3A : memref<!tpu.dma_semaphore, #tpu.memory_space<semaphore_mem>>) src(%arg17 : memref<640xf32, #tpu.memory_space<vmem>>) dst(%dma_wait3A_15 : memref<640xf32, #tpu.memory_space<vmem_shared>>)
      tpu.yield
    }) : () -> ()
    "tpu.region"() ({
      %run_scoped3A = tpu.sem_alloc : memref<!tpu.dma_semaphore, #tpu.memory_space<semaphore_mem>>
      %dma_start3A = tpu.memref_slice %arg22[%mul3A_2] : memref<10240xf32, #tpu.memory_space<vmem_shared>> -> memref<640xf32, #tpu.memory_space<vmem_shared>>
      %dma_start3A_14 = tpu.memref_slice %arg22[%mul3A_2] : memref<10240xf32, #tpu.memory_space<vmem_shared>> -> memref<640xf32, #tpu.memory_space<vmem_shared>>
      tpu.enqueue_dma source(%arg18 : memref<640xf32, #tpu.memory_space<vmem>>) target(%dma_start3A_14 : memref<640xf32, #tpu.memory_space<vmem_shared>>) target_semaphore(%run_scoped3A : memref<!tpu.dma_semaphore, #tpu.memory_space<semaphore_mem>>)
      %dma_wait3A = tpu.memref_slice %arg22[%mul3A_2] : memref<10240xf32, #tpu.memory_space<vmem_shared>> -> memref<640xf32, #tpu.memory_space<vmem_shared>>
      %dma_wait3A_15 = tpu.memref_slice %arg22[%mul3A_2] : memref<10240xf32, #tpu.memory_space<vmem_shared>> -> memref<640xf32, #tpu.memory_space<vmem_shared>>
      tpu.wait_dma2 semaphore(%run_scoped3A : memref<!tpu.dma_semaphore, #tpu.memory_space<semaphore_mem>>) src(%arg18 : memref<640xf32, #tpu.memory_space<vmem>>) dst(%dma_wait3A_15 : memref<640xf32, #tpu.memory_space<vmem_shared>>)
      tpu.yield
    }) : () -> ()
    %barrier3A_10 = arith.constant 0 : index
    tpu.barrier barrier_id(%barrier3A_10)
    "tpu.region"() ({
      %run_scoped3A = memref.alloca() : memref<10240xf32, #tpu.memory_space<vmem>>
      %run_scoped3A_14 = memref.alloca() : memref<10240xf32, #tpu.memory_space<vmem>>
      %run_scoped3A_15 = memref.alloca() : memref<10240xf32, #tpu.memory_space<vmem>>
      %scan3A_16 = arith.constant 0 : i32
      %scan3A_17 = arith.constant 0 : i32
      %scan3A_18 = arith.constant 640 : i32
      %scan3A_19 = arith.addi %scan3A_17, %scan3A_18 : i32
      %scan3A_20 = arith.constant 1 : i32
      %scan3A_21 = scf.for %scan3A_52 = %scan3A_17 to %scan3A_19 step %scan3A_20 iter_args(%scan3A_53 = %scan3A_16) -> (i32)  : i32 {
        %mul3A_54 = arith.constant 16 : i32
        %mul3A_55 = arith.muli %scan3A_52, %mul3A_54 : i32
        %swap3A = arith.index_cast %mul3A_55 : i32 to index
        %swap3A_56 = tpu.vector_load %run_scoped3A[%swap3A] {strides = array<i32>} : memref<10240xf32, #tpu.memory_space<vmem>>, vector<16xf32>,
        tpu.vector_store %run_scoped3A[%swap3A], %broadcast_in_dim3A_3 {strides = array<i32>} : memref<10240xf32, #tpu.memory_space<vmem>>, vector<16xf32>,
        %scan3A_57 = arith.constant 0 : i32
        scf.yield %scan3A_57 : i32
      }
      %scan3A_22 = arith.constant 640 : i32
      "tpu.region"() ({
        %run_scoped3A_52 = tpu.sem_alloc : memref<!tpu.dma_semaphore, #tpu.memory_space<semaphore_mem>>
        tpu.enqueue_dma source(%arg21 : memref<10240xf32, #tpu.memory_space<vmem_shared>>) target(%run_scoped3A_14 : memref<10240xf32, #tpu.memory_space<vmem>>) target_semaphore(%run_scoped3A_52 : memref<!tpu.dma_semaphore, #tpu.memory_space<semaphore_mem>>)
        tpu.wait_dma2 semaphore(%run_scoped3A_52 : memref<!tpu.dma_semaphore, #tpu.memory_space<semaphore_mem>>) src(%arg21 : memref<10240xf32, #tpu.memory_space<vmem_shared>>) dst(%run_scoped3A_14 : memref<10240xf32, #tpu.memory_space<vmem>>)
        tpu.yield
      }) : () -> ()
      "tpu.region"() ({
        %run_scoped3A_52 = tpu.sem_alloc : memref<!tpu.dma_semaphore, #tpu.memory_space<semaphore_mem>>
        tpu.enqueue_dma source(%arg6 : memref<10240xf32, #tpu.memory_space<hbm>>) target(%run_scoped3A_15 : memref<10240xf32, #tpu.memory_space<vmem>>) target_semaphore(%run_scoped3A_52 : memref<!tpu.dma_semaphore, #tpu.memory_space<semaphore_mem>>)
        tpu.wait_dma2 semaphore(%run_scoped3A_52 : memref<!tpu.dma_semaphore, #tpu.memory_space<semaphore_mem>>) src(%arg6 : memref<10240xf32, #tpu.memory_space<hbm>>) dst(%run_scoped3A_15 : memref<10240xf32, #tpu.memory_space<vmem>>)
        tpu.yield
      }) : () -> ()
      %scan3A_23 = arith.constant 0 : i32
      %scan3A_24 = arith.constant 0 : i32
      %scan3A_25 = arith.constant 10 : i32
      %scan3A_26 = arith.addi %scan3A_24, %scan3A_25 : i32
      %scan3A_27 = arith.constant 1 : i32
      %scan3A_28 = scf.for %scan3A_52 = %scan3A_24 to %scan3A_26 step %scan3A_27 iter_args(%scan3A_53 = %scan3A_23) -> (i32)  : i32 {
        %mul3A_54 = arith.constant 20000 : i32
        %mul3A_55 = arith.muli %arg1, %mul3A_54 : i32
        %mul3A_56 = arith.constant 2000 : i32
        %mul3A_57 = arith.muli %scan3A_52, %mul3A_56 : i32
        %add3A_58 = arith.addi %mul3A_55, %mul3A_57 : i32
        %dma_start3A = tpu.memref_slice %arg2[%add3A_58] : memref<320000xi32, #tpu.memory_space<hbm>> -> memref<2000xi32, #tpu.memory_space<hbm>>
        %dma_start3A_59 = tpu.memref_slice %arg2[%add3A_58] : memref<320000xi32, #tpu.memory_space<hbm>> -> memref<2000xi32, #tpu.memory_space<hbm>>
        tpu.enqueue_dma source(%dma_start3A_59 : memref<2000xi32, #tpu.memory_space<hbm>>) target(%arg12 : memref<2000xi32, #tpu.memory_space<vmem>>) target_semaphore(%arg26 : memref<!tpu.dma_semaphore, #tpu.memory_space<semaphore_mem>>)
        %dma_start3A_60 = tpu.memref_slice %arg3[%add3A_58] : memref<320000xi32, #tpu.memory_space<hbm>> -> memref<2000xi32, #tpu.memory_space<hbm>>
        %dma_start3A_61 = tpu.memref_slice %arg3[%add3A_58] : memref<320000xi32, #tpu.memory_space<hbm>> -> memref<2000xi32, #tpu.memory_space<hbm>>
        tpu.enqueue_dma source(%dma_start3A_61 : memref<2000xi32, #tpu.memory_space<hbm>>) target(%arg13 : memref<2000xi32, #tpu.memory_space<vmem>>) target_semaphore(%arg26 : memref<!tpu.dma_semaphore, #tpu.memory_space<semaphore_mem>>)
        %dma_wait3A = tpu.memref_slice %arg2[%add3A_58] : memref<320000xi32, #tpu.memory_space<hbm>> -> memref<2000xi32, #tpu.memory_space<hbm>>
        %dma_wait3A_62 = tpu.memref_slice %arg2[%add3A_58] : memref<320000xi32, #tpu.memory_space<hbm>> -> memref<2000xi32, #tpu.memory_space<hbm>>
        tpu.wait_dma2 semaphore(%arg26 : memref<!tpu.dma_semaphore, #tpu.memory_space<semaphore_mem>>) src(%dma_wait3A_62 : memref<2000xi32, #tpu.memory_space<hbm>>) dst(%arg12 : memref<2000xi32, #tpu.memory_space<vmem>>)
        %dma_wait3A_63 = tpu.memref_slice %arg3[%add3A_58] : memref<320000xi32, #tpu.memory_space<hbm>> -> memref<2000xi32, #tpu.memory_space<hbm>>
        %dma_wait3A_64 = tpu.memref_slice %arg3[%add3A_58] : memref<320000xi32, #tpu.memory_space<hbm>> -> memref<2000xi32, #tpu.memory_space<hbm>>
        tpu.wait_dma2 semaphore(%arg26 : memref<!tpu.dma_semaphore, #tpu.memory_space<semaphore_mem>>) src(%dma_wait3A_64 : memref<2000xi32, #tpu.memory_space<hbm>>) dst(%arg13 : memref<2000xi32, #tpu.memory_space<vmem>>)
        %scan3A_65 = arith.constant 0 : i32
        %scan3A_66 = arith.constant 0 : i32
        %scan3A_67 = arith.constant 125 : i32
        %scan3A_68 = arith.addi %scan3A_66, %scan3A_67 : i32
        %scan3A_69 = arith.constant 1 : i32
        %scan3A_70 = scf.for %scan3A_75 = %scan3A_66 to %scan3A_68 step %scan3A_69 iter_args(%scan3A_76 = %scan3A_65) -> (i32)  : i32 {
          %mul3A_77 = arith.constant 16 : i32
          %mul3A_78 = arith.muli %scan3A_75, %mul3A_77 : i32
          %get3A = arith.index_cast %mul3A_78 : i32 to index
          %get3A_79 = tpu.vector_load %arg12[%get3A] {strides = array<i32>} : memref<2000xi32, #tpu.memory_space<vmem>>, vector<16xi32>,
          %get3A_80 = arith.index_cast %mul3A_78 : i32 to index
          %get3A_81 = tpu.vector_load %arg13[%get3A_80] {strides = array<i32>} : memref<2000xi32, #tpu.memory_space<vmem>>, vector<16xi32>,
          %gather3A = tpu.vector_load_idx %run_scoped3A_14[%get3A_81] : memref<10240xf32, #tpu.memory_space<vmem>>[vector<16xi32>], vector<16xf32>,
          %gather3A_82 = tpu.vector_load_idx %run_scoped3A_15[%get3A_79] : memref<10240xf32, #tpu.memory_space<vmem>>[vector<16xi32>], vector<16xf32>,
          %add3A_83 = arith.addf %gather3A, %gather3A_82 : vector<16xf32>
          %gt3A = arith.constant 0.000000e+00 : f32
          %gt3A_84 = vector.broadcast %gt3A : f32 to vector<16xf32>
          %gt3A_85 = arith.cmpf ogt, %add3A_83, %gt3A_84 : vector<16xf32>
          %mul3A_86 = arith.constant 2.000000e-01 : f32
          %mul3A_87 = vector.broadcast %mul3A_86 : f32 to vector<16xf32>
          %mul3A_88 = arith.mulf %add3A_83, %mul3A_87 : vector<16xf32>
          %select_n3A = arith.select %gt3A_85, %add3A_83, %mul3A_88 : vector<16xi1>, vector<16xf32>
          %exp3A = math.exp %select_n3A : vector<16xf32>
          %swap3A = arith.index_cast %mul3A_78 : i32 to index
          %swap3A_89 = tpu.vector_load %arg14[%swap3A] {strides = array<i32>} : memref<2000xf32, #tpu.memory_space<vmem>>, vector<16xf32>,
          tpu.vector_store %arg14[%swap3A], %exp3A {strides = array<i32>} : memref<2000xf32, #tpu.memory_space<vmem>>, vector<16xf32>,
          tpu.vector_store_idx %run_scoped3A[%get3A_81], %exp3A {add = true} : memref<10240xf32, #tpu.memory_space<vmem>>[vector<16xi32>], vector<16xf32>,
          %scan3A_90 = arith.constant 0 : i32
          scf.yield %scan3A_90 : i32
        }
        %scan3A_71 = arith.constant 125 : i32
        %add3A_72 = arith.constant 0 : i32
        %add3A_73 = arith.addi %add3A_72, %add3A_58 : i32
        "tpu.region"() ({
          %run_scoped3A_75 = tpu.sem_alloc : memref<!tpu.dma_semaphore, #tpu.memory_space<semaphore_mem>>
          %dma_start3A_76 = tpu.memref_slice %arg11[%add3A_73] : memref<640000xf32, #tpu.memory_space<hbm>> -> memref<2000xf32, #tpu.memory_space<hbm>>
          %dma_start3A_77 = tpu.memref_slice %arg11[%add3A_73] : memref<640000xf32, #tpu.memory_space<hbm>> -> memref<2000xf32, #tpu.memory_space<hbm>>
          tpu.enqueue_dma source(%arg14 : memref<2000xf32, #tpu.memory_space<vmem>>) target(%dma_start3A_77 : memref<2000xf32, #tpu.memory_space<hbm>>) target_semaphore(%run_scoped3A_75 : memref<!tpu.dma_semaphore, #tpu.memory_space<semaphore_mem>>)
          %dma_wait3A_78 = tpu.memref_slice %arg11[%add3A_73] : memref<640000xf32, #tpu.memory_space<hbm>> -> memref<2000xf32, #tpu.memory_space<hbm>>
          %dma_wait3A_79 = tpu.memref_slice %arg11[%add3A_73] : memref<640000xf32, #tpu.memory_space<hbm>> -> memref<2000xf32, #tpu.memory_space<hbm>>
          tpu.wait_dma2 semaphore(%run_scoped3A_75 : memref<!tpu.dma_semaphore, #tpu.memory_space<semaphore_mem>>) src(%arg14 : memref<2000xf32, #tpu.memory_space<vmem>>) dst(%dma_wait3A_79 : memref<2000xf32, #tpu.memory_space<hbm>>)
          tpu.yield
        }) : () -> ()
        %scan3A_74 = arith.constant 0 : i32
        scf.yield %scan3A_74 : i32
      }
      %scan3A_29 = arith.constant 10 : i32
      %barrier3A_30 = arith.constant 0 : index
      tpu.barrier barrier_id(%barrier3A_30)
      %scan3A_31 = arith.constant 0 : i32
      %scan3A_32 = arith.constant 0 : i32
      %scan3A_33 = arith.constant 40 : i32
      %scan3A_34 = arith.addi %scan3A_32, %scan3A_33 : i32
      %scan3A_35 = arith.constant 1 : i32
      %scan3A_36 = scf.for %scan3A_52 = %scan3A_32 to %scan3A_34 step %scan3A_35 iter_args(%scan3A_53 = %scan3A_31) -> (i32)  : i32 {
        %mul3A_54 = arith.constant 16 : i32
        %mul3A_55 = arith.muli %scan3A_52, %mul3A_54 : i32
        %swap3A = arith.index_cast %mul3A_55 : i32 to index
        %swap3A_56 = tpu.vector_load %arg18[%swap3A] {strides = array<i32>} : memref<640xf32, #tpu.memory_space<vmem>>, vector<16xf32>,
        tpu.vector_store %arg18[%swap3A], %broadcast_in_dim3A_3 {strides = array<i32>} : memref<640xf32, #tpu.memory_space<vmem>>, vector<16xf32>,
        %scan3A_57 = arith.constant 0 : i32
        scf.yield %scan3A_57 : i32
      }
      %scan3A_37 = arith.constant 40 : i32
      %scan3A_38 = arith.constant 0 : i32
      %scan3A_39 = arith.constant 0 : i32
      %scan3A_40 = arith.constant 16 : i32
      %scan3A_41 = arith.addi %scan3A_39, %scan3A_40 : i32
      %scan3A_42 = arith.constant 1 : i32
      %scan3A_43 = scf.for %scan3A_52 = %scan3A_39 to %scan3A_41 step %scan3A_42 iter_args(%scan3A_53 = %scan3A_38) -> (i32)  : i32 {
        %rem3A = arith.constant 2 : i32
        %rem3A_54 = arith.remsi %scan3A_52, %rem3A : i32
        %add3A_55 = arith.addi %arg1, %scan3A_52 : i32
        %rem3A_56 = arith.constant 16 : i32
        %rem3A_57 = arith.remsi %add3A_55, %rem3A_56 : i32
        %mul3A_58 = arith.constant 640 : i32
        %mul3A_59 = arith.muli %rem3A_57, %mul3A_58 : i32
        %mul3A_60 = arith.constant 10240 : i32
        %mul3A_61 = arith.muli %rem3A_54, %mul3A_60 : i32
        %mul3A_62 = arith.constant 640 : i32
        %mul3A_63 = arith.muli %arg1, %mul3A_62 : i32
        %add3A_64 = arith.addi %mul3A_61, %mul3A_63 : i32
        "tpu.region"() ({
          %run_scoped3A_83 = tpu.sem_alloc : memref<!tpu.dma_semaphore, #tpu.memory_space<semaphore_mem>>
          %dma_start3A = tpu.memref_slice %run_scoped3A[%mul3A_59] : memref<10240xf32, #tpu.memory_space<vmem>> -> memref<640xf32, #tpu.memory_space<vmem>>
          %dma_start3A_84 = tpu.memref_slice %arg20[%add3A_64] : memref<20480xf32, #tpu.memory_space<vmem_shared>> -> memref<640xf32, #tpu.memory_space<vmem_shared>>
          %dma_start3A_85 = tpu.memref_slice %arg20[%add3A_64] : memref<20480xf32, #tpu.memory_space<vmem_shared>> -> memref<640xf32, #tpu.memory_space<vmem_shared>>
          %dma_start3A_86 = tpu.memref_slice %run_scoped3A[%mul3A_59] : memref<10240xf32, #tpu.memory_space<vmem>> -> memref<640xf32, #tpu.memory_space<vmem>>
          tpu.enqueue_dma source(%dma_start3A_86 : memref<640xf32, #tpu.memory_space<vmem>>) target(%dma_start3A_85 : memref<640xf32, #tpu.memory_space<vmem_shared>>) target_semaphore(%run_scoped3A_83 : memref<!tpu.dma_semaphore, #tpu.memory_space<semaphore_mem>>)
          %dma_wait3A = tpu.memref_slice %run_scoped3A[%mul3A_59] : memref<10240xf32, #tpu.memory_space<vmem>> -> memref<640xf32, #tpu.memory_space<vmem>>
          %dma_wait3A_87 = tpu.memref_slice %arg20[%add3A_64] : memref<20480xf32, #tpu.memory_space<vmem_shared>> -> memref<640xf32, #tpu.memory_space<vmem_shared>>
          %dma_wait3A_88 = tpu.memref_slice %arg20[%add3A_64] : memref<20480xf32, #tpu.memory_space<vmem_shared>> -> memref<640xf32, #tpu.memory_space<vmem_shared>>
          %dma_wait3A_89 = tpu.memref_slice %run_scoped3A[%mul3A_59] : memref<10240xf32, #tpu.memory_space<vmem>> -> memref<640xf32, #tpu.memory_space<vmem>>
          tpu.wait_dma2 semaphore(%run_scoped3A_83 : memref<!tpu.dma_semaphore, #tpu.memory_space<semaphore_mem>>) src(%dma_wait3A_89 : memref<640xf32, #tpu.memory_space<vmem>>) dst(%dma_wait3A_88 : memref<640xf32, #tpu.memory_space<vmem_shared>>)
          tpu.yield
        }) : () -> ()
        %barrier3A_65 = arith.constant 0 : index
        tpu.barrier barrier_id(%barrier3A_65)
        %sub3A = arith.subi %arg1, %scan3A_52 : i32
        %add3A_66 = arith.constant 16 : i32
        %add3A_67 = arith.addi %sub3A, %add3A_66 : i32
        %rem3A_68 = arith.constant 16 : i32
        %rem3A_69 = arith.remsi %add3A_67, %rem3A_68 : i32
        %mul3A_70 = arith.constant 10240 : i32
        %mul3A_71 = arith.muli %rem3A_54, %mul3A_70 : i32
        %mul3A_72 = arith.constant 640 : i32
        %mul3A_73 = arith.muli %rem3A_69, %mul3A_72 : i32
        %add3A_74 = arith.addi %mul3A_71, %mul3A_73 : i32
        "tpu.region"() ({
          %run_scoped3A_83 = tpu.sem_alloc : memref<!tpu.dma_semaphore, #tpu.memory_space<semaphore_mem>>
          %dma_start3A = tpu.memref_slice %arg20[%add3A_74] : memref<20480xf32, #tpu.memory_space<vmem_shared>> -> memref<640xf32, #tpu.memory_space<vmem_shared>>
          %dma_start3A_84 = tpu.memref_slice %arg20[%add3A_74] : memref<20480xf32, #tpu.memory_space<vmem_shared>> -> memref<640xf32, #tpu.memory_space<vmem_shared>>
          tpu.enqueue_dma source(%dma_start3A_84 : memref<640xf32, #tpu.memory_space<vmem_shared>>) target(%arg19 : memref<640xf32, #tpu.memory_space<vmem>>) target_semaphore(%run_scoped3A_83 : memref<!tpu.dma_semaphore, #tpu.memory_space<semaphore_mem>>)
          %dma_wait3A = tpu.memref_slice %arg20[%add3A_74] : memref<20480xf32, #tpu.memory_space<vmem_shared>> -> memref<640xf32, #tpu.memory_space<vmem_shared>>
          %dma_wait3A_85 = tpu.memref_slice %arg20[%add3A_74] : memref<20480xf32, #tpu.memory_space<vmem_shared>> -> memref<640xf32, #tpu.memory_space<vmem_shared>>
          tpu.wait_dma2 semaphore(%run_scoped3A_83 : memref<!tpu.dma_semaphore, #tpu.memory_space<semaphore_mem>>) src(%dma_wait3A_85 : memref<640xf32, #tpu.memory_space<vmem_shared>>) dst(%arg19 : memref<640xf32, #tpu.memory_space<vmem>>)
          tpu.yield
        }) : () -> ()
        %scan3A_75 = arith.constant 0 : i32
        %scan3A_76 = arith.constant 0 : i32
        %scan3A_77 = arith.constant 40 : i32
        %scan3A_78 = arith.addi %scan3A_76, %scan3A_77 : i32
        %scan3A_79 = arith.constant 1 : i32
        %scan3A_80 = scf.for %scan3A_83 = %scan3A_76 to %scan3A_78 step %scan3A_79 iter_args(%scan3A_84 = %scan3A_75) -> (i32)  : i32 {
          %mul3A_85 = arith.constant 16 : i32
          %mul3A_86 = arith.muli %scan3A_83, %mul3A_85 : i32
          %get3A = arith.index_cast %mul3A_86 : i32 to index
          %get3A_87 = tpu.vector_load %arg18[%get3A] {strides = array<i32>} : memref<640xf32, #tpu.memory_space<vmem>>, vector<16xf32>,
          %get3A_88 = arith.index_cast %mul3A_86 : i32 to index
          %get3A_89 = tpu.vector_load %arg19[%get3A_88] {strides = array<i32>} : memref<640xf32, #tpu.memory_space<vmem>>, vector<16xf32>,
          %add3A_90 = arith.addf %get3A_87, %get3A_89 : vector<16xf32>
          %swap3A = arith.index_cast %mul3A_86 : i32 to index
          %swap3A_91 = tpu.vector_load %arg18[%swap3A] {strides = array<i32>} : memref<640xf32, #tpu.memory_space<vmem>>, vector<16xf32>,
          tpu.vector_store %arg18[%swap3A], %add3A_90 {strides = array<i32>} : memref<640xf32, #tpu.memory_space<vmem>>, vector<16xf32>,
          %scan3A_92 = arith.constant 0 : i32
          scf.yield %scan3A_92 : i32
        }
        %scan3A_81 = arith.constant 40 : i32
        %scan3A_82 = arith.constant 0 : i32
        scf.yield %scan3A_82 : i32
      }
      %scan3A_44 = arith.constant 16 : i32
      %scan3A_45 = arith.constant 0 : i32
      %scan3A_46 = arith.constant 0 : i32
      %scan3A_47 = arith.constant 40 : i32
      %scan3A_48 = arith.addi %scan3A_46, %scan3A_47 : i32
      %scan3A_49 = arith.constant 1 : i32
      %scan3A_50 = scf.for %scan3A_52 = %scan3A_46 to %scan3A_48 step %scan3A_49 iter_args(%scan3A_53 = %scan3A_45) -> (i32)  : i32 {
        %mul3A_54 = arith.constant 16 : i32
        %mul3A_55 = arith.muli %scan3A_52, %mul3A_54 : i32
        %get3A = arith.index_cast %mul3A_55 : i32 to index
        %get3A_56 = tpu.vector_load %arg18[%get3A] {strides = array<i32>} : memref<640xf32, #tpu.memory_space<vmem>>, vector<16xf32>,
        %add3A_57 = arith.constant 1.000000e-16 : f32
        %add3A_58 = vector.broadcast %add3A_57 : f32 to vector<16xf32>
        %add3A_59 = arith.addf %get3A_56, %add3A_58 : vector<16xf32>
        %div3A = arith.constant 1.000000e+00 : f32
        %div3A_60 = vector.broadcast %div3A : f32 to vector<16xf32>
        %div3A_61 = arith.divf %div3A_60, %add3A_59 : vector<16xf32>
        %swap3A = arith.index_cast %mul3A_55 : i32 to index
        %swap3A_62 = tpu.vector_load %arg18[%swap3A] {strides = array<i32>} : memref<640xf32, #tpu.memory_space<vmem>>, vector<16xf32>,
        tpu.vector_store %arg18[%swap3A], %div3A_61 {strides = array<i32>} : memref<640xf32, #tpu.memory_space<vmem>>, vector<16xf32>,
        %scan3A_63 = arith.constant 0 : i32
        scf.yield %scan3A_63 : i32
      }
      %scan3A_51 = arith.constant 40 : i32
      "tpu.region"() ({
        %run_scoped3A_52 = tpu.sem_alloc : memref<!tpu.dma_semaphore, #tpu.memory_space<semaphore_mem>>
        %dma_start3A = tpu.memref_slice %arg23[%mul3A_2] : memref<10240xf32, #tpu.memory_space<vmem_shared>> -> memref<640xf32, #tpu.memory_space<vmem_shared>>
        %dma_start3A_53 = tpu.memref_slice %arg23[%mul3A_2] : memref<10240xf32, #tpu.memory_space<vmem_shared>> -> memref<640xf32, #tpu.memory_space<vmem_shared>>
        tpu.enqueue_dma source(%arg18 : memref<640xf32, #tpu.memory_space<vmem>>) target(%dma_start3A_53 : memref<640xf32, #tpu.memory_space<vmem_shared>>) target_semaphore(%run_scoped3A_52 : memref<!tpu.dma_semaphore, #tpu.memory_space<semaphore_mem>>)
        %dma_wait3A = tpu.memref_slice %arg23[%mul3A_2] : memref<10240xf32, #tpu.memory_space<vmem_shared>> -> memref<640xf32, #tpu.memory_space<vmem_shared>>
        %dma_wait3A_54 = tpu.memref_slice %arg23[%mul3A_2] : memref<10240xf32, #tpu.memory_space<vmem_shared>> -> memref<640xf32, #tpu.memory_space<vmem_shared>>
        tpu.wait_dma2 semaphore(%run_scoped3A_52 : memref<!tpu.dma_semaphore, #tpu.memory_space<semaphore_mem>>) src(%arg18 : memref<640xf32, #tpu.memory_space<vmem>>) dst(%dma_wait3A_54 : memref<640xf32, #tpu.memory_space<vmem_shared>>)
        tpu.yield
      }) : () -> ()
      tpu.yield
    }) : () -> ()
    "tpu.region"() ({
      %run_scoped3A = memref.alloca() : memref<10240xf32, #tpu.memory_space<vmem>>
      %run_scoped3A_14 = memref.alloca() : memref<10240xf32, #tpu.memory_space<vmem>>
      %run_scoped3A_15 = memref.alloca() : memref<10240xf32, #tpu.memory_space<vmem>>
      %scan3A_16 = arith.constant 0 : i32
      %scan3A_17 = arith.constant 0 : i32
      %scan3A_18 = arith.constant 640 : i32
      %scan3A_19 = arith.addi %scan3A_17, %scan3A_18 : i32
      %scan3A_20 = arith.constant 1 : i32
      %scan3A_21 = scf.for %scan3A_52 = %scan3A_17 to %scan3A_19 step %scan3A_20 iter_args(%scan3A_53 = %scan3A_16) -> (i32)  : i32 {
        %mul3A_54 = arith.constant 16 : i32
        %mul3A_55 = arith.muli %scan3A_52, %mul3A_54 : i32
        %swap3A = arith.index_cast %mul3A_55 : i32 to index
        %swap3A_56 = tpu.vector_load %run_scoped3A[%swap3A] {strides = array<i32>} : memref<10240xf32, #tpu.memory_space<vmem>>, vector<16xf32>,
        tpu.vector_store %run_scoped3A[%swap3A], %broadcast_in_dim3A_3 {strides = array<i32>} : memref<10240xf32, #tpu.memory_space<vmem>>, vector<16xf32>,
        %scan3A_57 = arith.constant 0 : i32
        scf.yield %scan3A_57 : i32
      }
      %scan3A_22 = arith.constant 640 : i32
      "tpu.region"() ({
        %run_scoped3A_52 = tpu.sem_alloc : memref<!tpu.dma_semaphore, #tpu.memory_space<semaphore_mem>>
        tpu.enqueue_dma source(%arg22 : memref<10240xf32, #tpu.memory_space<vmem_shared>>) target(%run_scoped3A_14 : memref<10240xf32, #tpu.memory_space<vmem>>) target_semaphore(%run_scoped3A_52 : memref<!tpu.dma_semaphore, #tpu.memory_space<semaphore_mem>>)
        tpu.wait_dma2 semaphore(%run_scoped3A_52 : memref<!tpu.dma_semaphore, #tpu.memory_space<semaphore_mem>>) src(%arg22 : memref<10240xf32, #tpu.memory_space<vmem_shared>>) dst(%run_scoped3A_14 : memref<10240xf32, #tpu.memory_space<vmem>>)
        tpu.yield
      }) : () -> ()
      "tpu.region"() ({
        %run_scoped3A_52 = tpu.sem_alloc : memref<!tpu.dma_semaphore, #tpu.memory_space<semaphore_mem>>
        tpu.enqueue_dma source(%arg7 : memref<10240xf32, #tpu.memory_space<hbm>>) target(%run_scoped3A_15 : memref<10240xf32, #tpu.memory_space<vmem>>) target_semaphore(%run_scoped3A_52 : memref<!tpu.dma_semaphore, #tpu.memory_space<semaphore_mem>>)
        tpu.wait_dma2 semaphore(%run_scoped3A_52 : memref<!tpu.dma_semaphore, #tpu.memory_space<semaphore_mem>>) src(%arg7 : memref<10240xf32, #tpu.memory_space<hbm>>) dst(%run_scoped3A_15 : memref<10240xf32, #tpu.memory_space<vmem>>)
        tpu.yield
      }) : () -> ()
      %scan3A_23 = arith.constant 0 : i32
      %scan3A_24 = arith.constant 0 : i32
      %scan3A_25 = arith.constant 10 : i32
      %scan3A_26 = arith.addi %scan3A_24, %scan3A_25 : i32
      %scan3A_27 = arith.constant 1 : i32
      %scan3A_28 = scf.for %scan3A_52 = %scan3A_24 to %scan3A_26 step %scan3A_27 iter_args(%scan3A_53 = %scan3A_23) -> (i32)  : i32 {
        %mul3A_54 = arith.constant 20000 : i32
        %mul3A_55 = arith.muli %arg1, %mul3A_54 : i32
        %mul3A_56 = arith.constant 2000 : i32
        %mul3A_57 = arith.muli %scan3A_52, %mul3A_56 : i32
        %add3A_58 = arith.addi %mul3A_55, %mul3A_57 : i32
        %dma_start3A = tpu.memref_slice %arg2[%add3A_58] : memref<320000xi32, #tpu.memory_space<hbm>> -> memref<2000xi32, #tpu.memory_space<hbm>>
        %dma_start3A_59 = tpu.memref_slice %arg2[%add3A_58] : memref<320000xi32, #tpu.memory_space<hbm>> -> memref<2000xi32, #tpu.memory_space<hbm>>
        tpu.enqueue_dma source(%dma_start3A_59 : memref<2000xi32, #tpu.memory_space<hbm>>) target(%arg12 : memref<2000xi32, #tpu.memory_space<vmem>>) target_semaphore(%arg26 : memref<!tpu.dma_semaphore, #tpu.memory_space<semaphore_mem>>)
        %dma_start3A_60 = tpu.memref_slice %arg3[%add3A_58] : memref<320000xi32, #tpu.memory_space<hbm>> -> memref<2000xi32, #tpu.memory_space<hbm>>
        %dma_start3A_61 = tpu.memref_slice %arg3[%add3A_58] : memref<320000xi32, #tpu.memory_space<hbm>> -> memref<2000xi32, #tpu.memory_space<hbm>>
        tpu.enqueue_dma source(%dma_start3A_61 : memref<2000xi32, #tpu.memory_space<hbm>>) target(%arg13 : memref<2000xi32, #tpu.memory_space<vmem>>) target_semaphore(%arg26 : memref<!tpu.dma_semaphore, #tpu.memory_space<semaphore_mem>>)
        %dma_wait3A = tpu.memref_slice %arg2[%add3A_58] : memref<320000xi32, #tpu.memory_space<hbm>> -> memref<2000xi32, #tpu.memory_space<hbm>>
        %dma_wait3A_62 = tpu.memref_slice %arg2[%add3A_58] : memref<320000xi32, #tpu.memory_space<hbm>> -> memref<2000xi32, #tpu.memory_space<hbm>>
        tpu.wait_dma2 semaphore(%arg26 : memref<!tpu.dma_semaphore, #tpu.memory_space<semaphore_mem>>) src(%dma_wait3A_62 : memref<2000xi32, #tpu.memory_space<hbm>>) dst(%arg12 : memref<2000xi32, #tpu.memory_space<vmem>>)
        %dma_wait3A_63 = tpu.memref_slice %arg3[%add3A_58] : memref<320000xi32, #tpu.memory_space<hbm>> -> memref<2000xi32, #tpu.memory_space<hbm>>
        %dma_wait3A_64 = tpu.memref_slice %arg3[%add3A_58] : memref<320000xi32, #tpu.memory_space<hbm>> -> memref<2000xi32, #tpu.memory_space<hbm>>
        tpu.wait_dma2 semaphore(%arg26 : memref<!tpu.dma_semaphore, #tpu.memory_space<semaphore_mem>>) src(%dma_wait3A_64 : memref<2000xi32, #tpu.memory_space<hbm>>) dst(%arg13 : memref<2000xi32, #tpu.memory_space<vmem>>)
        %scan3A_65 = arith.constant 0 : i32
        %scan3A_66 = arith.constant 0 : i32
        %scan3A_67 = arith.constant 125 : i32
        %scan3A_68 = arith.addi %scan3A_66, %scan3A_67 : i32
        %scan3A_69 = arith.constant 1 : i32
        %scan3A_70 = scf.for %scan3A_75 = %scan3A_66 to %scan3A_68 step %scan3A_69 iter_args(%scan3A_76 = %scan3A_65) -> (i32)  : i32 {
          %mul3A_77 = arith.constant 16 : i32
          %mul3A_78 = arith.muli %scan3A_75, %mul3A_77 : i32
          %get3A = arith.index_cast %mul3A_78 : i32 to index
          %get3A_79 = tpu.vector_load %arg12[%get3A] {strides = array<i32>} : memref<2000xi32, #tpu.memory_space<vmem>>, vector<16xi32>,
          %get3A_80 = arith.index_cast %mul3A_78 : i32 to index
          %get3A_81 = tpu.vector_load %arg13[%get3A_80] {strides = array<i32>} : memref<2000xi32, #tpu.memory_space<vmem>>, vector<16xi32>,
          %gather3A = tpu.vector_load_idx %run_scoped3A_14[%get3A_81] : memref<10240xf32, #tpu.memory_space<vmem>>[vector<16xi32>], vector<16xf32>,
          %gather3A_82 = tpu.vector_load_idx %run_scoped3A_15[%get3A_79] : memref<10240xf32, #tpu.memory_space<vmem>>[vector<16xi32>], vector<16xf32>,
          %add3A_83 = arith.addf %gather3A, %gather3A_82 : vector<16xf32>
          %gt3A = arith.constant 0.000000e+00 : f32
          %gt3A_84 = vector.broadcast %gt3A : f32 to vector<16xf32>
          %gt3A_85 = arith.cmpf ogt, %add3A_83, %gt3A_84 : vector<16xf32>
          %mul3A_86 = arith.constant 2.000000e-01 : f32
          %mul3A_87 = vector.broadcast %mul3A_86 : f32 to vector<16xf32>
          %mul3A_88 = arith.mulf %add3A_83, %mul3A_87 : vector<16xf32>
          %select_n3A = arith.select %gt3A_85, %add3A_83, %mul3A_88 : vector<16xi1>, vector<16xf32>
          %exp3A = math.exp %select_n3A : vector<16xf32>
          %swap3A = arith.index_cast %mul3A_78 : i32 to index
          %swap3A_89 = tpu.vector_load %arg14[%swap3A] {strides = array<i32>} : memref<2000xf32, #tpu.memory_space<vmem>>, vector<16xf32>,
          tpu.vector_store %arg14[%swap3A], %exp3A {strides = array<i32>} : memref<2000xf32, #tpu.memory_space<vmem>>, vector<16xf32>,
          tpu.vector_store_idx %run_scoped3A[%get3A_81], %exp3A {add = true} : memref<10240xf32, #tpu.memory_space<vmem>>[vector<16xi32>], vector<16xf32>,
          %scan3A_90 = arith.constant 0 : i32
          scf.yield %scan3A_90 : i32
        }
        %scan3A_71 = arith.constant 125 : i32
        %add3A_72 = arith.constant 320000 : i32
        %add3A_73 = arith.addi %add3A_72, %add3A_58 : i32
        "tpu.region"() ({
          %run_scoped3A_75 = tpu.sem_alloc : memref<!tpu.dma_semaphore, #tpu.memory_space<semaphore_mem>>
          %dma_start3A_76 = tpu.memref_slice %arg11[%add3A_73] : memref<640000xf32, #tpu.memory_space<hbm>> -> memref<2000xf32, #tpu.memory_space<hbm>>
          %dma_start3A_77 = tpu.memref_slice %arg11[%add3A_73] : memref<640000xf32, #tpu.memory_space<hbm>> -> memref<2000xf32, #tpu.memory_space<hbm>>
          tpu.enqueue_dma source(%arg14 : memref<2000xf32, #tpu.memory_space<vmem>>) target(%dma_start3A_77 : memref<2000xf32, #tpu.memory_space<hbm>>) target_semaphore(%run_scoped3A_75 : memref<!tpu.dma_semaphore, #tpu.memory_space<semaphore_mem>>)
          %dma_wait3A_78 = tpu.memref_slice %arg11[%add3A_73] : memref<640000xf32, #tpu.memory_space<hbm>> -> memref<2000xf32, #tpu.memory_space<hbm>>
          %dma_wait3A_79 = tpu.memref_slice %arg11[%add3A_73] : memref<640000xf32, #tpu.memory_space<hbm>> -> memref<2000xf32, #tpu.memory_space<hbm>>
          tpu.wait_dma2 semaphore(%run_scoped3A_75 : memref<!tpu.dma_semaphore, #tpu.memory_space<semaphore_mem>>) src(%arg14 : memref<2000xf32, #tpu.memory_space<vmem>>) dst(%dma_wait3A_79 : memref<2000xf32, #tpu.memory_space<hbm>>)
          tpu.yield
        }) : () -> ()
        %scan3A_74 = arith.constant 0 : i32
        scf.yield %scan3A_74 : i32
      }
      %scan3A_29 = arith.constant 10 : i32
      %barrier3A_30 = arith.constant 0 : index
      tpu.barrier barrier_id(%barrier3A_30)
      %scan3A_31 = arith.constant 0 : i32
      %scan3A_32 = arith.constant 0 : i32
      %scan3A_33 = arith.constant 40 : i32
      %scan3A_34 = arith.addi %scan3A_32, %scan3A_33 : i32
      %scan3A_35 = arith.constant 1 : i32
      %scan3A_36 = scf.for %scan3A_52 = %scan3A_32 to %scan3A_34 step %scan3A_35 iter_args(%scan3A_53 = %scan3A_31) -> (i32)  : i32 {
        %mul3A_54 = arith.constant 16 : i32
        %mul3A_55 = arith.muli %scan3A_52, %mul3A_54 : i32
        %swap3A = arith.index_cast %mul3A_55 : i32 to index
        %swap3A_56 = tpu.vector_load %arg18[%swap3A] {strides = array<i32>} : memref<640xf32, #tpu.memory_space<vmem>>, vector<16xf32>,
        tpu.vector_store %arg18[%swap3A], %broadcast_in_dim3A_3 {strides = array<i32>} : memref<640xf32, #tpu.memory_space<vmem>>, vector<16xf32>,
        %scan3A_57 = arith.constant 0 : i32
        scf.yield %scan3A_57 : i32
      }
      %scan3A_37 = arith.constant 40 : i32
      %scan3A_38 = arith.constant 0 : i32
      %scan3A_39 = arith.constant 0 : i32
      %scan3A_40 = arith.constant 16 : i32
      %scan3A_41 = arith.addi %scan3A_39, %scan3A_40 : i32
      %scan3A_42 = arith.constant 1 : i32
      %scan3A_43 = scf.for %scan3A_52 = %scan3A_39 to %scan3A_41 step %scan3A_42 iter_args(%scan3A_53 = %scan3A_38) -> (i32)  : i32 {
        %rem3A = arith.constant 2 : i32
        %rem3A_54 = arith.remsi %scan3A_52, %rem3A : i32
        %add3A_55 = arith.addi %arg1, %scan3A_52 : i32
        %rem3A_56 = arith.constant 16 : i32
        %rem3A_57 = arith.remsi %add3A_55, %rem3A_56 : i32
        %mul3A_58 = arith.constant 640 : i32
        %mul3A_59 = arith.muli %rem3A_57, %mul3A_58 : i32
        %mul3A_60 = arith.constant 10240 : i32
        %mul3A_61 = arith.muli %rem3A_54, %mul3A_60 : i32
        %mul3A_62 = arith.constant 640 : i32
        %mul3A_63 = arith.muli %arg1, %mul3A_62 : i32
        %add3A_64 = arith.addi %mul3A_61, %mul3A_63 : i32
        "tpu.region"() ({
          %run_scoped3A_83 = tpu.sem_alloc : memref<!tpu.dma_semaphore, #tpu.memory_space<semaphore_mem>>
          %dma_start3A = tpu.memref_slice %run_scoped3A[%mul3A_59] : memref<10240xf32, #tpu.memory_space<vmem>> -> memref<640xf32, #tpu.memory_space<vmem>>
          %dma_start3A_84 = tpu.memref_slice %arg20[%add3A_64] : memref<20480xf32, #tpu.memory_space<vmem_shared>> -> memref<640xf32, #tpu.memory_space<vmem_shared>>
          %dma_start3A_85 = tpu.memref_slice %arg20[%add3A_64] : memref<20480xf32, #tpu.memory_space<vmem_shared>> -> memref<640xf32, #tpu.memory_space<vmem_shared>>
          %dma_start3A_86 = tpu.memref_slice %run_scoped3A[%mul3A_59] : memref<10240xf32, #tpu.memory_space<vmem>> -> memref<640xf32, #tpu.memory_space<vmem>>
          tpu.enqueue_dma source(%dma_start3A_86 : memref<640xf32, #tpu.memory_space<vmem>>) target(%dma_start3A_85 : memref<640xf32, #tpu.memory_space<vmem_shared>>) target_semaphore(%run_scoped3A_83 : memref<!tpu.dma_semaphore, #tpu.memory_space<semaphore_mem>>)
          %dma_wait3A = tpu.memref_slice %run_scoped3A[%mul3A_59] : memref<10240xf32, #tpu.memory_space<vmem>> -> memref<640xf32, #tpu.memory_space<vmem>>
          %dma_wait3A_87 = tpu.memref_slice %arg20[%add3A_64] : memref<20480xf32, #tpu.memory_space<vmem_shared>> -> memref<640xf32, #tpu.memory_space<vmem_shared>>
          %dma_wait3A_88 = tpu.memref_slice %arg20[%add3A_64] : memref<20480xf32, #tpu.memory_space<vmem_shared>> -> memref<640xf32, #tpu.memory_space<vmem_shared>>
          %dma_wait3A_89 = tpu.memref_slice %run_scoped3A[%mul3A_59] : memref<10240xf32, #tpu.memory_space<vmem>> -> memref<640xf32, #tpu.memory_space<vmem>>
          tpu.wait_dma2 semaphore(%run_scoped3A_83 : memref<!tpu.dma_semaphore, #tpu.memory_space<semaphore_mem>>) src(%dma_wait3A_89 : memref<640xf32, #tpu.memory_space<vmem>>) dst(%dma_wait3A_88 : memref<640xf32, #tpu.memory_space<vmem_shared>>)
          tpu.yield
        }) : () -> ()
        %barrier3A_65 = arith.constant 0 : index
        tpu.barrier barrier_id(%barrier3A_65)
        %sub3A = arith.subi %arg1, %scan3A_52 : i32
        %add3A_66 = arith.constant 16 : i32
        %add3A_67 = arith.addi %sub3A, %add3A_66 : i32
        %rem3A_68 = arith.constant 16 : i32
        %rem3A_69 = arith.remsi %add3A_67, %rem3A_68 : i32
        %mul3A_70 = arith.constant 10240 : i32
        %mul3A_71 = arith.muli %rem3A_54, %mul3A_70 : i32
        %mul3A_72 = arith.constant 640 : i32
        %mul3A_73 = arith.muli %rem3A_69, %mul3A_72 : i32
        %add3A_74 = arith.addi %mul3A_71, %mul3A_73 : i32
        "tpu.region"() ({
          %run_scoped3A_83 = tpu.sem_alloc : memref<!tpu.dma_semaphore, #tpu.memory_space<semaphore_mem>>
          %dma_start3A = tpu.memref_slice %arg20[%add3A_74] : memref<20480xf32, #tpu.memory_space<vmem_shared>> -> memref<640xf32, #tpu.memory_space<vmem_shared>>
          %dma_start3A_84 = tpu.memref_slice %arg20[%add3A_74] : memref<20480xf32, #tpu.memory_space<vmem_shared>> -> memref<640xf32, #tpu.memory_space<vmem_shared>>
          tpu.enqueue_dma source(%dma_start3A_84 : memref<640xf32, #tpu.memory_space<vmem_shared>>) target(%arg19 : memref<640xf32, #tpu.memory_space<vmem>>) target_semaphore(%run_scoped3A_83 : memref<!tpu.dma_semaphore, #tpu.memory_space<semaphore_mem>>)
          %dma_wait3A = tpu.memref_slice %arg20[%add3A_74] : memref<20480xf32, #tpu.memory_space<vmem_shared>> -> memref<640xf32, #tpu.memory_space<vmem_shared>>
          %dma_wait3A_85 = tpu.memref_slice %arg20[%add3A_74] : memref<20480xf32, #tpu.memory_space<vmem_shared>> -> memref<640xf32, #tpu.memory_space<vmem_shared>>
          tpu.wait_dma2 semaphore(%run_scoped3A_83 : memref<!tpu.dma_semaphore, #tpu.memory_space<semaphore_mem>>) src(%dma_wait3A_85 : memref<640xf32, #tpu.memory_space<vmem_shared>>) dst(%arg19 : memref<640xf32, #tpu.memory_space<vmem>>)
          tpu.yield
        }) : () -> ()
        %scan3A_75 = arith.constant 0 : i32
        %scan3A_76 = arith.constant 0 : i32
        %scan3A_77 = arith.constant 40 : i32
        %scan3A_78 = arith.addi %scan3A_76, %scan3A_77 : i32
        %scan3A_79 = arith.constant 1 : i32
        %scan3A_80 = scf.for %scan3A_83 = %scan3A_76 to %scan3A_78 step %scan3A_79 iter_args(%scan3A_84 = %scan3A_75) -> (i32)  : i32 {
          %mul3A_85 = arith.constant 16 : i32
          %mul3A_86 = arith.muli %scan3A_83, %mul3A_85 : i32
          %get3A = arith.index_cast %mul3A_86 : i32 to index
          %get3A_87 = tpu.vector_load %arg18[%get3A] {strides = array<i32>} : memref<640xf32, #tpu.memory_space<vmem>>, vector<16xf32>,
          %get3A_88 = arith.index_cast %mul3A_86 : i32 to index
          %get3A_89 = tpu.vector_load %arg19[%get3A_88] {strides = array<i32>} : memref<640xf32, #tpu.memory_space<vmem>>, vector<16xf32>,
          %add3A_90 = arith.addf %get3A_87, %get3A_89 : vector<16xf32>
          %swap3A = arith.index_cast %mul3A_86 : i32 to index
          %swap3A_91 = tpu.vector_load %arg18[%swap3A] {strides = array<i32>} : memref<640xf32, #tpu.memory_space<vmem>>, vector<16xf32>,
          tpu.vector_store %arg18[%swap3A], %add3A_90 {strides = array<i32>} : memref<640xf32, #tpu.memory_space<vmem>>, vector<16xf32>,
          %scan3A_92 = arith.constant 0 : i32
          scf.yield %scan3A_92 : i32
        }
        %scan3A_81 = arith.constant 40 : i32
        %scan3A_82 = arith.constant 0 : i32
        scf.yield %scan3A_82 : i32
      }
      %scan3A_44 = arith.constant 16 : i32
      %scan3A_45 = arith.constant 0 : i32
      %scan3A_46 = arith.constant 0 : i32
      %scan3A_47 = arith.constant 40 : i32
      %scan3A_48 = arith.addi %scan3A_46, %scan3A_47 : i32
      %scan3A_49 = arith.constant 1 : i32
      %scan3A_50 = scf.for %scan3A_52 = %scan3A_46 to %scan3A_48 step %scan3A_49 iter_args(%scan3A_53 = %scan3A_45) -> (i32)  : i32 {
        %mul3A_54 = arith.constant 16 : i32
        %mul3A_55 = arith.muli %scan3A_52, %mul3A_54 : i32
        %get3A = arith.index_cast %mul3A_55 : i32 to index
        %get3A_56 = tpu.vector_load %arg18[%get3A] {strides = array<i32>} : memref<640xf32, #tpu.memory_space<vmem>>, vector<16xf32>,
        %add3A_57 = arith.constant 1.000000e-16 : f32
        %add3A_58 = vector.broadcast %add3A_57 : f32 to vector<16xf32>
        %add3A_59 = arith.addf %get3A_56, %add3A_58 : vector<16xf32>
        %div3A = arith.constant 1.000000e+00 : f32
        %div3A_60 = vector.broadcast %div3A : f32 to vector<16xf32>
        %div3A_61 = arith.divf %div3A_60, %add3A_59 : vector<16xf32>
        %swap3A = arith.index_cast %mul3A_55 : i32 to index
        %swap3A_62 = tpu.vector_load %arg18[%swap3A] {strides = array<i32>} : memref<640xf32, #tpu.memory_space<vmem>>, vector<16xf32>,
        tpu.vector_store %arg18[%swap3A], %div3A_61 {strides = array<i32>} : memref<640xf32, #tpu.memory_space<vmem>>, vector<16xf32>,
        %scan3A_63 = arith.constant 0 : i32
        scf.yield %scan3A_63 : i32
      }
      %scan3A_51 = arith.constant 40 : i32
      "tpu.region"() ({
        %run_scoped3A_52 = tpu.sem_alloc : memref<!tpu.dma_semaphore, #tpu.memory_space<semaphore_mem>>
        %dma_start3A = tpu.memref_slice %arg24[%mul3A_2] : memref<10240xf32, #tpu.memory_space<vmem_shared>> -> memref<640xf32, #tpu.memory_space<vmem_shared>>
        %dma_start3A_53 = tpu.memref_slice %arg24[%mul3A_2] : memref<10240xf32, #tpu.memory_space<vmem_shared>> -> memref<640xf32, #tpu.memory_space<vmem_shared>>
        tpu.enqueue_dma source(%arg18 : memref<640xf32, #tpu.memory_space<vmem>>) target(%dma_start3A_53 : memref<640xf32, #tpu.memory_space<vmem_shared>>) target_semaphore(%run_scoped3A_52 : memref<!tpu.dma_semaphore, #tpu.memory_space<semaphore_mem>>)
        %dma_wait3A = tpu.memref_slice %arg24[%mul3A_2] : memref<10240xf32, #tpu.memory_space<vmem_shared>> -> memref<640xf32, #tpu.memory_space<vmem_shared>>
        %dma_wait3A_54 = tpu.memref_slice %arg24[%mul3A_2] : memref<10240xf32, #tpu.memory_space<vmem_shared>> -> memref<640xf32, #tpu.memory_space<vmem_shared>>
        tpu.wait_dma2 semaphore(%run_scoped3A_52 : memref<!tpu.dma_semaphore, #tpu.memory_space<semaphore_mem>>) src(%arg18 : memref<640xf32, #tpu.memory_space<vmem>>) dst(%dma_wait3A_54 : memref<640xf32, #tpu.memory_space<vmem_shared>>)
        tpu.yield
      }) : () -> ()
      tpu.yield
    }) : () -> ()
    %barrier3A_11 = arith.constant 0 : index
    tpu.barrier barrier_id(%barrier3A_11)
    "tpu.region"() ({
      %run_scoped3A = memref.alloca() : memref<10240xf32, #tpu.memory_space<vmem>>
      %run_scoped3A_14 = memref.alloca() : memref<10240xf32, #tpu.memory_space<vmem>>
      "tpu.region"() ({
        %run_scoped3A_22 = tpu.sem_alloc : memref<!tpu.dma_semaphore, #tpu.memory_space<semaphore_mem>>
        tpu.enqueue_dma source(%arg23 : memref<10240xf32, #tpu.memory_space<vmem_shared>>) target(%run_scoped3A : memref<10240xf32, #tpu.memory_space<vmem>>) target_semaphore(%run_scoped3A_22 : memref<!tpu.dma_semaphore, #tpu.memory_space<semaphore_mem>>)
        tpu.wait_dma2 semaphore(%run_scoped3A_22 : memref<!tpu.dma_semaphore, #tpu.memory_space<semaphore_mem>>) src(%arg23 : memref<10240xf32, #tpu.memory_space<vmem_shared>>) dst(%run_scoped3A : memref<10240xf32, #tpu.memory_space<vmem>>)
        tpu.yield
      }) : () -> ()
      "tpu.region"() ({
        %run_scoped3A_22 = tpu.sem_alloc : memref<!tpu.dma_semaphore, #tpu.memory_space<semaphore_mem>>
        tpu.enqueue_dma source(%arg24 : memref<10240xf32, #tpu.memory_space<vmem_shared>>) target(%run_scoped3A_14 : memref<10240xf32, #tpu.memory_space<vmem>>) target_semaphore(%run_scoped3A_22 : memref<!tpu.dma_semaphore, #tpu.memory_space<semaphore_mem>>)
        tpu.wait_dma2 semaphore(%run_scoped3A_22 : memref<!tpu.dma_semaphore, #tpu.memory_space<semaphore_mem>>) src(%arg24 : memref<10240xf32, #tpu.memory_space<vmem_shared>>) dst(%run_scoped3A_14 : memref<10240xf32, #tpu.memory_space<vmem>>)
        tpu.yield
      }) : () -> ()
      %scan3A_15 = arith.constant 0 : i32
      %scan3A_16 = arith.constant 0 : i32
      %scan3A_17 = arith.constant 10 : i32
      %scan3A_18 = arith.addi %scan3A_16, %scan3A_17 : i32
      %scan3A_19 = arith.constant 1 : i32
      %scan3A_20 = scf.for %scan3A_22 = %scan3A_16 to %scan3A_18 step %scan3A_19 iter_args(%scan3A_23 = %scan3A_15) -> (i32)  : i32 {
        %mul3A_24 = arith.constant 20000 : i32
        %mul3A_25 = arith.muli %arg1, %mul3A_24 : i32
        %mul3A_26 = arith.constant 2000 : i32
        %mul3A_27 = arith.muli %scan3A_22, %mul3A_26 : i32
        %add3A_28 = arith.addi %mul3A_25, %mul3A_27 : i32
        %dma_start3A = tpu.memref_slice %arg2[%add3A_28] : memref<320000xi32, #tpu.memory_space<hbm>> -> memref<2000xi32, #tpu.memory_space<hbm>>
        %dma_start3A_29 = tpu.memref_slice %arg2[%add3A_28] : memref<320000xi32, #tpu.memory_space<hbm>> -> memref<2000xi32, #tpu.memory_space<hbm>>
        tpu.enqueue_dma source(%dma_start3A_29 : memref<2000xi32, #tpu.memory_space<hbm>>) target(%arg12 : memref<2000xi32, #tpu.memory_space<vmem>>) target_semaphore(%arg26 : memref<!tpu.dma_semaphore, #tpu.memory_space<semaphore_mem>>)
        %dma_start3A_30 = tpu.memref_slice %arg3[%add3A_28] : memref<320000xi32, #tpu.memory_space<hbm>> -> memref<2000xi32, #tpu.memory_space<hbm>>
        %dma_start3A_31 = tpu.memref_slice %arg3[%add3A_28] : memref<320000xi32, #tpu.memory_space<hbm>> -> memref<2000xi32, #tpu.memory_space<hbm>>
        tpu.enqueue_dma source(%dma_start3A_31 : memref<2000xi32, #tpu.memory_space<hbm>>) target(%arg13 : memref<2000xi32, #tpu.memory_space<vmem>>) target_semaphore(%arg26 : memref<!tpu.dma_semaphore, #tpu.memory_space<semaphore_mem>>)
        %dma_wait3A = tpu.memref_slice %arg2[%add3A_28] : memref<320000xi32, #tpu.memory_space<hbm>> -> memref<2000xi32, #tpu.memory_space<hbm>>
        %dma_wait3A_32 = tpu.memref_slice %arg2[%add3A_28] : memref<320000xi32, #tpu.memory_space<hbm>> -> memref<2000xi32, #tpu.memory_space<hbm>>
        tpu.wait_dma2 semaphore(%arg26 : memref<!tpu.dma_semaphore, #tpu.memory_space<semaphore_mem>>) src(%dma_wait3A_32 : memref<2000xi32, #tpu.memory_space<hbm>>) dst(%arg12 : memref<2000xi32, #tpu.memory_space<vmem>>)
        %dma_wait3A_33 = tpu.memref_slice %arg3[%add3A_28] : memref<320000xi32, #tpu.memory_space<hbm>> -> memref<2000xi32, #tpu.memory_space<hbm>>
        %dma_wait3A_34 = tpu.memref_slice %arg3[%add3A_28] : memref<320000xi32, #tpu.memory_space<hbm>> -> memref<2000xi32, #tpu.memory_space<hbm>>
        tpu.wait_dma2 semaphore(%arg26 : memref<!tpu.dma_semaphore, #tpu.memory_space<semaphore_mem>>) src(%dma_wait3A_34 : memref<2000xi32, #tpu.memory_space<hbm>>) dst(%arg13 : memref<2000xi32, #tpu.memory_space<vmem>>)
        %add3A_35 = arith.constant 0 : i32
        %add3A_36 = arith.addi %add3A_35, %add3A_28 : i32
        "tpu.region"() ({
          %run_scoped3A_56 = tpu.sem_alloc : memref<!tpu.dma_semaphore, #tpu.memory_space<semaphore_mem>>
          %dma_start3A_57 = tpu.memref_slice %arg11[%add3A_36] : memref<640000xf32, #tpu.memory_space<hbm>> -> memref<2000xf32, #tpu.memory_space<hbm>>
          %dma_start3A_58 = tpu.memref_slice %arg11[%add3A_36] : memref<640000xf32, #tpu.memory_space<hbm>> -> memref<2000xf32, #tpu.memory_space<hbm>>
          tpu.enqueue_dma source(%dma_start3A_58 : memref<2000xf32, #tpu.memory_space<hbm>>) target(%arg14 : memref<2000xf32, #tpu.memory_space<vmem>>) target_semaphore(%run_scoped3A_56 : memref<!tpu.dma_semaphore, #tpu.memory_space<semaphore_mem>>)
          %dma_wait3A_59 = tpu.memref_slice %arg11[%add3A_36] : memref<640000xf32, #tpu.memory_space<hbm>> -> memref<2000xf32, #tpu.memory_space<hbm>>
          %dma_wait3A_60 = tpu.memref_slice %arg11[%add3A_36] : memref<640000xf32, #tpu.memory_space<hbm>> -> memref<2000xf32, #tpu.memory_space<hbm>>
          tpu.wait_dma2 semaphore(%run_scoped3A_56 : memref<!tpu.dma_semaphore, #tpu.memory_space<semaphore_mem>>) src(%dma_wait3A_60 : memref<2000xf32, #tpu.memory_space<hbm>>) dst(%arg14 : memref<2000xf32, #tpu.memory_space<vmem>>)
          tpu.yield
        }) : () -> ()
        %scan3A_37 = arith.constant 0 : i32
        %scan3A_38 = arith.constant 0 : i32
        %scan3A_39 = arith.constant 125 : i32
        %scan3A_40 = arith.addi %scan3A_38, %scan3A_39 : i32
        %scan3A_41 = arith.constant 1 : i32
        %scan3A_42 = scf.for %scan3A_56 = %scan3A_38 to %scan3A_40 step %scan3A_41 iter_args(%scan3A_57 = %scan3A_37) -> (i32)  : i32 {
          %mul3A_58 = arith.constant 16 : i32
          %mul3A_59 = arith.muli %scan3A_56, %mul3A_58 : i32
          %get3A = arith.index_cast %mul3A_59 : i32 to index
          %get3A_60 = tpu.vector_load %arg13[%get3A] {strides = array<i32>} : memref<2000xi32, #tpu.memory_space<vmem>>, vector<16xi32>,
          %get3A_61 = arith.index_cast %mul3A_59 : i32 to index
          %get3A_62 = tpu.vector_load %arg14[%get3A_61] {strides = array<i32>} : memref<2000xf32, #tpu.memory_space<vmem>>, vector<16xf32>,
          %gather3A = tpu.vector_load_idx %run_scoped3A[%get3A_60] : memref<10240xf32, #tpu.memory_space<vmem>>[vector<16xi32>], vector<16xf32>,
          %mul3A_63 = arith.mulf %get3A_62, %gather3A : vector<16xf32>
          %mul3A_64 = arith.constant 16 : i32
          %mul3A_65 = arith.muli %scan3A_56, %mul3A_64 : i32
          %add3A_66 = vector.broadcast %mul3A_65 : i32 to vector<16xi32>
          %add3A_67 = arith.addi %iota3A, %add3A_66 : vector<16xi32>
          %mul3A_68 = arith.constant 2 : i32
          %mul3A_69 = vector.broadcast %mul3A_68 : i32 to vector<16xi32>
          %mul3A_70 = arith.muli %add3A_67, %mul3A_69 : vector<16xi32>
          %add3A_71 = arith.constant 0 : i32
          %add3A_72 = vector.broadcast %add3A_71 : i32 to vector<16xi32>
          %add3A_73 = arith.addi %mul3A_70, %add3A_72 : vector<16xi32>
          tpu.vector_store_idx %arg15[%add3A_73], %mul3A_63 : memref<4000xf32, #tpu.memory_space<vmem>>[vector<16xi32>], vector<16xf32>,
          %scan3A_74 = arith.constant 0 : i32
          scf.yield %scan3A_74 : i32
        }
        %scan3A_43 = arith.constant 125 : i32
        %add3A_44 = arith.constant 320000 : i32
        %add3A_45 = arith.addi %add3A_44, %add3A_28 : i32
        "tpu.region"() ({
          %run_scoped3A_56 = tpu.sem_alloc : memref<!tpu.dma_semaphore, #tpu.memory_space<semaphore_mem>>
          %dma_start3A_57 = tpu.memref_slice %arg11[%add3A_45] : memref<640000xf32, #tpu.memory_space<hbm>> -> memref<2000xf32, #tpu.memory_space<hbm>>
          %dma_start3A_58 = tpu.memref_slice %arg11[%add3A_45] : memref<640000xf32, #tpu.memory_space<hbm>> -> memref<2000xf32, #tpu.memory_space<hbm>>
          tpu.enqueue_dma source(%dma_start3A_58 : memref<2000xf32, #tpu.memory_space<hbm>>) target(%arg14 : memref<2000xf32, #tpu.memory_space<vmem>>) target_semaphore(%run_scoped3A_56 : memref<!tpu.dma_semaphore, #tpu.memory_space<semaphore_mem>>)
          %dma_wait3A_59 = tpu.memref_slice %arg11[%add3A_45] : memref<640000xf32, #tpu.memory_space<hbm>> -> memref<2000xf32, #tpu.memory_space<hbm>>
          %dma_wait3A_60 = tpu.memref_slice %arg11[%add3A_45] : memref<640000xf32, #tpu.memory_space<hbm>> -> memref<2000xf32, #tpu.memory_space<hbm>>
          tpu.wait_dma2 semaphore(%run_scoped3A_56 : memref<!tpu.dma_semaphore, #tpu.memory_space<semaphore_mem>>) src(%dma_wait3A_60 : memref<2000xf32, #tpu.memory_space<hbm>>) dst(%arg14 : memref<2000xf32, #tpu.memory_space<vmem>>)
          tpu.yield
        }) : () -> ()
        %scan3A_46 = arith.constant 0 : i32
        %scan3A_47 = arith.constant 0 : i32
        %scan3A_48 = arith.constant 125 : i32
        %scan3A_49 = arith.addi %scan3A_47, %scan3A_48 : i32
        %scan3A_50 = arith.constant 1 : i32
        %scan3A_51 = scf.for %scan3A_56 = %scan3A_47 to %scan3A_49 step %scan3A_50 iter_args(%scan3A_57 = %scan3A_46) -> (i32)  : i32 {
          %mul3A_58 = arith.constant 16 : i32
          %mul3A_59 = arith.muli %scan3A_56, %mul3A_58 : i32
          %get3A = arith.index_cast %mul3A_59 : i32 to index
          %get3A_60 = tpu.vector_load %arg13[%get3A] {strides = array<i32>} : memref<2000xi32, #tpu.memory_space<vmem>>, vector<16xi32>,
          %get3A_61 = arith.index_cast %mul3A_59 : i32 to index
          %get3A_62 = tpu.vector_load %arg14[%get3A_61] {strides = array<i32>} : memref<2000xf32, #tpu.memory_space<vmem>>, vector<16xf32>,
          %gather3A = tpu.vector_load_idx %run_scoped3A_14[%get3A_60] : memref<10240xf32, #tpu.memory_space<vmem>>[vector<16xi32>], vector<16xf32>,
          %mul3A_63 = arith.mulf %get3A_62, %gather3A : vector<16xf32>
          %mul3A_64 = arith.constant 16 : i32
          %mul3A_65 = arith.muli %scan3A_56, %mul3A_64 : i32
          %add3A_66 = vector.broadcast %mul3A_65 : i32 to vector<16xi32>
          %add3A_67 = arith.addi %iota3A, %add3A_66 : vector<16xi32>
          %mul3A_68 = arith.constant 2 : i32
          %mul3A_69 = vector.broadcast %mul3A_68 : i32 to vector<16xi32>
          %mul3A_70 = arith.muli %add3A_67, %mul3A_69 : vector<16xi32>
          %add3A_71 = arith.constant 1 : i32
          %add3A_72 = vector.broadcast %add3A_71 : i32 to vector<16xi32>
          %add3A_73 = arith.addi %mul3A_70, %add3A_72 : vector<16xi32>
          tpu.vector_store_idx %arg15[%add3A_73], %mul3A_63 : memref<4000xf32, #tpu.memory_space<vmem>>[vector<16xi32>], vector<16xf32>,
          %scan3A_74 = arith.constant 0 : i32
          scf.yield %scan3A_74 : i32
        }
        %scan3A_52 = arith.constant 125 : i32
        %mul3A_53 = arith.constant 2 : i32
        %mul3A_54 = arith.muli %mul3A_53, %add3A_28 : i32
        "tpu.region"() ({
          %run_scoped3A_56 = tpu.sem_alloc : memref<!tpu.dma_semaphore, #tpu.memory_space<semaphore_mem>>
          %dma_start3A_57 = tpu.memref_slice %arg9[%mul3A_54] : memref<640000xf32, #tpu.memory_space<hbm>> -> memref<4000xf32, #tpu.memory_space<hbm>>
          %dma_start3A_58 = tpu.memref_slice %arg9[%mul3A_54] : memref<640000xf32, #tpu.memory_space<hbm>> -> memref<4000xf32, #tpu.memory_space<hbm>>
          tpu.enqueue_dma source(%arg15 : memref<4000xf32, #tpu.memory_space<vmem>>) target(%dma_start3A_58 : memref<4000xf32, #tpu.memory_space<hbm>>) target_semaphore(%run_scoped3A_56 : memref<!tpu.dma_semaphore, #tpu.memory_space<semaphore_mem>>)
          %dma_wait3A_59 = tpu.memref_slice %arg9[%mul3A_54] : memref<640000xf32, #tpu.memory_space<hbm>> -> memref<4000xf32, #tpu.memory_space<hbm>>
          %dma_wait3A_60 = tpu.memref_slice %arg9[%mul3A_54] : memref<640000xf32, #tpu.memory_space<hbm>> -> memref<4000xf32, #tpu.memory_space<hbm>>
          tpu.wait_dma2 semaphore(%run_scoped3A_56 : memref<!tpu.dma_semaphore, #tpu.memory_space<semaphore_mem>>) src(%arg15 : memref<4000xf32, #tpu.memory_space<vmem>>) dst(%dma_wait3A_60 : memref<4000xf32, #tpu.memory_space<hbm>>)
          tpu.yield
        }) : () -> ()
        %scan3A_55 = arith.constant 0 : i32
        scf.yield %scan3A_55 : i32
      }
      %scan3A_21 = arith.constant 10 : i32
      tpu.yield
    }) : () -> ()
    %barrier3A_12 = arith.constant 0 : index
    tpu.barrier barrier_id(%barrier3A_12)
    "tpu.region"() ({
      %run_scoped3A = memref.alloca() : memref<40x256xf32, #tpu.memory_space<vmem>>
      %run_scoped3A_14 = memref.alloca() : memref<40x256xf32, #tpu.memory_space<vmem>>
      %run_scoped3A_15 = memref.alloca() : memref<40x128xf32, #tpu.memory_space<vmem>>
      %run_scoped3A_16 = memref.alloca() : memref<40x128xf32, #tpu.memory_space<vmem>>
      %run_scoped3A_17 = memref.alloca() : memref<40xi32, #tpu.memory_space<vmem>>
      %run_scoped3A_18 = memref.alloca() : memref<40xi32, #tpu.memory_space<vmem>>
      %run_scoped3A_19 = memref.alloca() : memref<40xi32, #tpu.memory_space<vmem>>
      %run_scoped3A_20 = memref.alloca() : memref<40xi32, #tpu.memory_space<vmem>>
      %run_scoped3A_21 = memref.alloca() : memref<80xf32, #tpu.memory_space<vmem>>
      %run_scoped3A_22 = memref.alloca() : memref<80xf32, #tpu.memory_space<vmem>>
      %run_scoped3A_23 = memref.alloca() : memref<40xi32, #tpu.memory_space<vmem>>
      %run_scoped3A_24 = memref.alloca() : memref<40xi32, #tpu.memory_space<vmem>>
      %mul3A_25 = arith.constant 10000 : i32
      %mul3A_26 = arith.muli %add3A, %mul3A_25 : i32
      %add3A_27 = arith.constant 0 : i32
      %add3A_28 = arith.addi %mul3A_26, %add3A_27 : i32
      %dma_start3A = tpu.memref_slice %arg2[%add3A_28] : memref<320000xi32, #tpu.memory_space<hbm>> -> memref<40xi32, #tpu.memory_space<hbm>>
      %dma_start3A_29 = tpu.memref_slice %arg2[%add3A_28] : memref<320000xi32, #tpu.memory_space<hbm>> -> memref<40xi32, #tpu.memory_space<hbm>>
      tpu.enqueue_dma source(%dma_start3A_29 : memref<40xi32, #tpu.memory_space<hbm>>) target(%run_scoped3A_17 : memref<40xi32, #tpu.memory_space<vmem>>) target_semaphore(%arg26 : memref<!tpu.dma_semaphore, #tpu.memory_space<semaphore_mem>>)
      %dma_start3A_30 = tpu.memref_slice %arg3[%add3A_28] : memref<320000xi32, #tpu.memory_space<hbm>> -> memref<40xi32, #tpu.memory_space<hbm>>
      %dma_start3A_31 = tpu.memref_slice %arg3[%add3A_28] : memref<320000xi32, #tpu.memory_space<hbm>> -> memref<40xi32, #tpu.memory_space<hbm>>
      tpu.enqueue_dma source(%dma_start3A_31 : memref<40xi32, #tpu.memory_space<hbm>>) target(%run_scoped3A_19 : memref<40xi32, #tpu.memory_space<vmem>>) target_semaphore(%arg26 : memref<!tpu.dma_semaphore, #tpu.memory_space<semaphore_mem>>)
      %mul3A_32 = arith.constant 2 : i32
      %mul3A_33 = arith.muli %mul3A_32, %add3A_28 : i32
      %dma_start3A_34 = tpu.memref_slice %arg9[%mul3A_33] : memref<640000xf32, #tpu.memory_space<hbm>> -> memref<80xf32, #tpu.memory_space<hbm>>
      %dma_start3A_35 = tpu.memref_slice %arg9[%mul3A_33] : memref<640000xf32, #tpu.memory_space<hbm>> -> memref<80xf32, #tpu.memory_space<hbm>>
      tpu.enqueue_dma source(%dma_start3A_35 : memref<80xf32, #tpu.memory_space<hbm>>) target(%run_scoped3A_21 : memref<80xf32, #tpu.memory_space<vmem>>) target_semaphore(%arg26 : memref<!tpu.dma_semaphore, #tpu.memory_space<semaphore_mem>>)
      %dma_wait3A = tpu.memref_slice %arg2[%add3A_28] : memref<320000xi32, #tpu.memory_space<hbm>> -> memref<40xi32, #tpu.memory_space<hbm>>
      %dma_wait3A_36 = tpu.memref_slice %arg2[%add3A_28] : memref<320000xi32, #tpu.memory_space<hbm>> -> memref<40xi32, #tpu.memory_space<hbm>>
      tpu.wait_dma2 semaphore(%arg26 : memref<!tpu.dma_semaphore, #tpu.memory_space<semaphore_mem>>) src(%dma_wait3A_36 : memref<40xi32, #tpu.memory_space<hbm>>) dst(%run_scoped3A_17 : memref<40xi32, #tpu.memory_space<vmem>>)
      %dma_wait3A_37 = tpu.memref_slice %arg3[%add3A_28] : memref<320000xi32, #tpu.memory_space<hbm>> -> memref<40xi32, #tpu.memory_space<hbm>>
      %dma_wait3A_38 = tpu.memref_slice %arg3[%add3A_28] : memref<320000xi32, #tpu.memory_space<hbm>> -> memref<40xi32, #tpu.memory_space<hbm>>
      tpu.wait_dma2 semaphore(%arg26 : memref<!tpu.dma_semaphore, #tpu.memory_space<semaphore_mem>>) src(%dma_wait3A_38 : memref<40xi32, #tpu.memory_space<hbm>>) dst(%run_scoped3A_19 : memref<40xi32, #tpu.memory_space<vmem>>)
      %dma_wait3A_39 = tpu.memref_slice %arg9[%mul3A_33] : memref<640000xf32, #tpu.memory_space<hbm>> -> memref<80xf32, #tpu.memory_space<hbm>>
      %dma_wait3A_40 = tpu.memref_slice %arg9[%mul3A_33] : memref<640000xf32, #tpu.memory_space<hbm>> -> memref<80xf32, #tpu.memory_space<hbm>>
      tpu.wait_dma2 semaphore(%arg26 : memref<!tpu.dma_semaphore, #tpu.memory_space<semaphore_mem>>) src(%dma_wait3A_40 : memref<80xf32, #tpu.memory_space<hbm>>) dst(%run_scoped3A_21 : memref<80xf32, #tpu.memory_space<vmem>>)
      %dma_start3A_41 = arith.constant 0 : i32
      %dma_start3A_42 = arith.constant 0 : i32
      %dma_start3A_43 = tpu.memref_slice %arg8[%dma_start3A_41, %dma_start3A_42] : memref<10000x256xf32, #tpu.memory_space<hbm>> -> memref<10000x256xf32, #tpu.memory_space<hbm>>
      tpu.enqueue_indirect_dma source(%dma_start3A_43 : memref<10000x256xf32, #tpu.memory_space<hbm>>) target(%run_scoped3A : memref<40x256xf32, #tpu.memory_space<vmem>>) offsets(%run_scoped3A_17 : memref<40xi32, #tpu.memory_space<vmem>>) semaphore(%arg27 : memref<!tpu.dma_semaphore, #tpu.memory_space<semaphore_mem>>)
      %mul3A_44 = arith.constant 10000 : i32
      %mul3A_45 = arith.muli %add3A, %mul3A_44 : i32
      %add3A_46 = arith.constant 40 : i32
      %add3A_47 = arith.addi %mul3A_45, %add3A_46 : i32
      %dma_start3A_48 = tpu.memref_slice %arg2[%add3A_47] : memref<320000xi32, #tpu.memory_space<hbm>> -> memref<40xi32, #tpu.memory_space<hbm>>
      %dma_start3A_49 = tpu.memref_slice %arg2[%add3A_47] : memref<320000xi32, #tpu.memory_space<hbm>> -> memref<40xi32, #tpu.memory_space<hbm>>
      tpu.enqueue_dma source(%dma_start3A_49 : memref<40xi32, #tpu.memory_space<hbm>>) target(%run_scoped3A_18 : memref<40xi32, #tpu.memory_space<vmem>>) target_semaphore(%arg26 : memref<!tpu.dma_semaphore, #tpu.memory_space<semaphore_mem>>)
      %dma_start3A_50 = tpu.memref_slice %arg3[%add3A_47] : memref<320000xi32, #tpu.memory_space<hbm>> -> memref<40xi32, #tpu.memory_space<hbm>>
      %dma_start3A_51 = tpu.memref_slice %arg3[%add3A_47] : memref<320000xi32, #tpu.memory_space<hbm>> -> memref<40xi32, #tpu.memory_space<hbm>>
      tpu.enqueue_dma source(%dma_start3A_51 : memref<40xi32, #tpu.memory_space<hbm>>) target(%run_scoped3A_20 : memref<40xi32, #tpu.memory_space<vmem>>) target_semaphore(%arg26 : memref<!tpu.dma_semaphore, #tpu.memory_space<semaphore_mem>>)
      %mul3A_52 = arith.constant 2 : i32
      %mul3A_53 = arith.muli %mul3A_52, %add3A_47 : i32
      %dma_start3A_54 = tpu.memref_slice %arg9[%mul3A_53] : memref<640000xf32, #tpu.memory_space<hbm>> -> memref<80xf32, #tpu.memory_space<hbm>>
      %dma_start3A_55 = tpu.memref_slice %arg9[%mul3A_53] : memref<640000xf32, #tpu.memory_space<hbm>> -> memref<80xf32, #tpu.memory_space<hbm>>
      tpu.enqueue_dma source(%dma_start3A_55 : memref<80xf32, #tpu.memory_space<hbm>>) target(%run_scoped3A_22 : memref<80xf32, #tpu.memory_space<vmem>>) target_semaphore(%arg26 : memref<!tpu.dma_semaphore, #tpu.memory_space<semaphore_mem>>)
      %dma_wait3A_56 = tpu.memref_slice %arg2[%add3A_47] : memref<320000xi32, #tpu.memory_space<hbm>> -> memref<40xi32, #tpu.memory_space<hbm>>
      %dma_wait3A_57 = tpu.memref_slice %arg2[%add3A_47] : memref<320000xi32, #tpu.memory_space<hbm>> -> memref<40xi32, #tpu.memory_space<hbm>>
      tpu.wait_dma2 semaphore(%arg26 : memref<!tpu.dma_semaphore, #tpu.memory_space<semaphore_mem>>) src(%dma_wait3A_57 : memref<40xi32, #tpu.memory_space<hbm>>) dst(%run_scoped3A_18 : memref<40xi32, #tpu.memory_space<vmem>>)
      %dma_wait3A_58 = tpu.memref_slice %arg3[%add3A_47] : memref<320000xi32, #tpu.memory_space<hbm>> -> memref<40xi32, #tpu.memory_space<hbm>>
      %dma_wait3A_59 = tpu.memref_slice %arg3[%add3A_47] : memref<320000xi32, #tpu.memory_space<hbm>> -> memref<40xi32, #tpu.memory_space<hbm>>
      tpu.wait_dma2 semaphore(%arg26 : memref<!tpu.dma_semaphore, #tpu.memory_space<semaphore_mem>>) src(%dma_wait3A_59 : memref<40xi32, #tpu.memory_space<hbm>>) dst(%run_scoped3A_20 : memref<40xi32, #tpu.memory_space<vmem>>)
      %dma_wait3A_60 = tpu.memref_slice %arg9[%mul3A_53] : memref<640000xf32, #tpu.memory_space<hbm>> -> memref<80xf32, #tpu.memory_space<hbm>>
      %dma_wait3A_61 = tpu.memref_slice %arg9[%mul3A_53] : memref<640000xf32, #tpu.memory_space<hbm>> -> memref<80xf32, #tpu.memory_space<hbm>>
      tpu.wait_dma2 semaphore(%arg26 : memref<!tpu.dma_semaphore, #tpu.memory_space<semaphore_mem>>) src(%dma_wait3A_61 : memref<80xf32, #tpu.memory_space<hbm>>) dst(%run_scoped3A_22 : memref<80xf32, #tpu.memory_space<vmem>>)
      %dma_start3A_62 = arith.constant 0 : i32
      %dma_start3A_63 = arith.constant 0 : i32
      %dma_start3A_64 = tpu.memref_slice %arg8[%dma_start3A_62, %dma_start3A_63] : memref<10000x256xf32, #tpu.memory_space<hbm>> -> memref<10000x256xf32, #tpu.memory_space<hbm>>
      tpu.enqueue_indirect_dma source(%dma_start3A_64 : memref<10000x256xf32, #tpu.memory_space<hbm>>) target(%run_scoped3A_14 : memref<40x256xf32, #tpu.memory_space<vmem>>) offsets(%run_scoped3A_18 : memref<40xi32, #tpu.memory_space<vmem>>) semaphore(%arg28 : memref<!tpu.dma_semaphore, #tpu.memory_space<semaphore_mem>>)
      %dma_wait3A_65 = arith.constant 0 : i32
      %dma_wait3A_66 = arith.constant 0 : i32
      %dma_wait3A_67 = tpu.memref_slice %arg8[%dma_wait3A_65, %dma_wait3A_66] : memref<10000x256xf32, #tpu.memory_space<hbm>> -> memref<40x256xf32, #tpu.memory_space<hbm>>
      %dma_wait3A_68 = arith.constant 0 : i32
      %dma_wait3A_69 = arith.constant 0 : i32
      %dma_wait3A_70 = tpu.memref_slice %arg8[%dma_wait3A_68, %dma_wait3A_69] : memref<10000x256xf32, #tpu.memory_space<hbm>> -> memref<40x256xf32, #tpu.memory_space<hbm>>
      tpu.wait_dma2 semaphore(%arg27 : memref<!tpu.dma_semaphore, #tpu.memory_space<semaphore_mem>>) src(%dma_wait3A_70 : memref<40x256xf32, #tpu.memory_space<hbm>>) dst(%run_scoped3A : memref<40x256xf32, #tpu.memory_space<vmem>>)
      %get3A = arith.constant 0 : index
      %get3A_71 = tpu.vector_load %run_scoped3A_19[%get3A] {strides = array<i32>} : memref<40xi32, #tpu.memory_space<vmem>>, vector<16xi32>,
      %swap3A = arith.constant 0 : index
      %swap3A_72 = tpu.vector_load %run_scoped3A_23[%swap3A] {strides = array<i32>} : memref<40xi32, #tpu.memory_space<vmem>>, vector<16xi32>,
      tpu.vector_store %run_scoped3A_23[%swap3A], %get3A_71 {strides = array<i32>} : memref<40xi32, #tpu.memory_space<vmem>>, vector<16xi32>,
      %get3A_73 = arith.constant 16 : index
      %get3A_74 = tpu.vector_load %run_scoped3A_19[%get3A_73] {strides = array<i32>} : memref<40xi32, #tpu.memory_space<vmem>>, vector<16xi32>,
      %swap3A_75 = arith.constant 16 : index
      %swap3A_76 = tpu.vector_load %run_scoped3A_23[%swap3A_75] {strides = array<i32>} : memref<40xi32, #tpu.memory_space<vmem>>, vector<16xi32>,
      tpu.vector_store %run_scoped3A_23[%swap3A_75], %get3A_74 {strides = array<i32>} : memref<40xi32, #tpu.memory_space<vmem>>, vector<16xi32>,
      %add3A_77 = arith.constant 32 : i32
      %add3A_78 = vector.broadcast %add3A_77 : i32 to vector<16xi32>
      %add3A_79 = arith.addi %add3A_78, %iota3A : vector<16xi32>
      %min3A = arith.constant 39 : i32
      %min3A_80 = vector.broadcast %min3A : i32 to vector<16xi32>
      %min3A_81 = arith.minsi %add3A_79, %min3A_80 : vector<16xi32>
      %gather3A = tpu.vector_load_idx %run_scoped3A_19[%min3A_81] : memref<40xi32, #tpu.memory_space<vmem>>[vector<16xi32>], vector<16xi32>,
      %add3A_82 = arith.constant 32 : i32
      %add3A_83 = vector.broadcast %add3A_82 : i32 to vector<16xi32>
      %add3A_84 = arith.addi %add3A_83, %iota3A : vector<16xi32>
      %lt3A = arith.constant 8 : i32
      %lt3A_85 = vector.broadcast %lt3A : i32 to vector<16xi32>
      %lt3A_86 = arith.cmpi slt, %iota3A, %lt3A_85 : vector<16xi32>
      tpu.vector_store_idx %run_scoped3A_23[%add3A_84], %gather3A masked %lt3A_86 : memref<40xi32, #tpu.memory_space<vmem>>[vector<16xi32>], vector<16xi32>, vector<16xi1>
      %scan3A_87 = arith.constant 0 : i32
      %scan3A_88 = arith.constant 0 : i32
      %scan3A_89 = arith.constant 20 : i32
      %scan3A_90 = arith.addi %scan3A_88, %scan3A_89 : i32
      %scan3A_91 = arith.constant 1 : i32
      %scan3A_92 = scf.for %scan3A_269 = %scan3A_88 to %scan3A_90 step %scan3A_91 iter_args(%scan3A_270 = %scan3A_87) -> (i32)  : i32 {
        %mul3A_271 = arith.constant 2 : i32
        %mul3A_272 = arith.muli %scan3A_269, %mul3A_271 : i32
        %add3A_273 = arith.constant 0 : i32
        %add3A_274 = arith.addi %mul3A_272, %add3A_273 : i32
        %mul3A_275 = arith.constant 2 : i32
        %mul3A_276 = arith.muli %mul3A_275, %add3A_274 : i32
        %broadcast_in_dim3A_277 = vector.broadcast %mul3A_276 : i32 to vector<16xi32>
        %gather3A_278 = tpu.vector_load_idx %run_scoped3A_21[%broadcast_in_dim3A_277] : memref<80xf32, #tpu.memory_space<vmem>>[vector<16xi32>], vector<16xf32>,
        %mul3A_279 = arith.constant 2 : i32
        %mul3A_280 = arith.muli %mul3A_279, %add3A_274 : i32
        %add3A_281 = arith.constant 1 : i32
        %add3A_282 = arith.addi %mul3A_280, %add3A_281 : i32
        %broadcast_in_dim3A_283 = vector.broadcast %add3A_282 : i32 to vector<16xi32>
        %gather3A_284 = tpu.vector_load_idx %run_scoped3A_21[%broadcast_in_dim3A_283] : memref<80xf32, #tpu.memory_space<vmem>>[vector<16xi32>], vector<16xf32>,
        %get3A_285 = arith.index_cast %add3A_274 : i32 to index
        %get3A_286 = arith.constant 0 : index
        %get3A_287 = tpu.vector_load %run_scoped3A[%get3A_285, %get3A_286] {strides = array<i32>} : memref<40x256xf32, #tpu.memory_space<vmem>>, vector<16xf32>,
        %get3A_288 = arith.index_cast %add3A_274 : i32 to index
        %get3A_289 = arith.constant 128 : index
        %get3A_290 = tpu.vector_load %run_scoped3A[%get3A_288, %get3A_289] {strides = array<i32>} : memref<40x256xf32, #tpu.memory_space<vmem>>, vector<16xf32>,
        %mul3A_291 = arith.mulf %gather3A_278, %get3A_287 : vector<16xf32>
        %mul3A_292 = arith.mulf %gather3A_284, %get3A_290 : vector<16xf32>
        %add3A_293 = arith.addf %mul3A_291, %mul3A_292 : vector<16xf32>
        %swap3A_294 = arith.index_cast %add3A_274 : i32 to index
        %swap3A_295 = arith.constant 0 : index
        %swap3A_296 = tpu.vector_load %run_scoped3A_15[%swap3A_294, %swap3A_295] {strides = array<i32>} : memref<40x128xf32, #tpu.memory_space<vmem>>, vector<16xf32>,
        tpu.vector_store %run_scoped3A_15[%swap3A_294, %swap3A_295], %add3A_293 {strides = array<i32>} : memref<40x128xf32, #tpu.memory_space<vmem>>, vector<16xf32>,
        %get3A_297 = arith.index_cast %add3A_274 : i32 to index
        %get3A_298 = arith.constant 16 : index
        %get3A_299 = tpu.vector_load %run_scoped3A[%get3A_297, %get3A_298] {strides = array<i32>} : memref<40x256xf32, #tpu.memory_space<vmem>>, vector<16xf32>,
        %get3A_300 = arith.index_cast %add3A_274 : i32 to index
        %get3A_301 = arith.constant 144 : index
        %get3A_302 = tpu.vector_load %run_scoped3A[%get3A_300, %get3A_301] {strides = array<i32>} : memref<40x256xf32, #tpu.memory_space<vmem>>, vector<16xf32>,
        %mul3A_303 = arith.mulf %gather3A_278, %get3A_299 : vector<16xf32>
        %mul3A_304 = arith.mulf %gather3A_284, %get3A_302 : vector<16xf32>
        %add3A_305 = arith.addf %mul3A_303, %mul3A_304 : vector<16xf32>
        %swap3A_306 = arith.index_cast %add3A_274 : i32 to index
        %swap3A_307 = arith.constant 16 : index
        %swap3A_308 = tpu.vector_load %run_scoped3A_15[%swap3A_306, %swap3A_307] {strides = array<i32>} : memref<40x128xf32, #tpu.memory_space<vmem>>, vector<16xf32>,
        tpu.vector_store %run_scoped3A_15[%swap3A_306, %swap3A_307], %add3A_305 {strides = array<i32>} : memref<40x128xf32, #tpu.memory_space<vmem>>, vector<16xf32>,
        %get3A_309 = arith.index_cast %add3A_274 : i32 to index
        %get3A_310 = arith.constant 32 : index
        %get3A_311 = tpu.vector_load %run_scoped3A[%get3A_309, %get3A_310] {strides = array<i32>} : memref<40x256xf32, #tpu.memory_space<vmem>>, vector<16xf32>,
        %get3A_312 = arith.index_cast %add3A_274 : i32 to index
        %get3A_313 = arith.constant 160 : index
        %get3A_314 = tpu.vector_load %run_scoped3A[%get3A_312, %get3A_313] {strides = array<i32>} : memref<40x256xf32, #tpu.memory_space<vmem>>, vector<16xf32>,
        %mul3A_315 = arith.mulf %gather3A_278, %get3A_311 : vector<16xf32>
        %mul3A_316 = arith.mulf %gather3A_284, %get3A_314 : vector<16xf32>
        %add3A_317 = arith.addf %mul3A_315, %mul3A_316 : vector<16xf32>
        %swap3A_318 = arith.index_cast %add3A_274 : i32 to index
        %swap3A_319 = arith.constant 32 : index
        %swap3A_320 = tpu.vector_load %run_scoped3A_15[%swap3A_318, %swap3A_319] {strides = array<i32>} : memref<40x128xf32, #tpu.memory_space<vmem>>, vector<16xf32>,
        tpu.vector_store %run_scoped3A_15[%swap3A_318, %swap3A_319], %add3A_317 {strides = array<i32>} : memref<40x128xf32, #tpu.memory_space<vmem>>, vector<16xf32>,
        %get3A_321 = arith.index_cast %add3A_274 : i32 to index
        %get3A_322 = arith.constant 48 : index
        %get3A_323 = tpu.vector_load %run_scoped3A[%get3A_321, %get3A_322] {strides = array<i32>} : memref<40x256xf32, #tpu.memory_space<vmem>>, vector<16xf32>,
        %get3A_324 = arith.index_cast %add3A_274 : i32 to index
        %get3A_325 = arith.constant 176 : index
        %get3A_326 = tpu.vector_load %run_scoped3A[%get3A_324, %get3A_325] {strides = array<i32>} : memref<40x256xf32, #tpu.memory_space<vmem>>, vector<16xf32>,
        %mul3A_327 = arith.mulf %gather3A_278, %get3A_323 : vector<16xf32>
        %mul3A_328 = arith.mulf %gather3A_284, %get3A_326 : vector<16xf32>
        %add3A_329 = arith.addf %mul3A_327, %mul3A_328 : vector<16xf32>
        %swap3A_330 = arith.index_cast %add3A_274 : i32 to index
        %swap3A_331 = arith.constant 48 : index
        %swap3A_332 = tpu.vector_load %run_scoped3A_15[%swap3A_330, %swap3A_331] {strides = array<i32>} : memref<40x128xf32, #tpu.memory_space<vmem>>, vector<16xf32>,
        tpu.vector_store %run_scoped3A_15[%swap3A_330, %swap3A_331], %add3A_329 {strides = array<i32>} : memref<40x128xf32, #tpu.memory_space<vmem>>, vector<16xf32>,
        %get3A_333 = arith.index_cast %add3A_274 : i32 to index
        %get3A_334 = arith.constant 64 : index
        %get3A_335 = tpu.vector_load %run_scoped3A[%get3A_333, %get3A_334] {strides = array<i32>} : memref<40x256xf32, #tpu.memory_space<vmem>>, vector<16xf32>,
        %get3A_336 = arith.index_cast %add3A_274 : i32 to index
        %get3A_337 = arith.constant 192 : index
        %get3A_338 = tpu.vector_load %run_scoped3A[%get3A_336, %get3A_337] {strides = array<i32>} : memref<40x256xf32, #tpu.memory_space<vmem>>, vector<16xf32>,
        %mul3A_339 = arith.mulf %gather3A_278, %get3A_335 : vector<16xf32>
        %mul3A_340 = arith.mulf %gather3A_284, %get3A_338 : vector<16xf32>
        %add3A_341 = arith.addf %mul3A_339, %mul3A_340 : vector<16xf32>
        %swap3A_342 = arith.index_cast %add3A_274 : i32 to index
        %swap3A_343 = arith.constant 64 : index
        %swap3A_344 = tpu.vector_load %run_scoped3A_15[%swap3A_342, %swap3A_343] {strides = array<i32>} : memref<40x128xf32, #tpu.memory_space<vmem>>, vector<16xf32>,
        tpu.vector_store %run_scoped3A_15[%swap3A_342, %swap3A_343], %add3A_341 {strides = array<i32>} : memref<40x128xf32, #tpu.memory_space<vmem>>, vector<16xf32>,
        %get3A_345 = arith.index_cast %add3A_274 : i32 to index
        %get3A_346 = arith.constant 80 : index
        %get3A_347 = tpu.vector_load %run_scoped3A[%get3A_345, %get3A_346] {strides = array<i32>} : memref<40x256xf32, #tpu.memory_space<vmem>>, vector<16xf32>,
        %get3A_348 = arith.index_cast %add3A_274 : i32 to index
        %get3A_349 = arith.constant 208 : index
        %get3A_350 = tpu.vector_load %run_scoped3A[%get3A_348, %get3A_349] {strides = array<i32>} : memref<40x256xf32, #tpu.memory_space<vmem>>, vector<16xf32>,
        %mul3A_351 = arith.mulf %gather3A_278, %get3A_347 : vector<16xf32>
        %mul3A_352 = arith.mulf %gather3A_284, %get3A_350 : vector<16xf32>
        %add3A_353 = arith.addf %mul3A_351, %mul3A_352 : vector<16xf32>
        %swap3A_354 = arith.index_cast %add3A_274 : i32 to index
        %swap3A_355 = arith.constant 80 : index
        %swap3A_356 = tpu.vector_load %run_scoped3A_15[%swap3A_354, %swap3A_355] {strides = array<i32>} : memref<40x128xf32, #tpu.memory_space<vmem>>, vector<16xf32>,
        tpu.vector_store %run_scoped3A_15[%swap3A_354, %swap3A_355], %add3A_353 {strides = array<i32>} : memref<40x128xf32, #tpu.memory_space<vmem>>, vector<16xf32>,
        %get3A_357 = arith.index_cast %add3A_274 : i32 to index
        %get3A_358 = arith.constant 96 : index
        %get3A_359 = tpu.vector_load %run_scoped3A[%get3A_357, %get3A_358] {strides = array<i32>} : memref<40x256xf32, #tpu.memory_space<vmem>>, vector<16xf32>,
        %get3A_360 = arith.index_cast %add3A_274 : i32 to index
        %get3A_361 = arith.constant 224 : index
        %get3A_362 = tpu.vector_load %run_scoped3A[%get3A_360, %get3A_361] {strides = array<i32>} : memref<40x256xf32, #tpu.memory_space<vmem>>, vector<16xf32>,
        %mul3A_363 = arith.mulf %gather3A_278, %get3A_359 : vector<16xf32>
        %mul3A_364 = arith.mulf %gather3A_284, %get3A_362 : vector<16xf32>
        %add3A_365 = arith.addf %mul3A_363, %mul3A_364 : vector<16xf32>
        %swap3A_366 = arith.index_cast %add3A_274 : i32 to index
        %swap3A_367 = arith.constant 96 : index
        %swap3A_368 = tpu.vector_load %run_scoped3A_15[%swap3A_366, %swap3A_367] {strides = array<i32>} : memref<40x128xf32, #tpu.memory_space<vmem>>, vector<16xf32>,
        tpu.vector_store %run_scoped3A_15[%swap3A_366, %swap3A_367], %add3A_365 {strides = array<i32>} : memref<40x128xf32, #tpu.memory_space<vmem>>, vector<16xf32>,
        %get3A_369 = arith.index_cast %add3A_274 : i32 to index
        %get3A_370 = arith.constant 112 : index
        %get3A_371 = tpu.vector_load %run_scoped3A[%get3A_369, %get3A_370] {strides = array<i32>} : memref<40x256xf32, #tpu.memory_space<vmem>>, vector<16xf32>,
        %get3A_372 = arith.index_cast %add3A_274 : i32 to index
        %get3A_373 = arith.constant 240 : index
        %get3A_374 = tpu.vector_load %run_scoped3A[%get3A_372, %get3A_373] {strides = array<i32>} : memref<40x256xf32, #tpu.memory_space<vmem>>, vector<16xf32>,
        %mul3A_375 = arith.mulf %gather3A_278, %get3A_371 : vector<16xf32>
        %mul3A_376 = arith.mulf %gather3A_284, %get3A_374 : vector<16xf32>
        %add3A_377 = arith.addf %mul3A_375, %mul3A_376 : vector<16xf32>
        %swap3A_378 = arith.index_cast %add3A_274 : i32 to index
        %swap3A_379 = arith.constant 112 : index
        %swap3A_380 = tpu.vector_load %run_scoped3A_15[%swap3A_378, %swap3A_379] {strides = array<i32>} : memref<40x128xf32, #tpu.memory_space<vmem>>, vector<16xf32>,
        tpu.vector_store %run_scoped3A_15[%swap3A_378, %swap3A_379], %add3A_377 {strides = array<i32>} : memref<40x128xf32, #tpu.memory_space<vmem>>, vector<16xf32>,
        %mul3A_381 = arith.constant 2 : i32
        %mul3A_382 = arith.muli %scan3A_269, %mul3A_381 : i32
        %add3A_383 = arith.constant 1 : i32
        %add3A_384 = arith.addi %mul3A_382, %add3A_383 : i32
        %mul3A_385 = arith.constant 2 : i32
        %mul3A_386 = arith.muli %mul3A_385, %add3A_384 : i32
        %broadcast_in_dim3A_387 = vector.broadcast %mul3A_386 : i32 to vector<16xi32>
        %gather3A_388 = tpu.vector_load_idx %run_scoped3A_21[%broadcast_in_dim3A_387] : memref<80xf32, #tpu.memory_space<vmem>>[vector<16xi32>], vector<16xf32>,
        %mul3A_389 = arith.constant 2 : i32
        %mul3A_390 = arith.muli %mul3A_389, %add3A_384 : i32
        %add3A_391 = arith.constant 1 : i32
        %add3A_392 = arith.addi %mul3A_390, %add3A_391 : i32
        %broadcast_in_dim3A_393 = vector.broadcast %add3A_392 : i32 to vector<16xi32>
        %gather3A_394 = tpu.vector_load_idx %run_scoped3A_21[%broadcast_in_dim3A_393] : memref<80xf32, #tpu.memory_space<vmem>>[vector<16xi32>], vector<16xf32>,
        %get3A_395 = arith.index_cast %add3A_384 : i32 to index
        %get3A_396 = arith.constant 0 : index
        %get3A_397 = tpu.vector_load %run_scoped3A[%get3A_395, %get3A_396] {strides = array<i32>} : memref<40x256xf32, #tpu.memory_space<vmem>>, vector<16xf32>,
        %get3A_398 = arith.index_cast %add3A_384 : i32 to index
        %get3A_399 = arith.constant 128 : index
        %get3A_400 = tpu.vector_load %run_scoped3A[%get3A_398, %get3A_399] {strides = array<i32>} : memref<40x256xf32, #tpu.memory_space<vmem>>, vector<16xf32>,
        %mul3A_401 = arith.mulf %gather3A_388, %get3A_397 : vector<16xf32>
        %mul3A_402 = arith.mulf %gather3A_394, %get3A_400 : vector<16xf32>
        %add3A_403 = arith.addf %mul3A_401, %mul3A_402 : vector<16xf32>
        %swap3A_404 = arith.index_cast %add3A_384 : i32 to index
        %swap3A_405 = arith.constant 0 : index
        %swap3A_406 = tpu.vector_load %run_scoped3A_15[%swap3A_404, %swap3A_405] {strides = array<i32>} : memref<40x128xf32, #tpu.memory_space<vmem>>, vector<16xf32>,
        tpu.vector_store %run_scoped3A_15[%swap3A_404, %swap3A_405], %add3A_403 {strides = array<i32>} : memref<40x128xf32, #tpu.memory_space<vmem>>, vector<16xf32>,
        %get3A_407 = arith.index_cast %add3A_384 : i32 to index
        %get3A_408 = arith.constant 16 : index
        %get3A_409 = tpu.vector_load %run_scoped3A[%get3A_407, %get3A_408] {strides = array<i32>} : memref<40x256xf32, #tpu.memory_space<vmem>>, vector<16xf32>,
        %get3A_410 = arith.index_cast %add3A_384 : i32 to index
        %get3A_411 = arith.constant 144 : index
        %get3A_412 = tpu.vector_load %run_scoped3A[%get3A_410, %get3A_411] {strides = array<i32>} : memref<40x256xf32, #tpu.memory_space<vmem>>, vector<16xf32>,
        %mul3A_413 = arith.mulf %gather3A_388, %get3A_409 : vector<16xf32>
        %mul3A_414 = arith.mulf %gather3A_394, %get3A_412 : vector<16xf32>
        %add3A_415 = arith.addf %mul3A_413, %mul3A_414 : vector<16xf32>
        %swap3A_416 = arith.index_cast %add3A_384 : i32 to index
        %swap3A_417 = arith.constant 16 : index
        %swap3A_418 = tpu.vector_load %run_scoped3A_15[%swap3A_416, %swap3A_417] {strides = array<i32>} : memref<40x128xf32, #tpu.memory_space<vmem>>, vector<16xf32>,
        tpu.vector_store %run_scoped3A_15[%swap3A_416, %swap3A_417], %add3A_415 {strides = array<i32>} : memref<40x128xf32, #tpu.memory_space<vmem>>, vector<16xf32>,
        %get3A_419 = arith.index_cast %add3A_384 : i32 to index
        %get3A_420 = arith.constant 32 : index
        %get3A_421 = tpu.vector_load %run_scoped3A[%get3A_419, %get3A_420] {strides = array<i32>} : memref<40x256xf32, #tpu.memory_space<vmem>>, vector<16xf32>,
        %get3A_422 = arith.index_cast %add3A_384 : i32 to index
        %get3A_423 = arith.constant 160 : index
        %get3A_424 = tpu.vector_load %run_scoped3A[%get3A_422, %get3A_423] {strides = array<i32>} : memref<40x256xf32, #tpu.memory_space<vmem>>, vector<16xf32>,
        %mul3A_425 = arith.mulf %gather3A_388, %get3A_421 : vector<16xf32>
        %mul3A_426 = arith.mulf %gather3A_394, %get3A_424 : vector<16xf32>
        %add3A_427 = arith.addf %mul3A_425, %mul3A_426 : vector<16xf32>
        %swap3A_428 = arith.index_cast %add3A_384 : i32 to index
        %swap3A_429 = arith.constant 32 : index
        %swap3A_430 = tpu.vector_load %run_scoped3A_15[%swap3A_428, %swap3A_429] {strides = array<i32>} : memref<40x128xf32, #tpu.memory_space<vmem>>, vector<16xf32>,
        tpu.vector_store %run_scoped3A_15[%swap3A_428, %swap3A_429], %add3A_427 {strides = array<i32>} : memref<40x128xf32, #tpu.memory_space<vmem>>, vector<16xf32>,
        %get3A_431 = arith.index_cast %add3A_384 : i32 to index
        %get3A_432 = arith.constant 48 : index
        %get3A_433 = tpu.vector_load %run_scoped3A[%get3A_431, %get3A_432] {strides = array<i32>} : memref<40x256xf32, #tpu.memory_space<vmem>>, vector<16xf32>,
        %get3A_434 = arith.index_cast %add3A_384 : i32 to index
        %get3A_435 = arith.constant 176 : index
        %get3A_436 = tpu.vector_load %run_scoped3A[%get3A_434, %get3A_435] {strides = array<i32>} : memref<40x256xf32, #tpu.memory_space<vmem>>, vector<16xf32>,
        %mul3A_437 = arith.mulf %gather3A_388, %get3A_433 : vector<16xf32>
        %mul3A_438 = arith.mulf %gather3A_394, %get3A_436 : vector<16xf32>
        %add3A_439 = arith.addf %mul3A_437, %mul3A_438 : vector<16xf32>
        %swap3A_440 = arith.index_cast %add3A_384 : i32 to index
        %swap3A_441 = arith.constant 48 : index
        %swap3A_442 = tpu.vector_load %run_scoped3A_15[%swap3A_440, %swap3A_441] {strides = array<i32>} : memref<40x128xf32, #tpu.memory_space<vmem>>, vector<16xf32>,
        tpu.vector_store %run_scoped3A_15[%swap3A_440, %swap3A_441], %add3A_439 {strides = array<i32>} : memref<40x128xf32, #tpu.memory_space<vmem>>, vector<16xf32>,
        %get3A_443 = arith.index_cast %add3A_384 : i32 to index
        %get3A_444 = arith.constant 64 : index
        %get3A_445 = tpu.vector_load %run_scoped3A[%get3A_443, %get3A_444] {strides = array<i32>} : memref<40x256xf32, #tpu.memory_space<vmem>>, vector<16xf32>,
        %get3A_446 = arith.index_cast %add3A_384 : i32 to index
        %get3A_447 = arith.constant 192 : index
        %get3A_448 = tpu.vector_load %run_scoped3A[%get3A_446, %get3A_447] {strides = array<i32>} : memref<40x256xf32, #tpu.memory_space<vmem>>, vector<16xf32>,
        %mul3A_449 = arith.mulf %gather3A_388, %get3A_445 : vector<16xf32>
        %mul3A_450 = arith.mulf %gather3A_394, %get3A_448 : vector<16xf32>
        %add3A_451 = arith.addf %mul3A_449, %mul3A_450 : vector<16xf32>
        %swap3A_452 = arith.index_cast %add3A_384 : i32 to index
        %swap3A_453 = arith.constant 64 : index
        %swap3A_454 = tpu.vector_load %run_scoped3A_15[%swap3A_452, %swap3A_453] {strides = array<i32>} : memref<40x128xf32, #tpu.memory_space<vmem>>, vector<16xf32>,
        tpu.vector_store %run_scoped3A_15[%swap3A_452, %swap3A_453], %add3A_451 {strides = array<i32>} : memref<40x128xf32, #tpu.memory_space<vmem>>, vector<16xf32>,
        %get3A_455 = arith.index_cast %add3A_384 : i32 to index
        %get3A_456 = arith.constant 80 : index
        %get3A_457 = tpu.vector_load %run_scoped3A[%get3A_455, %get3A_456] {strides = array<i32>} : memref<40x256xf32, #tpu.memory_space<vmem>>, vector<16xf32>,
        %get3A_458 = arith.index_cast %add3A_384 : i32 to index
        %get3A_459 = arith.constant 208 : index
        %get3A_460 = tpu.vector_load %run_scoped3A[%get3A_458, %get3A_459] {strides = array<i32>} : memref<40x256xf32, #tpu.memory_space<vmem>>, vector<16xf32>,
        %mul3A_461 = arith.mulf %gather3A_388, %get3A_457 : vector<16xf32>
        %mul3A_462 = arith.mulf %gather3A_394, %get3A_460 : vector<16xf32>
        %add3A_463 = arith.addf %mul3A_461, %mul3A_462 : vector<16xf32>
        %swap3A_464 = arith.index_cast %add3A_384 : i32 to index
        %swap3A_465 = arith.constant 80 : index
        %swap3A_466 = tpu.vector_load %run_scoped3A_15[%swap3A_464, %swap3A_465] {strides = array<i32>} : memref<40x128xf32, #tpu.memory_space<vmem>>, vector<16xf32>,
        tpu.vector_store %run_scoped3A_15[%swap3A_464, %swap3A_465], %add3A_463 {strides = array<i32>} : memref<40x128xf32, #tpu.memory_space<vmem>>, vector<16xf32>,
        %get3A_467 = arith.index_cast %add3A_384 : i32 to index
        %get3A_468 = arith.constant 96 : index
        %get3A_469 = tpu.vector_load %run_scoped3A[%get3A_467, %get3A_468] {strides = array<i32>} : memref<40x256xf32, #tpu.memory_space<vmem>>, vector<16xf32>,
        %get3A_470 = arith.index_cast %add3A_384 : i32 to index
        %get3A_471 = arith.constant 224 : index
        %get3A_472 = tpu.vector_load %run_scoped3A[%get3A_470, %get3A_471] {strides = array<i32>} : memref<40x256xf32, #tpu.memory_space<vmem>>, vector<16xf32>,
        %mul3A_473 = arith.mulf %gather3A_388, %get3A_469 : vector<16xf32>
        %mul3A_474 = arith.mulf %gather3A_394, %get3A_472 : vector<16xf32>
        %add3A_475 = arith.addf %mul3A_473, %mul3A_474 : vector<16xf32>
        %swap3A_476 = arith.index_cast %add3A_384 : i32 to index
        %swap3A_477 = arith.constant 96 : index
        %swap3A_478 = tpu.vector_load %run_scoped3A_15[%swap3A_476, %swap3A_477] {strides = array<i32>} : memref<40x128xf32, #tpu.memory_space<vmem>>, vector<16xf32>,
        tpu.vector_store %run_scoped3A_15[%swap3A_476, %swap3A_477], %add3A_475 {strides = array<i32>} : memref<40x128xf32, #tpu.memory_space<vmem>>, vector<16xf32>,
        %get3A_479 = arith.index_cast %add3A_384 : i32 to index
        %get3A_480 = arith.constant 112 : index
        %get3A_481 = tpu.vector_load %run_scoped3A[%get3A_479, %get3A_480] {strides = array<i32>} : memref<40x256xf32, #tpu.memory_space<vmem>>, vector<16xf32>,
        %get3A_482 = arith.index_cast %add3A_384 : i32 to index
        %get3A_483 = arith.constant 240 : index
        %get3A_484 = tpu.vector_load %run_scoped3A[%get3A_482, %get3A_483] {strides = array<i32>} : memref<40x256xf32, #tpu.memory_space<vmem>>, vector<16xf32>,
        %mul3A_485 = arith.mulf %gather3A_388, %get3A_481 : vector<16xf32>
        %mul3A_486 = arith.mulf %gather3A_394, %get3A_484 : vector<16xf32>
        %add3A_487 = arith.addf %mul3A_485, %mul3A_486 : vector<16xf32>
        %swap3A_488 = arith.index_cast %add3A_384 : i32 to index
        %swap3A_489 = arith.constant 112 : index
        %swap3A_490 = tpu.vector_load %run_scoped3A_15[%swap3A_488, %swap3A_489] {strides = array<i32>} : memref<40x128xf32, #tpu.memory_space<vmem>>, vector<16xf32>,
        tpu.vector_store %run_scoped3A_15[%swap3A_488, %swap3A_489], %add3A_487 {strides = array<i32>} : memref<40x128xf32, #tpu.memory_space<vmem>>, vector<16xf32>,
        %scan3A_491 = arith.constant 0 : i32
        scf.yield %scan3A_491 : i32
      }
      %scan3A_93 = arith.constant 20 : i32
      %dma_start3A_94 = arith.constant 0 : i32
      %dma_start3A_95 = arith.constant 0 : i32
      %dma_start3A_96 = tpu.memref_slice %arg25[%dma_start3A_94, %dma_start3A_95] : memref<10240x128xf32, #tpu.memory_space<vmem_shared>> -> memref<10240x128xf32, #tpu.memory_space<vmem_shared>>
      tpu.enqueue_indirect_dma source(%run_scoped3A_15 : memref<40x128xf32, #tpu.memory_space<vmem>>) target(%dma_start3A_96 : memref<10240x128xf32, #tpu.memory_space<vmem_shared>>) offsets(%run_scoped3A_23 : memref<40xi32, #tpu.memory_space<vmem>>) semaphore(%arg29 : memref<!tpu.dma_semaphore, #tpu.memory_space<semaphore_mem>>) {add = true}
      %mul3A_97 = arith.constant 10000 : i32
      %mul3A_98 = arith.muli %add3A, %mul3A_97 : i32
      %add3A_99 = arith.constant 80 : i32
      %add3A_100 = arith.addi %mul3A_98, %add3A_99 : i32
      %dma_start3A_101 = tpu.memref_slice %arg2[%add3A_100] : memref<320000xi32, #tpu.memory_space<hbm>> -> memref<40xi32, #tpu.memory_space<hbm>>
      %dma_start3A_102 = tpu.memref_slice %arg2[%add3A_100] : memref<320000xi32, #tpu.memory_space<hbm>> -> memref<40xi32, #tpu.memory_space<hbm>>
      tpu.enqueue_dma source(%dma_start3A_102 : memref<40xi32, #tpu.memory_space<hbm>>) target(%run_scoped3A_17 : memref<40xi32, #tpu.memory_space<vmem>>) target_semaphore(%arg26 : memref<!tpu.dma_semaphore, #tpu.memory_space<semaphore_mem>>)
      %dma_start3A_103 = tpu.memref_slice %arg3[%add3A_100] : memref<320000xi32, #tpu.memory_space<hbm>> -> memref<40xi32, #tpu.memory_space<hbm>>
      %dma_start3A_104 = tpu.memref_slice %arg3[%add3A_100] : memref<320000xi32, #tpu.memory_space<hbm>> -> memref<40xi32, #tpu.memory_space<hbm>>
      tpu.enqueue_dma source(%dma_start3A_104 : memref<40xi32, #tpu.memory_space<hbm>>) target(%run_scoped3A_19 : memref<40xi32, #tpu.memory_space<vmem>>) target_semaphore(%arg26 : memref<!tpu.dma_semaphore, #tpu.memory_space<semaphore_mem>>)
      %mul3A_105 = arith.constant 2 : i32
      %mul3A_106 = arith.muli %mul3A_105, %add3A_100 : i32
      %dma_start3A_107 = tpu.memref_slice %arg9[%mul3A_106] : memref<640000xf32, #tpu.memory_space<hbm>> -> memref<80xf32, #tpu.memory_space<hbm>>
      %dma_start3A_108 = tpu.memref_slice %arg9[%mul3A_106] : memref<640000xf32, #tpu.memory_space<hbm>> -> memref<80xf32, #tpu.memory_space<hbm>>
      tpu.enqueue_dma source(%dma_start3A_108 : memref<80xf32, #tpu.memory_space<hbm>>) target(%run_scoped3A_21 : memref<80xf32, #tpu.memory_space<vmem>>) target_semaphore(%arg26 : memref<!tpu.dma_semaphore, #tpu.memory_space<semaphore_mem>>)
      %dma_wait3A_109 = tpu.memref_slice %arg2[%add3A_100] : memref<320000xi32, #tpu.memory_space<hbm>> -> memref<40xi32, #tpu.memory_space<hbm>>
      %dma_wait3A_110 = tpu.memref_slice %arg2[%add3A_100] : memref<320000xi32, #tpu.memory_space<hbm>> -> memref<40xi32, #tpu.memory_space<hbm>>
      tpu.wait_dma2 semaphore(%arg26 : memref<!tpu.dma_semaphore, #tpu.memory_space<semaphore_mem>>) src(%dma_wait3A_110 : memref<40xi32, #tpu.memory_space<hbm>>) dst(%run_scoped3A_17 : memref<40xi32, #tpu.memory_space<vmem>>)
      %dma_wait3A_111 = tpu.memref_slice %arg3[%add3A_100] : memref<320000xi32, #tpu.memory_space<hbm>> -> memref<40xi32, #tpu.memory_space<hbm>>
      %dma_wait3A_112 = tpu.memref_slice %arg3[%add3A_100] : memref<320000xi32, #tpu.memory_space<hbm>> -> memref<40xi32, #tpu.memory_space<hbm>>
      tpu.wait_dma2 semaphore(%arg26 : memref<!tpu.dma_semaphore, #tpu.memory_space<semaphore_mem>>) src(%dma_wait3A_112 : memref<40xi32, #tpu.memory_space<hbm>>) dst(%run_scoped3A_19 : memref<40xi32, #tpu.memory_space<vmem>>)
      %dma_wait3A_113 = tpu.memref_slice %arg9[%mul3A_106] : memref<640000xf32, #tpu.memory_space<hbm>> -> memref<80xf32, #tpu.memory_space<hbm>>
      %dma_wait3A_114 = tpu.memref_slice %arg9[%mul3A_106] : memref<640000xf32, #tpu.memory_space<hbm>> -> memref<80xf32, #tpu.memory_space<hbm>>
      tpu.wait_dma2 semaphore(%arg26 : memref<!tpu.dma_semaphore, #tpu.memory_space<semaphore_mem>>) src(%dma_wait3A_114 : memref<80xf32, #tpu.memory_space<hbm>>) dst(%run_scoped3A_21 : memref<80xf32, #tpu.memory_space<vmem>>)
      %dma_start3A_115 = arith.constant 0 : i32
      %dma_start3A_116 = arith.constant 0 : i32
      %dma_start3A_117 = tpu.memref_slice %arg8[%dma_start3A_115, %dma_start3A_116] : memref<10000x256xf32, #tpu.memory_space<hbm>> -> memref<10000x256xf32, #tpu.memory_space<hbm>>
      tpu.enqueue_indirect_dma source(%dma_start3A_117 : memref<10000x256xf32, #tpu.memory_space<hbm>>) target(%run_scoped3A : memref<40x256xf32, #tpu.memory_space<vmem>>) offsets(%run_scoped3A_17 : memref<40xi32, #tpu.memory_space<vmem>>) semaphore(%arg27 : memref<!tpu.dma_semaphore, #tpu.memory_space<semaphore_mem>>)
      %dma_wait3A_118 = arith.constant 0 : i32
      %dma_wait3A_119 = arith.constant 0 : i32
      %dma_wait3A_120 = tpu.memref_slice %arg8[%dma_wait3A_118, %dma_wait3A_119] : memref<10000x256xf32, #tpu.memory_space<hbm>> -> memref<40x256xf32, #tpu.memory_space<hbm>>
      %dma_wait3A_121 = arith.constant 0 : i32
      %dma_wait3A_122 = arith.constant 0 : i32
      %dma_wait3A_123 = tpu.memref_slice %arg8[%dma_wait3A_121, %dma_wait3A_122] : memref<10000x256xf32, #tpu.memory_space<hbm>> -> memref<40x256xf32, #tpu.memory_space<hbm>>
      tpu.wait_dma2 semaphore(%arg28 : memref<!tpu.dma_semaphore, #tpu.memory_space<semaphore_mem>>) src(%dma_wait3A_123 : memref<40x256xf32, #tpu.memory_space<hbm>>) dst(%run_scoped3A_14 : memref<40x256xf32, #tpu.memory_space<vmem>>)
      %get3A_124 = arith.constant 0 : index
      %get3A_125 = tpu.vector_load %run_scoped3A_20[%get3A_124] {strides = array<i32>} : memref<40xi32, #tpu.memory_space<vmem>>, vector<16xi32>,
      %swap3A_126 = arith.constant 0 : index
      %swap3A_127 = tpu.vector_load %run_scoped3A_24[%swap3A_126] {strides = array<i32>} : memref<40xi32, #tpu.memory_space<vmem>>, vector<16xi32>,
      tpu.vector_store %run_scoped3A_24[%swap3A_126], %get3A_125 {strides = array<i32>} : memref<40xi32, #tpu.memory_space<vmem>>, vector<16xi32>,
      %get3A_128 = arith.constant 16 : index
      %get3A_129 = tpu.vector_load %run_scoped3A_20[%get3A_128] {strides = array<i32>} : memref<40xi32, #tpu.memory_space<vmem>>, vector<16xi32>,
      %swap3A_130 = arith.constant 16 : index
      %swap3A_131 = tpu.vector_load %run_scoped3A_24[%swap3A_130] {strides = array<i32>} : memref<40xi32, #tpu.memory_space<vmem>>, vector<16xi32>,
      tpu.vector_store %run_scoped3A_24[%swap3A_130], %get3A_129 {strides = array<i32>} : memref<40xi32, #tpu.memory_space<vmem>>, vector<16xi32>,
      %add3A_132 = arith.constant 32 : i32
      %add3A_133 = vector.broadcast %add3A_132 : i32 to vector<16xi32>
      %add3A_134 = arith.addi %add3A_133, %iota3A : vector<16xi32>
      %min3A_135 = arith.constant 39 : i32
      %min3A_136 = vector.broadcast %min3A_135 : i32 to vector<16xi32>
      %min3A_137 = arith.minsi %add3A_134, %min3A_136 : vector<16xi32>
      %gather3A_138 = tpu.vector_load_idx %run_scoped3A_20[%min3A_137] : memref<40xi32, #tpu.memory_space<vmem>>[vector<16xi32>], vector<16xi32>,
      %add3A_139 = arith.constant 32 : i32
      %add3A_140 = vector.broadcast %add3A_139 : i32 to vector<16xi32>
      %add3A_141 = arith.addi %add3A_140, %iota3A : vector<16xi32>
      %lt3A_142 = arith.constant 8 : i32
      %lt3A_143 = vector.broadcast %lt3A_142 : i32 to vector<16xi32>
      %lt3A_144 = arith.cmpi slt, %iota3A, %lt3A_143 : vector<16xi32>
      tpu.vector_store_idx %run_scoped3A_24[%add3A_141], %gather3A_138 masked %lt3A_144 : memref<40xi32, #tpu.memory_space<vmem>>[vector<16xi32>], vector<16xi32>, vector<16xi1>
      %scan3A_145 = arith.constant 0 : i32
      %scan3A_146 = arith.constant 0 : i32
      %scan3A_147 = arith.constant 20 : i32
      %scan3A_148 = arith.addi %scan3A_146, %scan3A_147 : i32
      %scan3A_149 = arith.constant 1 : i32
      %scan3A_150 = scf.for %scan3A_269 = %scan3A_146 to %scan3A_148 step %scan3A_149 iter_args(%scan3A_270 = %scan3A_145) -> (i32)  : i32 {
        %mul3A_271 = arith.constant 2 : i32
        %mul3A_272 = arith.muli %scan3A_269, %mul3A_271 : i32
        %add3A_273 = arith.constant 0 : i32
        %add3A_274 = arith.addi %mul3A_272, %add3A_273 : i32
        %mul3A_275 = arith.constant 2 : i32
        %mul3A_276 = arith.muli %mul3A_275, %add3A_274 : i32
        %broadcast_in_dim3A_277 = vector.broadcast %mul3A_276 : i32 to vector<16xi32>
        %gather3A_278 = tpu.vector_load_idx %run_scoped3A_22[%broadcast_in_dim3A_277] : memref<80xf32, #tpu.memory_space<vmem>>[vector<16xi32>], vector<16xf32>,
        %mul3A_279 = arith.constant 2 : i32
        %mul3A_280 = arith.muli %mul3A_279, %add3A_274 : i32
        %add3A_281 = arith.constant 1 : i32
        %add3A_282 = arith.addi %mul3A_280, %add3A_281 : i32
        %broadcast_in_dim3A_283 = vector.broadcast %add3A_282 : i32 to vector<16xi32>
        %gather3A_284 = tpu.vector_load_idx %run_scoped3A_22[%broadcast_in_dim3A_283] : memref<80xf32, #tpu.memory_space<vmem>>[vector<16xi32>], vector<16xf32>,
        %get3A_285 = arith.index_cast %add3A_274 : i32 to index
        %get3A_286 = arith.constant 0 : index
        %get3A_287 = tpu.vector_load %run_scoped3A_14[%get3A_285, %get3A_286] {strides = array<i32>} : memref<40x256xf32, #tpu.memory_space<vmem>>, vector<16xf32>,
        %get3A_288 = arith.index_cast %add3A_274 : i32 to index
        %get3A_289 = arith.constant 128 : index
        %get3A_290 = tpu.vector_load %run_scoped3A_14[%get3A_288, %get3A_289] {strides = array<i32>} : memref<40x256xf32, #tpu.memory_space<vmem>>, vector<16xf32>,
        %mul3A_291 = arith.mulf %gather3A_278, %get3A_287 : vector<16xf32>
        %mul3A_292 = arith.mulf %gather3A_284, %get3A_290 : vector<16xf32>
        %add3A_293 = arith.addf %mul3A_291, %mul3A_292 : vector<16xf32>
        %swap3A_294 = arith.index_cast %add3A_274 : i32 to index
        %swap3A_295 = arith.constant 0 : index
        %swap3A_296 = tpu.vector_load %run_scoped3A_16[%swap3A_294, %swap3A_295] {strides = array<i32>} : memref<40x128xf32, #tpu.memory_space<vmem>>, vector<16xf32>,
        tpu.vector_store %run_scoped3A_16[%swap3A_294, %swap3A_295], %add3A_293 {strides = array<i32>} : memref<40x128xf32, #tpu.memory_space<vmem>>, vector<16xf32>,
        %get3A_297 = arith.index_cast %add3A_274 : i32 to index
        %get3A_298 = arith.constant 16 : index
        %get3A_299 = tpu.vector_load %run_scoped3A_14[%get3A_297, %get3A_298] {strides = array<i32>} : memref<40x256xf32, #tpu.memory_space<vmem>>, vector<16xf32>,
        %get3A_300 = arith.index_cast %add3A_274 : i32 to index
        %get3A_301 = arith.constant 144 : index
        %get3A_302 = tpu.vector_load %run_scoped3A_14[%get3A_300, %get3A_301] {strides = array<i32>} : memref<40x256xf32, #tpu.memory_space<vmem>>, vector<16xf32>,
        %mul3A_303 = arith.mulf %gather3A_278, %get3A_299 : vector<16xf32>
        %mul3A_304 = arith.mulf %gather3A_284, %get3A_302 : vector<16xf32>
        %add3A_305 = arith.addf %mul3A_303, %mul3A_304 : vector<16xf32>
        %swap3A_306 = arith.index_cast %add3A_274 : i32 to index
        %swap3A_307 = arith.constant 16 : index
        %swap3A_308 = tpu.vector_load %run_scoped3A_16[%swap3A_306, %swap3A_307] {strides = array<i32>} : memref<40x128xf32, #tpu.memory_space<vmem>>, vector<16xf32>,
        tpu.vector_store %run_scoped3A_16[%swap3A_306, %swap3A_307], %add3A_305 {strides = array<i32>} : memref<40x128xf32, #tpu.memory_space<vmem>>, vector<16xf32>,
        %get3A_309 = arith.index_cast %add3A_274 : i32 to index
        %get3A_310 = arith.constant 32 : index
        %get3A_311 = tpu.vector_load %run_scoped3A_14[%get3A_309, %get3A_310] {strides = array<i32>} : memref<40x256xf32, #tpu.memory_space<vmem>>, vector<16xf32>,
        %get3A_312 = arith.index_cast %add3A_274 : i32 to index
        %get3A_313 = arith.constant 160 : index
        %get3A_314 = tpu.vector_load %run_scoped3A_14[%get3A_312, %get3A_313] {strides = array<i32>} : memref<40x256xf32, #tpu.memory_space<vmem>>, vector<16xf32>,
        %mul3A_315 = arith.mulf %gather3A_278, %get3A_311 : vector<16xf32>
        %mul3A_316 = arith.mulf %gather3A_284, %get3A_314 : vector<16xf32>
        %add3A_317 = arith.addf %mul3A_315, %mul3A_316 : vector<16xf32>
        %swap3A_318 = arith.index_cast %add3A_274 : i32 to index
        %swap3A_319 = arith.constant 32 : index
        %swap3A_320 = tpu.vector_load %run_scoped3A_16[%swap3A_318, %swap3A_319] {strides = array<i32>} : memref<40x128xf32, #tpu.memory_space<vmem>>, vector<16xf32>,
        tpu.vector_store %run_scoped3A_16[%swap3A_318, %swap3A_319], %add3A_317 {strides = array<i32>} : memref<40x128xf32, #tpu.memory_space<vmem>>, vector<16xf32>,
        %get3A_321 = arith.index_cast %add3A_274 : i32 to index
        %get3A_322 = arith.constant 48 : index
        %get3A_323 = tpu.vector_load %run_scoped3A_14[%get3A_321, %get3A_322] {strides = array<i32>} : memref<40x256xf32, #tpu.memory_space<vmem>>, vector<16xf32>,
        %get3A_324 = arith.index_cast %add3A_274 : i32 to index
        %get3A_325 = arith.constant 176 : index
        %get3A_326 = tpu.vector_load %run_scoped3A_14[%get3A_324, %get3A_325] {strides = array<i32>} : memref<40x256xf32, #tpu.memory_space<vmem>>, vector<16xf32>,
        %mul3A_327 = arith.mulf %gather3A_278, %get3A_323 : vector<16xf32>
        %mul3A_328 = arith.mulf %gather3A_284, %get3A_326 : vector<16xf32>
        %add3A_329 = arith.addf %mul3A_327, %mul3A_328 : vector<16xf32>
        %swap3A_330 = arith.index_cast %add3A_274 : i32 to index
        %swap3A_331 = arith.constant 48 : index
        %swap3A_332 = tpu.vector_load %run_scoped3A_16[%swap3A_330, %swap3A_331] {strides = array<i32>} : memref<40x128xf32, #tpu.memory_space<vmem>>, vector<16xf32>,
        tpu.vector_store %run_scoped3A_16[%swap3A_330, %swap3A_331], %add3A_329 {strides = array<i32>} : memref<40x128xf32, #tpu.memory_space<vmem>>, vector<16xf32>,
        %get3A_333 = arith.index_cast %add3A_274 : i32 to index
        %get3A_334 = arith.constant 64 : index
        %get3A_335 = tpu.vector_load %run_scoped3A_14[%get3A_333, %get3A_334] {strides = array<i32>} : memref<40x256xf32, #tpu.memory_space<vmem>>, vector<16xf32>,
        %get3A_336 = arith.index_cast %add3A_274 : i32 to index
        %get3A_337 = arith.constant 192 : index
        %get3A_338 = tpu.vector_load %run_scoped3A_14[%get3A_336, %get3A_337] {strides = array<i32>} : memref<40x256xf32, #tpu.memory_space<vmem>>, vector<16xf32>,
        %mul3A_339 = arith.mulf %gather3A_278, %get3A_335 : vector<16xf32>
        %mul3A_340 = arith.mulf %gather3A_284, %get3A_338 : vector<16xf32>
        %add3A_341 = arith.addf %mul3A_339, %mul3A_340 : vector<16xf32>
        %swap3A_342 = arith.index_cast %add3A_274 : i32 to index
        %swap3A_343 = arith.constant 64 : index
        %swap3A_344 = tpu.vector_load %run_scoped3A_16[%swap3A_342, %swap3A_343] {strides = array<i32>} : memref<40x128xf32, #tpu.memory_space<vmem>>, vector<16xf32>,
        tpu.vector_store %run_scoped3A_16[%swap3A_342, %swap3A_343], %add3A_341 {strides = array<i32>} : memref<40x128xf32, #tpu.memory_space<vmem>>, vector<16xf32>,
        %get3A_345 = arith.index_cast %add3A_274 : i32 to index
        %get3A_346 = arith.constant 80 : index
        %get3A_347 = tpu.vector_load %run_scoped3A_14[%get3A_345, %get3A_346] {strides = array<i32>} : memref<40x256xf32, #tpu.memory_space<vmem>>, vector<16xf32>,
        %get3A_348 = arith.index_cast %add3A_274 : i32 to index
        %get3A_349 = arith.constant 208 : index
        %get3A_350 = tpu.vector_load %run_scoped3A_14[%get3A_348, %get3A_349] {strides = array<i32>} : memref<40x256xf32, #tpu.memory_space<vmem>>, vector<16xf32>,
        %mul3A_351 = arith.mulf %gather3A_278, %get3A_347 : vector<16xf32>
        %mul3A_352 = arith.mulf %gather3A_284, %get3A_350 : vector<16xf32>
        %add3A_353 = arith.addf %mul3A_351, %mul3A_352 : vector<16xf32>
        %swap3A_354 = arith.index_cast %add3A_274 : i32 to index
        %swap3A_355 = arith.constant 80 : index
        %swap3A_356 = tpu.vector_load %run_scoped3A_16[%swap3A_354, %swap3A_355] {strides = array<i32>} : memref<40x128xf32, #tpu.memory_space<vmem>>, vector<16xf32>,
        tpu.vector_store %run_scoped3A_16[%swap3A_354, %swap3A_355], %add3A_353 {strides = array<i32>} : memref<40x128xf32, #tpu.memory_space<vmem>>, vector<16xf32>,
        %get3A_357 = arith.index_cast %add3A_274 : i32 to index
        %get3A_358 = arith.constant 96 : index
        %get3A_359 = tpu.vector_load %run_scoped3A_14[%get3A_357, %get3A_358] {strides = array<i32>} : memref<40x256xf32, #tpu.memory_space<vmem>>, vector<16xf32>,
        %get3A_360 = arith.index_cast %add3A_274 : i32 to index
        %get3A_361 = arith.constant 224 : index
        %get3A_362 = tpu.vector_load %run_scoped3A_14[%get3A_360, %get3A_361] {strides = array<i32>} : memref<40x256xf32, #tpu.memory_space<vmem>>, vector<16xf32>,
        %mul3A_363 = arith.mulf %gather3A_278, %get3A_359 : vector<16xf32>
        %mul3A_364 = arith.mulf %gather3A_284, %get3A_362 : vector<16xf32>
        %add3A_365 = arith.addf %mul3A_363, %mul3A_364 : vector<16xf32>
        %swap3A_366 = arith.index_cast %add3A_274 : i32 to index
        %swap3A_367 = arith.constant 96 : index
        %swap3A_368 = tpu.vector_load %run_scoped3A_16[%swap3A_366, %swap3A_367] {strides = array<i32>} : memref<40x128xf32, #tpu.memory_space<vmem>>, vector<16xf32>,
        tpu.vector_store %run_scoped3A_16[%swap3A_366, %swap3A_367], %add3A_365 {strides = array<i32>} : memref<40x128xf32, #tpu.memory_space<vmem>>, vector<16xf32>,
        %get3A_369 = arith.index_cast %add3A_274 : i32 to index
        %get3A_370 = arith.constant 112 : index
        %get3A_371 = tpu.vector_load %run_scoped3A_14[%get3A_369, %get3A_370] {strides = array<i32>} : memref<40x256xf32, #tpu.memory_space<vmem>>, vector<16xf32>,
        %get3A_372 = arith.index_cast %add3A_274 : i32 to index
        %get3A_373 = arith.constant 240 : index
        %get3A_374 = tpu.vector_load %run_scoped3A_14[%get3A_372, %get3A_373] {strides = array<i32>} : memref<40x256xf32, #tpu.memory_space<vmem>>, vector<16xf32>,
        %mul3A_375 = arith.mulf %gather3A_278, %get3A_371 : vector<16xf32>
        %mul3A_376 = arith.mulf %gather3A_284, %get3A_374 : vector<16xf32>
        %add3A_377 = arith.addf %mul3A_375, %mul3A_376 : vector<16xf32>
        %swap3A_378 = arith.index_cast %add3A_274 : i32 to index
        %swap3A_379 = arith.constant 112 : index
        %swap3A_380 = tpu.vector_load %run_scoped3A_16[%swap3A_378, %swap3A_379] {strides = array<i32>} : memref<40x128xf32, #tpu.memory_space<vmem>>, vector<16xf32>,
        tpu.vector_store %run_scoped3A_16[%swap3A_378, %swap3A_379], %add3A_377 {strides = array<i32>} : memref<40x128xf32, #tpu.memory_space<vmem>>, vector<16xf32>,
        %mul3A_381 = arith.constant 2 : i32
        %mul3A_382 = arith.muli %scan3A_269, %mul3A_381 : i32
        %add3A_383 = arith.constant 1 : i32
        %add3A_384 = arith.addi %mul3A_382, %add3A_383 : i32
        %mul3A_385 = arith.constant 2 : i32
        %mul3A_386 = arith.muli %mul3A_385, %add3A_384 : i32
        %broadcast_in_dim3A_387 = vector.broadcast %mul3A_386 : i32 to vector<16xi32>
        %gather3A_388 = tpu.vector_load_idx %run_scoped3A_22[%broadcast_in_dim3A_387] : memref<80xf32, #tpu.memory_space<vmem>>[vector<16xi32>], vector<16xf32>,
        %mul3A_389 = arith.constant 2 : i32
        %mul3A_390 = arith.muli %mul3A_389, %add3A_384 : i32
        %add3A_391 = arith.constant 1 : i32
        %add3A_392 = arith.addi %mul3A_390, %add3A_391 : i32
        %broadcast_in_dim3A_393 = vector.broadcast %add3A_392 : i32 to vector<16xi32>
        %gather3A_394 = tpu.vector_load_idx %run_scoped3A_22[%broadcast_in_dim3A_393] : memref<80xf32, #tpu.memory_space<vmem>>[vector<16xi32>], vector<16xf32>,
        %get3A_395 = arith.index_cast %add3A_384 : i32 to index
        %get3A_396 = arith.constant 0 : index
        %get3A_397 = tpu.vector_load %run_scoped3A_14[%get3A_395, %get3A_396] {strides = array<i32>} : memref<40x256xf32, #tpu.memory_space<vmem>>, vector<16xf32>,
        %get3A_398 = arith.index_cast %add3A_384 : i32 to index
        %get3A_399 = arith.constant 128 : index
        %get3A_400 = tpu.vector_load %run_scoped3A_14[%get3A_398, %get3A_399] {strides = array<i32>} : memref<40x256xf32, #tpu.memory_space<vmem>>, vector<16xf32>,
        %mul3A_401 = arith.mulf %gather3A_388, %get3A_397 : vector<16xf32>
        %mul3A_402 = arith.mulf %gather3A_394, %get3A_400 : vector<16xf32>
        %add3A_403 = arith.addf %mul3A_401, %mul3A_402 : vector<16xf32>
        %swap3A_404 = arith.index_cast %add3A_384 : i32 to index
        %swap3A_405 = arith.constant 0 : index
        %swap3A_406 = tpu.vector_load %run_scoped3A_16[%swap3A_404, %swap3A_405] {strides = array<i32>} : memref<40x128xf32, #tpu.memory_space<vmem>>, vector<16xf32>,
        tpu.vector_store %run_scoped3A_16[%swap3A_404, %swap3A_405], %add3A_403 {strides = array<i32>} : memref<40x128xf32, #tpu.memory_space<vmem>>, vector<16xf32>,
        %get3A_407 = arith.index_cast %add3A_384 : i32 to index
        %get3A_408 = arith.constant 16 : index
        %get3A_409 = tpu.vector_load %run_scoped3A_14[%get3A_407, %get3A_408] {strides = array<i32>} : memref<40x256xf32, #tpu.memory_space<vmem>>, vector<16xf32>,
        %get3A_410 = arith.index_cast %add3A_384 : i32 to index
        %get3A_411 = arith.constant 144 : index
        %get3A_412 = tpu.vector_load %run_scoped3A_14[%get3A_410, %get3A_411] {strides = array<i32>} : memref<40x256xf32, #tpu.memory_space<vmem>>, vector<16xf32>,
        %mul3A_413 = arith.mulf %gather3A_388, %get3A_409 : vector<16xf32>
        %mul3A_414 = arith.mulf %gather3A_394, %get3A_412 : vector<16xf32>
        %add3A_415 = arith.addf %mul3A_413, %mul3A_414 : vector<16xf32>
        %swap3A_416 = arith.index_cast %add3A_384 : i32 to index
        %swap3A_417 = arith.constant 16 : index
        %swap3A_418 = tpu.vector_load %run_scoped3A_16[%swap3A_416, %swap3A_417] {strides = array<i32>} : memref<40x128xf32, #tpu.memory_space<vmem>>, vector<16xf32>,
        tpu.vector_store %run_scoped3A_16[%swap3A_416, %swap3A_417], %add3A_415 {strides = array<i32>} : memref<40x128xf32, #tpu.memory_space<vmem>>, vector<16xf32>,
        %get3A_419 = arith.index_cast %add3A_384 : i32 to index
        %get3A_420 = arith.constant 32 : index
        %get3A_421 = tpu.vector_load %run_scoped3A_14[%get3A_419, %get3A_420] {strides = array<i32>} : memref<40x256xf32, #tpu.memory_space<vmem>>, vector<16xf32>,
        %get3A_422 = arith.index_cast %add3A_384 : i32 to index
        %get3A_423 = arith.constant 160 : index
        %get3A_424 = tpu.vector_load %run_scoped3A_14[%get3A_422, %get3A_423] {strides = array<i32>} : memref<40x256xf32, #tpu.memory_space<vmem>>, vector<16xf32>,
        %mul3A_425 = arith.mulf %gather3A_388, %get3A_421 : vector<16xf32>
        %mul3A_426 = arith.mulf %gather3A_394, %get3A_424 : vector<16xf32>
        %add3A_427 = arith.addf %mul3A_425, %mul3A_426 : vector<16xf32>
        %swap3A_428 = arith.index_cast %add3A_384 : i32 to index
        %swap3A_429 = arith.constant 32 : index
        %swap3A_430 = tpu.vector_load %run_scoped3A_16[%swap3A_428, %swap3A_429] {strides = array<i32>} : memref<40x128xf32, #tpu.memory_space<vmem>>, vector<16xf32>,
        tpu.vector_store %run_scoped3A_16[%swap3A_428, %swap3A_429], %add3A_427 {strides = array<i32>} : memref<40x128xf32, #tpu.memory_space<vmem>>, vector<16xf32>,
        %get3A_431 = arith.index_cast %add3A_384 : i32 to index
        %get3A_432 = arith.constant 48 : index
        %get3A_433 = tpu.vector_load %run_scoped3A_14[%get3A_431, %get3A_432] {strides = array<i32>} : memref<40x256xf32, #tpu.memory_space<vmem>>, vector<16xf32>,
        %get3A_434 = arith.index_cast %add3A_384 : i32 to index
        %get3A_435 = arith.constant 176 : index
        %get3A_436 = tpu.vector_load %run_scoped3A_14[%get3A_434, %get3A_435] {strides = array<i32>} : memref<40x256xf32, #tpu.memory_space<vmem>>, vector<16xf32>,
        %mul3A_437 = arith.mulf %gather3A_388, %get3A_433 : vector<16xf32>
        %mul3A_438 = arith.mulf %gather3A_394, %get3A_436 : vector<16xf32>
        %add3A_439 = arith.addf %mul3A_437, %mul3A_438 : vector<16xf32>
        %swap3A_440 = arith.index_cast %add3A_384 : i32 to index
        %swap3A_441 = arith.constant 48 : index
        %swap3A_442 = tpu.vector_load %run_scoped3A_16[%swap3A_440, %swap3A_441] {strides = array<i32>} : memref<40x128xf32, #tpu.memory_space<vmem>>, vector<16xf32>,
        tpu.vector_store %run_scoped3A_16[%swap3A_440, %swap3A_441], %add3A_439 {strides = array<i32>} : memref<40x128xf32, #tpu.memory_space<vmem>>, vector<16xf32>,
        %get3A_443 = arith.index_cast %add3A_384 : i32 to index
        %get3A_444 = arith.constant 64 : index
        %get3A_445 = tpu.vector_load %run_scoped3A_14[%get3A_443, %get3A_444] {strides = array<i32>} : memref<40x256xf32, #tpu.memory_space<vmem>>, vector<16xf32>,
        %get3A_446 = arith.index_cast %add3A_384 : i32 to index
        %get3A_447 = arith.constant 192 : index
        %get3A_448 = tpu.vector_load %run_scoped3A_14[%get3A_446, %get3A_447] {strides = array<i32>} : memref<40x256xf32, #tpu.memory_space<vmem>>, vector<16xf32>,
        %mul3A_449 = arith.mulf %gather3A_388, %get3A_445 : vector<16xf32>
        %mul3A_450 = arith.mulf %gather3A_394, %get3A_448 : vector<16xf32>
        %add3A_451 = arith.addf %mul3A_449, %mul3A_450 : vector<16xf32>
        %swap3A_452 = arith.index_cast %add3A_384 : i32 to index
        %swap3A_453 = arith.constant 64 : index
        %swap3A_454 = tpu.vector_load %run_scoped3A_16[%swap3A_452, %swap3A_453] {strides = array<i32>} : memref<40x128xf32, #tpu.memory_space<vmem>>, vector<16xf32>,
        tpu.vector_store %run_scoped3A_16[%swap3A_452, %swap3A_453], %add3A_451 {strides = array<i32>} : memref<40x128xf32, #tpu.memory_space<vmem>>, vector<16xf32>,
        %get3A_455 = arith.index_cast %add3A_384 : i32 to index
        %get3A_456 = arith.constant 80 : index
        %get3A_457 = tpu.vector_load %run_scoped3A_14[%get3A_455, %get3A_456] {strides = array<i32>} : memref<40x256xf32, #tpu.memory_space<vmem>>, vector<16xf32>,
        %get3A_458 = arith.index_cast %add3A_384 : i32 to index
        %get3A_459 = arith.constant 208 : index
        %get3A_460 = tpu.vector_load %run_scoped3A_14[%get3A_458, %get3A_459] {strides = array<i32>} : memref<40x256xf32, #tpu.memory_space<vmem>>, vector<16xf32>,
        %mul3A_461 = arith.mulf %gather3A_388, %get3A_457 : vector<16xf32>
        %mul3A_462 = arith.mulf %gather3A_394, %get3A_460 : vector<16xf32>
        %add3A_463 = arith.addf %mul3A_461, %mul3A_462 : vector<16xf32>
        %swap3A_464 = arith.index_cast %add3A_384 : i32 to index
        %swap3A_465 = arith.constant 80 : index
        %swap3A_466 = tpu.vector_load %run_scoped3A_16[%swap3A_464, %swap3A_465] {strides = array<i32>} : memref<40x128xf32, #tpu.memory_space<vmem>>, vector<16xf32>,
        tpu.vector_store %run_scoped3A_16[%swap3A_464, %swap3A_465], %add3A_463 {strides = array<i32>} : memref<40x128xf32, #tpu.memory_space<vmem>>, vector<16xf32>,
        %get3A_467 = arith.index_cast %add3A_384 : i32 to index
        %get3A_468 = arith.constant 96 : index
        %get3A_469 = tpu.vector_load %run_scoped3A_14[%get3A_467, %get3A_468] {strides = array<i32>} : memref<40x256xf32, #tpu.memory_space<vmem>>, vector<16xf32>,
        %get3A_470 = arith.index_cast %add3A_384 : i32 to index
        %get3A_471 = arith.constant 224 : index
        %get3A_472 = tpu.vector_load %run_scoped3A_14[%get3A_470, %get3A_471] {strides = array<i32>} : memref<40x256xf32, #tpu.memory_space<vmem>>, vector<16xf32>,
        %mul3A_473 = arith.mulf %gather3A_388, %get3A_469 : vector<16xf32>
        %mul3A_474 = arith.mulf %gather3A_394, %get3A_472 : vector<16xf32>
        %add3A_475 = arith.addf %mul3A_473, %mul3A_474 : vector<16xf32>
        %swap3A_476 = arith.index_cast %add3A_384 : i32 to index
        %swap3A_477 = arith.constant 96 : index
        %swap3A_478 = tpu.vector_load %run_scoped3A_16[%swap3A_476, %swap3A_477] {strides = array<i32>} : memref<40x128xf32, #tpu.memory_space<vmem>>, vector<16xf32>,
        tpu.vector_store %run_scoped3A_16[%swap3A_476, %swap3A_477], %add3A_475 {strides = array<i32>} : memref<40x128xf32, #tpu.memory_space<vmem>>, vector<16xf32>,
        %get3A_479 = arith.index_cast %add3A_384 : i32 to index
        %get3A_480 = arith.constant 112 : index
        %get3A_481 = tpu.vector_load %run_scoped3A_14[%get3A_479, %get3A_480] {strides = array<i32>} : memref<40x256xf32, #tpu.memory_space<vmem>>, vector<16xf32>,
        %get3A_482 = arith.index_cast %add3A_384 : i32 to index
        %get3A_483 = arith.constant 240 : index
        %get3A_484 = tpu.vector_load %run_scoped3A_14[%get3A_482, %get3A_483] {strides = array<i32>} : memref<40x256xf32, #tpu.memory_space<vmem>>, vector<16xf32>,
        %mul3A_485 = arith.mulf %gather3A_388, %get3A_481 : vector<16xf32>
        %mul3A_486 = arith.mulf %gather3A_394, %get3A_484 : vector<16xf32>
        %add3A_487 = arith.addf %mul3A_485, %mul3A_486 : vector<16xf32>
        %swap3A_488 = arith.index_cast %add3A_384 : i32 to index
        %swap3A_489 = arith.constant 112 : index
        %swap3A_490 = tpu.vector_load %run_scoped3A_16[%swap3A_488, %swap3A_489] {strides = array<i32>} : memref<40x128xf32, #tpu.memory_space<vmem>>, vector<16xf32>,
        tpu.vector_store %run_scoped3A_16[%swap3A_488, %swap3A_489], %add3A_487 {strides = array<i32>} : memref<40x128xf32, #tpu.memory_space<vmem>>, vector<16xf32>,
        %scan3A_491 = arith.constant 0 : i32
        scf.yield %scan3A_491 : i32
      }
      %scan3A_151 = arith.constant 20 : i32
      %dma_start3A_152 = arith.constant 0 : i32
      %dma_start3A_153 = arith.constant 0 : i32
      %dma_start3A_154 = tpu.memref_slice %arg25[%dma_start3A_152, %dma_start3A_153] : memref<10240x128xf32, #tpu.memory_space<vmem_shared>> -> memref<10240x128xf32, #tpu.memory_space<vmem_shared>>
      tpu.enqueue_indirect_dma source(%run_scoped3A_16 : memref<40x128xf32, #tpu.memory_space<vmem>>) target(%dma_start3A_154 : memref<10240x128xf32, #tpu.memory_space<vmem_shared>>) offsets(%run_scoped3A_24 : memref<40xi32, #tpu.memory_space<vmem>>) semaphore(%arg30 : memref<!tpu.dma_semaphore, #tpu.memory_space<semaphore_mem>>) {add = true}
      %mul3A_155 = arith.constant 10000 : i32
      %mul3A_156 = arith.muli %add3A, %mul3A_155 : i32
      %add3A_157 = arith.constant 120 : i32
      %add3A_158 = arith.addi %mul3A_156, %add3A_157 : i32
      %dma_start3A_159 = tpu.memref_slice %arg2[%add3A_158] : memref<320000xi32, #tpu.memory_space<hbm>> -> memref<40xi32, #tpu.memory_space<hbm>>
      %dma_start3A_160 = tpu.memref_slice %arg2[%add3A_158] : memref<320000xi32, #tpu.memory_space<hbm>> -> memref<40xi32, #tpu.memory_space<hbm>>
      tpu.enqueue_dma source(%dma_start3A_160 : memref<40xi32, #tpu.memory_space<hbm>>) target(%run_scoped3A_18 : memref<40xi32, #tpu.memory_space<vmem>>) target_semaphore(%arg26 : memref<!tpu.dma_semaphore, #tpu.memory_space<semaphore_mem>>)
      %dma_start3A_161 = tpu.memref_slice %arg3[%add3A_158] : memref<320000xi32, #tpu.memory_space<hbm>> -> memref<40xi32, #tpu.memory_space<hbm>>
      %dma_start3A_162 = tpu.memref_slice %arg3[%add3A_158] : memref<320000xi32, #tpu.memory_space<hbm>> -> memref<40xi32, #tpu.memory_space<hbm>>
      tpu.enqueue_dma source(%dma_start3A_162 : memref<40xi32, #tpu.memory_space<hbm>>) target(%run_scoped3A_20 : memref<40xi32, #tpu.memory_space<vmem>>) target_semaphore(%arg26 : memref<!tpu.dma_semaphore, #tpu.memory_space<semaphore_mem>>)
      %mul3A_163 = arith.constant 2 : i32
      %mul3A_164 = arith.muli %mul3A_163, %add3A_158 : i32
      %dma_start3A_165 = tpu.memref_slice %arg9[%mul3A_164] : memref<640000xf32, #tpu.memory_space<hbm>> -> memref<80xf32, #tpu.memory_space<hbm>>
      %dma_start3A_166 = tpu.memref_slice %arg9[%mul3A_164] : memref<640000xf32, #tpu.memory_space<hbm>> -> memref<80xf32, #tpu.memory_space<hbm>>
      tpu.enqueue_dma source(%dma_start3A_166 : memref<80xf32, #tpu.memory_space<hbm>>) target(%run_scoped3A_22 : memref<80xf32, #tpu.memory_space<vmem>>) target_semaphore(%arg26 : memref<!tpu.dma_semaphore, #tpu.memory_space<semaphore_mem>>)
      %dma_wait3A_167 = tpu.memref_slice %arg2[%add3A_158] : memref<320000xi32, #tpu.memory_space<hbm>> -> memref<40xi32, #tpu.memory_space<hbm>>
      %dma_wait3A_168 = tpu.memref_slice %arg2[%add3A_158] : memref<320000xi32, #tpu.memory_space<hbm>> -> memref<40xi32, #tpu.memory_space<hbm>>
      tpu.wait_dma2 semaphore(%arg26 : memref<!tpu.dma_semaphore, #tpu.memory_space<semaphore_mem>>) src(%dma_wait3A_168 : memref<40xi32, #tpu.memory_space<hbm>>) dst(%run_scoped3A_18 : memref<40xi32, #tpu.memory_space<vmem>>)
      %dma_wait3A_169 = tpu.memref_slice %arg3[%add3A_158] : memref<320000xi32, #tpu.memory_space<hbm>> -> memref<40xi32, #tpu.memory_space<hbm>>
      %dma_wait3A_170 = tpu.memref_slice %arg3[%add3A_158] : memref<320000xi32, #tpu.memory_space<hbm>> -> memref<40xi32, #tpu.memory_space<hbm>>
      tpu.wait_dma2 semaphore(%arg26 : memref<!tpu.dma_semaphore, #tpu.memory_space<semaphore_mem>>) src(%dma_wait3A_170 : memref<40xi32, #tpu.memory_space<hbm>>) dst(%run_scoped3A_20 : memref<40xi32, #tpu.memory_space<vmem>>)
      %dma_wait3A_171 = tpu.memref_slice %arg9[%mul3A_164] : memref<640000xf32, #tpu.memory_space<hbm>> -> memref<80xf32, #tpu.memory_space<hbm>>
      %dma_wait3A_172 = tpu.memref_slice %arg9[%mul3A_164] : memref<640000xf32, #tpu.memory_space<hbm>> -> memref<80xf32, #tpu.memory_space<hbm>>
      tpu.wait_dma2 semaphore(%arg26 : memref<!tpu.dma_semaphore, #tpu.memory_space<semaphore_mem>>) src(%dma_wait3A_172 : memref<80xf32, #tpu.memory_space<hbm>>) dst(%run_scoped3A_22 : memref<80xf32, #tpu.memory_space<vmem>>)
      %dma_start3A_173 = arith.constant 0 : i32
      %dma_start3A_174 = arith.constant 0 : i32
      %dma_start3A_175 = tpu.memref_slice %arg8[%dma_start3A_173, %dma_start3A_174] : memref<10000x256xf32, #tpu.memory_space<hbm>> -> memref<10000x256xf32, #tpu.memory_space<hbm>>
      tpu.enqueue_indirect_dma source(%dma_start3A_175 : memref<10000x256xf32, #tpu.memory_space<hbm>>) target(%run_scoped3A_14 : memref<40x256xf32, #tpu.memory_space<vmem>>) offsets(%run_scoped3A_18 : memref<40xi32, #tpu.memory_space<vmem>>) semaphore(%arg28 : memref<!tpu.dma_semaphore, #tpu.memory_space<semaphore_mem>>)
      %scan3A_176 = arith.constant 0 : i32
      %scan3A_177 = arith.constant 0 : i32
      %scan3A_178 = arith.constant 123 : i32
      %scan3A_179 = arith.addi %scan3A_177, %scan3A_178 : i32
      %scan3A_180 = arith.constant 1 : i32
      %scan3A_181 = scf.for %scan3A_269 = %scan3A_177 to %scan3A_179 step %scan3A_180 iter_args(%scan3A_270 = %scan3A_176) -> (i32)  : i32 {
        %dma_wait3A_271 = arith.constant 0 : i32
        %dma_wait3A_272 = arith.constant 0 : i32
        %dma_wait3A_273 = tpu.memref_slice %arg8[%dma_wait3A_271, %dma_wait3A_272] : memref<10000x256xf32, #tpu.memory_space<hbm>> -> memref<40x256xf32, #tpu.memory_space<hbm>>
        %dma_wait3A_274 = arith.constant 0 : i32
        %dma_wait3A_275 = arith.constant 0 : i32
        %dma_wait3A_276 = tpu.memref_slice %arg8[%dma_wait3A_274, %dma_wait3A_275] : memref<10000x256xf32, #tpu.memory_space<hbm>> -> memref<40x256xf32, #tpu.memory_space<hbm>>
        tpu.wait_dma2 semaphore(%arg27 : memref<!tpu.dma_semaphore, #tpu.memory_space<semaphore_mem>>) src(%dma_wait3A_276 : memref<40x256xf32, #tpu.memory_space<hbm>>) dst(%run_scoped3A : memref<40x256xf32, #tpu.memory_space<vmem>>)
        %dma_wait3A_277 = arith.constant 0 : i32
        %dma_wait3A_278 = arith.constant 0 : i32
        %dma_wait3A_279 = tpu.memref_slice %arg25[%dma_wait3A_277, %dma_wait3A_278] : memref<10240x128xf32, #tpu.memory_space<vmem_shared>> -> memref<10240x128xf32, #tpu.memory_space<vmem_shared>>
        tpu.wait_indirect_dma semaphore(%arg29 : memref<!tpu.dma_semaphore, #tpu.memory_space<semaphore_mem>>) src(%run_scoped3A_15 : memref<40x128xf32, #tpu.memory_space<vmem>>) dst(%dma_wait3A_279 : memref<10240x128xf32, #tpu.memory_space<vmem_shared>>)
        %get3A_280 = arith.constant 0 : index
        %get3A_281 = tpu.vector_load %run_scoped3A_19[%get3A_280] {strides = array<i32>} : memref<40xi32, #tpu.memory_space<vmem>>, vector<16xi32>,
        %swap3A_282 = arith.constant 0 : index
        %swap3A_283 = tpu.vector_load %run_scoped3A_23[%swap3A_282] {strides = array<i32>} : memref<40xi32, #tpu.memory_space<vmem>>, vector<16xi32>,
        tpu.vector_store %run_scoped3A_23[%swap3A_282], %get3A_281 {strides = array<i32>} : memref<40xi32, #tpu.memory_space<vmem>>, vector<16xi32>,
        %get3A_284 = arith.constant 16 : index
        %get3A_285 = tpu.vector_load %run_scoped3A_19[%get3A_284] {strides = array<i32>} : memref<40xi32, #tpu.memory_space<vmem>>, vector<16xi32>,
        %swap3A_286 = arith.constant 16 : index
        %swap3A_287 = tpu.vector_load %run_scoped3A_23[%swap3A_286] {strides = array<i32>} : memref<40xi32, #tpu.memory_space<vmem>>, vector<16xi32>,
        tpu.vector_store %run_scoped3A_23[%swap3A_286], %get3A_285 {strides = array<i32>} : memref<40xi32, #tpu.memory_space<vmem>>, vector<16xi32>,
        %add3A_288 = arith.constant 32 : i32
        %add3A_289 = vector.broadcast %add3A_288 : i32 to vector<16xi32>
        %add3A_290 = arith.addi %add3A_289, %iota3A : vector<16xi32>
        %min3A_291 = arith.constant 39 : i32
        %min3A_292 = vector.broadcast %min3A_291 : i32 to vector<16xi32>
        %min3A_293 = arith.minsi %add3A_290, %min3A_292 : vector<16xi32>
        %gather3A_294 = tpu.vector_load_idx %run_scoped3A_19[%min3A_293] : memref<40xi32, #tpu.memory_space<vmem>>[vector<16xi32>], vector<16xi32>,
        %add3A_295 = arith.constant 32 : i32
        %add3A_296 = vector.broadcast %add3A_295 : i32 to vector<16xi32>
        %add3A_297 = arith.addi %add3A_296, %iota3A : vector<16xi32>
        %lt3A_298 = arith.constant 8 : i32
        %lt3A_299 = vector.broadcast %lt3A_298 : i32 to vector<16xi32>
        %lt3A_300 = arith.cmpi slt, %iota3A, %lt3A_299 : vector<16xi32>
        tpu.vector_store_idx %run_scoped3A_23[%add3A_297], %gather3A_294 masked %lt3A_300 : memref<40xi32, #tpu.memory_space<vmem>>[vector<16xi32>], vector<16xi32>, vector<16xi1>
        %scan3A_301 = arith.constant 0 : i32
        %scan3A_302 = arith.constant 0 : i32
        %scan3A_303 = arith.constant 20 : i32
        %scan3A_304 = arith.addi %scan3A_302, %scan3A_303 : i32
        %scan3A_305 = arith.constant 1 : i32
        %scan3A_306 = scf.for %scan3A_408 = %scan3A_302 to %scan3A_304 step %scan3A_305 iter_args(%scan3A_409 = %scan3A_301) -> (i32)  : i32 {
          %mul3A_410 = arith.constant 2 : i32
          %mul3A_411 = arith.muli %scan3A_408, %mul3A_410 : i32
          %add3A_412 = arith.constant 0 : i32
          %add3A_413 = arith.addi %mul3A_411, %add3A_412 : i32
          %mul3A_414 = arith.constant 2 : i32
          %mul3A_415 = arith.muli %mul3A_414, %add3A_413 : i32
          %broadcast_in_dim3A_416 = vector.broadcast %mul3A_415 : i32 to vector<16xi32>
          %gather3A_417 = tpu.vector_load_idx %run_scoped3A_21[%broadcast_in_dim3A_416] : memref<80xf32, #tpu.memory_space<vmem>>[vector<16xi32>], vector<16xf32>,
          %mul3A_418 = arith.constant 2 : i32
          %mul3A_419 = arith.muli %mul3A_418, %add3A_413 : i32
          %add3A_420 = arith.constant 1 : i32
          %add3A_421 = arith.addi %mul3A_419, %add3A_420 : i32
          %broadcast_in_dim3A_422 = vector.broadcast %add3A_421 : i32 to vector<16xi32>
          %gather3A_423 = tpu.vector_load_idx %run_scoped3A_21[%broadcast_in_dim3A_422] : memref<80xf32, #tpu.memory_space<vmem>>[vector<16xi32>], vector<16xf32>,
          %get3A_424 = arith.index_cast %add3A_413 : i32 to index
          %get3A_425 = arith.constant 0 : index
          %get3A_426 = tpu.vector_load %run_scoped3A[%get3A_424, %get3A_425] {strides = array<i32>} : memref<40x256xf32, #tpu.memory_space<vmem>>, vector<16xf32>,
          %get3A_427 = arith.index_cast %add3A_413 : i32 to index
          %get3A_428 = arith.constant 128 : index
          %get3A_429 = tpu.vector_load %run_scoped3A[%get3A_427, %get3A_428] {strides = array<i32>} : memref<40x256xf32, #tpu.memory_space<vmem>>, vector<16xf32>,
          %mul3A_430 = arith.mulf %gather3A_417, %get3A_426 : vector<16xf32>
          %mul3A_431 = arith.mulf %gather3A_423, %get3A_429 : vector<16xf32>
          %add3A_432 = arith.addf %mul3A_430, %mul3A_431 : vector<16xf32>
          %swap3A_433 = arith.index_cast %add3A_413 : i32 to index
          %swap3A_434 = arith.constant 0 : index
          %swap3A_435 = tpu.vector_load %run_scoped3A_15[%swap3A_433, %swap3A_434] {strides = array<i32>} : memref<40x128xf32, #tpu.memory_space<vmem>>, vector<16xf32>,
          tpu.vector_store %run_scoped3A_15[%swap3A_433, %swap3A_434], %add3A_432 {strides = array<i32>} : memref<40x128xf32, #tpu.memory_space<vmem>>, vector<16xf32>,
          %get3A_436 = arith.index_cast %add3A_413 : i32 to index
          %get3A_437 = arith.constant 16 : index
          %get3A_438 = tpu.vector_load %run_scoped3A[%get3A_436, %get3A_437] {strides = array<i32>} : memref<40x256xf32, #tpu.memory_space<vmem>>, vector<16xf32>,
          %get3A_439 = arith.index_cast %add3A_413 : i32 to index
          %get3A_440 = arith.constant 144 : index
          %get3A_441 = tpu.vector_load %run_scoped3A[%get3A_439, %get3A_440] {strides = array<i32>} : memref<40x256xf32, #tpu.memory_space<vmem>>, vector<16xf32>,
          %mul3A_442 = arith.mulf %gather3A_417, %get3A_438 : vector<16xf32>
          %mul3A_443 = arith.mulf %gather3A_423, %get3A_441 : vector<16xf32>
          %add3A_444 = arith.addf %mul3A_442, %mul3A_443 : vector<16xf32>
          %swap3A_445 = arith.index_cast %add3A_413 : i32 to index
          %swap3A_446 = arith.constant 16 : index
          %swap3A_447 = tpu.vector_load %run_scoped3A_15[%swap3A_445, %swap3A_446] {strides = array<i32>} : memref<40x128xf32, #tpu.memory_space<vmem>>, vector<16xf32>,
          tpu.vector_store %run_scoped3A_15[%swap3A_445, %swap3A_446], %add3A_444 {strides = array<i32>} : memref<40x128xf32, #tpu.memory_space<vmem>>, vector<16xf32>,
          %get3A_448 = arith.index_cast %add3A_413 : i32 to index
          %get3A_449 = arith.constant 32 : index
          %get3A_450 = tpu.vector_load %run_scoped3A[%get3A_448, %get3A_449] {strides = array<i32>} : memref<40x256xf32, #tpu.memory_space<vmem>>, vector<16xf32>,
          %get3A_451 = arith.index_cast %add3A_413 : i32 to index
          %get3A_452 = arith.constant 160 : index
          %get3A_453 = tpu.vector_load %run_scoped3A[%get3A_451, %get3A_452] {strides = array<i32>} : memref<40x256xf32, #tpu.memory_space<vmem>>, vector<16xf32>,
          %mul3A_454 = arith.mulf %gather3A_417, %get3A_450 : vector<16xf32>
          %mul3A_455 = arith.mulf %gather3A_423, %get3A_453 : vector<16xf32>
          %add3A_456 = arith.addf %mul3A_454, %mul3A_455 : vector<16xf32>
          %swap3A_457 = arith.index_cast %add3A_413 : i32 to index
          %swap3A_458 = arith.constant 32 : index
          %swap3A_459 = tpu.vector_load %run_scoped3A_15[%swap3A_457, %swap3A_458] {strides = array<i32>} : memref<40x128xf32, #tpu.memory_space<vmem>>, vector<16xf32>,
          tpu.vector_store %run_scoped3A_15[%swap3A_457, %swap3A_458], %add3A_456 {strides = array<i32>} : memref<40x128xf32, #tpu.memory_space<vmem>>, vector<16xf32>,
          %get3A_460 = arith.index_cast %add3A_413 : i32 to index
          %get3A_461 = arith.constant 48 : index
          %get3A_462 = tpu.vector_load %run_scoped3A[%get3A_460, %get3A_461] {strides = array<i32>} : memref<40x256xf32, #tpu.memory_space<vmem>>, vector<16xf32>,
          %get3A_463 = arith.index_cast %add3A_413 : i32 to index
          %get3A_464 = arith.constant 176 : index
          %get3A_465 = tpu.vector_load %run_scoped3A[%get3A_463, %get3A_464] {strides = array<i32>} : memref<40x256xf32, #tpu.memory_space<vmem>>, vector<16xf32>,
          %mul3A_466 = arith.mulf %gather3A_417, %get3A_462 : vector<16xf32>
          %mul3A_467 = arith.mulf %gather3A_423, %get3A_465 : vector<16xf32>
          %add3A_468 = arith.addf %mul3A_466, %mul3A_467 : vector<16xf32>
          %swap3A_469 = arith.index_cast %add3A_413 : i32 to index
          %swap3A_470 = arith.constant 48 : index
          %swap3A_471 = tpu.vector_load %run_scoped3A_15[%swap3A_469, %swap3A_470] {strides = array<i32>} : memref<40x128xf32, #tpu.memory_space<vmem>>, vector<16xf32>,
          tpu.vector_store %run_scoped3A_15[%swap3A_469, %swap3A_470], %add3A_468 {strides = array<i32>} : memref<40x128xf32, #tpu.memory_space<vmem>>, vector<16xf32>,
          %get3A_472 = arith.index_cast %add3A_413 : i32 to index
          %get3A_473 = arith.constant 64 : index
          %get3A_474 = tpu.vector_load %run_scoped3A[%get3A_472, %get3A_473] {strides = array<i32>} : memref<40x256xf32, #tpu.memory_space<vmem>>, vector<16xf32>,
          %get3A_475 = arith.index_cast %add3A_413 : i32 to index
          %get3A_476 = arith.constant 192 : index
          %get3A_477 = tpu.vector_load %run_scoped3A[%get3A_475, %get3A_476] {strides = array<i32>} : memref<40x256xf32, #tpu.memory_space<vmem>>, vector<16xf32>,
          %mul3A_478 = arith.mulf %gather3A_417, %get3A_474 : vector<16xf32>
          %mul3A_479 = arith.mulf %gather3A_423, %get3A_477 : vector<16xf32>
          %add3A_480 = arith.addf %mul3A_478, %mul3A_479 : vector<16xf32>
          %swap3A_481 = arith.index_cast %add3A_413 : i32 to index
          %swap3A_482 = arith.constant 64 : index
          %swap3A_483 = tpu.vector_load %run_scoped3A_15[%swap3A_481, %swap3A_482] {strides = array<i32>} : memref<40x128xf32, #tpu.memory_space<vmem>>, vector<16xf32>,
          tpu.vector_store %run_scoped3A_15[%swap3A_481, %swap3A_482], %add3A_480 {strides = array<i32>} : memref<40x128xf32, #tpu.memory_space<vmem>>, vector<16xf32>,
          %get3A_484 = arith.index_cast %add3A_413 : i32 to index
          %get3A_485 = arith.constant 80 : index
          %get3A_486 = tpu.vector_load %run_scoped3A[%get3A_484, %get3A_485] {strides = array<i32>} : memref<40x256xf32, #tpu.memory_space<vmem>>, vector<16xf32>,
          %get3A_487 = arith.index_cast %add3A_413 : i32 to index
          %get3A_488 = arith.constant 208 : index
          %get3A_489 = tpu.vector_load %run_scoped3A[%get3A_487, %get3A_488] {strides = array<i32>} : memref<40x256xf32, #tpu.memory_space<vmem>>, vector<16xf32>,
          %mul3A_490 = arith.mulf %gather3A_417, %get3A_486 : vector<16xf32>
          %mul3A_491 = arith.mulf %gather3A_423, %get3A_489 : vector<16xf32>
          %add3A_492 = arith.addf %mul3A_490, %mul3A_491 : vector<16xf32>
          %swap3A_493 = arith.index_cast %add3A_413 : i32 to index
          %swap3A_494 = arith.constant 80 : index
          %swap3A_495 = tpu.vector_load %run_scoped3A_15[%swap3A_493, %swap3A_494] {strides = array<i32>} : memref<40x128xf32, #tpu.memory_space<vmem>>, vector<16xf32>,
          tpu.vector_store %run_scoped3A_15[%swap3A_493, %swap3A_494], %add3A_492 {strides = array<i32>} : memref<40x128xf32, #tpu.memory_space<vmem>>, vector<16xf32>,
          %get3A_496 = arith.index_cast %add3A_413 : i32 to index
          %get3A_497 = arith.constant 96 : index
          %get3A_498 = tpu.vector_load %run_scoped3A[%get3A_496, %get3A_497] {strides = array<i32>} : memref<40x256xf32, #tpu.memory_space<vmem>>, vector<16xf32>,
          %get3A_499 = arith.index_cast %add3A_413 : i32 to index
          %get3A_500 = arith.constant 224 : index
          %get3A_501 = tpu.vector_load %run_scoped3A[%get3A_499, %get3A_500] {strides = array<i32>} : memref<40x256xf32, #tpu.memory_space<vmem>>, vector<16xf32>,
          %mul3A_502 = arith.mulf %gather3A_417, %get3A_498 : vector<16xf32>
          %mul3A_503 = arith.mulf %gather3A_423, %get3A_501 : vector<16xf32>
          %add3A_504 = arith.addf %mul3A_502, %mul3A_503 : vector<16xf32>
          %swap3A_505 = arith.index_cast %add3A_413 : i32 to index
          %swap3A_506 = arith.constant 96 : index
          %swap3A_507 = tpu.vector_load %run_scoped3A_15[%swap3A_505, %swap3A_506] {strides = array<i32>} : memref<40x128xf32, #tpu.memory_space<vmem>>, vector<16xf32>,
          tpu.vector_store %run_scoped3A_15[%swap3A_505, %swap3A_506], %add3A_504 {strides = array<i32>} : memref<40x128xf32, #tpu.memory_space<vmem>>, vector<16xf32>,
          %get3A_508 = arith.index_cast %add3A_413 : i32 to index
          %get3A_509 = arith.constant 112 : index
          %get3A_510 = tpu.vector_load %run_scoped3A[%get3A_508, %get3A_509] {strides = array<i32>} : memref<40x256xf32, #tpu.memory_space<vmem>>, vector<16xf32>,
          %get3A_511 = arith.index_cast %add3A_413 : i32 to index
          %get3A_512 = arith.constant 240 : index
          %get3A_513 = tpu.vector_load %run_scoped3A[%get3A_511, %get3A_512] {strides = array<i32>} : memref<40x256xf32, #tpu.memory_space<vmem>>, vector<16xf32>,
          %mul3A_514 = arith.mulf %gather3A_417, %get3A_510 : vector<16xf32>
          %mul3A_515 = arith.mulf %gather3A_423, %get3A_513 : vector<16xf32>
          %add3A_516 = arith.addf %mul3A_514, %mul3A_515 : vector<16xf32>
          %swap3A_517 = arith.index_cast %add3A_413 : i32 to index
          %swap3A_518 = arith.constant 112 : index
          %swap3A_519 = tpu.vector_load %run_scoped3A_15[%swap3A_517, %swap3A_518] {strides = array<i32>} : memref<40x128xf32, #tpu.memory_space<vmem>>, vector<16xf32>,
          tpu.vector_store %run_scoped3A_15[%swap3A_517, %swap3A_518], %add3A_516 {strides = array<i32>} : memref<40x128xf32, #tpu.memory_space<vmem>>, vector<16xf32>,
          %mul3A_520 = arith.constant 2 : i32
          %mul3A_521 = arith.muli %scan3A_408, %mul3A_520 : i32
          %add3A_522 = arith.constant 1 : i32
          %add3A_523 = arith.addi %mul3A_521, %add3A_522 : i32
          %mul3A_524 = arith.constant 2 : i32
          %mul3A_525 = arith.muli %mul3A_524, %add3A_523 : i32
          %broadcast_in_dim3A_526 = vector.broadcast %mul3A_525 : i32 to vector<16xi32>
          %gather3A_527 = tpu.vector_load_idx %run_scoped3A_21[%broadcast_in_dim3A_526] : memref<80xf32, #tpu.memory_space<vmem>>[vector<16xi32>], vector<16xf32>,
          %mul3A_528 = arith.constant 2 : i32
          %mul3A_529 = arith.muli %mul3A_528, %add3A_523 : i32
          %add3A_530 = arith.constant 1 : i32
          %add3A_531 = arith.addi %mul3A_529, %add3A_530 : i32
          %broadcast_in_dim3A_532 = vector.broadcast %add3A_531 : i32 to vector<16xi32>
          %gather3A_533 = tpu.vector_load_idx %run_scoped3A_21[%broadcast_in_dim3A_532] : memref<80xf32, #tpu.memory_space<vmem>>[vector<16xi32>], vector<16xf32>,
          %get3A_534 = arith.index_cast %add3A_523 : i32 to index
          %get3A_535 = arith.constant 0 : index
          %get3A_536 = tpu.vector_load %run_scoped3A[%get3A_534, %get3A_535] {strides = array<i32>} : memref<40x256xf32, #tpu.memory_space<vmem>>, vector<16xf32>,
          %get3A_537 = arith.index_cast %add3A_523 : i32 to index
          %get3A_538 = arith.constant 128 : index
          %get3A_539 = tpu.vector_load %run_scoped3A[%get3A_537, %get3A_538] {strides = array<i32>} : memref<40x256xf32, #tpu.memory_space<vmem>>, vector<16xf32>,
          %mul3A_540 = arith.mulf %gather3A_527, %get3A_536 : vector<16xf32>
          %mul3A_541 = arith.mulf %gather3A_533, %get3A_539 : vector<16xf32>
          %add3A_542 = arith.addf %mul3A_540, %mul3A_541 : vector<16xf32>
          %swap3A_543 = arith.index_cast %add3A_523 : i32 to index
          %swap3A_544 = arith.constant 0 : index
          %swap3A_545 = tpu.vector_load %run_scoped3A_15[%swap3A_543, %swap3A_544] {strides = array<i32>} : memref<40x128xf32, #tpu.memory_space<vmem>>, vector<16xf32>,
          tpu.vector_store %run_scoped3A_15[%swap3A_543, %swap3A_544], %add3A_542 {strides = array<i32>} : memref<40x128xf32, #tpu.memory_space<vmem>>, vector<16xf32>,
          %get3A_546 = arith.index_cast %add3A_523 : i32 to index
          %get3A_547 = arith.constant 16 : index
          %get3A_548 = tpu.vector_load %run_scoped3A[%get3A_546, %get3A_547] {strides = array<i32>} : memref<40x256xf32, #tpu.memory_space<vmem>>, vector<16xf32>,
          %get3A_549 = arith.index_cast %add3A_523 : i32 to index
          %get3A_550 = arith.constant 144 : index
          %get3A_551 = tpu.vector_load %run_scoped3A[%get3A_549, %get3A_550] {strides = array<i32>} : memref<40x256xf32, #tpu.memory_space<vmem>>, vector<16xf32>,
          %mul3A_552 = arith.mulf %gather3A_527, %get3A_548 : vector<16xf32>
          %mul3A_553 = arith.mulf %gather3A_533, %get3A_551 : vector<16xf32>
          %add3A_554 = arith.addf %mul3A_552, %mul3A_553 : vector<16xf32>
          %swap3A_555 = arith.index_cast %add3A_523 : i32 to index
          %swap3A_556 = arith.constant 16 : index
          %swap3A_557 = tpu.vector_load %run_scoped3A_15[%swap3A_555, %swap3A_556] {strides = array<i32>} : memref<40x128xf32, #tpu.memory_space<vmem>>, vector<16xf32>,
          tpu.vector_store %run_scoped3A_15[%swap3A_555, %swap3A_556], %add3A_554 {strides = array<i32>} : memref<40x128xf32, #tpu.memory_space<vmem>>, vector<16xf32>,
          %get3A_558 = arith.index_cast %add3A_523 : i32 to index
          %get3A_559 = arith.constant 32 : index
          %get3A_560 = tpu.vector_load %run_scoped3A[%get3A_558, %get3A_559] {strides = array<i32>} : memref<40x256xf32, #tpu.memory_space<vmem>>, vector<16xf32>,
          %get3A_561 = arith.index_cast %add3A_523 : i32 to index
          %get3A_562 = arith.constant 160 : index
          %get3A_563 = tpu.vector_load %run_scoped3A[%get3A_561, %get3A_562] {strides = array<i32>} : memref<40x256xf32, #tpu.memory_space<vmem>>, vector<16xf32>,
          %mul3A_564 = arith.mulf %gather3A_527, %get3A_560 : vector<16xf32>
          %mul3A_565 = arith.mulf %gather3A_533, %get3A_563 : vector<16xf32>
          %add3A_566 = arith.addf %mul3A_564, %mul3A_565 : vector<16xf32>
          %swap3A_567 = arith.index_cast %add3A_523 : i32 to index
          %swap3A_568 = arith.constant 32 : index
          %swap3A_569 = tpu.vector_load %run_scoped3A_15[%swap3A_567, %swap3A_568] {strides = array<i32>} : memref<40x128xf32, #tpu.memory_space<vmem>>, vector<16xf32>,
          tpu.vector_store %run_scoped3A_15[%swap3A_567, %swap3A_568], %add3A_566 {strides = array<i32>} : memref<40x128xf32, #tpu.memory_space<vmem>>, vector<16xf32>,
          %get3A_570 = arith.index_cast %add3A_523 : i32 to index
          %get3A_571 = arith.constant 48 : index
          %get3A_572 = tpu.vector_load %run_scoped3A[%get3A_570, %get3A_571] {strides = array<i32>} : memref<40x256xf32, #tpu.memory_space<vmem>>, vector<16xf32>,
          %get3A_573 = arith.index_cast %add3A_523 : i32 to index
          %get3A_574 = arith.constant 176 : index
          %get3A_575 = tpu.vector_load %run_scoped3A[%get3A_573, %get3A_574] {strides = array<i32>} : memref<40x256xf32, #tpu.memory_space<vmem>>, vector<16xf32>,
          %mul3A_576 = arith.mulf %gather3A_527, %get3A_572 : vector<16xf32>
          %mul3A_577 = arith.mulf %gather3A_533, %get3A_575 : vector<16xf32>
          %add3A_578 = arith.addf %mul3A_576, %mul3A_577 : vector<16xf32>
          %swap3A_579 = arith.index_cast %add3A_523 : i32 to index
          %swap3A_580 = arith.constant 48 : index
          %swap3A_581 = tpu.vector_load %run_scoped3A_15[%swap3A_579, %swap3A_580] {strides = array<i32>} : memref<40x128xf32, #tpu.memory_space<vmem>>, vector<16xf32>,
          tpu.vector_store %run_scoped3A_15[%swap3A_579, %swap3A_580], %add3A_578 {strides = array<i32>} : memref<40x128xf32, #tpu.memory_space<vmem>>, vector<16xf32>,
          %get3A_582 = arith.index_cast %add3A_523 : i32 to index
          %get3A_583 = arith.constant 64 : index
          %get3A_584 = tpu.vector_load %run_scoped3A[%get3A_582, %get3A_583] {strides = array<i32>} : memref<40x256xf32, #tpu.memory_space<vmem>>, vector<16xf32>,
          %get3A_585 = arith.index_cast %add3A_523 : i32 to index
          %get3A_586 = arith.constant 192 : index
          %get3A_587 = tpu.vector_load %run_scoped3A[%get3A_585, %get3A_586] {strides = array<i32>} : memref<40x256xf32, #tpu.memory_space<vmem>>, vector<16xf32>,
          %mul3A_588 = arith.mulf %gather3A_527, %get3A_584 : vector<16xf32>
          %mul3A_589 = arith.mulf %gather3A_533, %get3A_587 : vector<16xf32>
          %add3A_590 = arith.addf %mul3A_588, %mul3A_589 : vector<16xf32>
          %swap3A_591 = arith.index_cast %add3A_523 : i32 to index
          %swap3A_592 = arith.constant 64 : index
          %swap3A_593 = tpu.vector_load %run_scoped3A_15[%swap3A_591, %swap3A_592] {strides = array<i32>} : memref<40x128xf32, #tpu.memory_space<vmem>>, vector<16xf32>,
          tpu.vector_store %run_scoped3A_15[%swap3A_591, %swap3A_592], %add3A_590 {strides = array<i32>} : memref<40x128xf32, #tpu.memory_space<vmem>>, vector<16xf32>,
          %get3A_594 = arith.index_cast %add3A_523 : i32 to index
          %get3A_595 = arith.constant 80 : index
          %get3A_596 = tpu.vector_load %run_scoped3A[%get3A_594, %get3A_595] {strides = array<i32>} : memref<40x256xf32, #tpu.memory_space<vmem>>, vector<16xf32>,
          %get3A_597 = arith.index_cast %add3A_523 : i32 to index
          %get3A_598 = arith.constant 208 : index
          %get3A_599 = tpu.vector_load %run_scoped3A[%get3A_597, %get3A_598] {strides = array<i32>} : memref<40x256xf32, #tpu.memory_space<vmem>>, vector<16xf32>,
          %mul3A_600 = arith.mulf %gather3A_527, %get3A_596 : vector<16xf32>
          %mul3A_601 = arith.mulf %gather3A_533, %get3A_599 : vector<16xf32>
          %add3A_602 = arith.addf %mul3A_600, %mul3A_601 : vector<16xf32>
          %swap3A_603 = arith.index_cast %add3A_523 : i32 to index
          %swap3A_604 = arith.constant 80 : index
          %swap3A_605 = tpu.vector_load %run_scoped3A_15[%swap3A_603, %swap3A_604] {strides = array<i32>} : memref<40x128xf32, #tpu.memory_space<vmem>>, vector<16xf32>,
          tpu.vector_store %run_scoped3A_15[%swap3A_603, %swap3A_604], %add3A_602 {strides = array<i32>} : memref<40x128xf32, #tpu.memory_space<vmem>>, vector<16xf32>,
          %get3A_606 = arith.index_cast %add3A_523 : i32 to index
          %get3A_607 = arith.constant 96 : index
          %get3A_608 = tpu.vector_load %run_scoped3A[%get3A_606, %get3A_607] {strides = array<i32>} : memref<40x256xf32, #tpu.memory_space<vmem>>, vector<16xf32>,
          %get3A_609 = arith.index_cast %add3A_523 : i32 to index
          %get3A_610 = arith.constant 224 : index
          %get3A_611 = tpu.vector_load %run_scoped3A[%get3A_609, %get3A_610] {strides = array<i32>} : memref<40x256xf32, #tpu.memory_space<vmem>>, vector<16xf32>,
          %mul3A_612 = arith.mulf %gather3A_527, %get3A_608 : vector<16xf32>
          %mul3A_613 = arith.mulf %gather3A_533, %get3A_611 : vector<16xf32>
          %add3A_614 = arith.addf %mul3A_612, %mul3A_613 : vector<16xf32>
          %swap3A_615 = arith.index_cast %add3A_523 : i32 to index
          %swap3A_616 = arith.constant 96 : index
          %swap3A_617 = tpu.vector_load %run_scoped3A_15[%swap3A_615, %swap3A_616] {strides = array<i32>} : memref<40x128xf32, #tpu.memory_space<vmem>>, vector<16xf32>,
          tpu.vector_store %run_scoped3A_15[%swap3A_615, %swap3A_616], %add3A_614 {strides = array<i32>} : memref<40x128xf32, #tpu.memory_space<vmem>>, vector<16xf32>,
          %get3A_618 = arith.index_cast %add3A_523 : i32 to index
          %get3A_619 = arith.constant 112 : index
          %get3A_620 = tpu.vector_load %run_scoped3A[%get3A_618, %get3A_619] {strides = array<i32>} : memref<40x256xf32, #tpu.memory_space<vmem>>, vector<16xf32>,
          %get3A_621 = arith.index_cast %add3A_523 : i32 to index
          %get3A_622 = arith.constant 240 : index
          %get3A_623 = tpu.vector_load %run_scoped3A[%get3A_621, %get3A_622] {strides = array<i32>} : memref<40x256xf32, #tpu.memory_space<vmem>>, vector<16xf32>,
          %mul3A_624 = arith.mulf %gather3A_527, %get3A_620 : vector<16xf32>
          %mul3A_625 = arith.mulf %gather3A_533, %get3A_623 : vector<16xf32>
          %add3A_626 = arith.addf %mul3A_624, %mul3A_625 : vector<16xf32>
          %swap3A_627 = arith.index_cast %add3A_523 : i32 to index
          %swap3A_628 = arith.constant 112 : index
          %swap3A_629 = tpu.vector_load %run_scoped3A_15[%swap3A_627, %swap3A_628] {strides = array<i32>} : memref<40x128xf32, #tpu.memory_space<vmem>>, vector<16xf32>,
          tpu.vector_store %run_scoped3A_15[%swap3A_627, %swap3A_628], %add3A_626 {strides = array<i32>} : memref<40x128xf32, #tpu.memory_space<vmem>>, vector<16xf32>,
          %scan3A_630 = arith.constant 0 : i32
          scf.yield %scan3A_630 : i32
        }
        %scan3A_307 = arith.constant 20 : i32
        %dma_start3A_308 = arith.constant 0 : i32
        %dma_start3A_309 = arith.constant 0 : i32
        %dma_start3A_310 = tpu.memref_slice %arg25[%dma_start3A_308, %dma_start3A_309] : memref<10240x128xf32, #tpu.memory_space<vmem_shared>> -> memref<10240x128xf32, #tpu.memory_space<vmem_shared>>
        tpu.enqueue_indirect_dma source(%run_scoped3A_15 : memref<40x128xf32, #tpu.memory_space<vmem>>) target(%dma_start3A_310 : memref<10240x128xf32, #tpu.memory_space<vmem_shared>>) offsets(%run_scoped3A_23 : memref<40xi32, #tpu.memory_space<vmem>>) semaphore(%arg29 : memref<!tpu.dma_semaphore, #tpu.memory_space<semaphore_mem>>) {add = true}
        %mul3A_311 = arith.constant 2 : i32
        %mul3A_312 = arith.muli %mul3A_311, %scan3A_269 : i32
        %add3A_313 = arith.constant 4 : i32
        %add3A_314 = arith.addi %mul3A_312, %add3A_313 : i32
        %add3A_315 = arith.constant 0 : i32
        %add3A_316 = arith.addi %add3A_314, %add3A_315 : i32
        %mul3A_317 = arith.constant 10000 : i32
        %mul3A_318 = arith.muli %add3A, %mul3A_317 : i32
        %mul3A_319 = arith.constant 40 : i32
        %mul3A_320 = arith.muli %add3A_316, %mul3A_319 : i32
        %add3A_321 = arith.addi %mul3A_318, %mul3A_320 : i32
        %dma_start3A_322 = tpu.memref_slice %arg2[%add3A_321] : memref<320000xi32, #tpu.memory_space<hbm>> -> memref<40xi32, #tpu.memory_space<hbm>>
        %dma_start3A_323 = tpu.memref_slice %arg2[%add3A_321] : memref<320000xi32, #tpu.memory_space<hbm>> -> memref<40xi32, #tpu.memory_space<hbm>>
        tpu.enqueue_dma source(%dma_start3A_323 : memref<40xi32, #tpu.memory_space<hbm>>) target(%run_scoped3A_17 : memref<40xi32, #tpu.memory_space<vmem>>) target_semaphore(%arg26 : memref<!tpu.dma_semaphore, #tpu.memory_space<semaphore_mem>>)
        %dma_start3A_324 = tpu.memref_slice %arg3[%add3A_321] : memref<320000xi32, #tpu.memory_space<hbm>> -> memref<40xi32, #tpu.memory_space<hbm>>
        %dma_start3A_325 = tpu.memref_slice %arg3[%add3A_321] : memref<320000xi32, #tpu.memory_space<hbm>> -> memref<40xi32, #tpu.memory_space<hbm>>
        tpu.enqueue_dma source(%dma_start3A_325 : memref<40xi32, #tpu.memory_space<hbm>>) target(%run_scoped3A_19 : memref<40xi32, #tpu.memory_space<vmem>>) target_semaphore(%arg26 : memref<!tpu.dma_semaphore, #tpu.memory_space<semaphore_mem>>)
        %mul3A_326 = arith.constant 2 : i32
        %mul3A_327 = arith.muli %mul3A_326, %add3A_321 : i32
        %dma_start3A_328 = tpu.memref_slice %arg9[%mul3A_327] : memref<640000xf32, #tpu.memory_space<hbm>> -> memref<80xf32, #tpu.memory_space<hbm>>
        %dma_start3A_329 = tpu.memref_slice %arg9[%mul3A_327] : memref<640000xf32, #tpu.memory_space<hbm>> -> memref<80xf32, #tpu.memory_space<hbm>>
        tpu.enqueue_dma source(%dma_start3A_329 : memref<80xf32, #tpu.memory_space<hbm>>) target(%run_scoped3A_21 : memref<80xf32, #tpu.memory_space<vmem>>) target_semaphore(%arg26 : memref<!tpu.dma_semaphore, #tpu.memory_space<semaphore_mem>>)
        %dma_wait3A_330 = tpu.memref_slice %arg2[%add3A_321] : memref<320000xi32, #tpu.memory_space<hbm>> -> memref<40xi32, #tpu.memory_space<hbm>>
        %dma_wait3A_331 = tpu.memref_slice %arg2[%add3A_321] : memref<320000xi32, #tpu.memory_space<hbm>> -> memref<40xi32, #tpu.memory_space<hbm>>
        tpu.wait_dma2 semaphore(%arg26 : memref<!tpu.dma_semaphore, #tpu.memory_space<semaphore_mem>>) src(%dma_wait3A_331 : memref<40xi32, #tpu.memory_space<hbm>>) dst(%run_scoped3A_17 : memref<40xi32, #tpu.memory_space<vmem>>)
        %dma_wait3A_332 = tpu.memref_slice %arg3[%add3A_321] : memref<320000xi32, #tpu.memory_space<hbm>> -> memref<40xi32, #tpu.memory_space<hbm>>
        %dma_wait3A_333 = tpu.memref_slice %arg3[%add3A_321] : memref<320000xi32, #tpu.memory_space<hbm>> -> memref<40xi32, #tpu.memory_space<hbm>>
        tpu.wait_dma2 semaphore(%arg26 : memref<!tpu.dma_semaphore, #tpu.memory_space<semaphore_mem>>) src(%dma_wait3A_333 : memref<40xi32, #tpu.memory_space<hbm>>) dst(%run_scoped3A_19 : memref<40xi32, #tpu.memory_space<vmem>>)
        %dma_wait3A_334 = tpu.memref_slice %arg9[%mul3A_327] : memref<640000xf32, #tpu.memory_space<hbm>> -> memref<80xf32, #tpu.memory_space<hbm>>
        %dma_wait3A_335 = tpu.memref_slice %arg9[%mul3A_327] : memref<640000xf32, #tpu.memory_space<hbm>> -> memref<80xf32, #tpu.memory_space<hbm>>
        tpu.wait_dma2 semaphore(%arg26 : memref<!tpu.dma_semaphore, #tpu.memory_space<semaphore_mem>>) src(%dma_wait3A_335 : memref<80xf32, #tpu.memory_space<hbm>>) dst(%run_scoped3A_21 : memref<80xf32, #tpu.memory_space<vmem>>)
        %dma_start3A_336 = arith.constant 0 : i32
        %dma_start3A_337 = arith.constant 0 : i32
        %dma_start3A_338 = tpu.memref_slice %arg8[%dma_start3A_336, %dma_start3A_337] : memref<10000x256xf32, #tpu.memory_space<hbm>> -> memref<10000x256xf32, #tpu.memory_space<hbm>>
        tpu.enqueue_indirect_dma source(%dma_start3A_338 : memref<10000x256xf32, #tpu.memory_space<hbm>>) target(%run_scoped3A : memref<40x256xf32, #tpu.memory_space<vmem>>) offsets(%run_scoped3A_17 : memref<40xi32, #tpu.memory_space<vmem>>) semaphore(%arg27 : memref<!tpu.dma_semaphore, #tpu.memory_space<semaphore_mem>>)
        %dma_wait3A_339 = arith.constant 0 : i32
        %dma_wait3A_340 = arith.constant 0 : i32
        %dma_wait3A_341 = tpu.memref_slice %arg8[%dma_wait3A_339, %dma_wait3A_340] : memref<10000x256xf32, #tpu.memory_space<hbm>> -> memref<40x256xf32, #tpu.memory_space<hbm>>
        %dma_wait3A_342 = arith.constant 0 : i32
        %dma_wait3A_343 = arith.constant 0 : i32
        %dma_wait3A_344 = tpu.memref_slice %arg8[%dma_wait3A_342, %dma_wait3A_343] : memref<10000x256xf32, #tpu.memory_space<hbm>> -> memref<40x256xf32, #tpu.memory_space<hbm>>
        tpu.wait_dma2 semaphore(%arg28 : memref<!tpu.dma_semaphore, #tpu.memory_space<semaphore_mem>>) src(%dma_wait3A_344 : memref<40x256xf32, #tpu.memory_space<hbm>>) dst(%run_scoped3A_14 : memref<40x256xf32, #tpu.memory_space<vmem>>)
        %dma_wait3A_345 = arith.constant 0 : i32
        %dma_wait3A_346 = arith.constant 0 : i32
        %dma_wait3A_347 = tpu.memref_slice %arg25[%dma_wait3A_345, %dma_wait3A_346] : memref<10240x128xf32, #tpu.memory_space<vmem_shared>> -> memref<10240x128xf32, #tpu.memory_space<vmem_shared>>
        tpu.wait_indirect_dma semaphore(%arg30 : memref<!tpu.dma_semaphore, #tpu.memory_space<semaphore_mem>>) src(%run_scoped3A_16 : memref<40x128xf32, #tpu.memory_space<vmem>>) dst(%dma_wait3A_347 : memref<10240x128xf32, #tpu.memory_space<vmem_shared>>)
        %get3A_348 = arith.constant 0 : index
        %get3A_349 = tpu.vector_load %run_scoped3A_20[%get3A_348] {strides = array<i32>} : memref<40xi32, #tpu.memory_space<vmem>>, vector<16xi32>,
        %swap3A_350 = arith.constant 0 : index
        %swap3A_351 = tpu.vector_load %run_scoped3A_24[%swap3A_350] {strides = array<i32>} : memref<40xi32, #tpu.memory_space<vmem>>, vector<16xi32>,
        tpu.vector_store %run_scoped3A_24[%swap3A_350], %get3A_349 {strides = array<i32>} : memref<40xi32, #tpu.memory_space<vmem>>, vector<16xi32>,
        %get3A_352 = arith.constant 16 : index
        %get3A_353 = tpu.vector_load %run_scoped3A_20[%get3A_352] {strides = array<i32>} : memref<40xi32, #tpu.memory_space<vmem>>, vector<16xi32>,
        %swap3A_354 = arith.constant 16 : index
        %swap3A_355 = tpu.vector_load %run_scoped3A_24[%swap3A_354] {strides = array<i32>} : memref<40xi32, #tpu.memory_space<vmem>>, vector<16xi32>,
        tpu.vector_store %run_scoped3A_24[%swap3A_354], %get3A_353 {strides = array<i32>} : memref<40xi32, #tpu.memory_space<vmem>>, vector<16xi32>,
        %add3A_356 = arith.constant 32 : i32
        %add3A_357 = vector.broadcast %add3A_356 : i32 to vector<16xi32>
        %add3A_358 = arith.addi %add3A_357, %iota3A : vector<16xi32>
        %min3A_359 = arith.constant 39 : i32
        %min3A_360 = vector.broadcast %min3A_359 : i32 to vector<16xi32>
        %min3A_361 = arith.minsi %add3A_358, %min3A_360 : vector<16xi32>
        %gather3A_362 = tpu.vector_load_idx %run_scoped3A_20[%min3A_361] : memref<40xi32, #tpu.memory_space<vmem>>[vector<16xi32>], vector<16xi32>,
        %add3A_363 = arith.constant 32 : i32
        %add3A_364 = vector.broadcast %add3A_363 : i32 to vector<16xi32>
        %add3A_365 = arith.addi %add3A_364, %iota3A : vector<16xi32>
        %lt3A_366 = arith.constant 8 : i32
        %lt3A_367 = vector.broadcast %lt3A_366 : i32 to vector<16xi32>
        %lt3A_368 = arith.cmpi slt, %iota3A, %lt3A_367 : vector<16xi32>
        tpu.vector_store_idx %run_scoped3A_24[%add3A_365], %gather3A_362 masked %lt3A_368 : memref<40xi32, #tpu.memory_space<vmem>>[vector<16xi32>], vector<16xi32>, vector<16xi1>
        %scan3A_369 = arith.constant 0 : i32
        %scan3A_370 = arith.constant 0 : i32
        %scan3A_371 = arith.constant 20 : i32
        %scan3A_372 = arith.addi %scan3A_370, %scan3A_371 : i32
        %scan3A_373 = arith.constant 1 : i32
        %scan3A_374 = scf.for %scan3A_408 = %scan3A_370 to %scan3A_372 step %scan3A_373 iter_args(%scan3A_409 = %scan3A_369) -> (i32)  : i32 {
          %mul3A_410 = arith.constant 2 : i32
          %mul3A_411 = arith.muli %scan3A_408, %mul3A_410 : i32
          %add3A_412 = arith.constant 0 : i32
          %add3A_413 = arith.addi %mul3A_411, %add3A_412 : i32
          %mul3A_414 = arith.constant 2 : i32
          %mul3A_415 = arith.muli %mul3A_414, %add3A_413 : i32
          %broadcast_in_dim3A_416 = vector.broadcast %mul3A_415 : i32 to vector<16xi32>
          %gather3A_417 = tpu.vector_load_idx %run_scoped3A_22[%broadcast_in_dim3A_416] : memref<80xf32, #tpu.memory_space<vmem>>[vector<16xi32>], vector<16xf32>,
          %mul3A_418 = arith.constant 2 : i32
          %mul3A_419 = arith.muli %mul3A_418, %add3A_413 : i32
          %add3A_420 = arith.constant 1 : i32
          %add3A_421 = arith.addi %mul3A_419, %add3A_420 : i32
          %broadcast_in_dim3A_422 = vector.broadcast %add3A_421 : i32 to vector<16xi32>
          %gather3A_423 = tpu.vector_load_idx %run_scoped3A_22[%broadcast_in_dim3A_422] : memref<80xf32, #tpu.memory_space<vmem>>[vector<16xi32>], vector<16xf32>,
          %get3A_424 = arith.index_cast %add3A_413 : i32 to index
          %get3A_425 = arith.constant 0 : index
          %get3A_426 = tpu.vector_load %run_scoped3A_14[%get3A_424, %get3A_425] {strides = array<i32>} : memref<40x256xf32, #tpu.memory_space<vmem>>, vector<16xf32>,
          %get3A_427 = arith.index_cast %add3A_413 : i32 to index
          %get3A_428 = arith.constant 128 : index
          %get3A_429 = tpu.vector_load %run_scoped3A_14[%get3A_427, %get3A_428] {strides = array<i32>} : memref<40x256xf32, #tpu.memory_space<vmem>>, vector<16xf32>,
          %mul3A_430 = arith.mulf %gather3A_417, %get3A_426 : vector<16xf32>
          %mul3A_431 = arith.mulf %gather3A_423, %get3A_429 : vector<16xf32>
          %add3A_432 = arith.addf %mul3A_430, %mul3A_431 : vector<16xf32>
          %swap3A_433 = arith.index_cast %add3A_413 : i32 to index
          %swap3A_434 = arith.constant 0 : index
          %swap3A_435 = tpu.vector_load %run_scoped3A_16[%swap3A_433, %swap3A_434] {strides = array<i32>} : memref<40x128xf32, #tpu.memory_space<vmem>>, vector<16xf32>,
          tpu.vector_store %run_scoped3A_16[%swap3A_433, %swap3A_434], %add3A_432 {strides = array<i32>} : memref<40x128xf32, #tpu.memory_space<vmem>>, vector<16xf32>,
          %get3A_436 = arith.index_cast %add3A_413 : i32 to index
          %get3A_437 = arith.constant 16 : index
          %get3A_438 = tpu.vector_load %run_scoped3A_14[%get3A_436, %get3A_437] {strides = array<i32>} : memref<40x256xf32, #tpu.memory_space<vmem>>, vector<16xf32>,
          %get3A_439 = arith.index_cast %add3A_413 : i32 to index
          %get3A_440 = arith.constant 144 : index
          %get3A_441 = tpu.vector_load %run_scoped3A_14[%get3A_439, %get3A_440] {strides = array<i32>} : memref<40x256xf32, #tpu.memory_space<vmem>>, vector<16xf32>,
          %mul3A_442 = arith.mulf %gather3A_417, %get3A_438 : vector<16xf32>
          %mul3A_443 = arith.mulf %gather3A_423, %get3A_441 : vector<16xf32>
          %add3A_444 = arith.addf %mul3A_442, %mul3A_443 : vector<16xf32>
          %swap3A_445 = arith.index_cast %add3A_413 : i32 to index
          %swap3A_446 = arith.constant 16 : index
          %swap3A_447 = tpu.vector_load %run_scoped3A_16[%swap3A_445, %swap3A_446] {strides = array<i32>} : memref<40x128xf32, #tpu.memory_space<vmem>>, vector<16xf32>,
          tpu.vector_store %run_scoped3A_16[%swap3A_445, %swap3A_446], %add3A_444 {strides = array<i32>} : memref<40x128xf32, #tpu.memory_space<vmem>>, vector<16xf32>,
          %get3A_448 = arith.index_cast %add3A_413 : i32 to index
          %get3A_449 = arith.constant 32 : index
          %get3A_450 = tpu.vector_load %run_scoped3A_14[%get3A_448, %get3A_449] {strides = array<i32>} : memref<40x256xf32, #tpu.memory_space<vmem>>, vector<16xf32>,
          %get3A_451 = arith.index_cast %add3A_413 : i32 to index
          %get3A_452 = arith.constant 160 : index
          %get3A_453 = tpu.vector_load %run_scoped3A_14[%get3A_451, %get3A_452] {strides = array<i32>} : memref<40x256xf32, #tpu.memory_space<vmem>>, vector<16xf32>,
          %mul3A_454 = arith.mulf %gather3A_417, %get3A_450 : vector<16xf32>
          %mul3A_455 = arith.mulf %gather3A_423, %get3A_453 : vector<16xf32>
          %add3A_456 = arith.addf %mul3A_454, %mul3A_455 : vector<16xf32>
          %swap3A_457 = arith.index_cast %add3A_413 : i32 to index
          %swap3A_458 = arith.constant 32 : index
          %swap3A_459 = tpu.vector_load %run_scoped3A_16[%swap3A_457, %swap3A_458] {strides = array<i32>} : memref<40x128xf32, #tpu.memory_space<vmem>>, vector<16xf32>,
          tpu.vector_store %run_scoped3A_16[%swap3A_457, %swap3A_458], %add3A_456 {strides = array<i32>} : memref<40x128xf32, #tpu.memory_space<vmem>>, vector<16xf32>,
          %get3A_460 = arith.index_cast %add3A_413 : i32 to index
          %get3A_461 = arith.constant 48 : index
          %get3A_462 = tpu.vector_load %run_scoped3A_14[%get3A_460, %get3A_461] {strides = array<i32>} : memref<40x256xf32, #tpu.memory_space<vmem>>, vector<16xf32>,
          %get3A_463 = arith.index_cast %add3A_413 : i32 to index
          %get3A_464 = arith.constant 176 : index
          %get3A_465 = tpu.vector_load %run_scoped3A_14[%get3A_463, %get3A_464] {strides = array<i32>} : memref<40x256xf32, #tpu.memory_space<vmem>>, vector<16xf32>,
          %mul3A_466 = arith.mulf %gather3A_417, %get3A_462 : vector<16xf32>
          %mul3A_467 = arith.mulf %gather3A_423, %get3A_465 : vector<16xf32>
          %add3A_468 = arith.addf %mul3A_466, %mul3A_467 : vector<16xf32>
          %swap3A_469 = arith.index_cast %add3A_413 : i32 to index
          %swap3A_470 = arith.constant 48 : index
          %swap3A_471 = tpu.vector_load %run_scoped3A_16[%swap3A_469, %swap3A_470] {strides = array<i32>} : memref<40x128xf32, #tpu.memory_space<vmem>>, vector<16xf32>,
          tpu.vector_store %run_scoped3A_16[%swap3A_469, %swap3A_470], %add3A_468 {strides = array<i32>} : memref<40x128xf32, #tpu.memory_space<vmem>>, vector<16xf32>,
          %get3A_472 = arith.index_cast %add3A_413 : i32 to index
          %get3A_473 = arith.constant 64 : index
          %get3A_474 = tpu.vector_load %run_scoped3A_14[%get3A_472, %get3A_473] {strides = array<i32>} : memref<40x256xf32, #tpu.memory_space<vmem>>, vector<16xf32>,
          %get3A_475 = arith.index_cast %add3A_413 : i32 to index
          %get3A_476 = arith.constant 192 : index
          %get3A_477 = tpu.vector_load %run_scoped3A_14[%get3A_475, %get3A_476] {strides = array<i32>} : memref<40x256xf32, #tpu.memory_space<vmem>>, vector<16xf32>,
          %mul3A_478 = arith.mulf %gather3A_417, %get3A_474 : vector<16xf32>
          %mul3A_479 = arith.mulf %gather3A_423, %get3A_477 : vector<16xf32>
          %add3A_480 = arith.addf %mul3A_478, %mul3A_479 : vector<16xf32>
          %swap3A_481 = arith.index_cast %add3A_413 : i32 to index
          %swap3A_482 = arith.constant 64 : index
          %swap3A_483 = tpu.vector_load %run_scoped3A_16[%swap3A_481, %swap3A_482] {strides = array<i32>} : memref<40x128xf32, #tpu.memory_space<vmem>>, vector<16xf32>,
          tpu.vector_store %run_scoped3A_16[%swap3A_481, %swap3A_482], %add3A_480 {strides = array<i32>} : memref<40x128xf32, #tpu.memory_space<vmem>>, vector<16xf32>,
          %get3A_484 = arith.index_cast %add3A_413 : i32 to index
          %get3A_485 = arith.constant 80 : index
          %get3A_486 = tpu.vector_load %run_scoped3A_14[%get3A_484, %get3A_485] {strides = array<i32>} : memref<40x256xf32, #tpu.memory_space<vmem>>, vector<16xf32>,
          %get3A_487 = arith.index_cast %add3A_413 : i32 to index
          %get3A_488 = arith.constant 208 : index
          %get3A_489 = tpu.vector_load %run_scoped3A_14[%get3A_487, %get3A_488] {strides = array<i32>} : memref<40x256xf32, #tpu.memory_space<vmem>>, vector<16xf32>,
          %mul3A_490 = arith.mulf %gather3A_417, %get3A_486 : vector<16xf32>
          %mul3A_491 = arith.mulf %gather3A_423, %get3A_489 : vector<16xf32>
          %add3A_492 = arith.addf %mul3A_490, %mul3A_491 : vector<16xf32>
          %swap3A_493 = arith.index_cast %add3A_413 : i32 to index
          %swap3A_494 = arith.constant 80 : index
          %swap3A_495 = tpu.vector_load %run_scoped3A_16[%swap3A_493, %swap3A_494] {strides = array<i32>} : memref<40x128xf32, #tpu.memory_space<vmem>>, vector<16xf32>,
          tpu.vector_store %run_scoped3A_16[%swap3A_493, %swap3A_494], %add3A_492 {strides = array<i32>} : memref<40x128xf32, #tpu.memory_space<vmem>>, vector<16xf32>,
          %get3A_496 = arith.index_cast %add3A_413 : i32 to index
          %get3A_497 = arith.constant 96 : index
          %get3A_498 = tpu.vector_load %run_scoped3A_14[%get3A_496, %get3A_497] {strides = array<i32>} : memref<40x256xf32, #tpu.memory_space<vmem>>, vector<16xf32>,
          %get3A_499 = arith.index_cast %add3A_413 : i32 to index
          %get3A_500 = arith.constant 224 : index
          %get3A_501 = tpu.vector_load %run_scoped3A_14[%get3A_499, %get3A_500] {strides = array<i32>} : memref<40x256xf32, #tpu.memory_space<vmem>>, vector<16xf32>,
          %mul3A_502 = arith.mulf %gather3A_417, %get3A_498 : vector<16xf32>
          %mul3A_503 = arith.mulf %gather3A_423, %get3A_501 : vector<16xf32>
          %add3A_504 = arith.addf %mul3A_502, %mul3A_503 : vector<16xf32>
          %swap3A_505 = arith.index_cast %add3A_413 : i32 to index
          %swap3A_506 = arith.constant 96 : index
          %swap3A_507 = tpu.vector_load %run_scoped3A_16[%swap3A_505, %swap3A_506] {strides = array<i32>} : memref<40x128xf32, #tpu.memory_space<vmem>>, vector<16xf32>,
          tpu.vector_store %run_scoped3A_16[%swap3A_505, %swap3A_506], %add3A_504 {strides = array<i32>} : memref<40x128xf32, #tpu.memory_space<vmem>>, vector<16xf32>,
          %get3A_508 = arith.index_cast %add3A_413 : i32 to index
          %get3A_509 = arith.constant 112 : index
          %get3A_510 = tpu.vector_load %run_scoped3A_14[%get3A_508, %get3A_509] {strides = array<i32>} : memref<40x256xf32, #tpu.memory_space<vmem>>, vector<16xf32>,
          %get3A_511 = arith.index_cast %add3A_413 : i32 to index
          %get3A_512 = arith.constant 240 : index
          %get3A_513 = tpu.vector_load %run_scoped3A_14[%get3A_511, %get3A_512] {strides = array<i32>} : memref<40x256xf32, #tpu.memory_space<vmem>>, vector<16xf32>,
          %mul3A_514 = arith.mulf %gather3A_417, %get3A_510 : vector<16xf32>
          %mul3A_515 = arith.mulf %gather3A_423, %get3A_513 : vector<16xf32>
          %add3A_516 = arith.addf %mul3A_514, %mul3A_515 : vector<16xf32>
          %swap3A_517 = arith.index_cast %add3A_413 : i32 to index
          %swap3A_518 = arith.constant 112 : index
          %swap3A_519 = tpu.vector_load %run_scoped3A_16[%swap3A_517, %swap3A_518] {strides = array<i32>} : memref<40x128xf32, #tpu.memory_space<vmem>>, vector<16xf32>,
          tpu.vector_store %run_scoped3A_16[%swap3A_517, %swap3A_518], %add3A_516 {strides = array<i32>} : memref<40x128xf32, #tpu.memory_space<vmem>>, vector<16xf32>,
          %mul3A_520 = arith.constant 2 : i32
          %mul3A_521 = arith.muli %scan3A_408, %mul3A_520 : i32
          %add3A_522 = arith.constant 1 : i32
          %add3A_523 = arith.addi %mul3A_521, %add3A_522 : i32
          %mul3A_524 = arith.constant 2 : i32
          %mul3A_525 = arith.muli %mul3A_524, %add3A_523 : i32
          %broadcast_in_dim3A_526 = vector.broadcast %mul3A_525 : i32 to vector<16xi32>
          %gather3A_527 = tpu.vector_load_idx %run_scoped3A_22[%broadcast_in_dim3A_526] : memref<80xf32, #tpu.memory_space<vmem>>[vector<16xi32>], vector<16xf32>,
          %mul3A_528 = arith.constant 2 : i32
          %mul3A_529 = arith.muli %mul3A_528, %add3A_523 : i32
          %add3A_530 = arith.constant 1 : i32
          %add3A_531 = arith.addi %mul3A_529, %add3A_530 : i32
          %broadcast_in_dim3A_532 = vector.broadcast %add3A_531 : i32 to vector<16xi32>
          %gather3A_533 = tpu.vector_load_idx %run_scoped3A_22[%broadcast_in_dim3A_532] : memref<80xf32, #tpu.memory_space<vmem>>[vector<16xi32>], vector<16xf32>,
          %get3A_534 = arith.index_cast %add3A_523 : i32 to index
          %get3A_535 = arith.constant 0 : index
          %get3A_536 = tpu.vector_load %run_scoped3A_14[%get3A_534, %get3A_535] {strides = array<i32>} : memref<40x256xf32, #tpu.memory_space<vmem>>, vector<16xf32>,
          %get3A_537 = arith.index_cast %add3A_523 : i32 to index
          %get3A_538 = arith.constant 128 : index
          %get3A_539 = tpu.vector_load %run_scoped3A_14[%get3A_537, %get3A_538] {strides = array<i32>} : memref<40x256xf32, #tpu.memory_space<vmem>>, vector<16xf32>,
          %mul3A_540 = arith.mulf %gather3A_527, %get3A_536 : vector<16xf32>
          %mul3A_541 = arith.mulf %gather3A_533, %get3A_539 : vector<16xf32>
          %add3A_542 = arith.addf %mul3A_540, %mul3A_541 : vector<16xf32>
          %swap3A_543 = arith.index_cast %add3A_523 : i32 to index
          %swap3A_544 = arith.constant 0 : index
          %swap3A_545 = tpu.vector_load %run_scoped3A_16[%swap3A_543, %swap3A_544] {strides = array<i32>} : memref<40x128xf32, #tpu.memory_space<vmem>>, vector<16xf32>,
          tpu.vector_store %run_scoped3A_16[%swap3A_543, %swap3A_544], %add3A_542 {strides = array<i32>} : memref<40x128xf32, #tpu.memory_space<vmem>>, vector<16xf32>,
          %get3A_546 = arith.index_cast %add3A_523 : i32 to index
          %get3A_547 = arith.constant 16 : index
          %get3A_548 = tpu.vector_load %run_scoped3A_14[%get3A_546, %get3A_547] {strides = array<i32>} : memref<40x256xf32, #tpu.memory_space<vmem>>, vector<16xf32>,
          %get3A_549 = arith.index_cast %add3A_523 : i32 to index
          %get3A_550 = arith.constant 144 : index
          %get3A_551 = tpu.vector_load %run_scoped3A_14[%get3A_549, %get3A_550] {strides = array<i32>} : memref<40x256xf32, #tpu.memory_space<vmem>>, vector<16xf32>,
          %mul3A_552 = arith.mulf %gather3A_527, %get3A_548 : vector<16xf32>
          %mul3A_553 = arith.mulf %gather3A_533, %get3A_551 : vector<16xf32>
          %add3A_554 = arith.addf %mul3A_552, %mul3A_553 : vector<16xf32>
          %swap3A_555 = arith.index_cast %add3A_523 : i32 to index
          %swap3A_556 = arith.constant 16 : index
          %swap3A_557 = tpu.vector_load %run_scoped3A_16[%swap3A_555, %swap3A_556] {strides = array<i32>} : memref<40x128xf32, #tpu.memory_space<vmem>>, vector<16xf32>,
          tpu.vector_store %run_scoped3A_16[%swap3A_555, %swap3A_556], %add3A_554 {strides = array<i32>} : memref<40x128xf32, #tpu.memory_space<vmem>>, vector<16xf32>,
          %get3A_558 = arith.index_cast %add3A_523 : i32 to index
          %get3A_559 = arith.constant 32 : index
          %get3A_560 = tpu.vector_load %run_scoped3A_14[%get3A_558, %get3A_559] {strides = array<i32>} : memref<40x256xf32, #tpu.memory_space<vmem>>, vector<16xf32>,
          %get3A_561 = arith.index_cast %add3A_523 : i32 to index
          %get3A_562 = arith.constant 160 : index
          %get3A_563 = tpu.vector_load %run_scoped3A_14[%get3A_561, %get3A_562] {strides = array<i32>} : memref<40x256xf32, #tpu.memory_space<vmem>>, vector<16xf32>,
          %mul3A_564 = arith.mulf %gather3A_527, %get3A_560 : vector<16xf32>
          %mul3A_565 = arith.mulf %gather3A_533, %get3A_563 : vector<16xf32>
          %add3A_566 = arith.addf %mul3A_564, %mul3A_565 : vector<16xf32>
          %swap3A_567 = arith.index_cast %add3A_523 : i32 to index
          %swap3A_568 = arith.constant 32 : index
          %swap3A_569 = tpu.vector_load %run_scoped3A_16[%swap3A_567, %swap3A_568] {strides = array<i32>} : memref<40x128xf32, #tpu.memory_space<vmem>>, vector<16xf32>,
          tpu.vector_store %run_scoped3A_16[%swap3A_567, %swap3A_568], %add3A_566 {strides = array<i32>} : memref<40x128xf32, #tpu.memory_space<vmem>>, vector<16xf32>,
          %get3A_570 = arith.index_cast %add3A_523 : i32 to index
          %get3A_571 = arith.constant 48 : index
          %get3A_572 = tpu.vector_load %run_scoped3A_14[%get3A_570, %get3A_571] {strides = array<i32>} : memref<40x256xf32, #tpu.memory_space<vmem>>, vector<16xf32>,
          %get3A_573 = arith.index_cast %add3A_523 : i32 to index
          %get3A_574 = arith.constant 176 : index
          %get3A_575 = tpu.vector_load %run_scoped3A_14[%get3A_573, %get3A_574] {strides = array<i32>} : memref<40x256xf32, #tpu.memory_space<vmem>>, vector<16xf32>,
          %mul3A_576 = arith.mulf %gather3A_527, %get3A_572 : vector<16xf32>
          %mul3A_577 = arith.mulf %gather3A_533, %get3A_575 : vector<16xf32>
          %add3A_578 = arith.addf %mul3A_576, %mul3A_577 : vector<16xf32>
          %swap3A_579 = arith.index_cast %add3A_523 : i32 to index
          %swap3A_580 = arith.constant 48 : index
          %swap3A_581 = tpu.vector_load %run_scoped3A_16[%swap3A_579, %swap3A_580] {strides = array<i32>} : memref<40x128xf32, #tpu.memory_space<vmem>>, vector<16xf32>,
          tpu.vector_store %run_scoped3A_16[%swap3A_579, %swap3A_580], %add3A_578 {strides = array<i32>} : memref<40x128xf32, #tpu.memory_space<vmem>>, vector<16xf32>,
          %get3A_582 = arith.index_cast %add3A_523 : i32 to index
          %get3A_583 = arith.constant 64 : index
          %get3A_584 = tpu.vector_load %run_scoped3A_14[%get3A_582, %get3A_583] {strides = array<i32>} : memref<40x256xf32, #tpu.memory_space<vmem>>, vector<16xf32>,
          %get3A_585 = arith.index_cast %add3A_523 : i32 to index
          %get3A_586 = arith.constant 192 : index
          %get3A_587 = tpu.vector_load %run_scoped3A_14[%get3A_585, %get3A_586] {strides = array<i32>} : memref<40x256xf32, #tpu.memory_space<vmem>>, vector<16xf32>,
          %mul3A_588 = arith.mulf %gather3A_527, %get3A_584 : vector<16xf32>
          %mul3A_589 = arith.mulf %gather3A_533, %get3A_587 : vector<16xf32>
          %add3A_590 = arith.addf %mul3A_588, %mul3A_589 : vector<16xf32>
          %swap3A_591 = arith.index_cast %add3A_523 : i32 to index
          %swap3A_592 = arith.constant 64 : index
          %swap3A_593 = tpu.vector_load %run_scoped3A_16[%swap3A_591, %swap3A_592] {strides = array<i32>} : memref<40x128xf32, #tpu.memory_space<vmem>>, vector<16xf32>,
          tpu.vector_store %run_scoped3A_16[%swap3A_591, %swap3A_592], %add3A_590 {strides = array<i32>} : memref<40x128xf32, #tpu.memory_space<vmem>>, vector<16xf32>,
          %get3A_594 = arith.index_cast %add3A_523 : i32 to index
          %get3A_595 = arith.constant 80 : index
          %get3A_596 = tpu.vector_load %run_scoped3A_14[%get3A_594, %get3A_595] {strides = array<i32>} : memref<40x256xf32, #tpu.memory_space<vmem>>, vector<16xf32>,
          %get3A_597 = arith.index_cast %add3A_523 : i32 to index
          %get3A_598 = arith.constant 208 : index
          %get3A_599 = tpu.vector_load %run_scoped3A_14[%get3A_597, %get3A_598] {strides = array<i32>} : memref<40x256xf32, #tpu.memory_space<vmem>>, vector<16xf32>,
          %mul3A_600 = arith.mulf %gather3A_527, %get3A_596 : vector<16xf32>
          %mul3A_601 = arith.mulf %gather3A_533, %get3A_599 : vector<16xf32>
          %add3A_602 = arith.addf %mul3A_600, %mul3A_601 : vector<16xf32>
          %swap3A_603 = arith.index_cast %add3A_523 : i32 to index
          %swap3A_604 = arith.constant 80 : index
          %swap3A_605 = tpu.vector_load %run_scoped3A_16[%swap3A_603, %swap3A_604] {strides = array<i32>} : memref<40x128xf32, #tpu.memory_space<vmem>>, vector<16xf32>,
          tpu.vector_store %run_scoped3A_16[%swap3A_603, %swap3A_604], %add3A_602 {strides = array<i32>} : memref<40x128xf32, #tpu.memory_space<vmem>>, vector<16xf32>,
          %get3A_606 = arith.index_cast %add3A_523 : i32 to index
          %get3A_607 = arith.constant 96 : index
          %get3A_608 = tpu.vector_load %run_scoped3A_14[%get3A_606, %get3A_607] {strides = array<i32>} : memref<40x256xf32, #tpu.memory_space<vmem>>, vector<16xf32>,
          %get3A_609 = arith.index_cast %add3A_523 : i32 to index
          %get3A_610 = arith.constant 224 : index
          %get3A_611 = tpu.vector_load %run_scoped3A_14[%get3A_609, %get3A_610] {strides = array<i32>} : memref<40x256xf32, #tpu.memory_space<vmem>>, vector<16xf32>,
          %mul3A_612 = arith.mulf %gather3A_527, %get3A_608 : vector<16xf32>
          %mul3A_613 = arith.mulf %gather3A_533, %get3A_611 : vector<16xf32>
          %add3A_614 = arith.addf %mul3A_612, %mul3A_613 : vector<16xf32>
          %swap3A_615 = arith.index_cast %add3A_523 : i32 to index
          %swap3A_616 = arith.constant 96 : index
          %swap3A_617 = tpu.vector_load %run_scoped3A_16[%swap3A_615, %swap3A_616] {strides = array<i32>} : memref<40x128xf32, #tpu.memory_space<vmem>>, vector<16xf32>,
          tpu.vector_store %run_scoped3A_16[%swap3A_615, %swap3A_616], %add3A_614 {strides = array<i32>} : memref<40x128xf32, #tpu.memory_space<vmem>>, vector<16xf32>,
          %get3A_618 = arith.index_cast %add3A_523 : i32 to index
          %get3A_619 = arith.constant 112 : index
          %get3A_620 = tpu.vector_load %run_scoped3A_14[%get3A_618, %get3A_619] {strides = array<i32>} : memref<40x256xf32, #tpu.memory_space<vmem>>, vector<16xf32>,
          %get3A_621 = arith.index_cast %add3A_523 : i32 to index
          %get3A_622 = arith.constant 240 : index
          %get3A_623 = tpu.vector_load %run_scoped3A_14[%get3A_621, %get3A_622] {strides = array<i32>} : memref<40x256xf32, #tpu.memory_space<vmem>>, vector<16xf32>,
          %mul3A_624 = arith.mulf %gather3A_527, %get3A_620 : vector<16xf32>
          %mul3A_625 = arith.mulf %gather3A_533, %get3A_623 : vector<16xf32>
          %add3A_626 = arith.addf %mul3A_624, %mul3A_625 : vector<16xf32>
          %swap3A_627 = arith.index_cast %add3A_523 : i32 to index
          %swap3A_628 = arith.constant 112 : index
          %swap3A_629 = tpu.vector_load %run_scoped3A_16[%swap3A_627, %swap3A_628] {strides = array<i32>} : memref<40x128xf32, #tpu.memory_space<vmem>>, vector<16xf32>,
          tpu.vector_store %run_scoped3A_16[%swap3A_627, %swap3A_628], %add3A_626 {strides = array<i32>} : memref<40x128xf32, #tpu.memory_space<vmem>>, vector<16xf32>,
          %scan3A_630 = arith.constant 0 : i32
          scf.yield %scan3A_630 : i32
        }
        %scan3A_375 = arith.constant 20 : i32
        %dma_start3A_376 = arith.constant 0 : i32
        %dma_start3A_377 = arith.constant 0 : i32
        %dma_start3A_378 = tpu.memref_slice %arg25[%dma_start3A_376, %dma_start3A_377] : memref<10240x128xf32, #tpu.memory_space<vmem_shared>> -> memref<10240x128xf32, #tpu.memory_space<vmem_shared>>
        tpu.enqueue_indirect_dma source(%run_scoped3A_16 : memref<40x128xf32, #tpu.memory_space<vmem>>) target(%dma_start3A_378 : memref<10240x128xf32, #tpu.memory_space<vmem_shared>>) offsets(%run_scoped3A_24 : memref<40xi32, #tpu.memory_space<vmem>>) semaphore(%arg30 : memref<!tpu.dma_semaphore, #tpu.memory_space<semaphore_mem>>) {add = true}
        %mul3A_379 = arith.constant 2 : i32
        %mul3A_380 = arith.muli %mul3A_379, %scan3A_269 : i32
        %add3A_381 = arith.constant 4 : i32
        %add3A_382 = arith.addi %mul3A_380, %add3A_381 : i32
        %add3A_383 = arith.constant 1 : i32
        %add3A_384 = arith.addi %add3A_382, %add3A_383 : i32
        %mul3A_385 = arith.constant 10000 : i32
        %mul3A_386 = arith.muli %add3A, %mul3A_385 : i32
        %mul3A_387 = arith.constant 40 : i32
        %mul3A_388 = arith.muli %add3A_384, %mul3A_387 : i32
        %add3A_389 = arith.addi %mul3A_386, %mul3A_388 : i32
        %dma_start3A_390 = tpu.memref_slice %arg2[%add3A_389] : memref<320000xi32, #tpu.memory_space<hbm>> -> memref<40xi32, #tpu.memory_space<hbm>>
        %dma_start3A_391 = tpu.memref_slice %arg2[%add3A_389] : memref<320000xi32, #tpu.memory_space<hbm>> -> memref<40xi32, #tpu.memory_space<hbm>>
        tpu.enqueue_dma source(%dma_start3A_391 : memref<40xi32, #tpu.memory_space<hbm>>) target(%run_scoped3A_18 : memref<40xi32, #tpu.memory_space<vmem>>) target_semaphore(%arg26 : memref<!tpu.dma_semaphore, #tpu.memory_space<semaphore_mem>>)
        %dma_start3A_392 = tpu.memref_slice %arg3[%add3A_389] : memref<320000xi32, #tpu.memory_space<hbm>> -> memref<40xi32, #tpu.memory_space<hbm>>
        %dma_start3A_393 = tpu.memref_slice %arg3[%add3A_389] : memref<320000xi32, #tpu.memory_space<hbm>> -> memref<40xi32, #tpu.memory_space<hbm>>
        tpu.enqueue_dma source(%dma_start3A_393 : memref<40xi32, #tpu.memory_space<hbm>>) target(%run_scoped3A_20 : memref<40xi32, #tpu.memory_space<vmem>>) target_semaphore(%arg26 : memref<!tpu.dma_semaphore, #tpu.memory_space<semaphore_mem>>)
        %mul3A_394 = arith.constant 2 : i32
        %mul3A_395 = arith.muli %mul3A_394, %add3A_389 : i32
        %dma_start3A_396 = tpu.memref_slice %arg9[%mul3A_395] : memref<640000xf32, #tpu.memory_space<hbm>> -> memref<80xf32, #tpu.memory_space<hbm>>
        %dma_start3A_397 = tpu.memref_slice %arg9[%mul3A_395] : memref<640000xf32, #tpu.memory_space<hbm>> -> memref<80xf32, #tpu.memory_space<hbm>>
        tpu.enqueue_dma source(%dma_start3A_397 : memref<80xf32, #tpu.memory_space<hbm>>) target(%run_scoped3A_22 : memref<80xf32, #tpu.memory_space<vmem>>) target_semaphore(%arg26 : memref<!tpu.dma_semaphore, #tpu.memory_space<semaphore_mem>>)
        %dma_wait3A_398 = tpu.memref_slice %arg2[%add3A_389] : memref<320000xi32, #tpu.memory_space<hbm>> -> memref<40xi32, #tpu.memory_space<hbm>>
        %dma_wait3A_399 = tpu.memref_slice %arg2[%add3A_389] : memref<320000xi32, #tpu.memory_space<hbm>> -> memref<40xi32, #tpu.memory_space<hbm>>
        tpu.wait_dma2 semaphore(%arg26 : memref<!tpu.dma_semaphore, #tpu.memory_space<semaphore_mem>>) src(%dma_wait3A_399 : memref<40xi32, #tpu.memory_space<hbm>>) dst(%run_scoped3A_18 : memref<40xi32, #tpu.memory_space<vmem>>)
        %dma_wait3A_400 = tpu.memref_slice %arg3[%add3A_389] : memref<320000xi32, #tpu.memory_space<hbm>> -> memref<40xi32, #tpu.memory_space<hbm>>
        %dma_wait3A_401 = tpu.memref_slice %arg3[%add3A_389] : memref<320000xi32, #tpu.memory_space<hbm>> -> memref<40xi32, #tpu.memory_space<hbm>>
        tpu.wait_dma2 semaphore(%arg26 : memref<!tpu.dma_semaphore, #tpu.memory_space<semaphore_mem>>) src(%dma_wait3A_401 : memref<40xi32, #tpu.memory_space<hbm>>) dst(%run_scoped3A_20 : memref<40xi32, #tpu.memory_space<vmem>>)
        %dma_wait3A_402 = tpu.memref_slice %arg9[%mul3A_395] : memref<640000xf32, #tpu.memory_space<hbm>> -> memref<80xf32, #tpu.memory_space<hbm>>
        %dma_wait3A_403 = tpu.memref_slice %arg9[%mul3A_395] : memref<640000xf32, #tpu.memory_space<hbm>> -> memref<80xf32, #tpu.memory_space<hbm>>
        tpu.wait_dma2 semaphore(%arg26 : memref<!tpu.dma_semaphore, #tpu.memory_space<semaphore_mem>>) src(%dma_wait3A_403 : memref<80xf32, #tpu.memory_space<hbm>>) dst(%run_scoped3A_22 : memref<80xf32, #tpu.memory_space<vmem>>)
        %dma_start3A_404 = arith.constant 0 : i32
        %dma_start3A_405 = arith.constant 0 : i32
        %dma_start3A_406 = tpu.memref_slice %arg8[%dma_start3A_404, %dma_start3A_405] : memref<10000x256xf32, #tpu.memory_space<hbm>> -> memref<10000x256xf32, #tpu.memory_space<hbm>>
        tpu.enqueue_indirect_dma source(%dma_start3A_406 : memref<10000x256xf32, #tpu.memory_space<hbm>>) target(%run_scoped3A_14 : memref<40x256xf32, #tpu.memory_space<vmem>>) offsets(%run_scoped3A_18 : memref<40xi32, #tpu.memory_space<vmem>>) semaphore(%arg28 : memref<!tpu.dma_semaphore, #tpu.memory_space<semaphore_mem>>)
        %scan3A_407 = arith.constant 0 : i32
        scf.yield %scan3A_407 : i32
      }
      %scan3A_182 = arith.constant 123 : i32
      %dma_wait3A_183 = arith.constant 0 : i32
      %dma_wait3A_184 = arith.constant 0 : i32
      %dma_wait3A_185 = tpu.memref_slice %arg8[%dma_wait3A_183, %dma_wait3A_184] : memref<10000x256xf32, #tpu.memory_space<hbm>> -> memref<40x256xf32, #tpu.memory_space<hbm>>
      %dma_wait3A_186 = arith.constant 0 : i32
      %dma_wait3A_187 = arith.constant 0 : i32
      %dma_wait3A_188 = tpu.memref_slice %arg8[%dma_wait3A_186, %dma_wait3A_187] : memref<10000x256xf32, #tpu.memory_space<hbm>> -> memref<40x256xf32, #tpu.memory_space<hbm>>
      tpu.wait_dma2 semaphore(%arg27 : memref<!tpu.dma_semaphore, #tpu.memory_space<semaphore_mem>>) src(%dma_wait3A_188 : memref<40x256xf32, #tpu.memory_space<hbm>>) dst(%run_scoped3A : memref<40x256xf32, #tpu.memory_space<vmem>>)
      %dma_wait3A_189 = arith.constant 0 : i32
      %dma_wait3A_190 = arith.constant 0 : i32
      %dma_wait3A_191 = tpu.memref_slice %arg25[%dma_wait3A_189, %dma_wait3A_190] : memref<10240x128xf32, #tpu.memory_space<vmem_shared>> -> memref<10240x128xf32, #tpu.memory_space<vmem_shared>>
      tpu.wait_indirect_dma semaphore(%arg29 : memref<!tpu.dma_semaphore, #tpu.memory_space<semaphore_mem>>) src(%run_scoped3A_15 : memref<40x128xf32, #tpu.memory_space<vmem>>) dst(%dma_wait3A_191 : memref<10240x128xf32, #tpu.memory_space<vmem_shared>>)
      %get3A_192 = arith.constant 0 : index
      %get3A_193 = tpu.vector_load %run_scoped3A_19[%get3A_192] {strides = array<i32>} : memref<40xi32, #tpu.memory_space<vmem>>, vector<16xi32>,
      %swap3A_194 = arith.constant 0 : index
      %swap3A_195 = tpu.vector_load %run_scoped3A_23[%swap3A_194] {strides = array<i32>} : memref<40xi32, #tpu.memory_space<vmem>>, vector<16xi32>,
      tpu.vector_store %run_scoped3A_23[%swap3A_194], %get3A_193 {strides = array<i32>} : memref<40xi32, #tpu.memory_space<vmem>>, vector<16xi32>,
      %get3A_196 = arith.constant 16 : index
      %get3A_197 = tpu.vector_load %run_scoped3A_19[%get3A_196] {strides = array<i32>} : memref<40xi32, #tpu.memory_space<vmem>>, vector<16xi32>,
      %swap3A_198 = arith.constant 16 : index
      %swap3A_199 = tpu.vector_load %run_scoped3A_23[%swap3A_198] {strides = array<i32>} : memref<40xi32, #tpu.memory_space<vmem>>, vector<16xi32>,
      tpu.vector_store %run_scoped3A_23[%swap3A_198], %get3A_197 {strides = array<i32>} : memref<40xi32, #tpu.memory_space<vmem>>, vector<16xi32>,
      %add3A_200 = arith.constant 32 : i32
      %add3A_201 = vector.broadcast %add3A_200 : i32 to vector<16xi32>
      %add3A_202 = arith.addi %add3A_201, %iota3A : vector<16xi32>
      %min3A_203 = arith.constant 39 : i32
      %min3A_204 = vector.broadcast %min3A_203 : i32 to vector<16xi32>
      %min3A_205 = arith.minsi %add3A_202, %min3A_204 : vector<16xi32>
      %gather3A_206 = tpu.vector_load_idx %run_scoped3A_19[%min3A_205] : memref<40xi32, #tpu.memory_space<vmem>>[vector<16xi32>], vector<16xi32>,
      %add3A_207 = arith.constant 32 : i32
      %add3A_208 = vector.broadcast %add3A_207 : i32 to vector<16xi32>
      %add3A_209 = arith.addi %add3A_208, %iota3A : vector<16xi32>
      %lt3A_210 = arith.constant 8 : i32
      %lt3A_211 = vector.broadcast %lt3A_210 : i32 to vector<16xi32>
      %lt3A_212 = arith.cmpi slt, %iota3A, %lt3A_211 : vector<16xi32>
      tpu.vector_store_idx %run_scoped3A_23[%add3A_209], %gather3A_206 masked %lt3A_212 : memref<40xi32, #tpu.memory_space<vmem>>[vector<16xi32>], vector<16xi32>, vector<16xi1>
      %scan3A_213 = arith.constant 0 : i32
      %scan3A_214 = arith.constant 0 : i32
      %scan3A_215 = arith.constant 20 : i32
      %scan3A_216 = arith.addi %scan3A_214, %scan3A_215 : i32
      %scan3A_217 = arith.constant 1 : i32
      %scan3A_218 = scf.for %scan3A_269 = %scan3A_214 to %scan3A_216 step %scan3A_217 iter_args(%scan3A_270 = %scan3A_213) -> (i32)  : i32 {
        %mul3A_271 = arith.constant 2 : i32
        %mul3A_272 = arith.muli %scan3A_269, %mul3A_271 : i32
        %add3A_273 = arith.constant 0 : i32
        %add3A_274 = arith.addi %mul3A_272, %add3A_273 : i32
        %mul3A_275 = arith.constant 2 : i32
        %mul3A_276 = arith.muli %mul3A_275, %add3A_274 : i32
        %broadcast_in_dim3A_277 = vector.broadcast %mul3A_276 : i32 to vector<16xi32>
        %gather3A_278 = tpu.vector_load_idx %run_scoped3A_21[%broadcast_in_dim3A_277] : memref<80xf32, #tpu.memory_space<vmem>>[vector<16xi32>], vector<16xf32>,
        %mul3A_279 = arith.constant 2 : i32
        %mul3A_280 = arith.muli %mul3A_279, %add3A_274 : i32
        %add3A_281 = arith.constant 1 : i32
        %add3A_282 = arith.addi %mul3A_280, %add3A_281 : i32
        %broadcast_in_dim3A_283 = vector.broadcast %add3A_282 : i32 to vector<16xi32>
        %gather3A_284 = tpu.vector_load_idx %run_scoped3A_21[%broadcast_in_dim3A_283] : memref<80xf32, #tpu.memory_space<vmem>>[vector<16xi32>], vector<16xf32>,
        %get3A_285 = arith.index_cast %add3A_274 : i32 to index
        %get3A_286 = arith.constant 0 : index
        %get3A_287 = tpu.vector_load %run_scoped3A[%get3A_285, %get3A_286] {strides = array<i32>} : memref<40x256xf32, #tpu.memory_space<vmem>>, vector<16xf32>,
        %get3A_288 = arith.index_cast %add3A_274 : i32 to index
        %get3A_289 = arith.constant 128 : index
        %get3A_290 = tpu.vector_load %run_scoped3A[%get3A_288, %get3A_289] {strides = array<i32>} : memref<40x256xf32, #tpu.memory_space<vmem>>, vector<16xf32>,
        %mul3A_291 = arith.mulf %gather3A_278, %get3A_287 : vector<16xf32>
        %mul3A_292 = arith.mulf %gather3A_284, %get3A_290 : vector<16xf32>
        %add3A_293 = arith.addf %mul3A_291, %mul3A_292 : vector<16xf32>
        %swap3A_294 = arith.index_cast %add3A_274 : i32 to index
        %swap3A_295 = arith.constant 0 : index
        %swap3A_296 = tpu.vector_load %run_scoped3A_15[%swap3A_294, %swap3A_295] {strides = array<i32>} : memref<40x128xf32, #tpu.memory_space<vmem>>, vector<16xf32>,
        tpu.vector_store %run_scoped3A_15[%swap3A_294, %swap3A_295], %add3A_293 {strides = array<i32>} : memref<40x128xf32, #tpu.memory_space<vmem>>, vector<16xf32>,
        %get3A_297 = arith.index_cast %add3A_274 : i32 to index
        %get3A_298 = arith.constant 16 : index
        %get3A_299 = tpu.vector_load %run_scoped3A[%get3A_297, %get3A_298] {strides = array<i32>} : memref<40x256xf32, #tpu.memory_space<vmem>>, vector<16xf32>,
        %get3A_300 = arith.index_cast %add3A_274 : i32 to index
        %get3A_301 = arith.constant 144 : index
        %get3A_302 = tpu.vector_load %run_scoped3A[%get3A_300, %get3A_301] {strides = array<i32>} : memref<40x256xf32, #tpu.memory_space<vmem>>, vector<16xf32>,
        %mul3A_303 = arith.mulf %gather3A_278, %get3A_299 : vector<16xf32>
        %mul3A_304 = arith.mulf %gather3A_284, %get3A_302 : vector<16xf32>
        %add3A_305 = arith.addf %mul3A_303, %mul3A_304 : vector<16xf32>
        %swap3A_306 = arith.index_cast %add3A_274 : i32 to index
        %swap3A_307 = arith.constant 16 : index
        %swap3A_308 = tpu.vector_load %run_scoped3A_15[%swap3A_306, %swap3A_307] {strides = array<i32>} : memref<40x128xf32, #tpu.memory_space<vmem>>, vector<16xf32>,
        tpu.vector_store %run_scoped3A_15[%swap3A_306, %swap3A_307], %add3A_305 {strides = array<i32>} : memref<40x128xf32, #tpu.memory_space<vmem>>, vector<16xf32>,
        %get3A_309 = arith.index_cast %add3A_274 : i32 to index
        %get3A_310 = arith.constant 32 : index
        %get3A_311 = tpu.vector_load %run_scoped3A[%get3A_309, %get3A_310] {strides = array<i32>} : memref<40x256xf32, #tpu.memory_space<vmem>>, vector<16xf32>,
        %get3A_312 = arith.index_cast %add3A_274 : i32 to index
        %get3A_313 = arith.constant 160 : index
        %get3A_314 = tpu.vector_load %run_scoped3A[%get3A_312, %get3A_313] {strides = array<i32>} : memref<40x256xf32, #tpu.memory_space<vmem>>, vector<16xf32>,
        %mul3A_315 = arith.mulf %gather3A_278, %get3A_311 : vector<16xf32>
        %mul3A_316 = arith.mulf %gather3A_284, %get3A_314 : vector<16xf32>
        %add3A_317 = arith.addf %mul3A_315, %mul3A_316 : vector<16xf32>
        %swap3A_318 = arith.index_cast %add3A_274 : i32 to index
        %swap3A_319 = arith.constant 32 : index
        %swap3A_320 = tpu.vector_load %run_scoped3A_15[%swap3A_318, %swap3A_319] {strides = array<i32>} : memref<40x128xf32, #tpu.memory_space<vmem>>, vector<16xf32>,
        tpu.vector_store %run_scoped3A_15[%swap3A_318, %swap3A_319], %add3A_317 {strides = array<i32>} : memref<40x128xf32, #tpu.memory_space<vmem>>, vector<16xf32>,
        %get3A_321 = arith.index_cast %add3A_274 : i32 to index
        %get3A_322 = arith.constant 48 : index
        %get3A_323 = tpu.vector_load %run_scoped3A[%get3A_321, %get3A_322] {strides = array<i32>} : memref<40x256xf32, #tpu.memory_space<vmem>>, vector<16xf32>,
        %get3A_324 = arith.index_cast %add3A_274 : i32 to index
        %get3A_325 = arith.constant 176 : index
        %get3A_326 = tpu.vector_load %run_scoped3A[%get3A_324, %get3A_325] {strides = array<i32>} : memref<40x256xf32, #tpu.memory_space<vmem>>, vector<16xf32>,
        %mul3A_327 = arith.mulf %gather3A_278, %get3A_323 : vector<16xf32>
        %mul3A_328 = arith.mulf %gather3A_284, %get3A_326 : vector<16xf32>
        %add3A_329 = arith.addf %mul3A_327, %mul3A_328 : vector<16xf32>
        %swap3A_330 = arith.index_cast %add3A_274 : i32 to index
        %swap3A_331 = arith.constant 48 : index
        %swap3A_332 = tpu.vector_load %run_scoped3A_15[%swap3A_330, %swap3A_331] {strides = array<i32>} : memref<40x128xf32, #tpu.memory_space<vmem>>, vector<16xf32>,
        tpu.vector_store %run_scoped3A_15[%swap3A_330, %swap3A_331], %add3A_329 {strides = array<i32>} : memref<40x128xf32, #tpu.memory_space<vmem>>, vector<16xf32>,
        %get3A_333 = arith.index_cast %add3A_274 : i32 to index
        %get3A_334 = arith.constant 64 : index
        %get3A_335 = tpu.vector_load %run_scoped3A[%get3A_333, %get3A_334] {strides = array<i32>} : memref<40x256xf32, #tpu.memory_space<vmem>>, vector<16xf32>,
        %get3A_336 = arith.index_cast %add3A_274 : i32 to index
        %get3A_337 = arith.constant 192 : index
        %get3A_338 = tpu.vector_load %run_scoped3A[%get3A_336, %get3A_337] {strides = array<i32>} : memref<40x256xf32, #tpu.memory_space<vmem>>, vector<16xf32>,
        %mul3A_339 = arith.mulf %gather3A_278, %get3A_335 : vector<16xf32>
        %mul3A_340 = arith.mulf %gather3A_284, %get3A_338 : vector<16xf32>
        %add3A_341 = arith.addf %mul3A_339, %mul3A_340 : vector<16xf32>
        %swap3A_342 = arith.index_cast %add3A_274 : i32 to index
        %swap3A_343 = arith.constant 64 : index
        %swap3A_344 = tpu.vector_load %run_scoped3A_15[%swap3A_342, %swap3A_343] {strides = array<i32>} : memref<40x128xf32, #tpu.memory_space<vmem>>, vector<16xf32>,
        tpu.vector_store %run_scoped3A_15[%swap3A_342, %swap3A_343], %add3A_341 {strides = array<i32>} : memref<40x128xf32, #tpu.memory_space<vmem>>, vector<16xf32>,
        %get3A_345 = arith.index_cast %add3A_274 : i32 to index
        %get3A_346 = arith.constant 80 : index
        %get3A_347 = tpu.vector_load %run_scoped3A[%get3A_345, %get3A_346] {strides = array<i32>} : memref<40x256xf32, #tpu.memory_space<vmem>>, vector<16xf32>,
        %get3A_348 = arith.index_cast %add3A_274 : i32 to index
        %get3A_349 = arith.constant 208 : index
        %get3A_350 = tpu.vector_load %run_scoped3A[%get3A_348, %get3A_349] {strides = array<i32>} : memref<40x256xf32, #tpu.memory_space<vmem>>, vector<16xf32>,
        %mul3A_351 = arith.mulf %gather3A_278, %get3A_347 : vector<16xf32>
        %mul3A_352 = arith.mulf %gather3A_284, %get3A_350 : vector<16xf32>
        %add3A_353 = arith.addf %mul3A_351, %mul3A_352 : vector<16xf32>
        %swap3A_354 = arith.index_cast %add3A_274 : i32 to index
        %swap3A_355 = arith.constant 80 : index
        %swap3A_356 = tpu.vector_load %run_scoped3A_15[%swap3A_354, %swap3A_355] {strides = array<i32>} : memref<40x128xf32, #tpu.memory_space<vmem>>, vector<16xf32>,
        tpu.vector_store %run_scoped3A_15[%swap3A_354, %swap3A_355], %add3A_353 {strides = array<i32>} : memref<40x128xf32, #tpu.memory_space<vmem>>, vector<16xf32>,
        %get3A_357 = arith.index_cast %add3A_274 : i32 to index
        %get3A_358 = arith.constant 96 : index
        %get3A_359 = tpu.vector_load %run_scoped3A[%get3A_357, %get3A_358] {strides = array<i32>} : memref<40x256xf32, #tpu.memory_space<vmem>>, vector<16xf32>,
        %get3A_360 = arith.index_cast %add3A_274 : i32 to index
        %get3A_361 = arith.constant 224 : index
        %get3A_362 = tpu.vector_load %run_scoped3A[%get3A_360, %get3A_361] {strides = array<i32>} : memref<40x256xf32, #tpu.memory_space<vmem>>, vector<16xf32>,
        %mul3A_363 = arith.mulf %gather3A_278, %get3A_359 : vector<16xf32>
        %mul3A_364 = arith.mulf %gather3A_284, %get3A_362 : vector<16xf32>
        %add3A_365 = arith.addf %mul3A_363, %mul3A_364 : vector<16xf32>
        %swap3A_366 = arith.index_cast %add3A_274 : i32 to index
        %swap3A_367 = arith.constant 96 : index
        %swap3A_368 = tpu.vector_load %run_scoped3A_15[%swap3A_366, %swap3A_367] {strides = array<i32>} : memref<40x128xf32, #tpu.memory_space<vmem>>, vector<16xf32>,
        tpu.vector_store %run_scoped3A_15[%swap3A_366, %swap3A_367], %add3A_365 {strides = array<i32>} : memref<40x128xf32, #tpu.memory_space<vmem>>, vector<16xf32>,
        %get3A_369 = arith.index_cast %add3A_274 : i32 to index
        %get3A_370 = arith.constant 112 : index
        %get3A_371 = tpu.vector_load %run_scoped3A[%get3A_369, %get3A_370] {strides = array<i32>} : memref<40x256xf32, #tpu.memory_space<vmem>>, vector<16xf32>,
        %get3A_372 = arith.index_cast %add3A_274 : i32 to index
        %get3A_373 = arith.constant 240 : index
        %get3A_374 = tpu.vector_load %run_scoped3A[%get3A_372, %get3A_373] {strides = array<i32>} : memref<40x256xf32, #tpu.memory_space<vmem>>, vector<16xf32>,
        %mul3A_375 = arith.mulf %gather3A_278, %get3A_371 : vector<16xf32>
        %mul3A_376 = arith.mulf %gather3A_284, %get3A_374 : vector<16xf32>
        %add3A_377 = arith.addf %mul3A_375, %mul3A_376 : vector<16xf32>
        %swap3A_378 = arith.index_cast %add3A_274 : i32 to index
        %swap3A_379 = arith.constant 112 : index
        %swap3A_380 = tpu.vector_load %run_scoped3A_15[%swap3A_378, %swap3A_379] {strides = array<i32>} : memref<40x128xf32, #tpu.memory_space<vmem>>, vector<16xf32>,
        tpu.vector_store %run_scoped3A_15[%swap3A_378, %swap3A_379], %add3A_377 {strides = array<i32>} : memref<40x128xf32, #tpu.memory_space<vmem>>, vector<16xf32>,
        %mul3A_381 = arith.constant 2 : i32
        %mul3A_382 = arith.muli %scan3A_269, %mul3A_381 : i32
        %add3A_383 = arith.constant 1 : i32
        %add3A_384 = arith.addi %mul3A_382, %add3A_383 : i32
        %mul3A_385 = arith.constant 2 : i32
        %mul3A_386 = arith.muli %mul3A_385, %add3A_384 : i32
        %broadcast_in_dim3A_387 = vector.broadcast %mul3A_386 : i32 to vector<16xi32>
        %gather3A_388 = tpu.vector_load_idx %run_scoped3A_21[%broadcast_in_dim3A_387] : memref<80xf32, #tpu.memory_space<vmem>>[vector<16xi32>], vector<16xf32>,
        %mul3A_389 = arith.constant 2 : i32
        %mul3A_390 = arith.muli %mul3A_389, %add3A_384 : i32
        %add3A_391 = arith.constant 1 : i32
        %add3A_392 = arith.addi %mul3A_390, %add3A_391 : i32
        %broadcast_in_dim3A_393 = vector.broadcast %add3A_392 : i32 to vector<16xi32>
        %gather3A_394 = tpu.vector_load_idx %run_scoped3A_21[%broadcast_in_dim3A_393] : memref<80xf32, #tpu.memory_space<vmem>>[vector<16xi32>], vector<16xf32>,
        %get3A_395 = arith.index_cast %add3A_384 : i32 to index
        %get3A_396 = arith.constant 0 : index
        %get3A_397 = tpu.vector_load %run_scoped3A[%get3A_395, %get3A_396] {strides = array<i32>} : memref<40x256xf32, #tpu.memory_space<vmem>>, vector<16xf32>,
        %get3A_398 = arith.index_cast %add3A_384 : i32 to index
        %get3A_399 = arith.constant 128 : index
        %get3A_400 = tpu.vector_load %run_scoped3A[%get3A_398, %get3A_399] {strides = array<i32>} : memref<40x256xf32, #tpu.memory_space<vmem>>, vector<16xf32>,
        %mul3A_401 = arith.mulf %gather3A_388, %get3A_397 : vector<16xf32>
        %mul3A_402 = arith.mulf %gather3A_394, %get3A_400 : vector<16xf32>
        %add3A_403 = arith.addf %mul3A_401, %mul3A_402 : vector<16xf32>
        %swap3A_404 = arith.index_cast %add3A_384 : i32 to index
        %swap3A_405 = arith.constant 0 : index
        %swap3A_406 = tpu.vector_load %run_scoped3A_15[%swap3A_404, %swap3A_405] {strides = array<i32>} : memref<40x128xf32, #tpu.memory_space<vmem>>, vector<16xf32>,
        tpu.vector_store %run_scoped3A_15[%swap3A_404, %swap3A_405], %add3A_403 {strides = array<i32>} : memref<40x128xf32, #tpu.memory_space<vmem>>, vector<16xf32>,
        %get3A_407 = arith.index_cast %add3A_384 : i32 to index
        %get3A_408 = arith.constant 16 : index
        %get3A_409 = tpu.vector_load %run_scoped3A[%get3A_407, %get3A_408] {strides = array<i32>} : memref<40x256xf32, #tpu.memory_space<vmem>>, vector<16xf32>,
        %get3A_410 = arith.index_cast %add3A_384 : i32 to index
        %get3A_411 = arith.constant 144 : index
        %get3A_412 = tpu.vector_load %run_scoped3A[%get3A_410, %get3A_411] {strides = array<i32>} : memref<40x256xf32, #tpu.memory_space<vmem>>, vector<16xf32>,
        %mul3A_413 = arith.mulf %gather3A_388, %get3A_409 : vector<16xf32>
        %mul3A_414 = arith.mulf %gather3A_394, %get3A_412 : vector<16xf32>
        %add3A_415 = arith.addf %mul3A_413, %mul3A_414 : vector<16xf32>
        %swap3A_416 = arith.index_cast %add3A_384 : i32 to index
        %swap3A_417 = arith.constant 16 : index
        %swap3A_418 = tpu.vector_load %run_scoped3A_15[%swap3A_416, %swap3A_417] {strides = array<i32>} : memref<40x128xf32, #tpu.memory_space<vmem>>, vector<16xf32>,
        tpu.vector_store %run_scoped3A_15[%swap3A_416, %swap3A_417], %add3A_415 {strides = array<i32>} : memref<40x128xf32, #tpu.memory_space<vmem>>, vector<16xf32>,
        %get3A_419 = arith.index_cast %add3A_384 : i32 to index
        %get3A_420 = arith.constant 32 : index
        %get3A_421 = tpu.vector_load %run_scoped3A[%get3A_419, %get3A_420] {strides = array<i32>} : memref<40x256xf32, #tpu.memory_space<vmem>>, vector<16xf32>,
        %get3A_422 = arith.index_cast %add3A_384 : i32 to index
        %get3A_423 = arith.constant 160 : index
        %get3A_424 = tpu.vector_load %run_scoped3A[%get3A_422, %get3A_423] {strides = array<i32>} : memref<40x256xf32, #tpu.memory_space<vmem>>, vector<16xf32>,
        %mul3A_425 = arith.mulf %gather3A_388, %get3A_421 : vector<16xf32>
        %mul3A_426 = arith.mulf %gather3A_394, %get3A_424 : vector<16xf32>
        %add3A_427 = arith.addf %mul3A_425, %mul3A_426 : vector<16xf32>
        %swap3A_428 = arith.index_cast %add3A_384 : i32 to index
        %swap3A_429 = arith.constant 32 : index
        %swap3A_430 = tpu.vector_load %run_scoped3A_15[%swap3A_428, %swap3A_429] {strides = array<i32>} : memref<40x128xf32, #tpu.memory_space<vmem>>, vector<16xf32>,
        tpu.vector_store %run_scoped3A_15[%swap3A_428, %swap3A_429], %add3A_427 {strides = array<i32>} : memref<40x128xf32, #tpu.memory_space<vmem>>, vector<16xf32>,
        %get3A_431 = arith.index_cast %add3A_384 : i32 to index
        %get3A_432 = arith.constant 48 : index
        %get3A_433 = tpu.vector_load %run_scoped3A[%get3A_431, %get3A_432] {strides = array<i32>} : memref<40x256xf32, #tpu.memory_space<vmem>>, vector<16xf32>,
        %get3A_434 = arith.index_cast %add3A_384 : i32 to index
        %get3A_435 = arith.constant 176 : index
        %get3A_436 = tpu.vector_load %run_scoped3A[%get3A_434, %get3A_435] {strides = array<i32>} : memref<40x256xf32, #tpu.memory_space<vmem>>, vector<16xf32>,
        %mul3A_437 = arith.mulf %gather3A_388, %get3A_433 : vector<16xf32>
        %mul3A_438 = arith.mulf %gather3A_394, %get3A_436 : vector<16xf32>
        %add3A_439 = arith.addf %mul3A_437, %mul3A_438 : vector<16xf32>
        %swap3A_440 = arith.index_cast %add3A_384 : i32 to index
        %swap3A_441 = arith.constant 48 : index
        %swap3A_442 = tpu.vector_load %run_scoped3A_15[%swap3A_440, %swap3A_441] {strides = array<i32>} : memref<40x128xf32, #tpu.memory_space<vmem>>, vector<16xf32>,
        tpu.vector_store %run_scoped3A_15[%swap3A_440, %swap3A_441], %add3A_439 {strides = array<i32>} : memref<40x128xf32, #tpu.memory_space<vmem>>, vector<16xf32>,
        %get3A_443 = arith.index_cast %add3A_384 : i32 to index
        %get3A_444 = arith.constant 64 : index
        %get3A_445 = tpu.vector_load %run_scoped3A[%get3A_443, %get3A_444] {strides = array<i32>} : memref<40x256xf32, #tpu.memory_space<vmem>>, vector<16xf32>,
        %get3A_446 = arith.index_cast %add3A_384 : i32 to index
        %get3A_447 = arith.constant 192 : index
        %get3A_448 = tpu.vector_load %run_scoped3A[%get3A_446, %get3A_447] {strides = array<i32>} : memref<40x256xf32, #tpu.memory_space<vmem>>, vector<16xf32>,
        %mul3A_449 = arith.mulf %gather3A_388, %get3A_445 : vector<16xf32>
        %mul3A_450 = arith.mulf %gather3A_394, %get3A_448 : vector<16xf32>
        %add3A_451 = arith.addf %mul3A_449, %mul3A_450 : vector<16xf32>
        %swap3A_452 = arith.index_cast %add3A_384 : i32 to index
        %swap3A_453 = arith.constant 64 : index
        %swap3A_454 = tpu.vector_load %run_scoped3A_15[%swap3A_452, %swap3A_453] {strides = array<i32>} : memref<40x128xf32, #tpu.memory_space<vmem>>, vector<16xf32>,
        tpu.vector_store %run_scoped3A_15[%swap3A_452, %swap3A_453], %add3A_451 {strides = array<i32>} : memref<40x128xf32, #tpu.memory_space<vmem>>, vector<16xf32>,
        %get3A_455 = arith.index_cast %add3A_384 : i32 to index
        %get3A_456 = arith.constant 80 : index
        %get3A_457 = tpu.vector_load %run_scoped3A[%get3A_455, %get3A_456] {strides = array<i32>} : memref<40x256xf32, #tpu.memory_space<vmem>>, vector<16xf32>,
        %get3A_458 = arith.index_cast %add3A_384 : i32 to index
        %get3A_459 = arith.constant 208 : index
        %get3A_460 = tpu.vector_load %run_scoped3A[%get3A_458, %get3A_459] {strides = array<i32>} : memref<40x256xf32, #tpu.memory_space<vmem>>, vector<16xf32>,
        %mul3A_461 = arith.mulf %gather3A_388, %get3A_457 : vector<16xf32>
        %mul3A_462 = arith.mulf %gather3A_394, %get3A_460 : vector<16xf32>
        %add3A_463 = arith.addf %mul3A_461, %mul3A_462 : vector<16xf32>
        %swap3A_464 = arith.index_cast %add3A_384 : i32 to index
        %swap3A_465 = arith.constant 80 : index
        %swap3A_466 = tpu.vector_load %run_scoped3A_15[%swap3A_464, %swap3A_465] {strides = array<i32>} : memref<40x128xf32, #tpu.memory_space<vmem>>, vector<16xf32>,
        tpu.vector_store %run_scoped3A_15[%swap3A_464, %swap3A_465], %add3A_463 {strides = array<i32>} : memref<40x128xf32, #tpu.memory_space<vmem>>, vector<16xf32>,
        %get3A_467 = arith.index_cast %add3A_384 : i32 to index
        %get3A_468 = arith.constant 96 : index
        %get3A_469 = tpu.vector_load %run_scoped3A[%get3A_467, %get3A_468] {strides = array<i32>} : memref<40x256xf32, #tpu.memory_space<vmem>>, vector<16xf32>,
        %get3A_470 = arith.index_cast %add3A_384 : i32 to index
        %get3A_471 = arith.constant 224 : index
        %get3A_472 = tpu.vector_load %run_scoped3A[%get3A_470, %get3A_471] {strides = array<i32>} : memref<40x256xf32, #tpu.memory_space<vmem>>, vector<16xf32>,
        %mul3A_473 = arith.mulf %gather3A_388, %get3A_469 : vector<16xf32>
        %mul3A_474 = arith.mulf %gather3A_394, %get3A_472 : vector<16xf32>
        %add3A_475 = arith.addf %mul3A_473, %mul3A_474 : vector<16xf32>
        %swap3A_476 = arith.index_cast %add3A_384 : i32 to index
        %swap3A_477 = arith.constant 96 : index
        %swap3A_478 = tpu.vector_load %run_scoped3A_15[%swap3A_476, %swap3A_477] {strides = array<i32>} : memref<40x128xf32, #tpu.memory_space<vmem>>, vector<16xf32>,
        tpu.vector_store %run_scoped3A_15[%swap3A_476, %swap3A_477], %add3A_475 {strides = array<i32>} : memref<40x128xf32, #tpu.memory_space<vmem>>, vector<16xf32>,
        %get3A_479 = arith.index_cast %add3A_384 : i32 to index
        %get3A_480 = arith.constant 112 : index
        %get3A_481 = tpu.vector_load %run_scoped3A[%get3A_479, %get3A_480] {strides = array<i32>} : memref<40x256xf32, #tpu.memory_space<vmem>>, vector<16xf32>,
        %get3A_482 = arith.index_cast %add3A_384 : i32 to index
        %get3A_483 = arith.constant 240 : index
        %get3A_484 = tpu.vector_load %run_scoped3A[%get3A_482, %get3A_483] {strides = array<i32>} : memref<40x256xf32, #tpu.memory_space<vmem>>, vector<16xf32>,
        %mul3A_485 = arith.mulf %gather3A_388, %get3A_481 : vector<16xf32>
        %mul3A_486 = arith.mulf %gather3A_394, %get3A_484 : vector<16xf32>
        %add3A_487 = arith.addf %mul3A_485, %mul3A_486 : vector<16xf32>
        %swap3A_488 = arith.index_cast %add3A_384 : i32 to index
        %swap3A_489 = arith.constant 112 : index
        %swap3A_490 = tpu.vector_load %run_scoped3A_15[%swap3A_488, %swap3A_489] {strides = array<i32>} : memref<40x128xf32, #tpu.memory_space<vmem>>, vector<16xf32>,
        tpu.vector_store %run_scoped3A_15[%swap3A_488, %swap3A_489], %add3A_487 {strides = array<i32>} : memref<40x128xf32, #tpu.memory_space<vmem>>, vector<16xf32>,
        %scan3A_491 = arith.constant 0 : i32
        scf.yield %scan3A_491 : i32
      }
      %scan3A_219 = arith.constant 20 : i32
      %dma_start3A_220 = arith.constant 0 : i32
      %dma_start3A_221 = arith.constant 0 : i32
      %dma_start3A_222 = tpu.memref_slice %arg25[%dma_start3A_220, %dma_start3A_221] : memref<10240x128xf32, #tpu.memory_space<vmem_shared>> -> memref<10240x128xf32, #tpu.memory_space<vmem_shared>>
      tpu.enqueue_indirect_dma source(%run_scoped3A_15 : memref<40x128xf32, #tpu.memory_space<vmem>>) target(%dma_start3A_222 : memref<10240x128xf32, #tpu.memory_space<vmem_shared>>) offsets(%run_scoped3A_23 : memref<40xi32, #tpu.memory_space<vmem>>) semaphore(%arg29 : memref<!tpu.dma_semaphore, #tpu.memory_space<semaphore_mem>>) {add = true}
      %dma_wait3A_223 = arith.constant 0 : i32
      %dma_wait3A_224 = arith.constant 0 : i32
      %dma_wait3A_225 = tpu.memref_slice %arg8[%dma_wait3A_223, %dma_wait3A_224] : memref<10000x256xf32, #tpu.memory_space<hbm>> -> memref<40x256xf32, #tpu.memory_space<hbm>>
      %dma_wait3A_226 = arith.constant 0 : i32
      %dma_wait3A_227 = arith.constant 0 : i32
      %dma_wait3A_228 = tpu.memref_slice %arg8[%dma_wait3A_226, %dma_wait3A_227] : memref<10000x256xf32, #tpu.memory_space<hbm>> -> memref<40x256xf32, #tpu.memory_space<hbm>>
      tpu.wait_dma2 semaphore(%arg28 : memref<!tpu.dma_semaphore, #tpu.memory_space<semaphore_mem>>) src(%dma_wait3A_228 : memref<40x256xf32, #tpu.memory_space<hbm>>) dst(%run_scoped3A_14 : memref<40x256xf32, #tpu.memory_space<vmem>>)
      %dma_wait3A_229 = arith.constant 0 : i32
      %dma_wait3A_230 = arith.constant 0 : i32
      %dma_wait3A_231 = tpu.memref_slice %arg25[%dma_wait3A_229, %dma_wait3A_230] : memref<10240x128xf32, #tpu.memory_space<vmem_shared>> -> memref<10240x128xf32, #tpu.memory_space<vmem_shared>>
      tpu.wait_indirect_dma semaphore(%arg30 : memref<!tpu.dma_semaphore, #tpu.memory_space<semaphore_mem>>) src(%run_scoped3A_16 : memref<40x128xf32, #tpu.memory_space<vmem>>) dst(%dma_wait3A_231 : memref<10240x128xf32, #tpu.memory_space<vmem_shared>>)
      %get3A_232 = arith.constant 0 : index
      %get3A_233 = tpu.vector_load %run_scoped3A_20[%get3A_232] {strides = array<i32>} : memref<40xi32, #tpu.memory_space<vmem>>, vector<16xi32>,
      %swap3A_234 = arith.constant 0 : index
      %swap3A_235 = tpu.vector_load %run_scoped3A_24[%swap3A_234] {strides = array<i32>} : memref<40xi32, #tpu.memory_space<vmem>>, vector<16xi32>,
      tpu.vector_store %run_scoped3A_24[%swap3A_234], %get3A_233 {strides = array<i32>} : memref<40xi32, #tpu.memory_space<vmem>>, vector<16xi32>,
      %get3A_236 = arith.constant 16 : index
      %get3A_237 = tpu.vector_load %run_scoped3A_20[%get3A_236] {strides = array<i32>} : memref<40xi32, #tpu.memory_space<vmem>>, vector<16xi32>,
      %swap3A_238 = arith.constant 16 : index
      %swap3A_239 = tpu.vector_load %run_scoped3A_24[%swap3A_238] {strides = array<i32>} : memref<40xi32, #tpu.memory_space<vmem>>, vector<16xi32>,
      tpu.vector_store %run_scoped3A_24[%swap3A_238], %get3A_237 {strides = array<i32>} : memref<40xi32, #tpu.memory_space<vmem>>, vector<16xi32>,
      %add3A_240 = arith.constant 32 : i32
      %add3A_241 = vector.broadcast %add3A_240 : i32 to vector<16xi32>
      %add3A_242 = arith.addi %add3A_241, %iota3A : vector<16xi32>
      %min3A_243 = arith.constant 39 : i32
      %min3A_244 = vector.broadcast %min3A_243 : i32 to vector<16xi32>
      %min3A_245 = arith.minsi %add3A_242, %min3A_244 : vector<16xi32>
      %gather3A_246 = tpu.vector_load_idx %run_scoped3A_20[%min3A_245] : memref<40xi32, #tpu.memory_space<vmem>>[vector<16xi32>], vector<16xi32>,
      %add3A_247 = arith.constant 32 : i32
      %add3A_248 = vector.broadcast %add3A_247 : i32 to vector<16xi32>
      %add3A_249 = arith.addi %add3A_248, %iota3A : vector<16xi32>
      %lt3A_250 = arith.constant 8 : i32
      %lt3A_251 = vector.broadcast %lt3A_250 : i32 to vector<16xi32>
      %lt3A_252 = arith.cmpi slt, %iota3A, %lt3A_251 : vector<16xi32>
      tpu.vector_store_idx %run_scoped3A_24[%add3A_249], %gather3A_246 masked %lt3A_252 : memref<40xi32, #tpu.memory_space<vmem>>[vector<16xi32>], vector<16xi32>, vector<16xi1>
      %scan3A_253 = arith.constant 0 : i32
      %scan3A_254 = arith.constant 0 : i32
      %scan3A_255 = arith.constant 20 : i32
      %scan3A_256 = arith.addi %scan3A_254, %scan3A_255 : i32
      %scan3A_257 = arith.constant 1 : i32
      %scan3A_258 = scf.for %scan3A_269 = %scan3A_254 to %scan3A_256 step %scan3A_257 iter_args(%scan3A_270 = %scan3A_253) -> (i32)  : i32 {
        %mul3A_271 = arith.constant 2 : i32
        %mul3A_272 = arith.muli %scan3A_269, %mul3A_271 : i32
        %add3A_273 = arith.constant 0 : i32
        %add3A_274 = arith.addi %mul3A_272, %add3A_273 : i32
        %mul3A_275 = arith.constant 2 : i32
        %mul3A_276 = arith.muli %mul3A_275, %add3A_274 : i32
        %broadcast_in_dim3A_277 = vector.broadcast %mul3A_276 : i32 to vector<16xi32>
        %gather3A_278 = tpu.vector_load_idx %run_scoped3A_22[%broadcast_in_dim3A_277] : memref<80xf32, #tpu.memory_space<vmem>>[vector<16xi32>], vector<16xf32>,
        %mul3A_279 = arith.constant 2 : i32
        %mul3A_280 = arith.muli %mul3A_279, %add3A_274 : i32
        %add3A_281 = arith.constant 1 : i32
        %add3A_282 = arith.addi %mul3A_280, %add3A_281 : i32
        %broadcast_in_dim3A_283 = vector.broadcast %add3A_282 : i32 to vector<16xi32>
        %gather3A_284 = tpu.vector_load_idx %run_scoped3A_22[%broadcast_in_dim3A_283] : memref<80xf32, #tpu.memory_space<vmem>>[vector<16xi32>], vector<16xf32>,
        %get3A_285 = arith.index_cast %add3A_274 : i32 to index
        %get3A_286 = arith.constant 0 : index
        %get3A_287 = tpu.vector_load %run_scoped3A_14[%get3A_285, %get3A_286] {strides = array<i32>} : memref<40x256xf32, #tpu.memory_space<vmem>>, vector<16xf32>,
        %get3A_288 = arith.index_cast %add3A_274 : i32 to index
        %get3A_289 = arith.constant 128 : index
        %get3A_290 = tpu.vector_load %run_scoped3A_14[%get3A_288, %get3A_289] {strides = array<i32>} : memref<40x256xf32, #tpu.memory_space<vmem>>, vector<16xf32>,
        %mul3A_291 = arith.mulf %gather3A_278, %get3A_287 : vector<16xf32>
        %mul3A_292 = arith.mulf %gather3A_284, %get3A_290 : vector<16xf32>
        %add3A_293 = arith.addf %mul3A_291, %mul3A_292 : vector<16xf32>
        %swap3A_294 = arith.index_cast %add3A_274 : i32 to index
        %swap3A_295 = arith.constant 0 : index
        %swap3A_296 = tpu.vector_load %run_scoped3A_16[%swap3A_294, %swap3A_295] {strides = array<i32>} : memref<40x128xf32, #tpu.memory_space<vmem>>, vector<16xf32>,
        tpu.vector_store %run_scoped3A_16[%swap3A_294, %swap3A_295], %add3A_293 {strides = array<i32>} : memref<40x128xf32, #tpu.memory_space<vmem>>, vector<16xf32>,
        %get3A_297 = arith.index_cast %add3A_274 : i32 to index
        %get3A_298 = arith.constant 16 : index
        %get3A_299 = tpu.vector_load %run_scoped3A_14[%get3A_297, %get3A_298] {strides = array<i32>} : memref<40x256xf32, #tpu.memory_space<vmem>>, vector<16xf32>,
        %get3A_300 = arith.index_cast %add3A_274 : i32 to index
        %get3A_301 = arith.constant 144 : index
        %get3A_302 = tpu.vector_load %run_scoped3A_14[%get3A_300, %get3A_301] {strides = array<i32>} : memref<40x256xf32, #tpu.memory_space<vmem>>, vector<16xf32>,
        %mul3A_303 = arith.mulf %gather3A_278, %get3A_299 : vector<16xf32>
        %mul3A_304 = arith.mulf %gather3A_284, %get3A_302 : vector<16xf32>
        %add3A_305 = arith.addf %mul3A_303, %mul3A_304 : vector<16xf32>
        %swap3A_306 = arith.index_cast %add3A_274 : i32 to index
        %swap3A_307 = arith.constant 16 : index
        %swap3A_308 = tpu.vector_load %run_scoped3A_16[%swap3A_306, %swap3A_307] {strides = array<i32>} : memref<40x128xf32, #tpu.memory_space<vmem>>, vector<16xf32>,
        tpu.vector_store %run_scoped3A_16[%swap3A_306, %swap3A_307], %add3A_305 {strides = array<i32>} : memref<40x128xf32, #tpu.memory_space<vmem>>, vector<16xf32>,
        %get3A_309 = arith.index_cast %add3A_274 : i32 to index
        %get3A_310 = arith.constant 32 : index
        %get3A_311 = tpu.vector_load %run_scoped3A_14[%get3A_309, %get3A_310] {strides = array<i32>} : memref<40x256xf32, #tpu.memory_space<vmem>>, vector<16xf32>,
        %get3A_312 = arith.index_cast %add3A_274 : i32 to index
        %get3A_313 = arith.constant 160 : index
        %get3A_314 = tpu.vector_load %run_scoped3A_14[%get3A_312, %get3A_313] {strides = array<i32>} : memref<40x256xf32, #tpu.memory_space<vmem>>, vector<16xf32>,
        %mul3A_315 = arith.mulf %gather3A_278, %get3A_311 : vector<16xf32>
        %mul3A_316 = arith.mulf %gather3A_284, %get3A_314 : vector<16xf32>
        %add3A_317 = arith.addf %mul3A_315, %mul3A_316 : vector<16xf32>
        %swap3A_318 = arith.index_cast %add3A_274 : i32 to index
        %swap3A_319 = arith.constant 32 : index
        %swap3A_320 = tpu.vector_load %run_scoped3A_16[%swap3A_318, %swap3A_319] {strides = array<i32>} : memref<40x128xf32, #tpu.memory_space<vmem>>, vector<16xf32>,
        tpu.vector_store %run_scoped3A_16[%swap3A_318, %swap3A_319], %add3A_317 {strides = array<i32>} : memref<40x128xf32, #tpu.memory_space<vmem>>, vector<16xf32>,
        %get3A_321 = arith.index_cast %add3A_274 : i32 to index
        %get3A_322 = arith.constant 48 : index
        %get3A_323 = tpu.vector_load %run_scoped3A_14[%get3A_321, %get3A_322] {strides = array<i32>} : memref<40x256xf32, #tpu.memory_space<vmem>>, vector<16xf32>,
        %get3A_324 = arith.index_cast %add3A_274 : i32 to index
        %get3A_325 = arith.constant 176 : index
        %get3A_326 = tpu.vector_load %run_scoped3A_14[%get3A_324, %get3A_325] {strides = array<i32>} : memref<40x256xf32, #tpu.memory_space<vmem>>, vector<16xf32>,
        %mul3A_327 = arith.mulf %gather3A_278, %get3A_323 : vector<16xf32>
        %mul3A_328 = arith.mulf %gather3A_284, %get3A_326 : vector<16xf32>
        %add3A_329 = arith.addf %mul3A_327, %mul3A_328 : vector<16xf32>
        %swap3A_330 = arith.index_cast %add3A_274 : i32 to index
        %swap3A_331 = arith.constant 48 : index
        %swap3A_332 = tpu.vector_load %run_scoped3A_16[%swap3A_330, %swap3A_331] {strides = array<i32>} : memref<40x128xf32, #tpu.memory_space<vmem>>, vector<16xf32>,
        tpu.vector_store %run_scoped3A_16[%swap3A_330, %swap3A_331], %add3A_329 {strides = array<i32>} : memref<40x128xf32, #tpu.memory_space<vmem>>, vector<16xf32>,
        %get3A_333 = arith.index_cast %add3A_274 : i32 to index
        %get3A_334 = arith.constant 64 : index
        %get3A_335 = tpu.vector_load %run_scoped3A_14[%get3A_333, %get3A_334] {strides = array<i32>} : memref<40x256xf32, #tpu.memory_space<vmem>>, vector<16xf32>,
        %get3A_336 = arith.index_cast %add3A_274 : i32 to index
        %get3A_337 = arith.constant 192 : index
        %get3A_338 = tpu.vector_load %run_scoped3A_14[%get3A_336, %get3A_337] {strides = array<i32>} : memref<40x256xf32, #tpu.memory_space<vmem>>, vector<16xf32>,
        %mul3A_339 = arith.mulf %gather3A_278, %get3A_335 : vector<16xf32>
        %mul3A_340 = arith.mulf %gather3A_284, %get3A_338 : vector<16xf32>
        %add3A_341 = arith.addf %mul3A_339, %mul3A_340 : vector<16xf32>
        %swap3A_342 = arith.index_cast %add3A_274 : i32 to index
        %swap3A_343 = arith.constant 64 : index
        %swap3A_344 = tpu.vector_load %run_scoped3A_16[%swap3A_342, %swap3A_343] {strides = array<i32>} : memref<40x128xf32, #tpu.memory_space<vmem>>, vector<16xf32>,
        tpu.vector_store %run_scoped3A_16[%swap3A_342, %swap3A_343], %add3A_341 {strides = array<i32>} : memref<40x128xf32, #tpu.memory_space<vmem>>, vector<16xf32>,
        %get3A_345 = arith.index_cast %add3A_274 : i32 to index
        %get3A_346 = arith.constant 80 : index
        %get3A_347 = tpu.vector_load %run_scoped3A_14[%get3A_345, %get3A_346] {strides = array<i32>} : memref<40x256xf32, #tpu.memory_space<vmem>>, vector<16xf32>,
        %get3A_348 = arith.index_cast %add3A_274 : i32 to index
        %get3A_349 = arith.constant 208 : index
        %get3A_350 = tpu.vector_load %run_scoped3A_14[%get3A_348, %get3A_349] {strides = array<i32>} : memref<40x256xf32, #tpu.memory_space<vmem>>, vector<16xf32>,
        %mul3A_351 = arith.mulf %gather3A_278, %get3A_347 : vector<16xf32>
        %mul3A_352 = arith.mulf %gather3A_284, %get3A_350 : vector<16xf32>
        %add3A_353 = arith.addf %mul3A_351, %mul3A_352 : vector<16xf32>
        %swap3A_354 = arith.index_cast %add3A_274 : i32 to index
        %swap3A_355 = arith.constant 80 : index
        %swap3A_356 = tpu.vector_load %run_scoped3A_16[%swap3A_354, %swap3A_355] {strides = array<i32>} : memref<40x128xf32, #tpu.memory_space<vmem>>, vector<16xf32>,
        tpu.vector_store %run_scoped3A_16[%swap3A_354, %swap3A_355], %add3A_353 {strides = array<i32>} : memref<40x128xf32, #tpu.memory_space<vmem>>, vector<16xf32>,
        %get3A_357 = arith.index_cast %add3A_274 : i32 to index
        %get3A_358 = arith.constant 96 : index
        %get3A_359 = tpu.vector_load %run_scoped3A_14[%get3A_357, %get3A_358] {strides = array<i32>} : memref<40x256xf32, #tpu.memory_space<vmem>>, vector<16xf32>,
        %get3A_360 = arith.index_cast %add3A_274 : i32 to index
        %get3A_361 = arith.constant 224 : index
        %get3A_362 = tpu.vector_load %run_scoped3A_14[%get3A_360, %get3A_361] {strides = array<i32>} : memref<40x256xf32, #tpu.memory_space<vmem>>, vector<16xf32>,
        %mul3A_363 = arith.mulf %gather3A_278, %get3A_359 : vector<16xf32>
        %mul3A_364 = arith.mulf %gather3A_284, %get3A_362 : vector<16xf32>
        %add3A_365 = arith.addf %mul3A_363, %mul3A_364 : vector<16xf32>
        %swap3A_366 = arith.index_cast %add3A_274 : i32 to index
        %swap3A_367 = arith.constant 96 : index
        %swap3A_368 = tpu.vector_load %run_scoped3A_16[%swap3A_366, %swap3A_367] {strides = array<i32>} : memref<40x128xf32, #tpu.memory_space<vmem>>, vector<16xf32>,
        tpu.vector_store %run_scoped3A_16[%swap3A_366, %swap3A_367], %add3A_365 {strides = array<i32>} : memref<40x128xf32, #tpu.memory_space<vmem>>, vector<16xf32>,
        %get3A_369 = arith.index_cast %add3A_274 : i32 to index
        %get3A_370 = arith.constant 112 : index
        %get3A_371 = tpu.vector_load %run_scoped3A_14[%get3A_369, %get3A_370] {strides = array<i32>} : memref<40x256xf32, #tpu.memory_space<vmem>>, vector<16xf32>,
        %get3A_372 = arith.index_cast %add3A_274 : i32 to index
        %get3A_373 = arith.constant 240 : index
        %get3A_374 = tpu.vector_load %run_scoped3A_14[%get3A_372, %get3A_373] {strides = array<i32>} : memref<40x256xf32, #tpu.memory_space<vmem>>, vector<16xf32>,
        %mul3A_375 = arith.mulf %gather3A_278, %get3A_371 : vector<16xf32>
        %mul3A_376 = arith.mulf %gather3A_284, %get3A_374 : vector<16xf32>
        %add3A_377 = arith.addf %mul3A_375, %mul3A_376 : vector<16xf32>
        %swap3A_378 = arith.index_cast %add3A_274 : i32 to index
        %swap3A_379 = arith.constant 112 : index
        %swap3A_380 = tpu.vector_load %run_scoped3A_16[%swap3A_378, %swap3A_379] {strides = array<i32>} : memref<40x128xf32, #tpu.memory_space<vmem>>, vector<16xf32>,
        tpu.vector_store %run_scoped3A_16[%swap3A_378, %swap3A_379], %add3A_377 {strides = array<i32>} : memref<40x128xf32, #tpu.memory_space<vmem>>, vector<16xf32>,
        %mul3A_381 = arith.constant 2 : i32
        %mul3A_382 = arith.muli %scan3A_269, %mul3A_381 : i32
        %add3A_383 = arith.constant 1 : i32
        %add3A_384 = arith.addi %mul3A_382, %add3A_383 : i32
        %mul3A_385 = arith.constant 2 : i32
        %mul3A_386 = arith.muli %mul3A_385, %add3A_384 : i32
        %broadcast_in_dim3A_387 = vector.broadcast %mul3A_386 : i32 to vector<16xi32>
        %gather3A_388 = tpu.vector_load_idx %run_scoped3A_22[%broadcast_in_dim3A_387] : memref<80xf32, #tpu.memory_space<vmem>>[vector<16xi32>], vector<16xf32>,
        %mul3A_389 = arith.constant 2 : i32
        %mul3A_390 = arith.muli %mul3A_389, %add3A_384 : i32
        %add3A_391 = arith.constant 1 : i32
        %add3A_392 = arith.addi %mul3A_390, %add3A_391 : i32
        %broadcast_in_dim3A_393 = vector.broadcast %add3A_392 : i32 to vector<16xi32>
        %gather3A_394 = tpu.vector_load_idx %run_scoped3A_22[%broadcast_in_dim3A_393] : memref<80xf32, #tpu.memory_space<vmem>>[vector<16xi32>], vector<16xf32>,
        %get3A_395 = arith.index_cast %add3A_384 : i32 to index
        %get3A_396 = arith.constant 0 : index
        %get3A_397 = tpu.vector_load %run_scoped3A_14[%get3A_395, %get3A_396] {strides = array<i32>} : memref<40x256xf32, #tpu.memory_space<vmem>>, vector<16xf32>,
        %get3A_398 = arith.index_cast %add3A_384 : i32 to index
        %get3A_399 = arith.constant 128 : index
        %get3A_400 = tpu.vector_load %run_scoped3A_14[%get3A_398, %get3A_399] {strides = array<i32>} : memref<40x256xf32, #tpu.memory_space<vmem>>, vector<16xf32>,
        %mul3A_401 = arith.mulf %gather3A_388, %get3A_397 : vector<16xf32>
        %mul3A_402 = arith.mulf %gather3A_394, %get3A_400 : vector<16xf32>
        %add3A_403 = arith.addf %mul3A_401, %mul3A_402 : vector<16xf32>
        %swap3A_404 = arith.index_cast %add3A_384 : i32 to index
        %swap3A_405 = arith.constant 0 : index
        %swap3A_406 = tpu.vector_load %run_scoped3A_16[%swap3A_404, %swap3A_405] {strides = array<i32>} : memref<40x128xf32, #tpu.memory_space<vmem>>, vector<16xf32>,
        tpu.vector_store %run_scoped3A_16[%swap3A_404, %swap3A_405], %add3A_403 {strides = array<i32>} : memref<40x128xf32, #tpu.memory_space<vmem>>, vector<16xf32>,
        %get3A_407 = arith.index_cast %add3A_384 : i32 to index
        %get3A_408 = arith.constant 16 : index
        %get3A_409 = tpu.vector_load %run_scoped3A_14[%get3A_407, %get3A_408] {strides = array<i32>} : memref<40x256xf32, #tpu.memory_space<vmem>>, vector<16xf32>,
        %get3A_410 = arith.index_cast %add3A_384 : i32 to index
        %get3A_411 = arith.constant 144 : index
        %get3A_412 = tpu.vector_load %run_scoped3A_14[%get3A_410, %get3A_411] {strides = array<i32>} : memref<40x256xf32, #tpu.memory_space<vmem>>, vector<16xf32>,
        %mul3A_413 = arith.mulf %gather3A_388, %get3A_409 : vector<16xf32>
        %mul3A_414 = arith.mulf %gather3A_394, %get3A_412 : vector<16xf32>
        %add3A_415 = arith.addf %mul3A_413, %mul3A_414 : vector<16xf32>
        %swap3A_416 = arith.index_cast %add3A_384 : i32 to index
        %swap3A_417 = arith.constant 16 : index
        %swap3A_418 = tpu.vector_load %run_scoped3A_16[%swap3A_416, %swap3A_417] {strides = array<i32>} : memref<40x128xf32, #tpu.memory_space<vmem>>, vector<16xf32>,
        tpu.vector_store %run_scoped3A_16[%swap3A_416, %swap3A_417], %add3A_415 {strides = array<i32>} : memref<40x128xf32, #tpu.memory_space<vmem>>, vector<16xf32>,
        %get3A_419 = arith.index_cast %add3A_384 : i32 to index
        %get3A_420 = arith.constant 32 : index
        %get3A_421 = tpu.vector_load %run_scoped3A_14[%get3A_419, %get3A_420] {strides = array<i32>} : memref<40x256xf32, #tpu.memory_space<vmem>>, vector<16xf32>,
        %get3A_422 = arith.index_cast %add3A_384 : i32 to index
        %get3A_423 = arith.constant 160 : index
        %get3A_424 = tpu.vector_load %run_scoped3A_14[%get3A_422, %get3A_423] {strides = array<i32>} : memref<40x256xf32, #tpu.memory_space<vmem>>, vector<16xf32>,
        %mul3A_425 = arith.mulf %gather3A_388, %get3A_421 : vector<16xf32>
        %mul3A_426 = arith.mulf %gather3A_394, %get3A_424 : vector<16xf32>
        %add3A_427 = arith.addf %mul3A_425, %mul3A_426 : vector<16xf32>
        %swap3A_428 = arith.index_cast %add3A_384 : i32 to index
        %swap3A_429 = arith.constant 32 : index
        %swap3A_430 = tpu.vector_load %run_scoped3A_16[%swap3A_428, %swap3A_429] {strides = array<i32>} : memref<40x128xf32, #tpu.memory_space<vmem>>, vector<16xf32>,
        tpu.vector_store %run_scoped3A_16[%swap3A_428, %swap3A_429], %add3A_427 {strides = array<i32>} : memref<40x128xf32, #tpu.memory_space<vmem>>, vector<16xf32>,
        %get3A_431 = arith.index_cast %add3A_384 : i32 to index
        %get3A_432 = arith.constant 48 : index
        %get3A_433 = tpu.vector_load %run_scoped3A_14[%get3A_431, %get3A_432] {strides = array<i32>} : memref<40x256xf32, #tpu.memory_space<vmem>>, vector<16xf32>,
        %get3A_434 = arith.index_cast %add3A_384 : i32 to index
        %get3A_435 = arith.constant 176 : index
        %get3A_436 = tpu.vector_load %run_scoped3A_14[%get3A_434, %get3A_435] {strides = array<i32>} : memref<40x256xf32, #tpu.memory_space<vmem>>, vector<16xf32>,
        %mul3A_437 = arith.mulf %gather3A_388, %get3A_433 : vector<16xf32>
        %mul3A_438 = arith.mulf %gather3A_394, %get3A_436 : vector<16xf32>
        %add3A_439 = arith.addf %mul3A_437, %mul3A_438 : vector<16xf32>
        %swap3A_440 = arith.index_cast %add3A_384 : i32 to index
        %swap3A_441 = arith.constant 48 : index
        %swap3A_442 = tpu.vector_load %run_scoped3A_16[%swap3A_440, %swap3A_441] {strides = array<i32>} : memref<40x128xf32, #tpu.memory_space<vmem>>, vector<16xf32>,
        tpu.vector_store %run_scoped3A_16[%swap3A_440, %swap3A_441], %add3A_439 {strides = array<i32>} : memref<40x128xf32, #tpu.memory_space<vmem>>, vector<16xf32>,
        %get3A_443 = arith.index_cast %add3A_384 : i32 to index
        %get3A_444 = arith.constant 64 : index
        %get3A_445 = tpu.vector_load %run_scoped3A_14[%get3A_443, %get3A_444] {strides = array<i32>} : memref<40x256xf32, #tpu.memory_space<vmem>>, vector<16xf32>,
        %get3A_446 = arith.index_cast %add3A_384 : i32 to index
        %get3A_447 = arith.constant 192 : index
        %get3A_448 = tpu.vector_load %run_scoped3A_14[%get3A_446, %get3A_447] {strides = array<i32>} : memref<40x256xf32, #tpu.memory_space<vmem>>, vector<16xf32>,
        %mul3A_449 = arith.mulf %gather3A_388, %get3A_445 : vector<16xf32>
        %mul3A_450 = arith.mulf %gather3A_394, %get3A_448 : vector<16xf32>
        %add3A_451 = arith.addf %mul3A_449, %mul3A_450 : vector<16xf32>
        %swap3A_452 = arith.index_cast %add3A_384 : i32 to index
        %swap3A_453 = arith.constant 64 : index
        %swap3A_454 = tpu.vector_load %run_scoped3A_16[%swap3A_452, %swap3A_453] {strides = array<i32>} : memref<40x128xf32, #tpu.memory_space<vmem>>, vector<16xf32>,
        tpu.vector_store %run_scoped3A_16[%swap3A_452, %swap3A_453], %add3A_451 {strides = array<i32>} : memref<40x128xf32, #tpu.memory_space<vmem>>, vector<16xf32>,
        %get3A_455 = arith.index_cast %add3A_384 : i32 to index
        %get3A_456 = arith.constant 80 : index
        %get3A_457 = tpu.vector_load %run_scoped3A_14[%get3A_455, %get3A_456] {strides = array<i32>} : memref<40x256xf32, #tpu.memory_space<vmem>>, vector<16xf32>,
        %get3A_458 = arith.index_cast %add3A_384 : i32 to index
        %get3A_459 = arith.constant 208 : index
        %get3A_460 = tpu.vector_load %run_scoped3A_14[%get3A_458, %get3A_459] {strides = array<i32>} : memref<40x256xf32, #tpu.memory_space<vmem>>, vector<16xf32>,
        %mul3A_461 = arith.mulf %gather3A_388, %get3A_457 : vector<16xf32>
        %mul3A_462 = arith.mulf %gather3A_394, %get3A_460 : vector<16xf32>
        %add3A_463 = arith.addf %mul3A_461, %mul3A_462 : vector<16xf32>
        %swap3A_464 = arith.index_cast %add3A_384 : i32 to index
        %swap3A_465 = arith.constant 80 : index
        %swap3A_466 = tpu.vector_load %run_scoped3A_16[%swap3A_464, %swap3A_465] {strides = array<i32>} : memref<40x128xf32, #tpu.memory_space<vmem>>, vector<16xf32>,
        tpu.vector_store %run_scoped3A_16[%swap3A_464, %swap3A_465], %add3A_463 {strides = array<i32>} : memref<40x128xf32, #tpu.memory_space<vmem>>, vector<16xf32>,
        %get3A_467 = arith.index_cast %add3A_384 : i32 to index
        %get3A_468 = arith.constant 96 : index
        %get3A_469 = tpu.vector_load %run_scoped3A_14[%get3A_467, %get3A_468] {strides = array<i32>} : memref<40x256xf32, #tpu.memory_space<vmem>>, vector<16xf32>,
        %get3A_470 = arith.index_cast %add3A_384 : i32 to index
        %get3A_471 = arith.constant 224 : index
        %get3A_472 = tpu.vector_load %run_scoped3A_14[%get3A_470, %get3A_471] {strides = array<i32>} : memref<40x256xf32, #tpu.memory_space<vmem>>, vector<16xf32>,
        %mul3A_473 = arith.mulf %gather3A_388, %get3A_469 : vector<16xf32>
        %mul3A_474 = arith.mulf %gather3A_394, %get3A_472 : vector<16xf32>
        %add3A_475 = arith.addf %mul3A_473, %mul3A_474 : vector<16xf32>
        %swap3A_476 = arith.index_cast %add3A_384 : i32 to index
        %swap3A_477 = arith.constant 96 : index
        %swap3A_478 = tpu.vector_load %run_scoped3A_16[%swap3A_476, %swap3A_477] {strides = array<i32>} : memref<40x128xf32, #tpu.memory_space<vmem>>, vector<16xf32>,
        tpu.vector_store %run_scoped3A_16[%swap3A_476, %swap3A_477], %add3A_475 {strides = array<i32>} : memref<40x128xf32, #tpu.memory_space<vmem>>, vector<16xf32>,
        %get3A_479 = arith.index_cast %add3A_384 : i32 to index
        %get3A_480 = arith.constant 112 : index
        %get3A_481 = tpu.vector_load %run_scoped3A_14[%get3A_479, %get3A_480] {strides = array<i32>} : memref<40x256xf32, #tpu.memory_space<vmem>>, vector<16xf32>,
        %get3A_482 = arith.index_cast %add3A_384 : i32 to index
        %get3A_483 = arith.constant 240 : index
        %get3A_484 = tpu.vector_load %run_scoped3A_14[%get3A_482, %get3A_483] {strides = array<i32>} : memref<40x256xf32, #tpu.memory_space<vmem>>, vector<16xf32>,
        %mul3A_485 = arith.mulf %gather3A_388, %get3A_481 : vector<16xf32>
        %mul3A_486 = arith.mulf %gather3A_394, %get3A_484 : vector<16xf32>
        %add3A_487 = arith.addf %mul3A_485, %mul3A_486 : vector<16xf32>
        %swap3A_488 = arith.index_cast %add3A_384 : i32 to index
        %swap3A_489 = arith.constant 112 : index
        %swap3A_490 = tpu.vector_load %run_scoped3A_16[%swap3A_488, %swap3A_489] {strides = array<i32>} : memref<40x128xf32, #tpu.memory_space<vmem>>, vector<16xf32>,
        tpu.vector_store %run_scoped3A_16[%swap3A_488, %swap3A_489], %add3A_487 {strides = array<i32>} : memref<40x128xf32, #tpu.memory_space<vmem>>, vector<16xf32>,
        %scan3A_491 = arith.constant 0 : i32
        scf.yield %scan3A_491 : i32
      }
      %scan3A_259 = arith.constant 20 : i32
      %dma_start3A_260 = arith.constant 0 : i32
      %dma_start3A_261 = arith.constant 0 : i32
      %dma_start3A_262 = tpu.memref_slice %arg25[%dma_start3A_260, %dma_start3A_261] : memref<10240x128xf32, #tpu.memory_space<vmem_shared>> -> memref<10240x128xf32, #tpu.memory_space<vmem_shared>>
      tpu.enqueue_indirect_dma source(%run_scoped3A_16 : memref<40x128xf32, #tpu.memory_space<vmem>>) target(%dma_start3A_262 : memref<10240x128xf32, #tpu.memory_space<vmem_shared>>) offsets(%run_scoped3A_24 : memref<40xi32, #tpu.memory_space<vmem>>) semaphore(%arg30 : memref<!tpu.dma_semaphore, #tpu.memory_space<semaphore_mem>>) {add = true}
      %dma_wait3A_263 = arith.constant 0 : i32
      %dma_wait3A_264 = arith.constant 0 : i32
      %dma_wait3A_265 = tpu.memref_slice %arg25[%dma_wait3A_263, %dma_wait3A_264] : memref<10240x128xf32, #tpu.memory_space<vmem_shared>> -> memref<10240x128xf32, #tpu.memory_space<vmem_shared>>
      tpu.wait_indirect_dma semaphore(%arg29 : memref<!tpu.dma_semaphore, #tpu.memory_space<semaphore_mem>>) src(%run_scoped3A_15 : memref<40x128xf32, #tpu.memory_space<vmem>>) dst(%dma_wait3A_265 : memref<10240x128xf32, #tpu.memory_space<vmem_shared>>)
      %dma_wait3A_266 = arith.constant 0 : i32
      %dma_wait3A_267 = arith.constant 0 : i32
      %dma_wait3A_268 = tpu.memref_slice %arg25[%dma_wait3A_266, %dma_wait3A_267] : memref<10240x128xf32, #tpu.memory_space<vmem_shared>> -> memref<10240x128xf32, #tpu.memory_space<vmem_shared>>
      tpu.wait_indirect_dma semaphore(%arg30 : memref<!tpu.dma_semaphore, #tpu.memory_space<semaphore_mem>>) src(%run_scoped3A_16 : memref<40x128xf32, #tpu.memory_space<vmem>>) dst(%dma_wait3A_268 : memref<10240x128xf32, #tpu.memory_space<vmem_shared>>)
      tpu.yield
    }) : () -> ()
    %barrier3A_13 = arith.constant 0 : index
    tpu.barrier barrier_id(%barrier3A_13)
    "tpu.region"() ({
      %run_scoped3A = tpu.sem_alloc : memref<!tpu.dma_semaphore, #tpu.memory_space<semaphore_mem>>
      %dma_start3A = arith.constant 0 : i32
      %dma_start3A_14 = tpu.memref_slice %arg10[%arg0, %mul3A_2, %dma_start3A] : memref<2x10240x128xf32, #tpu.memory_space<hbm>> -> memref<1x640x128xf32, #tpu.memory_space<hbm>>
      %dma_start3A_15 = tpu.memref_squeeze %dma_start3A_14 : memref<1x640x128xf32, #tpu.memory_space<hbm>> -> memref<640x128xf32, #tpu.memory_space<hbm>>
      %dma_start3A_16 = arith.constant 0 : i32
      %dma_start3A_17 = tpu.memref_slice %arg25[%mul3A_2, %dma_start3A_16] : memref<10240x128xf32, #tpu.memory_space<vmem_shared>> -> memref<640x128xf32, #tpu.memory_space<vmem_shared>>
      tpu.enqueue_dma source(%dma_start3A_17 : memref<640x128xf32, #tpu.memory_space<vmem_shared>>) target(%dma_start3A_15 : memref<640x128xf32, #tpu.memory_space<hbm>>) target_semaphore(%run_scoped3A : memref<!tpu.dma_semaphore, #tpu.memory_space<semaphore_mem>>)
      %dma_wait3A = arith.constant 0 : i32
      %dma_wait3A_18 = tpu.memref_slice %arg10[%arg0, %mul3A_2, %dma_wait3A] : memref<2x10240x128xf32, #tpu.memory_space<hbm>> -> memref<1x640x128xf32, #tpu.memory_space<hbm>>
      %dma_wait3A_19 = tpu.memref_squeeze %dma_wait3A_18 : memref<1x640x128xf32, #tpu.memory_space<hbm>> -> memref<640x128xf32, #tpu.memory_space<hbm>>
      %dma_wait3A_20 = arith.constant 0 : i32
      %dma_wait3A_21 = tpu.memref_slice %arg25[%mul3A_2, %dma_wait3A_20] : memref<10240x128xf32, #tpu.memory_space<vmem_shared>> -> memref<640x128xf32, #tpu.memory_space<vmem_shared>>
      tpu.wait_dma2 semaphore(%run_scoped3A : memref<!tpu.dma_semaphore, #tpu.memory_space<semaphore_mem>>) src(%dma_wait3A_21 : memref<640x128xf32, #tpu.memory_space<vmem_shared>>) dst(%dma_wait3A_19 : memref<640x128xf32, #tpu.memory_space<hbm>>)
      tpu.yield
    }) : () -> ()
    return
  }
}

module attributes {stable_mosaic.version = 14 : i64} {
  func.func @_dense_body(%arg0: i32, %arg1: memref<1000x128xf32, #tpu.memory_space<vmem>>, %arg2: memref<128x256xf32, #tpu.memory_space<vmem>>, %arg3: memref<128x256xf32, #tpu.memory_space<vmem>>, %arg4: memref<128x128xf32, #tpu.memory_space<vmem>>, %arg5: memref<2x128xf32, #tpu.memory_space<vmem>>, %arg6: memref<2x128xf32, #tpu.memory_space<vmem>>, %arg7: memref<1000x256xf32, #tpu.memory_space<vmem>>, %arg8: memref<1000x128xf32, #tpu.memory_space<vmem>>) attributes {dimension_semantics = [#tpu.dimension_semantics<arbitrary>], iteration_bounds = array<i64: 10>, scalar_prefetch = 0 : i64, scratch_operands = 0 : i64, tpu.core_type = #tpu.core_type<tc>, window_params = [{transform_indices = @transform_0, window_bounds = array<i64: 1000, 128>}, {pipeline_mode = #tpu.pipeline_mode<synchronous>, transform_indices = @transform_1, window_bounds = array<i64: 128, 256>}, {pipeline_mode = #tpu.pipeline_mode<synchronous>, transform_indices = @transform_2, window_bounds = array<i64: 128, 256>}, {pipeline_mode = #tpu.pipeline_mode<synchronous>, transform_indices = @transform_3, window_bounds = array<i64: 128, 128>}, {pipeline_mode = #tpu.pipeline_mode<synchronous>, transform_indices = @transform_4, window_bounds = array<i64: 2, 128>}, {pipeline_mode = #tpu.pipeline_mode<synchronous>, transform_indices = @transform_5, window_bounds = array<i64: 2, 128>}, {transform_indices = @transform_6, window_bounds = array<i64: 1000, 256>}, {transform_indices = @transform_7, window_bounds = array<i64: 1000, 128>}]} {
    %get3A = arith.constant 0 : index
    %get3A_0 = arith.constant 0 : index
    %get3A_1 = vector.load %arg1[%get3A, %get3A_0] : memref<1000x128xf32, #tpu.memory_space<vmem>>, vector<1000x128xf32>
    %get3A_2 = arith.constant 0 : index
    %get3A_3 = arith.constant 0 : index
    %get3A_4 = vector.load %arg2[%get3A_2, %get3A_3] : memref<128x256xf32, #tpu.memory_space<vmem>>, vector<128x256xf32>
    %get3A_5 = arith.constant 0 : index
    %get3A_6 = arith.constant 0 : index
    %get3A_7 = vector.load %arg3[%get3A_5, %get3A_6] : memref<128x256xf32, #tpu.memory_space<vmem>>, vector<128x256xf32>
    %get3A_8 = arith.constant 0 : index
    %get3A_9 = arith.constant 0 : index
    %get3A_10 = vector.load %arg4[%get3A_8, %get3A_9] : memref<128x128xf32, #tpu.memory_space<vmem>>, vector<128x128xf32>
    %get3A_11 = arith.constant 0 : index
    %get3A_12 = arith.constant 0 : index
    %get3A_13 = vector.load %arg5[%get3A_11, %get3A_12] : memref<2x128xf32, #tpu.memory_space<vmem>>, vector<2x128xf32>
    %get3A_14 = arith.constant 0 : index
    %get3A_15 = arith.constant 0 : index
    %get3A_16 = vector.load %arg6[%get3A_14, %get3A_15] : memref<2x128xf32, #tpu.memory_space<vmem>>, vector<2x128xf32>
    %slice3A = vector.extract_strided_slice %get3A_7 {offsets = [0, 0], sizes = [128, 128], strides = [1, 1]} : vector<128x256xf32> to vector<128x128xf32>
    %slice3A_17 = vector.extract_strided_slice %get3A_13 {offsets = [0, 0], sizes = [1, 128], strides = [1, 1]} : vector<2x128xf32> to vector<1x128xf32>
    %squeeze3A = vector.shape_cast %slice3A_17 : vector<1x128xf32> to vector<128xf32>
    %broadcast_in_dim3A = vector.shape_cast %squeeze3A : vector<128xf32> to vector<1x128xf32>
    %mul3A = vector.broadcast %broadcast_in_dim3A : vector<1x128xf32> to vector<128x128xf32>
    %mul3A_18 = arith.mulf %slice3A, %mul3A : vector<128x128xf32>
    %reduce_sum3A = arith.constant dense<0.000000e+00> : vector<128xf32>
    %reduce_sum3A_19 = vector.multi_reduction <add>, %mul3A_18, %reduce_sum3A [1] : vector<128x128xf32> to vector<128xf32>
    %slice3A_20 = vector.extract_strided_slice %get3A_7 {offsets = [0, 128], sizes = [128, 128], strides = [1, 1]} : vector<128x256xf32> to vector<128x128xf32>
    %slice3A_21 = vector.extract_strided_slice %get3A_13 {offsets = [1, 0], sizes = [1, 128], strides = [1, 1]} : vector<2x128xf32> to vector<1x128xf32>
    %squeeze3A_22 = vector.shape_cast %slice3A_21 : vector<1x128xf32> to vector<128xf32>
    %broadcast_in_dim3A_23 = vector.shape_cast %squeeze3A_22 : vector<128xf32> to vector<1x128xf32>
    %mul3A_24 = vector.broadcast %broadcast_in_dim3A_23 : vector<1x128xf32> to vector<128x128xf32>
    %mul3A_25 = arith.mulf %slice3A_20, %mul3A_24 : vector<128x128xf32>
    %reduce_sum3A_26 = arith.constant dense<0.000000e+00> : vector<128xf32>
    %reduce_sum3A_27 = vector.multi_reduction <add>, %mul3A_25, %reduce_sum3A_26 [1] : vector<128x128xf32> to vector<128xf32>
    %slice3A_28 = vector.extract_strided_slice %get3A_4 {offsets = [0, 0], sizes = [128, 128], strides = [1, 1]} : vector<128x256xf32> to vector<128x128xf32>
    %slice3A_29 = vector.extract_strided_slice %get3A_16 {offsets = [0, 0], sizes = [1, 128], strides = [1, 1]} : vector<2x128xf32> to vector<1x128xf32>
    %squeeze3A_30 = vector.shape_cast %slice3A_29 : vector<1x128xf32> to vector<128xf32>
    %broadcast_in_dim3A_31 = vector.shape_cast %squeeze3A_30 : vector<128xf32> to vector<1x128xf32>
    %mul3A_32 = vector.broadcast %broadcast_in_dim3A_31 : vector<1x128xf32> to vector<128x128xf32>
    %mul3A_33 = arith.mulf %slice3A_28, %mul3A_32 : vector<128x128xf32>
    %reduce_sum3A_34 = arith.constant dense<0.000000e+00> : vector<128xf32>
    %reduce_sum3A_35 = vector.multi_reduction <add>, %mul3A_33, %reduce_sum3A_34 [1] : vector<128x128xf32> to vector<128xf32>
    %slice3A_36 = vector.extract_strided_slice %get3A_4 {offsets = [0, 128], sizes = [128, 128], strides = [1, 1]} : vector<128x256xf32> to vector<128x128xf32>
    %slice3A_37 = vector.extract_strided_slice %get3A_16 {offsets = [1, 0], sizes = [1, 128], strides = [1, 1]} : vector<2x128xf32> to vector<1x128xf32>
    %squeeze3A_38 = vector.shape_cast %slice3A_37 : vector<1x128xf32> to vector<128xf32>
    %broadcast_in_dim3A_39 = vector.shape_cast %squeeze3A_38 : vector<128xf32> to vector<1x128xf32>
    %mul3A_40 = vector.broadcast %broadcast_in_dim3A_39 : vector<1x128xf32> to vector<128x128xf32>
    %mul3A_41 = arith.mulf %slice3A_36, %mul3A_40 : vector<128x128xf32>
    %reduce_sum3A_42 = arith.constant dense<0.000000e+00> : vector<128xf32>
    %reduce_sum3A_43 = vector.multi_reduction <add>, %mul3A_41, %reduce_sum3A_42 [1] : vector<128x128xf32> to vector<128xf32>
    %stack3A = vector.shape_cast %reduce_sum3A_19 : vector<128xf32> to vector<128x1xf32>
    %stack3A_44 = vector.shape_cast %reduce_sum3A_27 : vector<128xf32> to vector<128x1xf32>
    %stack3A_45 = vector.shape_cast %reduce_sum3A_35 : vector<128xf32> to vector<128x1xf32>
    %stack3A_46 = vector.shape_cast %reduce_sum3A_43 : vector<128xf32> to vector<128x1xf32>
    %stack3A_47 = tpu.concatenate %stack3A, %stack3A_44, %stack3A_45, %stack3A_46 in 1 : vector<128x1xf32>, vector<128x1xf32>, vector<128x1xf32>, vector<128x1xf32> -> vector<128x4xf32>
    %broadcast_in_dim3A_48 = arith.constant 0.000000e+00 : f32
    %broadcast_in_dim3A_49 = vector.broadcast %broadcast_in_dim3A_48 : f32 to vector<128x124xf32>
    %concatenate3A = tpu.concatenate %stack3A_47, %broadcast_in_dim3A_49 in 1 : vector<128x4xf32>, vector<128x124xf32> -> vector<128x128xf32>
    %slice3A_50 = vector.extract_strided_slice %get3A_4 {offsets = [0, 0], sizes = [128, 128], strides = [1, 1]} : vector<128x256xf32> to vector<128x128xf32>
    %dot_general3A = arith.constant dense<0.000000e+00> : vector<128x128xf32>
    %dot_general3A_51 = tpu.matmul %slice3A_50, %get3A_10, %dot_general3A {dimension_numbers = #tpu.dot_dimension_numbers<[1], [0], [0], [1], [0, 0, 1, 1], [], []>, precision = #tpu.contract_precision<fp32>, transpose_lhs_hint = false} : vector<128x128xf32>, vector<128x128xf32>, vector<128x128xf32> -> vector<128x128xf32>
    %mul3A_52 = arith.constant 5.000000e-01 : f32
    %mul3A_53 = vector.broadcast %mul3A_52 : f32 to vector<128x128xf32>
    %mul3A_54 = arith.mulf %mul3A_53, %dot_general3A_51 : vector<128x128xf32>
    %slice3A_55 = vector.extract_strided_slice %get3A_4 {offsets = [0, 128], sizes = [128, 128], strides = [1, 1]} : vector<128x256xf32> to vector<128x128xf32>
    %dot_general3A_56 = arith.constant dense<0.000000e+00> : vector<128x128xf32>
    %dot_general3A_57 = tpu.matmul %slice3A_55, %get3A_10, %dot_general3A_56 {dimension_numbers = #tpu.dot_dimension_numbers<[1], [0], [0], [1], [0, 0, 1, 1], [], []>, precision = #tpu.contract_precision<fp32>, transpose_lhs_hint = false} : vector<128x128xf32>, vector<128x128xf32>, vector<128x128xf32> -> vector<128x128xf32>
    %mul3A_58 = arith.constant 5.000000e-01 : f32
    %mul3A_59 = vector.broadcast %mul3A_58 : f32 to vector<128x128xf32>
    %mul3A_60 = arith.mulf %mul3A_59, %dot_general3A_57 : vector<128x128xf32>
    %dot_general3A_61 = arith.constant dense<0.000000e+00> : vector<1000x128xf32>
    %dot_general3A_62 = tpu.matmul %get3A_1, %mul3A_54, %dot_general3A_61 {dimension_numbers = #tpu.dot_dimension_numbers<[1], [0], [0], [1], [0, 0, 1, 1], [], []>, precision = #tpu.contract_precision<fp32>, transpose_lhs_hint = false} : vector<1000x128xf32>, vector<128x128xf32>, vector<1000x128xf32> -> vector<1000x128xf32>
    %dot_general3A_63 = arith.constant dense<0.000000e+00> : vector<1000x128xf32>
    %dot_general3A_64 = tpu.matmul %get3A_1, %mul3A_60, %dot_general3A_63 {dimension_numbers = #tpu.dot_dimension_numbers<[1], [0], [0], [1], [0, 0, 1, 1], [], []>, precision = #tpu.contract_precision<fp32>, transpose_lhs_hint = false} : vector<1000x128xf32>, vector<128x128xf32>, vector<1000x128xf32> -> vector<1000x128xf32>
    %concatenate3A_65 = tpu.concatenate %dot_general3A_62, %dot_general3A_64 in 1 : vector<1000x128xf32>, vector<1000x128xf32> -> vector<1000x256xf32>
    %swap3A = arith.constant 0 : index
    %swap3A_66 = arith.constant 0 : index
    %swap3A_67 = vector.load %arg7[%swap3A, %swap3A_66] : memref<1000x256xf32, #tpu.memory_space<vmem>>, vector<1000x256xf32>
    tpu.vector_store %arg7[%swap3A, %swap3A_66], %concatenate3A_65 {strides = array<i32>} : memref<1000x256xf32, #tpu.memory_space<vmem>>, vector<1000x256xf32>,
    %dot_general3A_68 = arith.constant dense<0.000000e+00> : vector<1000x128xf32>
    %dot_general3A_69 = tpu.matmul %get3A_1, %concatenate3A, %dot_general3A_68 {dimension_numbers = #tpu.dot_dimension_numbers<[1], [0], [0], [1], [0, 0, 1, 1], [], []>, precision = #tpu.contract_precision<fp32>, transpose_lhs_hint = false} : vector<1000x128xf32>, vector<128x128xf32>, vector<1000x128xf32> -> vector<1000x128xf32>
    %swap3A_70 = arith.constant 0 : index
    %swap3A_71 = arith.constant 0 : index
    %swap3A_72 = vector.load %arg8[%swap3A_70, %swap3A_71] : memref<1000x128xf32, #tpu.memory_space<vmem>>, vector<1000x128xf32>
    tpu.vector_store %arg8[%swap3A_70, %swap3A_71], %dot_general3A_69 {strides = array<i32>} : memref<1000x128xf32, #tpu.memory_space<vmem>>, vector<1000x128xf32>,
    return
  }
  func.func @transform_0(%arg0: i32) -> (i32, i32) {
    %c0_i32 = arith.constant 0 : i32
    %c0_i32_0 = arith.constant 0 : i32
    return %arg0, %c0_i32 : i32, i32
  }
  func.func @transform_1(%arg0: i32) -> (i32, i32) {
    %c0_i32 = arith.constant 0 : i32
    %c0_i32_0 = arith.constant 0 : i32
    %c0_i32_1 = arith.constant 0 : i32
    return %c0_i32, %c0_i32_0 : i32, i32
  }
  func.func @transform_2(%arg0: i32) -> (i32, i32) {
    %c0_i32 = arith.constant 0 : i32
    %c0_i32_0 = arith.constant 0 : i32
    %c0_i32_1 = arith.constant 0 : i32
    return %c0_i32, %c0_i32_0 : i32, i32
  }
  func.func @transform_3(%arg0: i32) -> (i32, i32) {
    %c0_i32 = arith.constant 0 : i32
    %c0_i32_0 = arith.constant 0 : i32
    %c0_i32_1 = arith.constant 0 : i32
    return %c0_i32, %c0_i32_0 : i32, i32
  }
  func.func @transform_4(%arg0: i32) -> (i32, i32) {
    %c0_i32 = arith.constant 0 : i32
    %c0_i32_0 = arith.constant 0 : i32
    %c0_i32_1 = arith.constant 0 : i32
    return %c0_i32, %c0_i32_0 : i32, i32
  }
  func.func @transform_5(%arg0: i32) -> (i32, i32) {
    %c0_i32 = arith.constant 0 : i32
    %c0_i32_0 = arith.constant 0 : i32
    %c0_i32_1 = arith.constant 0 : i32
    return %c0_i32, %c0_i32_0 : i32, i32
  }
  func.func @transform_6(%arg0: i32) -> (i32, i32) {
    %c0_i32 = arith.constant 0 : i32
    %c0_i32_0 = arith.constant 0 : i32
    return %arg0, %c0_i32 : i32, i32
  }
  func.func @transform_7(%arg0: i32) -> (i32, i32) {
    %c0_i32 = arith.constant 0 : i32
    %c0_i32_0 = arith.constant 0 : i32
    return %arg0, %c0_i32 : i32, i32
  }
}

module attributes {stable_mosaic.version = 14 : i64} {
  func.func @_combine_body(%arg0: i32, %arg1: memref<2x1000x128xf32, #tpu.memory_space<vmem>>, %arg2: memref<1x128xf32, #tpu.memory_space<vmem>>, %arg3: memref<1000x128xf32, #tpu.memory_space<vmem>>) attributes {dimension_semantics = [#tpu.dimension_semantics<arbitrary>], iteration_bounds = array<i64: 10>, scalar_prefetch = 0 : i64, scratch_operands = 0 : i64, tpu.core_type = #tpu.core_type<tc>, window_params = [{transform_indices = @transform_0, window_bounds = array<i64: 2, 1000, 128>}, {pipeline_mode = #tpu.pipeline_mode<synchronous>, transform_indices = @transform_1, window_bounds = array<i64: 1, 128>}, {transform_indices = @transform_2, window_bounds = array<i64: 1000, 128>}]} {
    %get3A = arith.constant 0 : index
    %get3A_0 = arith.constant 0 : index
    %get3A_1 = arith.constant 0 : index
    %get3A_2 = vector.load %arg1[%get3A, %get3A_0, %get3A_1] : memref<2x1000x128xf32, #tpu.memory_space<vmem>>, vector<1x1000x128xf32>
    %get3A_3 = vector.shape_cast %get3A_2 : vector<1x1000x128xf32> to vector<1000x128xf32>
    %get3A_4 = arith.constant 1 : index
    %get3A_5 = arith.constant 0 : index
    %get3A_6 = arith.constant 0 : index
    %get3A_7 = vector.load %arg1[%get3A_4, %get3A_5, %get3A_6] : memref<2x1000x128xf32, #tpu.memory_space<vmem>>, vector<1x1000x128xf32>
    %get3A_8 = vector.shape_cast %get3A_7 : vector<1x1000x128xf32> to vector<1000x128xf32>
    %add3A = arith.addf %get3A_3, %get3A_8 : vector<1000x128xf32>
    %get3A_9 = arith.constant 0 : index
    %get3A_10 = arith.constant 0 : index
    %get3A_11 = vector.load %arg2[%get3A_9, %get3A_10] : memref<1x128xf32, #tpu.memory_space<vmem>>, vector<1x128xf32>
    %add3A_12 = vector.broadcast %get3A_11 : vector<1x128xf32> to vector<1000x128xf32>
    %add3A_13 = arith.addf %add3A, %add3A_12 : vector<1000x128xf32>
    %swap3A = arith.constant 0 : index
    %swap3A_14 = arith.constant 0 : index
    %swap3A_15 = vector.load %arg3[%swap3A, %swap3A_14] : memref<1000x128xf32, #tpu.memory_space<vmem>>, vector<1000x128xf32>
    tpu.vector_store %arg3[%swap3A, %swap3A_14], %add3A_13 {strides = array<i32>} : memref<1000x128xf32, #tpu.memory_space<vmem>>, vector<1000x128xf32>,
    return
  }
  func.func @transform_0(%arg0: i32) -> (i32, i32, i32) {
    %c0_i32 = arith.constant 0 : i32
    %c0_i32_0 = arith.constant 0 : i32
    %c0_i32_1 = arith.constant 0 : i32
    return %c0_i32, %arg0, %c0_i32_0 : i32, i32, i32
  }
  func.func @transform_1(%arg0: i32) -> (i32, i32) {
    %c0_i32 = arith.constant 0 : i32
    %c0_i32_0 = arith.constant 0 : i32
    %c0_i32_1 = arith.constant 0 : i32
    return %c0_i32, %c0_i32_0 : i32, i32
  }
  func.func @transform_2(%arg0: i32) -> (i32, i32) {
    %c0_i32 = arith.constant 0 : i32
    %c0_i32_0 = arith.constant 0 : i32
    return %arg0, %c0_i32 : i32, i32
  }
}

</mosaic_0001>

<sc_bundles>
// kernel: kernel.5.cloned.1.call-start
scs
__scs_entry_jumppad:
0x0: {  	(pc) =	sbr.rel $0x88, $3  }
0x1: {  	(tag) =	ssettag $0x0;
	lr =	simm.s32 $0x1  }
0x2: {  	[smem:$0x3F99] =	sst lr;
	_ =	strace $0xD0000000  }
0x3: {  	_ = 	snop  }
0x4: {  	_ = 	snop  }
0x5: {  	_ = 	snop  }
0x6: {  	_ = 	snop  }
0x7: {  	_ = 	snop  }
__scs_overlays_trampoline_lowered:
0x8: {  	[smem:$0x3FA8] =	sst s0  }
0x9: {  	[smem:$0x3FA9] =	sst s1  }
0xa: {  	[smem:$0x3FAA] =	sst s2  }
0xb: {  	[smem:$0x3FAB] =	sst s3  }
0xc: {  	[smem:$0x3FAC] =	sst s4  }
0xd: {  	[smem:$0x3FAD] =	sst s5  }
0xe: {  	[smem:$0x3FAE] =	sst s6  }
0xf: {  	[smem:$0x3FAF] =	sst s7  }
0x10: {  	[smem:$0x3FB0] =	sst s8  }
0x11: {  	[smem:$0x3FB1] =	sst s9;
	s0 =	simm.s32 @!p0 $0x0  }
0x12: {  	s1 =	sld [smem:$0x3F97];
	s0 =	simm.s32 @p0 $0x1  }
0x13: {  	[smem:$0x3FB2] =	sst s0;
	s0 =	simm.s32 @!p1 $0x0  }
0x14: {  	s2 =	sld [smem:$0x3F96];
	s0 =	simm.s32 @p1 $0x1  }
0x15: {  	[smem:$0x3FB3] =	sst s0;
	s0 =	simm.s32 @!p2 $0x0  }
0x16: {  	s3 =	sld [smem:$0x3FDB];
	s0 =	simm.s32 @p2 $0x1  }
0x17: {  	s4 =	simm.s32 $0x1BF5;
	[smem:$0x3FB5] =	sst s0  }
0x18: {  	s0 =	sld [smem:$0x3F98];
	_ =	swait.ge [sflag:s4], $0x0  }
0x19: {  	s7 =	sld [smem:$0x3F99]  }
0x1a: {  	s8 =	sadd.s32 $0xFFFFE003, lr  }
0x1b: {  	s9 =	sadd.s32 $0xFFFFFEF7, lr;
	s5 =	simm.s32 $0xFFFFFFFF;
	p2 =	slt.u32 s8, $0xFFFFF086  }
0x1c: {  	p1 =	slt.u32 s9, $0xF7A;
	s5 =	simm.s32 @!p2 $0x0  }
0x1d: {  	s5 =	simm.s32 @p1 $0x1;
	p0 =	seq.s32 s7, s2  }
0x1e: {  	s7 =	smul.u32 @!p0 $0xF7A, s2;
	p2 =	seq.s32 @!p0 s5, $0x0  }
0x1f: {  	s9 =	smul.u32 $0xF7A, s1;
	s8 =	simm.s32 @!p0 $0x1BF5;
	p2 =	por !p2, p0  }
0x20: {  	[sflag:s8] =	ssyncset.s32 @!p0 $0xFFFFF086;
	s6 =	sadd.s32 @!p0 s3, s7;
	s7 =	simm.s32 @!p0 $0x108  }
0x21: {  	s3 =	sadd.s32 s3, s9;
	s6 =	sadd.s32 @!p0 $0x88, s6;
	s7 =	simm.s32 @p2 $0x1082  }
0x22: {  	[simem:s7], [sflag:s8] =	dma.local @!p0 [hbm:s6], $0xF7A  }
0x23: {  	s9 =	sor.u32 $0xD0000000, s2;
	s6 =	simm.s32 $0x108;
	_ =	swait.ge @!p0 [sflag:s8], $0x0  }
0x24: {  	s3 =	sadd.s32 $0x88, s3;
	s6 =	simm.s32 @!p1 $0x1082;
	[sflag:s4] =	ssyncset.s32 $0xFFFFF086  }
0x25: {  	[simem:s6], [sflag:s4] =	dma.local [hbm:s3], $0xF7A  }
0x26: {  	[smem:$0x3F99] =	sst s1;
	(tag) =	ssettag s2;
	_ =	strace s9  }
0x27: {  	s1 =	sld [smem:$0x3FA9]  }
0x28: {  	s2 =	sld [smem:$0x3FAA]  }
0x29: {  	s4 =	sld [smem:$0x3FAC]  }
0x2a: {  	p0 =	seq.s32 s5, $0x0;
	s5 =	sld [smem:$0x3FAD]  }
0x2b: {  	s6 =	sld [smem:$0x3FAE]  }
0x2c: {  	s7 =	sld [smem:$0x3FAF]  }
0x2d: {  	s3 =	simm.s32 $0x108;
	s8 =	sld [smem:$0x3FB0]  }
0x2e: {  	s3 =	simm.s32 @!p0 $0x1082;
	s9 =	sld [smem:$0x3FB1]  }
0x2f: {  	lr =	sadd.s32 s0, s3;
	s0 =	sld [smem:$0x3FA8]  }
0x30: {  	s3 =	sld [smem:$0x3FAB]  }
0x31: {  	[smem:$0x3FB4] =	sst s10  }
0x32: {  	s10 =	sld [smem:$0x3FB2];
	_ =	sdelay $0x3  }
0x33: {  	p0 =	seq.s32 s10, $0x1;
	s10 =	sld [smem:$0x3FB4];
	_ =	sdelay $0x3  }
0x34: {  	[smem:$0x3FB4] =	sst s10  }
0x35: {  	s10 =	sld [smem:$0x3FB3];
	_ =	sdelay $0x3  }
0x36: {  	p1 =	seq.s32 s10, $0x1;
	s10 =	sld [smem:$0x3FB4];
	_ =	sdelay $0x3  }
0x37: {  	[smem:$0x3FB4] =	sst s10  }
0x38: {  	s10 =	sld [smem:$0x3FB5]  }
0x39: {  	_ = 	snop;
	(pc) =	sbr.ind lr, $3  }
0x3a: {  	_ = 	snop  }
0x3b: {  	_ = 	snop  }
0x3c: {  	p2 =	seq.s32 s10, $0x1;
	s10 =	sld [smem:$0x3FB4]  }
0x3d: {  	_ =	shalt  }
0x3e: {  	_ =	shalt  }
0x3f: {  	_ =	shalt  }
0x40: {  	_ =	shalt  }
0x41: {  	_ =	shalt  }
0x42: {  	_ =	shalt  }
0x43: {  	_ =	shalt  }
0x44: {  	_ =	shalt  }
0x45: {  	_ =	shalt  }
0x46: {  	_ =	shalt  }
0x47: {  	_ =	shalt  }
0x48: {  	_ =	shalt  }
0x49: {  	_ =	shalt  }
0x4a: {  	_ =	shalt  }
0x4b: {  	_ =	shalt  }
0x4c: {  	_ =	shalt  }
0x4d: {  	_ =	shalt  }
0x4e: {  	_ =	shalt  }
0x4f: {  	_ =	shalt  }
0x50: {  	_ =	shalt  }
0x51: {  	_ =	shalt  }
0x52: {  	_ =	shalt  }
0x53: {  	_ =	shalt  }
0x54: {  	_ =	shalt  }
0x55: {  	_ =	shalt  }
0x56: {  	_ =	shalt  }
0x57: {  	_ =	shalt  }
0x58: {  	_ =	shalt  }
0x59: {  	_ =	shalt  }
0x5a: {  	_ =	shalt  }
0x5b: {  	_ =	shalt  }
0x5c: {  	_ =	shalt  }
0x5d: {  	_ =	shalt  }
0x5e: {  	_ =	shalt  }
0x5f: {  	_ =	shalt  }
0x60: {  	_ =	shalt  }
0x61: {  	_ =	shalt  }
0x62: {  	_ =	shalt  }
0x63: {  	_ =	shalt  }
0x64: {  	_ =	shalt  }
0x65: {  	_ =	shalt  }
0x66: {  	_ =	shalt  }
0x67: {  	_ =	shalt  }
0x68: {  	_ =	shalt  }
0x69: {  	_ =	shalt  }
0x6a: {  	_ =	shalt  }
0x6b: {  	_ =	shalt  }
0x6c: {  	_ =	shalt  }
0x6d: {  	_ =	shalt  }
0x6e: {  	_ =	shalt  }
0x6f: {  	_ =	shalt  }
0x70: {  	_ =	shalt  }
0x71: {  	_ =	shalt  }
0x72: {  	_ =	shalt  }
0x73: {  	_ =	shalt  }
0x74: {  	_ =	shalt  }
0x75: {  	_ =	shalt  }
0x76: {  	_ =	shalt  }
0x77: {  	_ =	shalt  }
0x78: {  	_ =	shalt  }
0x79: {  	_ =	shalt  }
0x7a: {  	_ =	shalt  }
0x7b: {  	_ =	shalt  }
0x7c: {  	_ =	shalt  }
0x7d: {  	_ =	shalt  }
0x7e: {  	_ =	shalt  }
0x7f: {  	_ =	shalt  }
0x80: {  	_ =	shalt  }
0x81: {  	_ =	shalt  }
0x82: {  	_ =	shalt  }
0x83: {  	_ =	shalt  }
0x84: {  	_ =	shalt  }
0x85: {  	_ =	shalt  }
0x86: {  	_ =	shalt  }
0x87: {  	_ =	shalt  }
.Lfunc_end0:
.L_simem_size_0:
called_computation_lowered:
.L_overlay_start_0:
0x88: {  	s2 =	sld [smem:$0x3FD9]  }
0x89: {  	s3 =	sld [smem:$0x3FFE];
	_ =	sdelay $0x1  }
0x8a: {  	s1 =	srdreg.scid  }
0x8b: {  	s0 =	sand.u32 $0x1, s1  }
0x8c: {  	s14 =	sshll.u32 s0, $0xA;
	s2 =	sadd.s32 s3, s2  }
0x8d: {  	s2 =	sadd.s32 s2, s14  }
0x8e: {  	[smem:$0x3FC0] =	sst s2  }
0x8f: {  	_ = 	snop  }
0x90: {  	s2 =	sld [smem:$0x3FD0];
	_ =	sdelay $0x2  }
0x91: {  	s15 =	simm.s32 $0xA;
	s4 =	simm.s32 $0x10  }
0x92: {  	[smem:s4], [sflag:s15] =	dma.local [hbm:s2], $0x1  }
0x93: {  	_ =	swait.eq [sflag:s15], $0x1  }
0x94: {  	[sflag:s15] =	ssyncset.done $0x0  }
0x95: {  	s16 =	sld [smem:$0x10];
	[sflag:s15] =	ssyncadd.s32 $0xFFFFFFFF  }
0x96: {  	s17 =	sld [smem:$0x11];
	(tm) =	ssettm $0x1  }
0x97: {  	s18 =	sld [smem:$0x3FFB];
	_ =	sdelay $0x3  }
0x98: {  	_ =	strace s18  }
0x99: {  	s4 =	sld [smem:$0x3FFC];
	_ =	sdelay $0x3  }
0x9a: {  	_ =	strace s4  }
0x9b: {  	s4 =	sld [smem:$0x3FFD];
	_ =	sdelay $0x3  }
0x9c: {  	_ =	strace s4  }
0x9d: {  	_ =	strace $0x8FFFFFFF  }
0x9e: {  	s19 =	sld [smem:$0x3FDB];
	_ =	sdelay $0x1  }
0x9f: {  	s5 =	simm.s32 $_scs_section_size  }
0xa0: {  	s6 =	simm.s32 $_size__tile_overlayer_lowered;
	s7 =	simm.s32 $_tile_overlayer_lowered  }
0xa1: {  	s22 =	simm.s32 $0x1BFF;
	s21 =	sshll.u32 s7, $0x1;
	s4 =	sadd.s32 s5, s19  }
0xa2: {  	s8 =	simm.s32 $0x0;
	s20 =	sshll.u32 s6, $0x1;
	s6 =	sadd.s32 s21, s4  }
0xa3: {  	[timem:s8], [sflag:s22] =	dma.local [hbm:s6], s20  }
0xa4: {  	_ =	swait.ge [sflag:s22], s20  }
0xa5: {  	s5 =	ssub.s32 $0x0, s20;
	[sflag:s22] =	ssyncset.done $0x0  }
0xa6: {  	[sflag:s22] =	ssyncadd.s32 s5;
	_ =	sdelay $0x1  }
0xa7: {  	s23 =	simm.s32 $0x1B8B  }
0xa8: {  	_ =	swait.ge [sflag:s23], $0x1  }
0xa9: {  	[sflag:s23] =	ssyncset.done $0x0  }
0xaa: {  	s25 =	simm.s32 $0x1B8E;
	s24 =	sld [smem:$0x3FFE];
	[sflag:s23] =	ssyncadd.s32 $0xFFFFFFFF  }
0xab: {  	s26 =	simm.s32 $execute0_lowered;
	[smem:$0x3FD2] =	sst s25  }
0xac: {  	s6 =	sshll.u32 s26, $0x1;
	_ =	strace $0x80000046;
	[dreg:$0x1] =	wrdreg $0xFFFFFFFF  }
0xad: {  	s28 =	simm.s32 $_size_execute0_lowered;
	s4 =	sadd.s32 s4, s6;
	[dreg:$0x0] =	wrdreg $0x0  }
0xae: {  	s6 =	sshll.u32 s28, $0x1;
	[dreg:$0x2] =	wrdreg s4  }
0xaf: {  	[dreg:$0x3] =	wrdreg s6  }
0xb0: {  	[dreg:$0x4] =	wrdreg $0xC0  }
0xb1: {  	_ =	task [dreg:s8], $0x5FFFF  }
0xb2: {  	[dreg:$0x1] =	wrdreg $0xFFFFFFFF  }
0xb3: {  	[dreg:$0x0] =	wrdreg $0x60  }
0xb4: {  	[dreg:$0x2] =	wrdreg s24  }
0xb5: {  	[dreg:$0x3] =	wrdreg s17  }
0xb6: {  	[dreg:$0x4] =	wrdreg s16  }
0xb7: {  	[dreg:$0x5] =	wrdreg $0x41000  }
0xb8: {  	[dreg:$0x6] =	wrdreg $0x32000  }
0xb9: {  	[dreg:$0x7] =	wrdreg $0x37000  }
0xba: {  	[dreg:$0x8] =	wrdreg $0x39800  }
0xbb: {  	[dreg:$0x9] =	wrdreg $0x3C000  }
0xbc: {  	[dreg:$0xa] =	wrdreg $0x3E800  }
0xbd: {  	[dreg:$0xb] =	wrdreg $0x9  }
0xbe: {  	_ =	task.clear_ibuf [dreg:s8], $0xCFFFF;
	_ =	strace $0x90000046  }
0xbf: {  	s29 =	simm.s32 $0x9;
	_ =	strace $0x80000048  }
0xc0: {  	_ =	swait.ge [sflag:s29], $0x1  }
0xc1: {  	[sflag:s29] =	ssyncadd.s32 $0xFFFFFFFF  }
0xc2: {  	_ =	strace $0x90000048  }
0xc3: {  	_ =	sfence  }
0xc4: {  	s30 =	sld [smem:$0x0];
	_ =	sdelay $0x2  }
0xc5: {  	s31 =	sshll.u32 s1, $0xD;
	s1 =	sshrl.u32 s1, $0x2  }
0xc6: {  	s3 =	sand.u32 $0x4000, s31;
	s1 =	sadd.s32 s1, s30  }
0xc7: {  	s0 =	sor.u32 s3, s0;
	s1 =	sshll.u32 s1, $0x11  }
0xc8: {  	s0 =	sor.u32 s1, s0  }
0xc9: {  	s0 =	sadd.s32 $0x8F2B, s0  }
0xca: {  	[sflag:s0] =	ssyncadd.remote.s32 $0x1  }
0xcb: {  	_ =	sfence.sel $0xFFFF  }
0xcc: {  	[dreg:$0x0] =	wrdreg $0xFFFFFFFF;
	(pc) =	sbr.abs _section_cstart, $3  }
0xcd: {  	[dreg:$0x1] =	wrdreg $0xFFFFFFFF  }
0xce: {  	_ =	task.clear_ibuf [dreg:s8], $0x2FFFF;
	_ =	strace $0x9FFFFFFF  }
0xcf: {  	(tm) =	ssettm $0x7FFFFFFF  }
tec
execute0_lowered:
.L_overlay_start_1:
0x0: {  	(tag) =	ssettag $0x1  }
0x1: {  	s0 =	rddreg [dreg:$0x0]  }
0x2: {  	s24 =	rddreg [dreg:$0x1]  }
0x3: {  	s23 =	rddreg [dreg:$0x2]  }
0x4: {  	s26 =	rddreg [dreg:$0x3]  }
0x5: {  	s4 =	rddreg [dreg:$0x4]  }
0x6: {  	s13 =	rddreg [dreg:$0x5]  }
0x7: {  	s14 =	rddreg [dreg:$0x6]  }
0x8: {  	s15 =	rddreg [dreg:$0x7]  }
0x9: {  	s1 =	srdreg.scid;
	s8 =	stileid.u32  }
0xa: {  	s16 =	rddreg [dreg:$0x8];
	s3 =	smul.u32 $0x14000, s8  }
0xb: {  	s11 =	simm.s32 $0x0;
	s1 =	sand.u32 $0x1, s1;
	s5 =	smul.u32 $0x50000, s8  }
0xc: {  	[smem:$0x7FF] =	sst s11;
	s2 =	smul.u32 $0x140000, s1  }
0xd: {  	_ =	strace $0x80000047;
	s12 =	sshll.u32 s1, $0x4;
	s1 =	ssub.s32 $0x2, s1  }
0xe: {  	s6 =	sshrl.u32 s1, $0x1;
	s2 =	sadd.s32 s3, s2;
	s3 =	sor.u32 s8, s12  }
0xf: {  	s5 =	sshrl.u32 s5, $0x2;
	s12 =	sadd.s32 $0x9E00, s0;
	s7 =	smul.u32 $0x2710, s3  }
0x10: {  	s1 =	ssub.s32 s1, s6;
	s19 =	sadd.s32 s5, s26;
	s3 =	smul.u32 $0x9C4, s3  }
0x11: {  	s2 =	sshrl.u32 s2, $0x3;
	s1 =	smax.u32 s1, $0x1;
	[dreg:$0xa] =	wrdreg s19  }
0x12: {  	s2 =	sadd.s32 s2, s0;
	[dreg:$0x1a] =	wrdreg s1;
	s3 =	sadd.s32 s24, s3  }
0x13: {  	s17 =	sshrl.u32 s7, $0x3;
	s2 =	sadd.s32 $0x63600, s2;
	[dreg:$0xd] =	wrdreg s3  }
0x14: {  	s18 =	sadd.s32 s12, s17;
	[dreg:$0x19] =	wrdreg s2  }
0x15: {  	s20 =	sadd.s32 $0x28, s7;
	s6 =	sadd.s32 s0, s17;
	[dreg:$0xb] =	wrdreg s18  }
0x16: {  	s21 =	sshrl.u32 s20, $0x3;
	s2 =	sadd.s32 $0x5000, s19;
	[dreg:$0xc] =	wrdreg s6  }
0x17: {  	s25 =	sadd.s32 $0x50, s7;
	s22 =	sadd.s32 s12, s21;
	[smem:$0x7F4] =	sst s2  }
0x18: {  	s5 =	sshrl.u32 s20, $0x2;
	s3 =	sadd.s32 s0, s21;
	[dreg:$0xe] =	wrdreg s22  }
0x19: {  	s10 =	sshrl.u32 s25, $0x3;
	s9 =	sadd.s32 s24, s5;
	[dreg:$0xf] =	wrdreg s3  }
0x1a: {  	s17 =	sadd.s32 s12, s10;
	[dreg:$0x10] =	wrdreg s9  }
0x1b: {  	s5 =	sadd.s32 $0xA000, s19;
	[dreg:$0x11] =	wrdreg s17  }
0x1c: {  	s6 =	sadd.s32 $0xC800, s19;
	[smem:$0x7F6] =	sst s5  }
0x1d: {  	s18 =	sshrl.u32 s25, $0x2;
	s3 =	sadd.s32 s0, s10;
	[smem:$0x7F7] =	sst s6  }
0x1e: {  	s21 =	sadd.s32 s24, s18;
	[dreg:$0x12] =	wrdreg s3  }
0x1f: {  	s10 =	sadd.s32 $0xA0, s7;
	[dreg:$0x13] =	wrdreg s21  }
0x20: {  	s20 =	sadd.s32 $0x78, s7;
	s17 =	sadd.s32 $0xC8, s7;
	[dreg:$0x17] =	wrdreg s10  }
0x21: {  	s22 =	sshrl.u32 s20, $0x3;
	s18 =	sadd.s32 $0x63000, s0;
	[dreg:$0x18] =	wrdreg s17  }
0x22: {  	s9 =	sshrl.u32 s20, $0x2;
	s20 =	sadd.s32 $0x62A00, s0;
	[dreg:$0x1b] =	wrdreg s18  }
0x23: {  	s7 =	sadd.s32 $0xF000, s19;
	[dreg:$0x1c] =	wrdreg s20  }
0x24: {  	s29 =	simm.s32 $0x18100;
	s25 =	sadd.s32 s12, s22;
	[smem:$0x7F8] =	sst s7  }
0x25: {  	s30 =	simm.s32 $0x6;
	s3 =	sadd.s32 s0, s22;
	[dreg:$0x14] =	wrdreg s25  }
0x26: {  	s31 =	simm.s32 $0x1D100;
	s21 =	sadd.s32 $0x62400, s0;
	[dreg:$0x15] =	wrdreg s3  }
0x27: {  	s28 =	simm.s32 $0x1FA00;
	s22 =	sadd.s32 $0x61E00, s0;
	[dreg:$0x1d] =	wrdreg s21  }
0x28: {  	s2 =	simm.s32 $0x0;
	s17 =	sadd.s32 $0x11800, s19;
	[dreg:$0x1e] =	wrdreg s22  }
0x29: {  	s5 =	simm.s32 $0x1;
	s3 =	sadd.s32 s24, s9;
	[smem:$0x7F9] =	sst s17  }
0x2a: {  	s10 =	smul.u32 $0x280, s8;
	s25 =	sadd.s32 $0x2800, s19;
	[dreg:$0x16] =	wrdreg s3  }
0x2b: {  	s6 =	simm.s32 $0x1A900;
	[dreg:$0x1f] =	wrdreg s25;
	s3 =	sadd.s32 $0x7800, s19  }
0x2c: {  	v0 =	vimm.f32 $0.0e+00;
	v1 =	vimm.f32 $1.000000000e+00;
	v4 =	vimm.s32 $0x23222120;
	s7 =	simm.s32 $0x800;
	s18 =	sadd.s32 s10, s13;
	[smem:$0x7F5] =	sst s3  }
0x2d: {  	v7 =	vlaneseq.u32;
	v8 =	vimm.s32 $0x27262524;
	vm1 =	vcmask $0xF00;
	s9 =	sadd.s32 $0x13C00, s0;
	s20 =	sadd.s32 s10, s14;
	[smem:$0x7FA] =	sst s18  }
0x2e: {  	vm0 =	vmmov $0xffff;
	v2 =	vmul.u32 $0x2, v7;
	v6 =	vunpack.c.0.s8.s32 v4;
	s21 =	smul.u32 $0x4E20, s8;
	s22 =	sadd.s32 s10, s15;
	[smem:$0x7FB] =	sst s20  }
0x2f: {  	v3 =	vand.u32 $0x7, v7;
	v5 =	vshrl.u32 v7, $0x3;
	v8 =	vunpack.c.0.s8.s32 v8;
	s17 =	simm.s32 $0x1800;
	s25 =	sadd.s32 s10, s16;
	[smem:$0x7FC] =	sst s22  }
0x30: {  	v4 =	vmul.u32 $0x8, v5;
	v6 =	vnsel vm1, $0x27, v6;
	vm1 =	vcmask $0x1F10;
	s14 =	simm.s32 $0x2F80;
	s16 =	simm.s32 $0x2D00;
	[smem:$0x7FD] =	sst s25  }
0x31: {  	v5 =	vor.u32 $0x8, v7;
	v7 =	vor.u32 $0x20, v7;
	v6 =	vsel vm1, v8, v6;
	s22 =	simm.s32 $0x1000;
	s20 =	simm.s32 $0x1FB00;
	s18 =	simm.s32 $0x1FB80  }
.LBB2_1:
0x32: {  	s1 =	sand.u32 $0xFE00, s11  }
0x33: {  	[smem:$0x7F3] =	sst s2;
	s25 =	sand.u32 $0x70, s11;
	s3 =	sshrl.u32 s1, $0x2  }
0x34: {  	s2 =	simm.s32 $0x0;
	s1 =	simm.s32 $0x40;
	s3 =	sor.u32 s25, s3  }
.LBB2_2:
0x35: {  	p0 =	sne.s32 s1, $0x9FC0  }
0x36: {  	[tilespmem:s3+$0x18100] =	vst v0;
	s2 =	sadd.s32 $0x10, s2;
	s3 =	smov.u32 s1;
	s1 =	sadd.s32 $0x40, s1  }
.Ltmp0:
0x37: {  	(pc) =	sbr.rel @p0 .LBB2_2-.Ltmp0, $4  }
0x38: {  	_ = 	snop  }
0x39: {  	s3 =	sand.u32 $0xFE00, s3  }
0x3a: {  	s13 =	sand.u32 $0x70, s2;
	s3 =	sshrl.u32 s3, $0x2  }
0x3b: {  	s3 =	sor.u32 s13, s3  }
0x3c: {  	[tilespmem:s3+$0x18100] =	vst v0  }
0x3d: {  	[spmem:s19] =	stream.linear.scatter [tilespmem:s29], [sflag:$0x6], $0x2800, $0x38;
	[tilespmem:$0x1FD00] =	vst v63  }
0x3e: {  	_ =	swait.ge [sflag:s30], $0x2800  }
0x3f: {  	[sflag:s30] =	ssyncset.done $0x0  }
0x40: {  	s1 =	rddreg [dreg:$0x1f];
	[sflag:s30] =	ssyncadd.s32 $0xFFFFD800  }
0x41: {  	[spmem:s1] =	stream.linear.scatter [tilespmem:s29], [sflag:$0x6], $0x2800, $0x38;
	[tilespmem:$0x1FD00] =	vst v63  }
0x42: {  	_ =	swait.ge [sflag:s30], $0x2800  }
0x43: {  	s2 =	sld [smem:$0x7F4]  }
0x44: {  	[sflag:s30] =	ssyncset.done $0x0  }
0x45: {  	[sflag:s30] =	ssyncadd.s32 $0xFFFFD800  }
0x46: {  	[spmem:s2] =	stream.linear.scatter [tilespmem:s29], [sflag:$0x6], $0x2800, $0x38;
	[tilespmem:$0x1FD00] =	vst v63  }
0x47: {  	_ =	swait.ge [sflag:s30], $0x2800  }
0x48: {  	s3 =	sld [smem:$0x7F5]  }
0x49: {  	[sflag:s30] =	ssyncset.done $0x0  }
0x4a: {  	[sflag:s30] =	ssyncadd.s32 $0xFFFFD800  }
0x4b: {  	[spmem:s3] =	stream.linear.scatter [tilespmem:s29], [sflag:$0x6], $0x2800, $0x38;
	[tilespmem:$0x1FD00] =	vst v63  }
0x4c: {  	_ =	swait.ge [sflag:s30], $0x2800  }
0x4d: {  	s13 =	sld [smem:$0x7F6]  }
0x4e: {  	[sflag:s30] =	ssyncset.done $0x0  }
0x4f: {  	[sflag:s30] =	ssyncadd.s32 $0xFFFFD800  }
0x50: {  	[spmem:s13] =	stream.linear.scatter [tilespmem:s29], [sflag:$0x6], $0x2800, $0x38;
	[tilespmem:$0x1FD00] =	vst v63  }
0x51: {  	_ =	swait.ge [sflag:s30], $0x2800  }
0x52: {  	s15 =	sld [smem:$0x7F7]  }
0x53: {  	[sflag:s30] =	ssyncset.done $0x0  }
0x54: {  	[sflag:s30] =	ssyncadd.s32 $0xFFFFD800  }
0x55: {  	[spmem:s15] =	stream.linear.scatter [tilespmem:s29], [sflag:$0x6], $0x2800, $0x38;
	[tilespmem:$0x1FD00] =	vst v63  }
0x56: {  	_ =	swait.ge [sflag:s30], $0x2800  }
0x57: {  	s19 =	sld [smem:$0x7F8]  }
0x58: {  	[sflag:s30] =	ssyncset.done $0x0  }
0x59: {  	[sflag:s30] =	ssyncadd.s32 $0xFFFFD800  }
0x5a: {  	[spmem:s19] =	stream.linear.scatter [tilespmem:s29], [sflag:$0x6], $0x2800, $0x38;
	[tilespmem:$0x1FD00] =	vst v63  }
0x5b: {  	_ =	swait.ge [sflag:s30], $0x2800  }
0x5c: {  	s25 =	sld [smem:$0x7F9]  }
0x5d: {  	[sflag:s30] =	ssyncset.done $0x0  }
0x5e: {  	[sflag:s30] =	ssyncadd.s32 $0xFFFFD800  }
0x5f: {  	[spmem:s25] =	stream.linear.scatter [tilespmem:s29], [sflag:$0x6], $0x2800, $0x38;
	[tilespmem:$0x1FD00] =	vst v63  }
0x60: {  	_ =	swait.ge [sflag:s30], $0x2800  }
0x61: {  	[sflag:s30] =	ssyncset.done $0x0  }
0x62: {  	[sflag:s30] =	ssyncadd.s32 $0xFFFFD800  }
0x63: {  	s1 =	simm.s32 $0x40;
	s2 =	simm.s32 $0x0;
	[bflag:$0x0] =	sbarrier.arrive $0xFFFF  }
.LBB2_4:
0x64: {  	p0 =	sne.s32 s1, $0x9FC0;
	[tilespmem:s2+$0x18100] =	vst v0;
	s2 =	smov.u32 s1;
	s1 =	sadd.s32 $0x40, s1  }
.Ltmp1:
0x65: {  	(pc) =	sbr.rel @p0 .LBB2_4-.Ltmp1, $2  }
0x66: {  	_ =	sdelay $0x2  }
0x67: {  	s2 =	sshra.s32 s2, $0x2  }
0x68: {  	[tilespmem:s2+$0x18100] =	vst v0;
	s1 =	simm.s32 $0x40;
	s2 =	simm.s32 $0x0  }
.LBB2_6:
0x69: {  	p0 =	sne.s32 s1, $0x9FC0;
	[tilespmem:s2+$0x1A900] =	vst v0;
	s2 =	smov.u32 s1;
	s1 =	sadd.s32 $0x40, s1  }
.Ltmp2:
0x6a: {  	(pc) =	sbr.rel @p0 .LBB2_6-.Ltmp2, $2  }
0x6b: {  	_ =	sdelay $0x2  }
0x6c: {  	s2 =	sshra.s32 s2, $0x2  }
0x6d: {  	[tilespmem:s2+$0x1A900] =	vst v0;
	s1 =	simm.s32 $0x0;
	s25 =	rddreg [dreg:$0x1b]  }
0x6e: {  	[tilespmem:s31], [sflag:$0x6] =	stream.linear.gather [hbm4b:s25+s1], $0x2800, $0x38;
	[tilespmem:$0x1FD00] =	vst v63  }
0x6f: {  	_ =	swait.ge [sflag:s30], $0x2800  }
0x70: {  	[sflag:s30] =	ssyncset.done $0x0  }
0x71: {  	s2 =	simm.s32 $0x0;
	[sflag:s30] =	ssyncadd.s32 $0xFFFFD800  }
.LBB2_8:
0x72: {  	s3 =	smul.u32 $0x7D0, s2;
	_ =	sdelay $0x1  }
0x73: {  	s3 =	sadd.s32 s21, s3  }
0x74: {  	s3 =	sshrl.u32 s3, $0x3  }
0x75: {  	s13 =	sadd.s32 s12, s3  }
0x76: {  	[tilespmem:s1], [sflag:$0x1] =	stream.linear.gather [hbm4b:s13+s1], $0x7D0, $0x38;
	[tilespmem:$0x1FD00] =	vst v63  }
0x77: {  	s3 =	sadd.s32 s0, s3  }
0x78: {  	[tilespmem:s7], [sflag:$0x1] =	stream.linear.gather [hbm4b:s3+s1], $0x7D0, $0x38;
	[tilespmem:$0x1FD00] =	vst v63  }
0x79: {  	_ =	swait.ge [sflag:s5], $0x7D0  }
0x7a: {  	[sflag:s5] =	ssyncset.done $0x0  }
0x7b: {  	[sflag:s5] =	ssyncadd.s32 $0xFFFFF830  }
0x7c: {  	_ =	swait.ge [sflag:s5], $0x7D0  }
0x7d: {  	[sflag:s5] =	ssyncset.done $0x0  }
0x7e: {  	s25 =	simm.s32 $0x0;
	[sflag:s5] =	ssyncadd.s32 $0xFFFFF830  }
0x7f: {  	v9 =	vld [tilespmem:s25+$0x0];
	_ =	sdelay $0x4  }
0x80: {  	v8 =	vld [tilespmem:s25+$0x800];
	_ =	sdelay $0x2  }
0x81: {  	s13 =	simm.s32 $0x80;
	s3 =	simm.s32 $0x40;
	v9 =	vld.idx.msk [tilespmem:v9+s31+$0x0], $0xffff  }
.LBB2_9:
0x82: {  	_ =	sdelay $0x2  }
0x83: {  	p0 =	sne.s32 s13, $0x1F00  }
0x84: {  	s15 =	sshra.s32 s3, $0x2;
	s3 =	smov.u32 s13;
	s13 =	sadd.s32 $0x40, s13;
	[tilespmem:v8+s29+$0x0] =	vst.idx.add.f32.msk $0xffff, v1  }
0x85: {  	[tilespmem:v8+s6+$0x0] =	vst.idx.add.f32.msk $0xffff, v9  }
0x86: {  	v9 =	vld [tilespmem:s15+$0x0];
	_ =	sdelay $0x3  }
.Ltmp3:
0x87: {  	(pc) =	sbr.rel @p0 .LBB2_9-.Ltmp3, $2  }
0x88: {  	v8 =	vld [tilespmem:s15+$0x800];
	_ =	sdelay $0x2  }
0x89: {  	v9 =	vld.idx.msk [tilespmem:v9+s31+$0x0], $0xffff  }
0x8a: {  	_ =	sdelay $0x4  }
0x8b: {  	[tilespmem:v8+s29+$0x0] =	vst.idx.add.f32.msk $0xffff, v1  }
0x8c: {  	s3 =	sshra.s32 s3, $0x2;
	[tilespmem:v8+s6+$0x0] =	vst.idx.add.f32.msk $0xffff, v9  }
0x8d: {  	v8 =	vld [tilespmem:s3+$0x0];
	_ =	sdelay $0x3  }
0x8e: {  	v9 =	vld [tilespmem:s3+$0x800];
	_ =	sdelay $0x2  }
0x8f: {  	s2 =	sadd.s32 $0x1, s2  }
0x90: {  	p0 =	sne.s32 s2, $0xA;
	v8 =	vld.idx.msk [tilespmem:v8+s31+$0x0], $0xffff  }
.Ltmp4:
0x91: {  	_ = 	snop;
	(pc) =	sbr.rel @p0 .LBB2_8-.Ltmp4, $3  }
0x92: {  	_ =	sdelay $0x1  }
0x93: {  	[tilespmem:v9+s29+$0x0] =	vst.idx.add.f32.msk $0xffff, v1  }
0x94: {  	[tilespmem:v9+s6+$0x0] =	vst.idx.add.f32.msk $0xffff, v8  }
0x95: {  	[bflag:$0x0] =	sbarrier.arrive $0xFFFF  }
0x96: {  	[tilespmem:$0x2800] =	vst v0  }
0x97: {  	[tilespmem:$0x2810] =	vst v0  }
0x98: {  	[tilespmem:$0x2820] =	vst v0  }
0x99: {  	[tilespmem:$0x2830] =	vst v0  }
0x9a: {  	[tilespmem:$0x2840] =	vst v0  }
0x9b: {  	[tilespmem:$0x2850] =	vst v0  }
0x9c: {  	[tilespmem:$0x2860] =	vst v0  }
0x9d: {  	[tilespmem:$0x2870] =	vst v0  }
0x9e: {  	[tilespmem:$0x2880] =	vst v0  }
0x9f: {  	[tilespmem:$0x2890] =	vst v0  }
0xa0: {  	[tilespmem:$0x28A0] =	vst v0  }
0xa1: {  	[tilespmem:$0x28B0] =	vst v0  }
0xa2: {  	[tilespmem:$0x28C0] =	vst v0  }
0xa3: {  	[tilespmem:$0x28D0] =	vst v0  }
0xa4: {  	[tilespmem:$0x28E0] =	vst v0  }
0xa5: {  	[tilespmem:$0x28F0] =	vst v0  }
0xa6: {  	[tilespmem:$0x2900] =	vst v0  }
0xa7: {  	[tilespmem:$0x2910] =	vst v0  }
0xa8: {  	[tilespmem:$0x2920] =	vst v0  }
0xa9: {  	[tilespmem:$0x2930] =	vst v0  }
0xaa: {  	[tilespmem:$0x2940] =	vst v0  }
0xab: {  	[tilespmem:$0x2950] =	vst v0  }
0xac: {  	[tilespmem:$0x2960] =	vst v0  }
0xad: {  	[tilespmem:$0x2970] =	vst v0  }
0xae: {  	[tilespmem:$0x2980] =	vst v0  }
0xaf: {  	[tilespmem:$0x2990] =	vst v0  }
0xb0: {  	[tilespmem:$0x29A0] =	vst v0  }
0xb1: {  	[tilespmem:$0x29B0] =	vst v0  }
0xb2: {  	[tilespmem:$0x29C0] =	vst v0  }
0xb3: {  	[tilespmem:$0x29D0] =	vst v0  }
0xb4: {  	[tilespmem:$0x29E0] =	vst v0  }
0xb5: {  	[tilespmem:$0x29F0] =	vst v0  }
0xb6: {  	[tilespmem:$0x2A00] =	vst v0  }
0xb7: {  	[tilespmem:$0x2A10] =	vst v0  }
0xb8: {  	[tilespmem:$0x2A20] =	vst v0  }
0xb9: {  	[tilespmem:$0x2A30] =	vst v0  }
0xba: {  	[tilespmem:$0x2A40] =	vst v0  }
0xbb: {  	[tilespmem:$0x2A50] =	vst v0  }
0xbc: {  	[tilespmem:$0x2A60] =	vst v0  }
0xbd: {  	s1 =	simm.s32 $0x0;
	[tilespmem:$0x2A70] =	vst v0  }
.LBB2_12:
0xbe: {  	s2 =	sadd.s32 s8, s1  }
0xbf: {  	s3 =	sand.u32 $0x1, s1;
	s2 =	sand.u32 $0xF, s2  }
0xc0: {  	p0 =	seq.s32 s3, $0x1;
	s3 =	simm.s32 $0x2800;
	s2 =	smul.u32 $0xA00, s2  }
0xc1: {  	s3 =	simm.s32 @!p0 $0x0  }
0xc2: {  	s3 =	sadd.s32 s3, s4;
	s2 =	sshrl.u32 s2, $0x2  }
0xc3: {  	s25 =	ssub.s32 s8, s1;
	s13 =	sadd.s32 s10, s3;
	s2 =	sadd.s32 $0x18100, s2  }
0xc4: {  	[spmem:s13] =	stream.linear.scatter [tilespmem:s2], [sflag:$0x6], $0x280, $0x38;
	[tilespmem:$0x1FD00] =	vst v63  }
0xc5: {  	s2 =	sand.u32 $0xF, s25  }
0xc6: {  	_ =	swait.ge [sflag:s30], $0x280;
	s2 =	smul.u32 $0xA00, s2  }
0xc7: {  	[sflag:s30] =	ssyncset.done $0x0  }
0xc8: {  	[sflag:s30] =	ssyncadd.s32 $0xFFFFFD80;
	s2 =	sshrl.u32 s2, $0x2  }
0xc9: {  	[bflag:$0x0] =	sbarrier.arrive $0xFFFF;
	s2 =	sadd.s32 s2, s3  }
0xca: {  	[tilespmem:s14], [sflag:$0x6] =	stream.linear.gather [spmem:s2], $0x280, $0x38;
	[tilespmem:$0x1FD00] =	vst v63  }
0xcb: {  	_ =	swait.ge [sflag:s30], $0x280  }
0xcc: {  	[sflag:s30] =	ssyncset.done $0x0  }
0xcd: {  	s2 =	simm.s32 $0x0;
	[sflag:s30] =	ssyncadd.s32 $0xFFFFFD80  }
0xce: {  	s3 =	simm.s32 $0x40;
	v8 =	vld [tilespmem:s2+$0x2F80]  }
.LBB2_13:
0xcf: {  	p0 =	sne.s32 s3, $0x9C0;
	v9 =	vld [tilespmem:s2+$0x2800];
	_ =	sdelay $0x2  }
.Ltmp5:
0xd0: {  	(pc) =	sbr.rel @p0 .LBB2_13-.Ltmp5, $4  }
0xd1: {  	_ = 	snop  }
0xd2: {  	v9 =	vadd.f32 v8, v9  }
0xd3: {  	s13 =	sshra.s32 s3, $0x2  }
0xd4: {  	s3 =	sadd.s32 $0x40, s3;
	v8 =	vld [tilespmem:s13+$0x2F80];
	[tilespmem:s2+$0x2800] =	vst v9;
	s2 =	smov.u32 s13  }
0xd5: {  	v9 =	vld [tilespmem:s2+$0x2800]  }
0xd6: {  	s1 =	sadd.s32 $0x1, s1  }
0xd7: {  	p0 =	sne.s32 s1, $0x10  }
.Ltmp6:
0xd8: {  	_ = 	snop;
	(pc) =	sbr.rel @p0 .LBB2_12-.Ltmp6, $3  }
0xd9: {  	_ = 	snop  }
0xda: {  	v8 =	vadd.f32 v8, v9;
	_ =	sdelay $0x1  }
0xdb: {  	[tilespmem:s2+$0x2800] =	vst v8  }
0xdc: {  	[tilespmem:$0x2A80] =	vst v0  }
0xdd: {  	[tilespmem:$0x2A90] =	vst v0  }
0xde: {  	[tilespmem:$0x2AA0] =	vst v0  }
0xdf: {  	[tilespmem:$0x2AB0] =	vst v0  }
0xe0: {  	[tilespmem:$0x2AC0] =	vst v0  }
0xe1: {  	[tilespmem:$0x2AD0] =	vst v0  }
0xe2: {  	[tilespmem:$0x2AE0] =	vst v0  }
0xe3: {  	[tilespmem:$0x2AF0] =	vst v0  }
0xe4: {  	[tilespmem:$0x2B00] =	vst v0  }
0xe5: {  	[tilespmem:$0x2B10] =	vst v0  }
0xe6: {  	[tilespmem:$0x2B20] =	vst v0  }
0xe7: {  	[tilespmem:$0x2B30] =	vst v0  }
0xe8: {  	[tilespmem:$0x2B40] =	vst v0  }
0xe9: {  	[tilespmem:$0x2B50] =	vst v0  }
0xea: {  	[tilespmem:$0x2B60] =	vst v0  }
0xeb: {  	[tilespmem:$0x2B70] =	vst v0  }
0xec: {  	[tilespmem:$0x2B80] =	vst v0  }
0xed: {  	[tilespmem:$0x2B90] =	vst v0  }
0xee: {  	[tilespmem:$0x2BA0] =	vst v0  }
0xef: {  	[tilespmem:$0x2BB0] =	vst v0  }
0xf0: {  	[tilespmem:$0x2BC0] =	vst v0  }
0xf1: {  	[tilespmem:$0x2BD0] =	vst v0  }
0xf2: {  	[tilespmem:$0x2BE0] =	vst v0  }
0xf3: {  	[tilespmem:$0x2BF0] =	vst v0  }
0xf4: {  	[tilespmem:$0x2C00] =	vst v0  }
0xf5: {  	[tilespmem:$0x2C10] =	vst v0  }
0xf6: {  	[tilespmem:$0x2C20] =	vst v0  }
0xf7: {  	[tilespmem:$0x2C30] =	vst v0  }
0xf8: {  	[tilespmem:$0x2C40] =	vst v0  }
0xf9: {  	[tilespmem:$0x2C50] =	vst v0  }
0xfa: {  	[tilespmem:$0x2C60] =	vst v0  }
0xfb: {  	[tilespmem:$0x2C70] =	vst v0  }
0xfc: {  	[tilespmem:$0x2C80] =	vst v0  }
0xfd: {  	[tilespmem:$0x2C90] =	vst v0  }
0xfe: {  	[tilespmem:$0x2CA0] =	vst v0  }
0xff: {  	[tilespmem:$0x2CB0] =	vst v0  }
0x100: {  	[tilespmem:$0x2CC0] =	vst v0  }
0x101: {  	[tilespmem:$0x2CD0] =	vst v0  }
0x102: {  	[tilespmem:$0x2CE0] =	vst v0  }
0x103: {  	[tilespmem:$0x2CF0] =	vst v0;
	s1 =	simm.s32 $0x0  }
.LBB2_16:
0x104: {  	s2 =	sadd.s32 s8, s1  }
0x105: {  	s3 =	sand.u32 $0x1, s1;
	s2 =	sand.u32 $0xF, s2  }
0x106: {  	p0 =	seq.s32 s3, $0x1;
	s3 =	simm.s32 $0x2800;
	s2 =	smul.u32 $0xA00, s2  }
0x107: {  	s3 =	simm.s32 @!p0 $0x0  }
0x108: {  	s3 =	sadd.s32 s3, s4;
	s2 =	sshrl.u32 s2, $0x2  }
0x109: {  	s25 =	ssub.s32 s8, s1;
	s13 =	sadd.s32 s10, s3;
	s2 =	sadd.s32 $0x1A900, s2  }
0x10a: {  	[spmem:s13] =	stream.linear.scatter [tilespmem:s2], [sflag:$0x6], $0x280, $0x38;
	[tilespmem:$0x1FD00] =	vst v63  }
0x10b: {  	s2 =	sand.u32 $0xF, s25  }
0x10c: {  	_ =	swait.ge [sflag:s30], $0x280;
	s2 =	smul.u32 $0xA00, s2  }
0x10d: {  	[sflag:s30] =	ssyncset.done $0x0  }
0x10e: {  	[sflag:s30] =	ssyncadd.s32 $0xFFFFFD80;
	s2 =	sshrl.u32 s2, $0x2  }
0x10f: {  	[bflag:$0x0] =	sbarrier.arrive $0xFFFF;
	s2 =	sadd.s32 s2, s3  }
0x110: {  	[tilespmem:s14], [sflag:$0x6] =	stream.linear.gather [spmem:s2], $0x280, $0x38;
	[tilespmem:$0x1FD00] =	vst v63  }
0x111: {  	_ =	swait.ge [sflag:s30], $0x280  }
0x112: {  	[sflag:s30] =	ssyncset.done $0x0  }
0x113: {  	s2 =	simm.s32 $0x0;
	[sflag:s30] =	ssyncadd.s32 $0xFFFFFD80  }
0x114: {  	s3 =	simm.s32 $0x40;
	v8 =	vld [tilespmem:s2+$0x2F80]  }
.LBB2_17:
0x115: {  	p0 =	sne.s32 s3, $0x9C0;
	v9 =	vld [tilespmem:s2+$0x2A80];
	_ =	sdelay $0x2  }
.Ltmp7:
0x116: {  	(pc) =	sbr.rel @p0 .LBB2_17-.Ltmp7, $4  }
0x117: {  	_ = 	snop  }
0x118: {  	v9 =	vadd.f32 v8, v9  }
0x119: {  	s13 =	sshra.s32 s3, $0x2  }
0x11a: {  	s3 =	sadd.s32 $0x40, s3;
	v8 =	vld [tilespmem:s13+$0x2F80];
	[tilespmem:s2+$0x2A80] =	vst v9;
	s2 =	smov.u32 s13  }
0x11b: {  	v9 =	vld [tilespmem:s2+$0x2A80]  }
0x11c: {  	s1 =	sadd.s32 $0x1, s1  }
0x11d: {  	p0 =	sne.s32 s1, $0x10  }
.Ltmp8:
0x11e: {  	_ = 	snop;
	(pc) =	sbr.rel @p0 .LBB2_16-.Ltmp8, $3  }
0x11f: {  	_ = 	snop  }
0x120: {  	v8 =	vadd.f32 v8, v9;
	_ =	sdelay $0x1  }
0x121: {  	[tilespmem:s2+$0x2A80] =	vst v8  }
0x122: {  	s1 =	simm.s32 $0x40;
	s2 =	simm.s32 $0x0  }
.LBB2_20:
0x123: {  	p0 =	sne.s32 s1, $0x9FC0;
	[tilespmem:s2+$0x18100] =	vst v0;
	s2 =	smov.u32 s1;
	s1 =	sadd.s32 $0x40, s1  }
.Ltmp9:
0x124: {  	(pc) =	sbr.rel @p0 .LBB2_20-.Ltmp9, $2  }
0x125: {  	_ =	sdelay $0x2  }
0x126: {  	s2 =	sshra.s32 s2, $0x2  }
0x127: {  	[tilespmem:s2+$0x18100] =	vst v0;
	s1 =	simm.s32 $0x0;
	s25 =	rddreg [dreg:$0x1c]  }
0x128: {  	[tilespmem:s6], [sflag:$0x6] =	stream.linear.gather [hbm4b:s25+s1], $0x2800, $0x38;
	[tilespmem:$0x1FD00] =	vst v63  }
0x129: {  	_ =	swait.ge [sflag:s30], $0x2800  }
0x12a: {  	[sflag:s30] =	ssyncset.done $0x0  }
0x12b: {  	s2 =	simm.s32 $0x0;
	[sflag:s30] =	ssyncadd.s32 $0xFFFFD800  }
.LBB2_22:
0x12c: {  	s3 =	smul.u32 $0x7D0, s2;
	_ =	sdelay $0x1  }
0x12d: {  	s3 =	sadd.s32 s21, s3  }
0x12e: {  	s3 =	sshrl.u32 s3, $0x3  }
0x12f: {  	s13 =	sadd.s32 s12, s3  }
0x130: {  	[tilespmem:s1], [sflag:$0x1] =	stream.linear.gather [hbm4b:s13+s1], $0x7D0, $0x38;
	[tilespmem:$0x1FD00] =	vst v63  }
0x131: {  	s3 =	sadd.s32 s0, s3  }
0x132: {  	[tilespmem:s7], [sflag:$0x1] =	stream.linear.gather [hbm4b:s3+s1], $0x7D0, $0x38;
	[tilespmem:$0x1FD00] =	vst v63  }
0x133: {  	_ =	swait.ge [sflag:s5], $0x7D0  }
0x134: {  	[sflag:s5] =	ssyncset.done $0x0  }
0x135: {  	[sflag:s5] =	ssyncadd.s32 $0xFFFFF830  }
0x136: {  	_ =	swait.ge [sflag:s5], $0x7D0  }
0x137: {  	[sflag:s5] =	ssyncset.done $0x0  }
0x138: {  	s13 =	simm.s32 $0x0;
	s3 =	simm.s32 $0x40;
	[sflag:s5] =	ssyncadd.s32 $0xFFFFF830  }
.LBB2_23:
0x139: {  	p0 =	sne.s32 s3, $0x1F00;
	v8 =	vld [tilespmem:s13+$0x0];
	_ =	sdelay $0x5  }
0x13a: {  	v9 =	vld [tilespmem:s13+$0x800];
	_ =	sdelay $0x1  }
0x13b: {  	v8 =	vld.idx.msk [tilespmem:v8+s6+$0x0], $0xffff;
	_ =	sdelay $0x1  }
.Ltmp10:
0x13c: {  	(pc) =	sbr.rel @p0 .LBB2_23-.Ltmp10, $2  }
0x13d: {  	_ =	sdelay $0x2  }
0x13e: {  	s13 =	sshra.s32 s3, $0x2;
	s3 =	sadd.s32 $0x40, s3;
	[tilespmem:v9+s29+$0x0] =	vst.idx.add.f32.msk $0xffff, v8  }
0x13f: {  	v8 =	vld [tilespmem:s13+$0x0];
	_ =	sdelay $0x4  }
0x140: {  	v9 =	vld [tilespmem:s13+$0x800];
	_ =	sdelay $0x1  }
0x141: {  	s2 =	sadd.s32 $0x1, s2  }
0x142: {  	p0 =	sne.s32 s2, $0xA;
	v8 =	vld.idx.msk [tilespmem:v8+s6+$0x0], $0xffff  }
.Ltmp11:
0x143: {  	_ = 	snop;
	(pc) =	sbr.rel @p0 .LBB2_22-.Ltmp11, $2  }
0x144: {  	_ =	sdelay $0x2  }
0x145: {  	[tilespmem:v9+s29+$0x0] =	vst.idx.add.f32.msk $0xffff, v8  }
0x146: {  	[bflag:$0x0] =	sbarrier.arrive $0xFFFF  }
0x147: {  	[tilespmem:$0x2D00] =	vst v0  }
0x148: {  	[tilespmem:$0x2D10] =	vst v0  }
0x149: {  	[tilespmem:$0x2D20] =	vst v0  }
0x14a: {  	[tilespmem:$0x2D30] =	vst v0  }
0x14b: {  	[tilespmem:$0x2D40] =	vst v0  }
0x14c: {  	[tilespmem:$0x2D50] =	vst v0  }
0x14d: {  	[tilespmem:$0x2D60] =	vst v0  }
0x14e: {  	[tilespmem:$0x2D70] =	vst v0  }
0x14f: {  	[tilespmem:$0x2D80] =	vst v0  }
0x150: {  	[tilespmem:$0x2D90] =	vst v0  }
0x151: {  	[tilespmem:$0x2DA0] =	vst v0  }
0x152: {  	[tilespmem:$0x2DB0] =	vst v0  }
0x153: {  	[tilespmem:$0x2DC0] =	vst v0  }
0x154: {  	[tilespmem:$0x2DD0] =	vst v0  }
0x155: {  	[tilespmem:$0x2DE0] =	vst v0  }
0x156: {  	[tilespmem:$0x2DF0] =	vst v0  }
0x157: {  	[tilespmem:$0x2E00] =	vst v0  }
0x158: {  	[tilespmem:$0x2E10] =	vst v0  }
0x159: {  	[tilespmem:$0x2E20] =	vst v0  }
0x15a: {  	[tilespmem:$0x2E30] =	vst v0  }
0x15b: {  	[tilespmem:$0x2E40] =	vst v0  }
0x15c: {  	[tilespmem:$0x2E50] =	vst v0  }
0x15d: {  	[tilespmem:$0x2E60] =	vst v0  }
0x15e: {  	[tilespmem:$0x2E70] =	vst v0  }
0x15f: {  	[tilespmem:$0x2E80] =	vst v0  }
0x160: {  	[tilespmem:$0x2E90] =	vst v0  }
0x161: {  	[tilespmem:$0x2EA0] =	vst v0  }
0x162: {  	[tilespmem:$0x2EB0] =	vst v0  }
0x163: {  	[tilespmem:$0x2EC0] =	vst v0  }
0x164: {  	[tilespmem:$0x2ED0] =	vst v0  }
0x165: {  	[tilespmem:$0x2EE0] =	vst v0  }
0x166: {  	[tilespmem:$0x2EF0] =	vst v0  }
0x167: {  	[tilespmem:$0x2F00] =	vst v0  }
0x168: {  	[tilespmem:$0x2F10] =	vst v0  }
0x169: {  	[tilespmem:$0x2F20] =	vst v0  }
0x16a: {  	[tilespmem:$0x2F30] =	vst v0  }
0x16b: {  	[tilespmem:$0x2F40] =	vst v0  }
0x16c: {  	[tilespmem:$0x2F50] =	vst v0  }
0x16d: {  	[tilespmem:$0x2F60] =	vst v0  }
0x16e: {  	s1 =	simm.s32 $0x0;
	[tilespmem:$0x2F70] =	vst v0  }
.LBB2_26:
0x16f: {  	s2 =	sadd.s32 s8, s1  }
0x170: {  	s3 =	sand.u32 $0x1, s1;
	s2 =	sand.u32 $0xF, s2  }
0x171: {  	p0 =	seq.s32 s3, $0x1;
	s3 =	simm.s32 $0x2800;
	s2 =	smul.u32 $0xA00, s2  }
0x172: {  	s3 =	simm.s32 @!p0 $0x0  }
0x173: {  	s3 =	sadd.s32 s3, s4;
	s2 =	sshrl.u32 s2, $0x2  }
0x174: {  	s25 =	ssub.s32 s8, s1;
	s13 =	sadd.s32 s10, s3;
	s2 =	sadd.s32 $0x18100, s2  }
0x175: {  	[spmem:s13] =	stream.linear.scatter [tilespmem:s2], [sflag:$0x6], $0x280, $0x38;
	[tilespmem:$0x1FD00] =	vst v63  }
0x176: {  	s2 =	sand.u32 $0xF, s25  }
0x177: {  	_ =	swait.ge [sflag:s30], $0x280;
	s2 =	smul.u32 $0xA00, s2  }
0x178: {  	[sflag:s30] =	ssyncset.done $0x0  }
0x179: {  	[sflag:s30] =	ssyncadd.s32 $0xFFFFFD80;
	s2 =	sshrl.u32 s2, $0x2  }
0x17a: {  	[bflag:$0x0] =	sbarrier.arrive $0xFFFF;
	s2 =	sadd.s32 s2, s3  }
0x17b: {  	[tilespmem:s14], [sflag:$0x6] =	stream.linear.gather [spmem:s2], $0x280, $0x38;
	[tilespmem:$0x1FD00] =	vst v63  }
0x17c: {  	_ =	swait.ge [sflag:s30], $0x280  }
0x17d: {  	[sflag:s30] =	ssyncset.done $0x0  }
0x17e: {  	s2 =	simm.s32 $0x0;
	[sflag:s30] =	ssyncadd.s32 $0xFFFFFD80  }
0x17f: {  	s3 =	simm.s32 $0x40;
	v8 =	vld [tilespmem:s2+$0x2F80]  }
.LBB2_27:
0x180: {  	p0 =	sne.s32 s3, $0x9C0;
	v9 =	vld [tilespmem:s2+$0x2D00];
	_ =	sdelay $0x2  }
.Ltmp12:
0x181: {  	(pc) =	sbr.rel @p0 .LBB2_27-.Ltmp12, $4  }
0x182: {  	_ = 	snop  }
0x183: {  	v9 =	vadd.f32 v8, v9  }
0x184: {  	s13 =	sshra.s32 s3, $0x2  }
0x185: {  	s3 =	sadd.s32 $0x40, s3;
	v8 =	vld [tilespmem:s13+$0x2F80];
	[tilespmem:s2+$0x2D00] =	vst v9;
	s2 =	smov.u32 s13  }
0x186: {  	v9 =	vld [tilespmem:s2+$0x2D00]  }
0x187: {  	s1 =	sadd.s32 $0x1, s1  }
0x188: {  	p0 =	sne.s32 s1, $0x10  }
.Ltmp13:
0x189: {  	_ = 	snop;
	(pc) =	sbr.rel @p0 .LBB2_26-.Ltmp13, $3  }
0x18a: {  	_ = 	snop  }
0x18b: {  	v8 =	vadd.f32 v8, v9;
	_ =	sdelay $0x1  }
0x18c: {  	[tilespmem:s2+$0x2D00] =	vst v8  }
0x18d: {  	s2 =	simm.s32 $0x0  }
0x18e: {  	v8 =	vld [tilespmem:s2+$0x2800];
	_ =	sdelay $0x4  }
0x18f: {  	v8 =	vmax.f32 v8, $1.000000000e+00  }
0x190: {  	(erf) = vrcp.f32 v8;
	_ =	sdelay $0x1  }
0x191: {  	s1 =	simm.s32 $0x10  }
0x192: {  	v8 =	vld [tilespmem:s1+$0x2800];
	_ =	sdelay $0x2  }
0x193: {  	v11 =	vld [tilespmem:s2+$0x2A80]  }
0x194: {  	v9 =	vld [tilespmem:s2+$0x2D00]  }
0x195: {  	v8 =	vmax.f32 v8, $1.000000000e+00  }
0x196: {  	v10 =	vpop (erf);
	(erf) = vrcp.f32 v8  }
0x197: {  	s3 =	simm.s32 $0x20  }
0x198: {  	s13 =	simm.s32 $0xC0;
	v8 =	vld [tilespmem:s3+$0x2800];
	v11 =	vmul.f32 v10, v11  }
.LBB2_30:
0x199: {  	p0 =	sne.s32 s13, $0x9C0;
	v9 =	vmul.f32 v9, v10  }
0x19a: {  	[tilespmem:s2+$0x2A80] =	vst v11  }
0x19b: {  	v11 =	vld [tilespmem:s1+$0x2A80];
	[tilespmem:s2+$0x2D00] =	vst v9;
	s2 =	smov.u32 s1;
	s1 =	smov.u32 s3  }
.Ltmp14:
0x19c: {  	v9 =	vld [tilespmem:s2+$0x2D00];
	(pc) =	sbr.rel @p0 .LBB2_30-.Ltmp14, $4  }
0x19d: {  	v8 =	vmax.f32 v8, $1.000000000e+00  }
0x19e: {  	(erf) = vrcp.f32 v8  }
0x19f: {  	s3 =	sshra.s32 s13, $0x2;
	v10 =	vpop (erf)  }
0x1a0: {  	s13 =	sadd.s32 $0x40, s13;
	v8 =	vld [tilespmem:s3+$0x2800];
	v11 =	vmul.f32 v10, v11  }
0x1a1: {  	_ = 	snop  }
0x1a2: {  	v9 =	vmul.f32 v9, v10  }
0x1a3: {  	[tilespmem:s2+$0x2A80] =	vst v11  }
0x1a4: {  	v61 =	vld [tilespmem:s1+$0x2A80];
	[tilespmem:s2+$0x2D00] =	vst v9  }
0x1a5: {  	v9 =	vld [tilespmem:s1+$0x2D00];
	v8 =	vmax.f32 v8, $1.000000000e+00;
	_ =	sdelay $0x1  }
0x1a6: {  	(erf) = vrcp.f32 v8  }
0x1a7: {  	v8 =	vpop (erf)  }
0x1a8: {  	v10 =	vmul.f32 v8, v61  }
0x1a9: {  	v8 =	vmul.f32 v9, v8  }
0x1aa: {  	[tilespmem:s1+$0x2A80] =	vst v10  }
0x1ab: {  	v62 =	vld [tilespmem:s3+$0x2A80];
	[tilespmem:s1+$0x2D00] =	vst v8  }
0x1ac: {  	v8 =	vld [tilespmem:s3+$0x2D00];
	_ =	sdelay $0x2  }
0x1ad: {  	v63 =	vpop (erf)  }
0x1ae: {  	v9 =	vmul.f32 v63, v62  }
0x1af: {  	s15 =	sld [smem:$0x7FA];
	v8 =	vmul.f32 v8, v63  }
0x1b0: {  	[tilespmem:s3+$0x2A80] =	vst v9  }
0x1b1: {  	s19 =	simm.s32 $0x2A80;
	[tilespmem:s3+$0x2D00] =	vst v8  }
0x1b2: {  	[spmem:s15] =	stream.linear.scatter [tilespmem:s19], [sflag:$0x6], $0x280, $0x38;
	[tilespmem:$0x1FD00] =	vst v63  }
0x1b3: {  	_ =	swait.ge [sflag:s30], $0x280  }
0x1b4: {  	s25 =	sld [smem:$0x7FB]  }
0x1b5: {  	[sflag:s30] =	ssyncset.done $0x0  }
0x1b6: {  	[sflag:s30] =	ssyncadd.s32 $0xFFFFFD80  }
0x1b7: {  	[spmem:s25] =	stream.linear.scatter [tilespmem:s16], [sflag:$0x6], $0x280, $0x38;
	[tilespmem:$0x1FD00] =	vst v63  }
0x1b8: {  	_ =	swait.ge [sflag:s30], $0x280  }
0x1b9: {  	[sflag:s30] =	ssyncset.done $0x0  }
0x1ba: {  	[sflag:s30] =	ssyncadd.s32 $0xFFFFFD80  }
0x1bb: {  	s2 =	simm.s32 $0x0;
	s1 =	simm.s32 $0x40;
	[bflag:$0x0] =	sbarrier.arrive $0xFFFF  }
.LBB2_32:
0x1bc: {  	p0 =	sne.s32 s1, $0x9FC0;
	[tilespmem:s2+$0x18100] =	vst v0;
	s2 =	smov.u32 s1;
	s1 =	sadd.s32 $0x40, s1  }
.Ltmp15:
0x1bd: {  	(pc) =	sbr.rel @p0 .LBB2_32-.Ltmp15, $2  }
0x1be: {  	_ =	sdelay $0x2  }
0x1bf: {  	s2 =	sshra.s32 s2, $0x2  }
0x1c0: {  	[tilespmem:s2+$0x18100] =	vst v0;
	s1 =	rddreg [dreg:$0x5]  }
0x1c1: {  	[tilespmem:s6], [sflag:$0x6] =	stream.linear.gather [spmem:s1], $0x2800, $0x38;
	[tilespmem:$0x1FD00] =	vst v63  }
0x1c2: {  	_ =	swait.ge [sflag:s30], $0x2800  }
0x1c3: {  	[sflag:s30] =	ssyncset.done $0x0  }
0x1c4: {  	s1 =	simm.s32 $0x0;
	s25 =	rddreg [dreg:$0x1d];
	[sflag:s30] =	ssyncadd.s32 $0xFFFFD800  }
0x1c5: {  	[tilespmem:s31], [sflag:$0x6] =	stream.linear.gather [hbm4b:s25+s1], $0x2800, $0x38;
	[tilespmem:$0x1FD00] =	vst v63  }
0x1c6: {  	_ =	swait.ge [sflag:s30], $0x2800  }
0x1c7: {  	[sflag:s30] =	ssyncset.done $0x0  }
0x1c8: {  	s2 =	simm.s32 $0x0;
	[sflag:s30] =	ssyncadd.s32 $0xFFFFD800  }
.LBB2_34:
0x1c9: {  	s3 =	smul.u32 $0x7D0, s2;
	_ =	sdelay $0x1  }
0x1ca: {  	s3 =	sadd.s32 s21, s3  }
0x1cb: {  	s3 =	sshrl.u32 s3, $0x3  }
0x1cc: {  	s13 =	sadd.s32 s12, s3  }
0x1cd: {  	[tilespmem:s1], [sflag:$0x1] =	stream.linear.gather [hbm4b:s13+s1], $0x7D0, $0x38;
	[tilespmem:$0x1FD00] =	vst v63  }
0x1ce: {  	s25 =	sadd.s32 s0, s3  }
0x1cf: {  	[tilespmem:s7], [sflag:$0x1] =	stream.linear.gather [hbm4b:s25+s1], $0x7D0, $0x38;
	[tilespmem:$0x1FD00] =	vst v63  }
0x1d0: {  	_ =	swait.ge [sflag:s5], $0x7D0  }
0x1d1: {  	[sflag:s5] =	ssyncset.done $0x0  }
0x1d2: {  	[sflag:s5] =	ssyncadd.s32 $0xFFFFF830  }
0x1d3: {  	_ =	swait.ge [sflag:s5], $0x7D0  }
0x1d4: {  	[sflag:s5] =	ssyncset.done $0x0  }
0x1d5: {  	s13 =	simm.s32 $0x0;
	[sflag:s5] =	ssyncadd.s32 $0xFFFFF830  }
0x1d6: {  	v9 =	vld [tilespmem:s13+$0x0]  }
0x1d7: {  	s15 =	simm.s32 $0x40;
	v8 =	vld [tilespmem:s13+$0x800]  }
.LBB2_35:
0x1d8: {  	p0 =	sne.s32 s15, $0x1F00;
	_ =	sdelay $0x5  }
0x1d9: {  	v9 =	vld.idx.msk [tilespmem:v9+s31+$0x0], $0xffff  }
0x1da: {  	v10 =	vld.idx.msk [tilespmem:v8+s6+$0x0], $0xffff;
	_ =	sdelay $0x5  }
0x1db: {  	v9 =	vadd.f32 v9, v10;
	_ =	sdelay $0x1  }
0x1dc: {  	v10 =	vmul.f32 $2.000000030e-01, v9  }
0x1dd: {  	vm1 =	vgt.f32 v9, $0.0e+00  }
0x1de: {  	v9 =	vsel vm1, v9, v10  }
0x1df: {  	v9 =	vmul.f32 $1.442695020e+00, v9;
	_ =	sdelay $0x1  }
0x1e0: {  	(erf) = vpow2.f32 v9;
	_ =	sdelay $0x8  }
.Ltmp16:
0x1e1: {  	v9 =	vpop (erf);
	(pc) =	sbr.rel @p0 .LBB2_35-.Ltmp16, $4  }
0x1e2: {  	[tilespmem:s13+$0x1000] =	vst v9  }
0x1e3: {  	s13 =	sshra.s32 s15, $0x2;
	[tilespmem:v8+s29+$0x0] =	vst.idx.add.f32.msk $0xffff, v9  }
0x1e4: {  	v9 =	vld [tilespmem:s13+$0x0]  }
0x1e5: {  	s15 =	sadd.s32 $0x40, s15;
	v8 =	vld [tilespmem:s13+$0x800]  }
0x1e6: {  	_ =	sdelay $0x6  }
0x1e7: {  	v9 =	vld.idx.msk [tilespmem:v9+s31+$0x0], $0xffff  }
0x1e8: {  	v10 =	vld.idx.msk [tilespmem:v8+s6+$0x0], $0xffff;
	_ =	sdelay $0x4  }
0x1e9: {  	v9 =	vadd.f32 v9, v10;
	_ =	sdelay $0x1  }
0x1ea: {  	v10 =	vmul.f32 $2.000000030e-01, v9  }
0x1eb: {  	vm1 =	vgt.f32 v9, $0.0e+00  }
0x1ec: {  	v9 =	vsel vm1, v9, v10  }
0x1ed: {  	v9 =	vmul.f32 $1.442695020e+00, v9;
	_ =	sdelay $0x1  }
0x1ee: {  	(erf) = vpow2.f32 v9;
	_ =	sdelay $0x8  }
0x1ef: {  	s2 =	sadd.s32 $0x1, s2;
	v9 =	vpop (erf)  }
0x1f0: {  	p0 =	sne.s32 s2, $0xA;
	[tilespmem:s13+$0x1000] =	vst v9  }
.Ltmp17:
0x1f1: {  	s3 =	sadd.s32 s23, s3;
	[tilespmem:v8+s29+$0x0] =	vst.idx.add.f32.msk $0xffff, v9;
	(pc) =	sbr.rel @p0 .LBB2_34-.Ltmp17, $4  }
0x1f2: {  	[hbm4b:s3+s11] =	stream.linear.scatter [tilespmem:s22], [sflag:$0x6], $0x7D0, $0x38;
	[tilespmem:$0x1FD00] =	vst v63  }
0x1f3: {  	_ =	swait.ge [sflag:s30], $0x7D0  }
0x1f4: {  	[sflag:s30] =	ssyncset.done $0x0  }
0x1f5: {  	[sflag:s30] =	ssyncadd.s32 $0xFFFFF830  }
0x1f6: {  	[bflag:$0x0] =	sbarrier.arrive $0xFFFF  }
0x1f7: {  	[tilespmem:$0x2D00] =	vst v0  }
0x1f8: {  	[tilespmem:$0x2D10] =	vst v0  }
0x1f9: {  	[tilespmem:$0x2D20] =	vst v0  }
0x1fa: {  	[tilespmem:$0x2D30] =	vst v0  }
0x1fb: {  	[tilespmem:$0x2D40] =	vst v0  }
0x1fc: {  	[tilespmem:$0x2D50] =	vst v0  }
0x1fd: {  	[tilespmem:$0x2D60] =	vst v0  }
0x1fe: {  	[tilespmem:$0x2D70] =	vst v0  }
0x1ff: {  	[tilespmem:$0x2D80] =	vst v0  }
0x200: {  	[tilespmem:$0x2D90] =	vst v0  }
0x201: {  	[tilespmem:$0x2DA0] =	vst v0  }
0x202: {  	[tilespmem:$0x2DB0] =	vst v0  }
0x203: {  	[tilespmem:$0x2DC0] =	vst v0  }
0x204: {  	[tilespmem:$0x2DD0] =	vst v0  }
0x205: {  	[tilespmem:$0x2DE0] =	vst v0  }
0x206: {  	[tilespmem:$0x2DF0] =	vst v0  }
0x207: {  	[tilespmem:$0x2E00] =	vst v0  }
0x208: {  	[tilespmem:$0x2E10] =	vst v0  }
0x209: {  	[tilespmem:$0x2E20] =	vst v0  }
0x20a: {  	[tilespmem:$0x2E30] =	vst v0  }
0x20b: {  	[tilespmem:$0x2E40] =	vst v0  }
0x20c: {  	[tilespmem:$0x2E50] =	vst v0  }
0x20d: {  	[tilespmem:$0x2E60] =	vst v0  }
0x20e: {  	[tilespmem:$0x2E70] =	vst v0  }
0x20f: {  	[tilespmem:$0x2E80] =	vst v0  }
0x210: {  	[tilespmem:$0x2E90] =	vst v0  }
0x211: {  	[tilespmem:$0x2EA0] =	vst v0  }
0x212: {  	[tilespmem:$0x2EB0] =	vst v0  }
0x213: {  	[tilespmem:$0x2EC0] =	vst v0  }
0x214: {  	[tilespmem:$0x2ED0] =	vst v0  }
0x215: {  	[tilespmem:$0x2EE0] =	vst v0  }
0x216: {  	[tilespmem:$0x2EF0] =	vst v0  }
0x217: {  	[tilespmem:$0x2F00] =	vst v0  }
0x218: {  	[tilespmem:$0x2F10] =	vst v0  }
0x219: {  	[tilespmem:$0x2F20] =	vst v0  }
0x21a: {  	[tilespmem:$0x2F30] =	vst v0  }
0x21b: {  	[tilespmem:$0x2F40] =	vst v0  }
0x21c: {  	[tilespmem:$0x2F50] =	vst v0  }
0x21d: {  	[tilespmem:$0x2F60] =	vst v0  }
0x21e: {  	s1 =	simm.s32 $0x0;
	[tilespmem:$0x2F70] =	vst v0  }
.LBB2_38:
0x21f: {  	s2 =	sadd.s32 s8, s1  }
0x220: {  	s3 =	sand.u32 $0x1, s1;
	s2 =	sand.u32 $0xF, s2  }
0x221: {  	p0 =	seq.s32 s3, $0x1;
	s3 =	simm.s32 $0x2800;
	s2 =	smul.u32 $0xA00, s2  }
0x222: {  	s3 =	simm.s32 @!p0 $0x0  }
0x223: {  	s3 =	sadd.s32 s3, s4;
	s2 =	sshrl.u32 s2, $0x2  }
0x224: {  	s25 =	ssub.s32 s8, s1;
	s13 =	sadd.s32 s10, s3;
	s2 =	sadd.s32 $0x18100, s2  }
0x225: {  	[spmem:s13] =	stream.linear.scatter [tilespmem:s2], [sflag:$0x6], $0x280, $0x38;
	[tilespmem:$0x1FD00] =	vst v63  }
0x226: {  	s2 =	sand.u32 $0xF, s25  }
0x227: {  	_ =	swait.ge [sflag:s30], $0x280;
	s2 =	smul.u32 $0xA00, s2  }
0x228: {  	[sflag:s30] =	ssyncset.done $0x0  }
0x229: {  	[sflag:s30] =	ssyncadd.s32 $0xFFFFFD80;
	s2 =	sshrl.u32 s2, $0x2  }
0x22a: {  	[bflag:$0x0] =	sbarrier.arrive $0xFFFF;
	s2 =	sadd.s32 s2, s3  }
0x22b: {  	[tilespmem:s14], [sflag:$0x6] =	stream.linear.gather [spmem:s2], $0x280, $0x38;
	[tilespmem:$0x1FD00] =	vst v63  }
0x22c: {  	_ =	swait.ge [sflag:s30], $0x280  }
0x22d: {  	[sflag:s30] =	ssyncset.done $0x0  }
0x22e: {  	s2 =	simm.s32 $0x0;
	[sflag:s30] =	ssyncadd.s32 $0xFFFFFD80  }
0x22f: {  	s3 =	simm.s32 $0x40;
	v8 =	vld [tilespmem:s2+$0x2F80]  }
.LBB2_39:
0x230: {  	p0 =	sne.s32 s3, $0x9C0;
	v9 =	vld [tilespmem:s2+$0x2D00];
	_ =	sdelay $0x2  }
.Ltmp18:
0x231: {  	(pc) =	sbr.rel @p0 .LBB2_39-.Ltmp18, $4  }
0x232: {  	_ = 	snop  }
0x233: {  	v9 =	vadd.f32 v8, v9  }
0x234: {  	s13 =	sshra.s32 s3, $0x2  }
0x235: {  	s3 =	sadd.s32 $0x40, s3;
	v8 =	vld [tilespmem:s13+$0x2F80];
	[tilespmem:s2+$0x2D00] =	vst v9;
	s2 =	smov.u32 s13  }
0x236: {  	v9 =	vld [tilespmem:s2+$0x2D00]  }
0x237: {  	s1 =	sadd.s32 $0x1, s1  }
0x238: {  	p0 =	sne.s32 s1, $0x10  }
.Ltmp19:
0x239: {  	_ = 	snop;
	(pc) =	sbr.rel @p0 .LBB2_38-.Ltmp19, $3  }
0x23a: {  	_ = 	snop  }
0x23b: {  	v8 =	vadd.f32 v8, v9;
	_ =	sdelay $0x1  }
0x23c: {  	[tilespmem:s2+$0x2D00] =	vst v8  }
0x23d: {  	s1 =	simm.s32 $0x0;
	s2 =	simm.s32 $0x40  }
.LBB2_42:
0x23e: {  	p0 =	sne.s32 s2, $0x9C0;
	v8 =	vld [tilespmem:s1+$0x2D00];
	_ =	sdelay $0x4  }
0x23f: {  	v8 =	vadd.f32 $1.000000020e-16, v8;
	_ =	sdelay $0x1  }
0x240: {  	(erf) = vrcp.f32 v8;
	_ =	sdelay $0x5  }
.Ltmp20:
0x241: {  	(pc) =	sbr.rel @p0 .LBB2_42-.Ltmp20, $3  }
0x242: {  	_ =	sdelay $0x1  }
0x243: {  	v8 =	vpop (erf)  }
0x244: {  	[tilespmem:s1+$0x2D00] =	vst v8;
	s1 =	sshra.s32 s2, $0x2;
	s2 =	sadd.s32 $0x40, s2  }
0x245: {  	v8 =	vld [tilespmem:s1+$0x2D00];
	_ =	sdelay $0x4  }
0x246: {  	v8 =	vadd.f32 $1.000000020e-16, v8;
	_ =	sdelay $0x1  }
0x247: {  	(erf) = vrcp.f32 v8;
	_ =	sdelay $0x7  }
0x248: {  	s25 =	sld [smem:$0x7FC]  }
0x249: {  	v8 =	vpop (erf)  }
0x24a: {  	[tilespmem:s1+$0x2D00] =	vst v8  }
0x24b: {  	[spmem:s25] =	stream.linear.scatter [tilespmem:s16], [sflag:$0x6], $0x280, $0x38;
	[tilespmem:$0x1FD00] =	vst v63  }
0x24c: {  	_ =	swait.ge [sflag:s30], $0x280  }
0x24d: {  	[sflag:s30] =	ssyncset.done $0x0  }
0x24e: {  	s2 =	simm.s32 $0x0;
	s1 =	simm.s32 $0x40;
	[sflag:s30] =	ssyncadd.s32 $0xFFFFFD80  }
.LBB2_44:
0x24f: {  	p0 =	sne.s32 s1, $0x9FC0;
	[tilespmem:s2+$0x18100] =	vst v0;
	s2 =	smov.u32 s1;
	s1 =	sadd.s32 $0x40, s1  }
.Ltmp21:
0x250: {  	(pc) =	sbr.rel @p0 .LBB2_44-.Ltmp21, $2  }
0x251: {  	_ =	sdelay $0x2  }
0x252: {  	s2 =	sshra.s32 s2, $0x2  }
0x253: {  	[tilespmem:s2+$0x18100] =	vst v0;
	s1 =	rddreg [dreg:$0x6]  }
0x254: {  	[tilespmem:s6], [sflag:$0x6] =	stream.linear.gather [spmem:s1], $0x2800, $0x38;
	[tilespmem:$0x1FD00] =	vst v63  }
0x255: {  	_ =	swait.ge [sflag:s30], $0x2800  }
0x256: {  	[sflag:s30] =	ssyncset.done $0x0  }
0x257: {  	s1 =	simm.s32 $0x0;
	s25 =	rddreg [dreg:$0x1e];
	[sflag:s30] =	ssyncadd.s32 $0xFFFFD800  }
0x258: {  	[tilespmem:s31], [sflag:$0x6] =	stream.linear.gather [hbm4b:s25+s1], $0x2800, $0x38;
	[tilespmem:$0x1FD00] =	vst v63  }
0x259: {  	_ =	swait.ge [sflag:s30], $0x2800  }
0x25a: {  	[sflag:s30] =	ssyncset.done $0x0  }
0x25b: {  	s2 =	simm.s32 $0x0;
	[sflag:s30] =	ssyncadd.s32 $0xFFFFD800  }
.LBB2_46:
0x25c: {  	s3 =	smul.u32 $0x7D0, s2;
	_ =	sdelay $0x1  }
0x25d: {  	s3 =	sadd.s32 s21, s3  }
0x25e: {  	s3 =	sshrl.u32 s3, $0x3  }
0x25f: {  	s13 =	sadd.s32 s12, s3  }
0x260: {  	[tilespmem:s1], [sflag:$0x1] =	stream.linear.gather [hbm4b:s13+s1], $0x7D0, $0x38;
	[tilespmem:$0x1FD00] =	vst v63  }
0x261: {  	s25 =	sadd.s32 s0, s3  }
0x262: {  	[tilespmem:s7], [sflag:$0x1] =	stream.linear.gather [hbm4b:s25+s1], $0x7D0, $0x38;
	[tilespmem:$0x1FD00] =	vst v63  }
0x263: {  	_ =	swait.ge [sflag:s5], $0x7D0  }
0x264: {  	[sflag:s5] =	ssyncset.done $0x0  }
0x265: {  	[sflag:s5] =	ssyncadd.s32 $0xFFFFF830  }
0x266: {  	_ =	swait.ge [sflag:s5], $0x7D0  }
0x267: {  	[sflag:s5] =	ssyncset.done $0x0  }
0x268: {  	s13 =	simm.s32 $0x0;
	[sflag:s5] =	ssyncadd.s32 $0xFFFFF830  }
0x269: {  	v9 =	vld [tilespmem:s13+$0x0]  }
0x26a: {  	s15 =	simm.s32 $0x40;
	v8 =	vld [tilespmem:s13+$0x800]  }
.LBB2_47:
0x26b: {  	p0 =	sne.s32 s15, $0x1F00;
	_ =	sdelay $0x5  }
0x26c: {  	v9 =	vld.idx.msk [tilespmem:v9+s31+$0x0], $0xffff  }
0x26d: {  	v10 =	vld.idx.msk [tilespmem:v8+s6+$0x0], $0xffff;
	_ =	sdelay $0x5  }
0x26e: {  	v9 =	vadd.f32 v9, v10;
	_ =	sdelay $0x1  }
0x26f: {  	v10 =	vmul.f32 $2.000000030e-01, v9  }
0x270: {  	vm1 =	vgt.f32 v9, $0.0e+00  }
0x271: {  	v9 =	vsel vm1, v9, v10  }
0x272: {  	v9 =	vmul.f32 $1.442695020e+00, v9;
	_ =	sdelay $0x1  }
0x273: {  	(erf) = vpow2.f32 v9;
	_ =	sdelay $0x8  }
.Ltmp22:
0x274: {  	v9 =	vpop (erf);
	(pc) =	sbr.rel @p0 .LBB2_47-.Ltmp22, $4  }
0x275: {  	[tilespmem:s13+$0x1000] =	vst v9  }
0x276: {  	s13 =	sshra.s32 s15, $0x2;
	[tilespmem:v8+s29+$0x0] =	vst.idx.add.f32.msk $0xffff, v9  }
0x277: {  	v9 =	vld [tilespmem:s13+$0x0]  }
0x278: {  	s15 =	sadd.s32 $0x40, s15;
	v8 =	vld [tilespmem:s13+$0x800]  }
0x279: {  	_ =	sdelay $0x6  }
0x27a: {  	v9 =	vld.idx.msk [tilespmem:v9+s31+$0x0], $0xffff  }
0x27b: {  	v10 =	vld.idx.msk [tilespmem:v8+s6+$0x0], $0xffff;
	_ =	sdelay $0x4  }
0x27c: {  	v9 =	vadd.f32 v9, v10;
	_ =	sdelay $0x1  }
0x27d: {  	v10 =	vmul.f32 $2.000000030e-01, v9  }
0x27e: {  	vm1 =	vgt.f32 v9, $0.0e+00  }
0x27f: {  	v9 =	vsel vm1, v9, v10  }
0x280: {  	v9 =	vmul.f32 $1.442695020e+00, v9;
	_ =	sdelay $0x1  }
0x281: {  	(erf) = vpow2.f32 v9;
	_ =	sdelay $0x8  }
0x282: {  	s2 =	sadd.s32 $0x1, s2;
	v9 =	vpop (erf)  }
0x283: {  	s3 =	sadd.s32 s23, s3;
	p0 =	sne.s32 s2, $0xA;
	[tilespmem:s13+$0x1000] =	vst v9  }
.Ltmp23:
0x284: {  	s3 =	sadd.s32 $0x9C40, s3;
	[tilespmem:v8+s29+$0x0] =	vst.idx.add.f32.msk $0xffff, v9;
	(pc) =	sbr.rel @p0 .LBB2_46-.Ltmp23, $4  }
0x285: {  	[hbm4b:s3+s11] =	stream.linear.scatter [tilespmem:s22], [sflag:$0x6], $0x7D0, $0x38;
	[tilespmem:$0x1FD00] =	vst v63  }
0x286: {  	_ =	swait.ge [sflag:s30], $0x7D0  }
0x287: {  	[sflag:s30] =	ssyncset.done $0x0  }
0x288: {  	[sflag:s30] =	ssyncadd.s32 $0xFFFFF830  }
0x289: {  	[bflag:$0x0] =	sbarrier.arrive $0xFFFF  }
0x28a: {  	[tilespmem:$0x2D00] =	vst v0  }
0x28b: {  	[tilespmem:$0x2D10] =	vst v0  }
0x28c: {  	[tilespmem:$0x2D20] =	vst v0  }
0x28d: {  	[tilespmem:$0x2D30] =	vst v0  }
0x28e: {  	[tilespmem:$0x2D40] =	vst v0  }
0x28f: {  	[tilespmem:$0x2D50] =	vst v0  }
0x290: {  	[tilespmem:$0x2D60] =	vst v0  }
0x291: {  	[tilespmem:$0x2D70] =	vst v0  }
0x292: {  	[tilespmem:$0x2D80] =	vst v0  }
0x293: {  	[tilespmem:$0x2D90] =	vst v0  }
0x294: {  	[tilespmem:$0x2DA0] =	vst v0  }
0x295: {  	[tilespmem:$0x2DB0] =	vst v0  }
0x296: {  	[tilespmem:$0x2DC0] =	vst v0  }
0x297: {  	[tilespmem:$0x2DD0] =	vst v0  }
0x298: {  	[tilespmem:$0x2DE0] =	vst v0  }
0x299: {  	[tilespmem:$0x2DF0] =	vst v0  }
0x29a: {  	[tilespmem:$0x2E00] =	vst v0  }
0x29b: {  	[tilespmem:$0x2E10] =	vst v0  }
0x29c: {  	[tilespmem:$0x2E20] =	vst v0  }
0x29d: {  	[tilespmem:$0x2E30] =	vst v0  }
0x29e: {  	[tilespmem:$0x2E40] =	vst v0  }
0x29f: {  	[tilespmem:$0x2E50] =	vst v0  }
0x2a0: {  	[tilespmem:$0x2E60] =	vst v0  }
0x2a1: {  	[tilespmem:$0x2E70] =	vst v0  }
0x2a2: {  	[tilespmem:$0x2E80] =	vst v0  }
0x2a3: {  	[tilespmem:$0x2E90] =	vst v0  }
0x2a4: {  	[tilespmem:$0x2EA0] =	vst v0  }
0x2a5: {  	[tilespmem:$0x2EB0] =	vst v0  }
0x2a6: {  	[tilespmem:$0x2EC0] =	vst v0  }
0x2a7: {  	[tilespmem:$0x2ED0] =	vst v0  }
0x2a8: {  	[tilespmem:$0x2EE0] =	vst v0  }
0x2a9: {  	[tilespmem:$0x2EF0] =	vst v0  }
0x2aa: {  	[tilespmem:$0x2F00] =	vst v0  }
0x2ab: {  	[tilespmem:$0x2F10] =	vst v0  }
0x2ac: {  	[tilespmem:$0x2F20] =	vst v0  }
0x2ad: {  	[tilespmem:$0x2F30] =	vst v0  }
0x2ae: {  	[tilespmem:$0x2F40] =	vst v0  }
0x2af: {  	[tilespmem:$0x2F50] =	vst v0  }
0x2b0: {  	[tilespmem:$0x2F60] =	vst v0  }
0x2b1: {  	s1 =	simm.s32 $0x0;
	[tilespmem:$0x2F70] =	vst v0  }
.LBB2_50:
0x2b2: {  	s2 =	sadd.s32 s8, s1  }
0x2b3: {  	s3 =	sand.u32 $0x1, s1;
	s2 =	sand.u32 $0xF, s2  }
0x2b4: {  	p0 =	seq.s32 s3, $0x1;
	s3 =	simm.s32 $0x2800;
	s2 =	smul.u32 $0xA00, s2  }
0x2b5: {  	s3 =	simm.s32 @!p0 $0x0  }
0x2b6: {  	s3 =	sadd.s32 s3, s4;
	s2 =	sshrl.u32 s2, $0x2  }
0x2b7: {  	s25 =	ssub.s32 s8, s1;
	s13 =	sadd.s32 s10, s3;
	s2 =	sadd.s32 $0x18100, s2  }
0x2b8: {  	[spmem:s13] =	stream.linear.scatter [tilespmem:s2], [sflag:$0x6], $0x280, $0x38;
	[tilespmem:$0x1FD00] =	vst v63  }
0x2b9: {  	s2 =	sand.u32 $0xF, s25  }
0x2ba: {  	_ =	swait.ge [sflag:s30], $0x280;
	s2 =	smul.u32 $0xA00, s2  }
0x2bb: {  	[sflag:s30] =	ssyncset.done $0x0  }
0x2bc: {  	[sflag:s30] =	ssyncadd.s32 $0xFFFFFD80;
	s2 =	sshrl.u32 s2, $0x2  }
0x2bd: {  	[bflag:$0x0] =	sbarrier.arrive $0xFFFF;
	s2 =	sadd.s32 s2, s3  }
0x2be: {  	[tilespmem:s14], [sflag:$0x6] =	stream.linear.gather [spmem:s2], $0x280, $0x38;
	[tilespmem:$0x1FD00] =	vst v63  }
0x2bf: {  	_ =	swait.ge [sflag:s30], $0x280  }
0x2c0: {  	[sflag:s30] =	ssyncset.done $0x0  }
0x2c1: {  	s2 =	simm.s32 $0x0;
	[sflag:s30] =	ssyncadd.s32 $0xFFFFFD80  }
0x2c2: {  	s3 =	simm.s32 $0x40;
	v8 =	vld [tilespmem:s2+$0x2F80]  }
.LBB2_51:
0x2c3: {  	p0 =	sne.s32 s3, $0x9C0;
	v9 =	vld [tilespmem:s2+$0x2D00];
	_ =	sdelay $0x2  }
.Ltmp24:
0x2c4: {  	(pc) =	sbr.rel @p0 .LBB2_51-.Ltmp24, $4  }
0x2c5: {  	_ = 	snop  }
0x2c6: {  	v9 =	vadd.f32 v8, v9  }
0x2c7: {  	s13 =	sshra.s32 s3, $0x2  }
0x2c8: {  	s3 =	sadd.s32 $0x40, s3;
	v8 =	vld [tilespmem:s13+$0x2F80];
	[tilespmem:s2+$0x2D00] =	vst v9;
	s2 =	smov.u32 s13  }
0x2c9: {  	v9 =	vld [tilespmem:s2+$0x2D00]  }
0x2ca: {  	s1 =	sadd.s32 $0x1, s1  }
0x2cb: {  	p0 =	sne.s32 s1, $0x10  }
.Ltmp25:
0x2cc: {  	_ = 	snop;
	(pc) =	sbr.rel @p0 .LBB2_50-.Ltmp25, $3  }
0x2cd: {  	_ = 	snop  }
0x2ce: {  	v8 =	vadd.f32 v8, v9;
	_ =	sdelay $0x1  }
0x2cf: {  	[tilespmem:s2+$0x2D00] =	vst v8  }
0x2d0: {  	s1 =	simm.s32 $0x0;
	s2 =	simm.s32 $0x40  }
.LBB2_54:
0x2d1: {  	p0 =	sne.s32 s2, $0x9C0;
	v8 =	vld [tilespmem:s1+$0x2D00];
	_ =	sdelay $0x4  }
0x2d2: {  	v8 =	vadd.f32 $1.000000020e-16, v8;
	_ =	sdelay $0x1  }
0x2d3: {  	(erf) = vrcp.f32 v8;
	_ =	sdelay $0x5  }
.Ltmp26:
0x2d4: {  	(pc) =	sbr.rel @p0 .LBB2_54-.Ltmp26, $3  }
0x2d5: {  	_ =	sdelay $0x1  }
0x2d6: {  	v8 =	vpop (erf)  }
0x2d7: {  	[tilespmem:s1+$0x2D00] =	vst v8;
	s1 =	sshra.s32 s2, $0x2;
	s2 =	sadd.s32 $0x40, s2  }
0x2d8: {  	v8 =	vld [tilespmem:s1+$0x2D00];
	_ =	sdelay $0x4  }
0x2d9: {  	v8 =	vadd.f32 $1.000000020e-16, v8;
	_ =	sdelay $0x1  }
0x2da: {  	(erf) = vrcp.f32 v8;
	_ =	sdelay $0x7  }
0x2db: {  	s19 =	sld [smem:$0x7FD]  }
0x2dc: {  	v8 =	vpop (erf)  }
0x2dd: {  	[tilespmem:s1+$0x2D00] =	vst v8  }
0x2de: {  	[spmem:s19] =	stream.linear.scatter [tilespmem:s16], [sflag:$0x6], $0x280, $0x38;
	[tilespmem:$0x1FD00] =	vst v63  }
0x2df: {  	_ =	swait.ge [sflag:s30], $0x280  }
0x2e0: {  	[sflag:s30] =	ssyncset.done $0x0  }
0x2e1: {  	[sflag:s30] =	ssyncadd.s32 $0xFFFFFD80  }
0x2e2: {  	[bflag:$0x0] =	sbarrier.arrive $0xFFFF  }
0x2e3: {  	s22 =	rddreg [dreg:$0x7]  }
0x2e4: {  	[tilespmem:s29], [sflag:$0x6] =	stream.linear.gather [spmem:s22], $0x2800, $0x38;
	[tilespmem:$0x1FD00] =	vst v63  }
0x2e5: {  	_ =	swait.ge [sflag:s30], $0x2800  }
0x2e6: {  	[sflag:s30] =	ssyncset.done $0x0  }
0x2e7: {  	[sflag:s30] =	ssyncadd.s32 $0xFFFFD800  }
0x2e8: {  	s25 =	rddreg [dreg:$0x8]  }
0x2e9: {  	[tilespmem:s6], [sflag:$0x6] =	stream.linear.gather [spmem:s25], $0x2800, $0x38;
	[tilespmem:$0x1FD00] =	vst v63  }
0x2ea: {  	_ =	swait.ge [sflag:s30], $0x2800  }
0x2eb: {  	[sflag:s30] =	ssyncset.done $0x0  }
0x2ec: {  	s2 =	simm.s32 $0x0;
	s1 =	simm.s32 $0x0;
	[sflag:s30] =	ssyncadd.s32 $0xFFFFD800  }
.LBB2_56:
0x2ed: {  	s3 =	smul.u32 $0x7D0, s2;
	_ =	sdelay $0x1  }
0x2ee: {  	s3 =	sadd.s32 s21, s3  }
0x2ef: {  	s13 =	sshrl.u32 s3, $0x3  }
0x2f0: {  	s15 =	sadd.s32 s12, s13  }
0x2f1: {  	[tilespmem:s1], [sflag:$0x1] =	stream.linear.gather [hbm4b:s15+s1], $0x7D0, $0x38;
	[tilespmem:$0x1FD00] =	vst v63  }
0x2f2: {  	s16 =	simm.s32 $0x800;
	s25 =	sadd.s32 s0, s13  }
0x2f3: {  	[tilespmem:s16], [sflag:$0x1] =	stream.linear.gather [hbm4b:s25+s1], $0x7D0, $0x38;
	[tilespmem:$0x1FD00] =	vst v63  }
0x2f4: {  	_ =	swait.ge [sflag:s5], $0x7D0  }
0x2f5: {  	[sflag:s5] =	ssyncset.done $0x0  }
0x2f6: {  	[sflag:s5] =	ssyncadd.s32 $0xFFFFF830  }
0x2f7: {  	_ =	swait.ge [sflag:s5], $0x7D0  }
0x2f8: {  	[sflag:s5] =	ssyncset.done $0x0  }
0x2f9: {  	s13 =	sadd.s32 s23, s13;
	s15 =	simm.s32 $0x1000;
	[sflag:s5] =	ssyncadd.s32 $0xFFFFF830  }
0x2fa: {  	[tilespmem:s15], [sflag:$0x6] =	stream.linear.gather [hbm4b:s13+s1], $0x7D0, $0x38;
	[tilespmem:$0x1FD00] =	vst v63  }
0x2fb: {  	_ =	swait.ge [sflag:s30], $0x7D0  }
0x2fc: {  	[sflag:s30] =	ssyncset.done $0x0  }
0x2fd: {  	[sflag:s30] =	ssyncadd.s32 $0xFFFFF830  }
0x2fe: {  	v8 =	vld [tilespmem:s16+$0x0];
	_ =	sdelay $0x6  }
0x2ff: {  	v9 =	vld [tilespmem:s15+$0x0]  }
0x300: {  	v10 =	vmov s1;
	v8 =	vld.idx.msk [tilespmem:v8+s29+$0x0], $0xffff  }
0x301: {  	v10 =	vshll.u32 v10, $0x1  }
0x302: {  	v10 =	vor.u32 v2, v10;
	_ =	sdelay $0x2  }
0x303: {  	v8 =	vmul.f32 v8, v9;
	_ =	sdelay $0x1  }
0x304: {  	s19 =	simm.s32 $0x810;
	[tilespmem:v10+s17+$0x0] =	vst.idx.msk $0xffff, v8  }
0x305: {  	s22 =	simm.s32 $0x20;
	s16 =	simm.s32 $0x10;
	v8 =	vld [tilespmem:s19+$0x0]  }
.LBB2_57:
0x306: {  	p0 =	sne.s32 s22, $0x7C0;
	_ =	sdelay $0x6  }
0x307: {  	s15 =	sadd.s32 $0x10, s15;
	v8 =	vld.idx.msk [tilespmem:v8+s29+$0x0], $0xffff  }
0x308: {  	v10 =	vmov s16;
	s16 =	smov.u32 s22;
	v9 =	vld [tilespmem:s15+$0x0]  }
0x309: {  	v10 =	vshll.u32 v10, $0x1  }
0x30a: {  	v10 =	vor.u32 v2, v10;
	_ =	sdelay $0x1  }
.Ltmp27:
0x30b: {  	(pc) =	sbr.rel @p0 .LBB2_57-.Ltmp27, $3  }
0x30c: {  	v8 =	vmul.f32 v8, v9;
	_ =	sdelay $0x1  }
0x30d: {  	s19 =	sadd.s32 $0x10, s19;
	[tilespmem:v10+s17+$0x0] =	vst.idx.msk $0xffff, v8  }
0x30e: {  	s22 =	sadd.s32 $0x10, s22;
	v8 =	vld [tilespmem:s19+$0x0]  }
0x30f: {  	_ =	sdelay $0x5  }
0x310: {  	s15 =	sadd.s32 $0x10, s15  }
0x311: {  	v9 =	vld [tilespmem:s15+$0x0]  }
0x312: {  	v10 =	vmov s16;
	v8 =	vld.idx.msk [tilespmem:v8+s29+$0x0], $0xffff  }
0x313: {  	v10 =	vshll.u32 v10, $0x1  }
0x314: {  	v10 =	vor.u32 v2, v10;
	_ =	sdelay $0x2  }
0x315: {  	v8 =	vmul.f32 v8, v9;
	_ =	sdelay $0x1  }
0x316: {  	s19 =	sadd.s32 $0x9C40, s13;
	s22 =	simm.s32 $0x0;
	s13 =	simm.s32 $0x1000;
	[tilespmem:v10+s17+$0x0] =	vst.idx.msk $0xffff, v8  }
0x317: {  	[tilespmem:s13], [sflag:$0x6] =	stream.linear.gather [hbm4b:s19+s22], $0x7D0, $0x38;
	[tilespmem:$0x1FD00] =	vst v63  }
0x318: {  	_ =	swait.ge [sflag:s30], $0x7D0  }
0x319: {  	[sflag:s30] =	ssyncset.done $0x0  }
0x31a: {  	s25 =	simm.s32 $0x800;
	[sflag:s30] =	ssyncadd.s32 $0xFFFFF830  }
0x31b: {  	v8 =	vld [tilespmem:s25+$0x0];
	_ =	sdelay $0x6  }
0x31c: {  	v9 =	vmov s22;
	v10 =	vld [tilespmem:s13+$0x0]  }
0x31d: {  	v9 =	vshll.u32 v9, $0x1;
	v8 =	vld.idx.msk [tilespmem:v8+s6+$0x0], $0xffff  }
0x31e: {  	v9 =	vor.u32 v2, v9  }
0x31f: {  	v9 =	vor.u32 $0x1, v9;
	_ =	sdelay $0x2  }
0x320: {  	v8 =	vmul.f32 v8, v10;
	_ =	sdelay $0x1  }
0x321: {  	s15 =	simm.s32 $0x810;
	[tilespmem:v9+s17+$0x0] =	vst.idx.msk $0xffff, v8  }
0x322: {  	s16 =	simm.s32 $0x10;
	s19 =	simm.s32 $0x20;
	v8 =	vld [tilespmem:s15+$0x0]  }
.LBB2_59:
0x323: {  	p0 =	sne.s32 s19, $0x7C0;
	_ =	sdelay $0x6  }
0x324: {  	v9 =	vmov s16;
	s13 =	sadd.s32 $0x10, s13;
	s16 =	smov.u32 s19;
	v8 =	vld.idx.msk [tilespmem:v8+s6+$0x0], $0xffff  }
0x325: {  	v9 =	vshll.u32 v9, $0x1;
	v10 =	vld [tilespmem:s13+$0x0]  }
0x326: {  	v9 =	vor.u32 v2, v9  }
0x327: {  	v9 =	vor.u32 $0x1, v9;
	_ =	sdelay $0x1  }
.Ltmp28:
0x328: {  	(pc) =	sbr.rel @p0 .LBB2_59-.Ltmp28, $3  }
0x329: {  	v8 =	vmul.f32 v8, v10;
	_ =	sdelay $0x1  }
0x32a: {  	s15 =	sadd.s32 $0x10, s15;
	[tilespmem:v9+s17+$0x0] =	vst.idx.msk $0xffff, v8  }
0x32b: {  	s19 =	sadd.s32 $0x10, s19;
	v8 =	vld [tilespmem:s15+$0x0]  }
0x32c: {  	_ =	sdelay $0x5  }
0x32d: {  	s13 =	sadd.s32 $0x10, s13  }
0x32e: {  	v9 =	vmov s16;
	v10 =	vld [tilespmem:s13+$0x0]  }
0x32f: {  	v9 =	vshll.u32 v9, $0x1;
	v8 =	vld.idx.msk [tilespmem:v8+s6+$0x0], $0xffff  }
0x330: {  	v9 =	vor.u32 v2, v9  }
0x331: {  	v9 =	vor.u32 $0x1, v9;
	_ =	sdelay $0x2  }
0x332: {  	s2 =	sadd.s32 $0x1, s2;
	v8 =	vmul.f32 v8, v10  }
0x333: {  	s3 =	sshrl.u32 s3, $0x2;
	p0 =	sne.s32 s2, $0xA  }
.Ltmp29:
0x334: {  	s3 =	sadd.s32 s24, s3;
	[tilespmem:v9+s17+$0x0] =	vst.idx.msk $0xffff, v8;
	(pc) =	sbr.rel @p0 .LBB2_56-.Ltmp29, $4  }
0x335: {  	[hbm4b:s3+s11] =	stream.linear.scatter [tilespmem:s17], [sflag:$0x6], $0xFA0, $0x38;
	[tilespmem:$0x1FD00] =	vst v63  }
0x336: {  	_ =	swait.ge [sflag:s30], $0xFA0  }
0x337: {  	[sflag:s30] =	ssyncset.done $0x0  }
0x338: {  	[sflag:s30] =	ssyncadd.s32 $0xFFFFF060  }
0x339: {  	[bflag:$0x0] =	sbarrier.arrive $0xFFFF  }
0x33a: {  	s3 =	simm.s32 $0x0;
	s2 =	simm.s32 $0x1F900;
	s1 =	rddreg [dreg:$0xb]  }
0x33b: {  	[tilespmem:s2], [sflag:$0x1] =	stream.linear.gather [hbm4b:s1+s3], $0x28, $0x38;
	[tilespmem:$0x1FD00] =	vst v63  }
0x33c: {  	s7 =	rddreg [dreg:$0xc]  }
0x33d: {  	[tilespmem:s28], [sflag:$0x1] =	stream.linear.gather [hbm4b:s7+s3], $0x28, $0x38;
	[tilespmem:$0x1FD00] =	vst v63  }
0x33e: {  	s13 =	rddreg [dreg:$0xd]  }
0x33f: {  	[tilespmem:s20], [sflag:$0x1] =	stream.linear.gather [hbm4b:s13+s3], $0x50, $0x38;
	[tilespmem:$0x1FD00] =	vst v63  }
0x340: {  	_ =	swait.ge [sflag:s5], $0x28  }
0x341: {  	[sflag:s5] =	ssyncset.done $0x0  }
0x342: {  	[sflag:s5] =	ssyncadd.s32 $0xFFFFFFD8  }
0x343: {  	_ =	swait.ge [sflag:s5], $0x28  }
0x344: {  	[sflag:s5] =	ssyncset.done $0x0  }
0x345: {  	[sflag:s5] =	ssyncadd.s32 $0xFFFFFFD8  }
0x346: {  	_ =	swait.ge [sflag:s5], $0x50  }
0x347: {  	[sflag:s5] =	ssyncset.done $0x0  }
0x348: {  	[sflag:s5] =	ssyncadd.s32 $0xFFFFFFB0  }
0x349: {  	v8 =	vld [tilespmem:$0x1F900];
	_ =	sdelay $0x4  }
0x34a: {  	v9 =	vshll.u32 v8, $0x1  }
0x34b: {  	v8 =	vand.u32 $0x7, v8;
	v9 =	vand.u32 $0xFFFFFFF0, v9  }
0x34c: {  	v8 =	vor.u32 v8, v9  }
0x34d: {  	v9 =	vperm.xlane v8, v3;
	_ =	sdelay $0x1  }
0x34e: {  	v8 =	vperm.xlane v8, v5;
	v9 =	vadd.s32 v4, v9;
	_ =	sdelay $0x1  }
0x34f: {  	v8 =	vadd.s32 v4, v8;
	_ =	sdelay $0x2  }
0x350: {  	[tilespmem:s29], [sflag:$0x2] =	stream.indirect_vreg.gather [hbm4b:s9+s3], $0x80, v9, vm0, $0xb8;
	[tilespmem:$0x1FD00] =	vst v63  }
0x351: {  	s15 =	simm.s32 $0x18900  }
0x352: {  	[tilespmem:s15], [sflag:$0x2] =	stream.indirect_vreg.gather [hbm4b:s9+s3], $0x80, v8, vm0, $0xb8;
	[tilespmem:$0x1FD00] =	vst v63  }
0x353: {  	v8 =	vld [tilespmem:$0x1F910];
	_ =	sdelay $0x4  }
0x354: {  	v9 =	vshll.u32 v8, $0x1  }
0x355: {  	v8 =	vand.u32 $0x7, v8;
	v9 =	vand.u32 $0xFFFFFFF0, v9  }
0x356: {  	v8 =	vor.u32 v8, v9  }
0x357: {  	v9 =	vperm.xlane v8, v3;
	_ =	sdelay $0x1  }
0x358: {  	v8 =	vperm.xlane v8, v5;
	v9 =	vadd.s32 v4, v9;
	_ =	sdelay $0x1  }
0x359: {  	v8 =	vadd.s32 v4, v8;
	_ =	sdelay $0x1  }
0x35a: {  	s16 =	simm.s32 $0x19100  }
0x35b: {  	[tilespmem:s16], [sflag:$0x2] =	stream.indirect_vreg.gather [hbm4b:s9+s3], $0x80, v9, vm0, $0xb8;
	[tilespmem:$0x1FD00] =	vst v63  }
0x35c: {  	s19 =	simm.s32 $0x19900  }
0x35d: {  	[tilespmem:s19], [sflag:$0x2] =	stream.indirect_vreg.gather [hbm4b:s9+s3], $0x80, v8, vm0, $0xb8;
	[tilespmem:$0x1FD00] =	vst v63  }
0x35e: {  	v8 =	vld.msk [tilespmem:$0x1F920], $0xff;
	_ =	sdelay $0x4  }
0x35f: {  	v9 =	vshll.u32 v8, $0x1  }
0x360: {  	v8 =	vand.u32 $0x7, v8;
	v9 =	vand.u32 $0xFFFFFFF0, v9  }
0x361: {  	v8 =	vor.u32 v8, v9  }
0x362: {  	v8 =	vperm.xlane v8, v3;
	_ =	sdelay $0x1  }
0x363: {  	v8 =	vadd.s32 v4, v8;
	_ =	sdelay $0x3  }
0x364: {  	s22 =	simm.s32 $0x1A100  }
0x365: {  	[tilespmem:s22], [sflag:$0x2] =	stream.indirect_vreg.gather [hbm4b:s9+s3], $0x80, v8, vm0, $0xb8;
	[tilespmem:$0x1FD00] =	vst v63  }
0x366: {  	s25 =	simm.s32 $0x1F980;
	s23 =	rddreg [dreg:$0xe]  }
0x367: {  	[tilespmem:s25], [sflag:$0x1] =	stream.linear.gather [hbm4b:s23+s3], $0x28, $0x38;
	[tilespmem:$0x1FD00] =	vst v63  }
0x368: {  	s13 =	simm.s32 $0x1FA80;
	s7 =	rddreg [dreg:$0xf]  }
0x369: {  	[tilespmem:s13], [sflag:$0x1] =	stream.linear.gather [hbm4b:s7+s3], $0x28, $0x38;
	[tilespmem:$0x1FD00] =	vst v63  }
0x36a: {  	s15 =	rddreg [dreg:$0x10]  }
0x36b: {  	[tilespmem:s18], [sflag:$0x1] =	stream.linear.gather [hbm4b:s15+s3], $0x50, $0x38;
	[tilespmem:$0x1FD00] =	vst v63  }
0x36c: {  	_ =	swait.ge [sflag:s5], $0x28  }
0x36d: {  	[sflag:s5] =	ssyncset.done $0x0  }
0x36e: {  	[sflag:s5] =	ssyncadd.s32 $0xFFFFFFD8  }
0x36f: {  	_ =	swait.ge [sflag:s5], $0x28  }
0x370: {  	[sflag:s5] =	ssyncset.done $0x0  }
0x371: {  	[sflag:s5] =	ssyncadd.s32 $0xFFFFFFD8  }
0x372: {  	_ =	swait.ge [sflag:s5], $0x50  }
0x373: {  	[sflag:s5] =	ssyncset.done $0x0  }
0x374: {  	[sflag:s5] =	ssyncadd.s32 $0xFFFFFFB0  }
0x375: {  	v8 =	vld [tilespmem:$0x1F980];
	_ =	sdelay $0x4  }
0x376: {  	v9 =	vshll.u32 v8, $0x1  }
0x377: {  	v8 =	vand.u32 $0x7, v8;
	v9 =	vand.u32 $0xFFFFFFF0, v9  }
0x378: {  	v8 =	vor.u32 v8, v9  }
0x379: {  	v9 =	vperm.xlane v8, v3;
	_ =	sdelay $0x1  }
0x37a: {  	v8 =	vperm.xlane v8, v5;
	v9 =	vadd.s32 v4, v9;
	_ =	sdelay $0x1  }
0x37b: {  	v8 =	vadd.s32 v4, v8;
	_ =	sdelay $0x2  }
0x37c: {  	[tilespmem:s6], [sflag:$0x3] =	stream.indirect_vreg.gather [hbm4b:s9+s3], $0x80, v9, vm0, $0xb8;
	[tilespmem:$0x1FD00] =	vst v63  }
0x37d: {  	s16 =	simm.s32 $0x1B100  }
0x37e: {  	[tilespmem:s16], [sflag:$0x3] =	stream.indirect_vreg.gather [hbm4b:s9+s3], $0x80, v8, vm0, $0xb8;
	[tilespmem:$0x1FD00] =	vst v63  }
0x37f: {  	v8 =	vld [tilespmem:$0x1F990];
	_ =	sdelay $0x4  }
0x380: {  	v9 =	vshll.u32 v8, $0x1  }
0x381: {  	v8 =	vand.u32 $0x7, v8;
	v9 =	vand.u32 $0xFFFFFFF0, v9  }
0x382: {  	v8 =	vor.u32 v8, v9  }
0x383: {  	v9 =	vperm.xlane v8, v3;
	_ =	sdelay $0x1  }
0x384: {  	v8 =	vperm.xlane v8, v5;
	v9 =	vadd.s32 v4, v9;
	_ =	sdelay $0x1  }
0x385: {  	v8 =	vadd.s32 v4, v8;
	_ =	sdelay $0x1  }
0x386: {  	s19 =	simm.s32 $0x1B900  }
0x387: {  	[tilespmem:s19], [sflag:$0x3] =	stream.indirect_vreg.gather [hbm4b:s9+s3], $0x80, v9, vm0, $0xb8;
	[tilespmem:$0x1FD00] =	vst v63  }
0x388: {  	s22 =	simm.s32 $0x1C100  }
0x389: {  	[tilespmem:s22], [sflag:$0x3] =	stream.indirect_vreg.gather [hbm4b:s9+s3], $0x80, v8, vm0, $0xb8;
	[tilespmem:$0x1FD00] =	vst v63  }
0x38a: {  	v8 =	vld.msk [tilespmem:$0x1F9A0], $0xff;
	_ =	sdelay $0x4  }
0x38b: {  	v9 =	vshll.u32 v8, $0x1  }
0x38c: {  	v8 =	vand.u32 $0x7, v8;
	v9 =	vand.u32 $0xFFFFFFF0, v9  }
0x38d: {  	v8 =	vor.u32 v8, v9  }
0x38e: {  	v8 =	vperm.xlane v8, v3;
	_ =	sdelay $0x1  }
0x38f: {  	v8 =	vadd.s32 v4, v8;
	_ =	sdelay $0x3  }
0x390: {  	s1 =	simm.s32 $0x2;
	s25 =	simm.s32 $0x1C900  }
0x391: {  	[tilespmem:s25], [sflag:$0x3] =	stream.indirect_vreg.gather [hbm4b:s9+s3], $0x80, v8, vm0, $0xb8;
	[tilespmem:$0x1FD00] =	vst v63  }
0x392: {  	_ =	swait.ge [sflag:s1], $0x2800  }
0x393: {  	[sflag:s1] =	ssyncset.done $0x0  }
0x394: {  	[sflag:s1] =	ssyncadd.s32 $0xFFFFD800  }
0x395: {  	s15 =	sand.u32 $0x3800, s3;
	s16 =	simm.s32 $0x80;
	s22 =	simm.s32 $0x0;
	v11 =	vld [tilespmem:$0x1FA00]  }
0x396: {  	s19 =	sand.u32 $0x380, s16;
	s2 =	sand.u32 $0x300, s22;
	s1 =	sor.u32 $0x18100, s15;
	v13 =	vld [tilespmem:$0x1FA10]  }
0x397: {  	v14 =	vld.idx.msk [tilespmem:v6+s28+$0x0], $0xffff;
	s19 =	sadd.s32 s19, s1;
	s1 =	sadd.s32 s2, s1  }
0x398: {  	s7 =	simm.s32 $0x2;
	v9 =	vmov s3;
	v17 =	vld [tilespmem:s1+$0x0]  }
0x399: {  	v10 =	vmov s7;
	v8 =	vand.u32 $0xFFFFFFFC, v9;
	v18 =	vld [tilespmem:s1+$0x400]  }
0x39a: {  	s23 =	simm.s32 $0x1;
	v10 =	vand.u32 $0xFFFFFFFE, v10;
	v8 =	vbroadcast v8, $0x0;
	v19 =	vld [tilespmem:s1+$0x10]  }
0x39b: {  	v10 =	vbroadcast v10, $0x0;
	v9 =	vmov s23;
	v20 =	vld [tilespmem:s1+$0x410]  }
0x39c: {  	v9 =	vand.u32 $0xFFFFFFFD, v9;
	v21 =	vld [tilespmem:s1+$0x20]  }
0x39d: {  	v9 =	vbroadcast v9, $0x0;
	v22 =	vld [tilespmem:s1+$0x420]  }
0x39e: {  	s13 =	simm.s32 $0x3;
	v23 =	vld [tilespmem:s1+$0x30]  }
0x39f: {  	v12 =	vmov s13;
	v24 =	vld [tilespmem:s1+$0x430]  }
0x3a0: {  	v15 =	vld.idx.msk [tilespmem:v8+s20+$0x0], $0xffff  }
0x3a1: {  	v8 =	vld.idx.msk [tilespmem:v10+s20+$0x0], $0xffff  }
0x3a2: {  	v10 =	vld [tilespmem:s19+$0x470]  }
0x3a3: {  	v16 =	vld.idx.msk [tilespmem:v9+s20+$0x0], $0xffff  }
0x3a4: {  	v9 =	vld.idx.msk [tilespmem:v12+s20+$0x0], $0xffff  }
0x3a5: {  	v12 =	vld [tilespmem:s19+$0x70]  }
0x3a6: {  	v25 =	vld [tilespmem:s1+$0x40]  }
0x3a7: {  	v26 =	vld [tilespmem:s1+$0x440]  }
0x3a8: {  	v27 =	vld [tilespmem:s1+$0x50]  }
0x3a9: {  	v28 =	vld [tilespmem:s1+$0x450];
	[tilespmem:$0x1FC00] =	vst v11  }
0x3aa: {  	s23 =	simm.s32 $0x1FC00;
	[tilespmem:$0x1FC10] =	vst v13;
	v11 =	vmul.f32 v12, v8;
	v10 =	vmul.f32 v10, v9;
	v12 =	vld [tilespmem:s1+$0x60]  }
0x3ab: {  	[tilespmem:v7+s23+$0x0] =	vst.idx.msk $0xff, v14;
	v13 =	vmul.f32 v17, v15;
	v17 =	vmul.f32 v18, v16;
	v18 =	vld [tilespmem:s1+$0x460]  }
0x3ac: {  	v14 =	vmul.f32 v19, v15;
	v19 =	vmul.f32 v20, v16;
	v20 =	vld [tilespmem:s1+$0x70];
	v10 =	vadd.f32 v10, v11  }
0x3ad: {  	s13 =	simm.s32 $0x1D180;
	v11 =	vmul.f32 v21, v15;
	v21 =	vmul.f32 v22, v16;
	v22 =	vld [tilespmem:s1+$0x470];
	v13 =	vadd.f32 v17, v13  }
0x3ae: {  	v61 =	vld [tilespmem:s19+$0x0];
	v17 =	vmul.f32 v23, v15;
	v23 =	vmul.f32 v24, v16;
	[tilespmem:s13+$0x70] =	vst v10;
	v10 =	vadd.f32 v19, v14  }
0x3af: {  	v62 =	vld [tilespmem:s19+$0x400];
	v14 =	vmul.f32 v25, v15;
	v19 =	vmul.f32 v26, v16;
	[tilespmem:s13+$0xFFFFFF80] =	vst v13;
	v11 =	vadd.f32 v21, v11  }
0x3b0: {  	v63 =	vld [tilespmem:s19+$0x10];
	v13 =	vmul.f32 v27, v15;
	v21 =	vmul.f32 v28, v16;
	[tilespmem:s13+$0xFFFFFF90] =	vst v10;
	v10 =	vadd.f32 v23, v17  }
0x3b1: {  	v12 =	vmul.f32 v12, v15;
	v17 =	vmul.f32 v18, v16;
	v18 =	vld [tilespmem:s19+$0x410];
	[tilespmem:s13+$0xFFFFFFA0] =	vst v11;
	v11 =	vadd.f32 v19, v14  }
0x3b2: {  	s2 =	simm.s32 $0x4;
	v14 =	vmul.f32 v20, v15;
	v13 =	vadd.f32 v21, v13;
	v15 =	vmul.f32 v22, v16;
	v16 =	vld [tilespmem:s19+$0x20];
	[tilespmem:s13+$0xFFFFFFB0] =	vst v10  }
0x3b3: {  	s25 =	simm.s32 $0x5;
	v20 =	vmul.f32 v61, v8;
	v19 =	vadd.f32 v17, v12;
	v12 =	vmov s2;
	v10 =	vld [tilespmem:s19+$0x420];
	[tilespmem:s13+$0xFFFFFFC0] =	vst v11  }
0x3b4: {  	v21 =	vmul.f32 v62, v9;
	v11 =	vld [tilespmem:s19+$0x30];
	[tilespmem:s13+$0xFFFFFFD0] =	vst v13;
	v13 =	vmov s25;
	v12 =	vand.u32 $0xFFFFFFFC, v12  }
0x3b5: {  	v14 =	vadd.f32 v15, v14;
	v15 =	vmul.f32 v63, v8;
	v17 =	vbroadcast v12, $0x0;
	v12 =	vld [tilespmem:s19+$0x430]  }
0x3b6: {  	v22 =	vand.u32 $0xFFFFFFFD, v13;
	v13 =	vld [tilespmem:s19+$0x40];
	[tilespmem:s13+$0xFFFFFFE0] =	vst v19;
	v19 =	vmul.f32 v18, v9;
	v18 =	vadd.f32 v21, v20  }
0x3b7: {  	s22 =	simm.s32 $0x8;
	s1 =	simm.s32 $0x6;
	[tilespmem:s13+$0xFFFFFFF0] =	vst v14;
	v20 =	vbroadcast v22, $0x0;
	v14 =	vld [tilespmem:s19+$0x440];
	v16 =	vmul.f32 v16, v8  }
.LBB2_62:
0x3b8: {  	p0 =	sne.s32 s22, $0x4C;
	v21 =	vmov s1;
	s1 =	sadd.s32 $0x3, s2;
	[tilespmem:s13+$0x0] =	vst v18;
	v15 =	vadd.f32 v19, v15;
	v10 =	vmul.f32 v10, v9;
	v18 =	vld [tilespmem:s19+$0x50];
	s2 =	smov.u32 s22  }
0x3b9: {  	v19 =	vand.u32 $0xFFFFFFFE, v21;
	v21 =	vmov s1;
	v11 =	vmul.f32 v11, v8;
	v22 =	vld [tilespmem:s19+$0x450]  }
0x3ba: {  	v19 =	vbroadcast v19, $0x0;
	[tilespmem:s13+$0x10] =	vst v15;
	v10 =	vadd.f32 v10, v16;
	v12 =	vmul.f32 v12, v9;
	v15 =	vld [tilespmem:s19+$0x60]  }
0x3bb: {  	s3 =	sadd.s32 $0x200, s3;
	v13 =	vmul.f32 v13, v8;
	v16 =	vld [tilespmem:s19+$0x460]  }
0x3bc: {  	s16 =	sadd.s32 $0x100, s16;
	s1 =	sand.u32 $0x3800, s3;
	v17 =	vld.idx.msk [tilespmem:v17+s20+$0x0], $0xffff;
	[tilespmem:s13+$0x20] =	vst v10;
	v10 =	vadd.f32 v12, v11;
	v11 =	vmul.f32 v14, v9  }
0x3bd: {  	s15 =	sadd.s32 $0xFFFFFF80, s16;
	s1 =	sor.u32 $0x18100, s1;
	s19 =	sand.u32 $0x380, s16;
	v12 =	vld.idx.msk [tilespmem:v20+s20+$0x0], $0xffff;
	v14 =	vmul.f32 v18, v8  }
0x3be: {  	s15 =	sand.u32 $0x300, s15;
	s19 =	sadd.s32 s19, s1;
	v18 =	vld.idx.msk [tilespmem:v21+s20+$0x0], $0xffff;
	[tilespmem:s13+$0x30] =	vst v10;
	v10 =	vadd.f32 v11, v13;
	v11 =	vmul.f32 v22, v9  }
0x3bf: {  	s1 =	sadd.s32 s15, s1;
	v13 =	vld [tilespmem:s19+$0x70];
	v15 =	vmul.f32 v15, v8  }
0x3c0: {  	v8 =	vld.idx.msk [tilespmem:v19+s20+$0x0], $0xffff;
	[tilespmem:s13+$0x40] =	vst v10;
	v10 =	vadd.f32 v11, v14;
	v9 =	vmul.f32 v16, v9  }
0x3c1: {  	v11 =	vld [tilespmem:s19+$0x470]  }
0x3c2: {  	v14 =	vld [tilespmem:s1+$0x0];
	[tilespmem:s13+$0x50] =	vst v10;
	v16 =	vadd.f32 v9, v15  }
0x3c3: {  	v10 =	vld [tilespmem:s1+$0x400]  }
0x3c4: {  	v15 =	vld [tilespmem:s1+$0x10];
	[tilespmem:s13+$0x60] =	vst v16;
	v9 =	vmov v18  }
0x3c5: {  	v16 =	vld [tilespmem:s1+$0x410]  }
0x3c6: {  	v13 =	vmul.f32 v13, v8;
	v18 =	vld [tilespmem:s1+$0x20];
	v11 =	vmul.f32 v11, v9  }
0x3c7: {  	v14 =	vmul.f32 v14, v17;
	v19 =	vld [tilespmem:s1+$0x420]  }
0x3c8: {  	v10 =	vmul.f32 v10, v12;
	v20 =	vld [tilespmem:s1+$0x30];
	v11 =	vadd.f32 v11, v13  }
0x3c9: {  	s13 =	sadd.s32 $0x100, s13;
	v13 =	vmul.f32 v15, v17;
	v15 =	vld [tilespmem:s1+$0x430]  }
0x3ca: {  	v10 =	vadd.f32 v10, v14;
	v14 =	vmul.f32 v16, v12;
	v16 =	vld [tilespmem:s1+$0x40];
	[tilespmem:s13+$0x70] =	vst v11  }
0x3cb: {  	v11 =	vmul.f32 v18, v17;
	v18 =	vld [tilespmem:s1+$0x440]  }
0x3cc: {  	[tilespmem:s13+$0xFFFFFF80] =	vst v10;
	v10 =	vadd.f32 v14, v13;
	v13 =	vmul.f32 v19, v12;
	v14 =	vld [tilespmem:s1+$0x50]  }
0x3cd: {  	v19 =	vmul.f32 v20, v17;
	v20 =	vld [tilespmem:s1+$0x450]  }
0x3ce: {  	[tilespmem:s13+$0xFFFFFF90] =	vst v10;
	v10 =	vadd.f32 v13, v11;
	v11 =	vmul.f32 v15, v12;
	v13 =	vld [tilespmem:s1+$0x60]  }
0x3cf: {  	v15 =	vmul.f32 v16, v17;
	v16 =	vld [tilespmem:s1+$0x460]  }
0x3d0: {  	[tilespmem:s13+$0xFFFFFFA0] =	vst v10;
	v10 =	vadd.f32 v11, v19;
	v11 =	vmul.f32 v18, v12;
	v18 =	vld [tilespmem:s1+$0x70]  }
0x3d1: {  	v14 =	vmul.f32 v14, v17;
	v19 =	vld [tilespmem:s1+$0x470]  }
0x3d2: {  	[tilespmem:s13+$0xFFFFFFB0] =	vst v10;
	v10 =	vadd.f32 v11, v15;
	v11 =	vmul.f32 v20, v12;
	v15 =	vld [tilespmem:s19+$0x0]  }
0x3d3: {  	v13 =	vmul.f32 v13, v17;
	v20 =	vld [tilespmem:s19+$0x400]  }
0x3d4: {  	[tilespmem:s13+$0xFFFFFFC0] =	vst v10;
	v10 =	vadd.f32 v11, v14;
	v11 =	vmul.f32 v16, v12;
	v14 =	vld [tilespmem:s19+$0x10]  }
0x3d5: {  	v16 =	vmul.f32 v18, v17;
	v21 =	vld [tilespmem:s19+$0x410]  }
0x3d6: {  	[tilespmem:s13+$0xFFFFFFD0] =	vst v10;
	v11 =	vadd.f32 v11, v13;
	v12 =	vmul.f32 v19, v12;
	v22 =	vld [tilespmem:s19+$0x20]  }
.Ltmp30:
0x3d7: {  	v13 =	vmov s22;
	v18 =	vmul.f32 v15, v8;
	v10 =	vld [tilespmem:s19+$0x420];
	(pc) =	sbr.rel @p0 .LBB2_62-.Ltmp30, $4  }
0x3d8: {  	s1 =	sadd.s32 $0x1, s22;
	v13 =	vand.u32 $0xFFFFFFFC, v13;
	[tilespmem:s13+$0xFFFFFFE0] =	vst v11;
	v16 =	vadd.f32 v12, v16;
	v19 =	vmul.f32 v20, v9;
	v11 =	vld [tilespmem:s19+$0x30]  }
0x3d9: {  	v17 =	vbroadcast v13, $0x0;
	v13 =	vmov s1;
	v15 =	vmul.f32 v14, v8;
	v12 =	vld [tilespmem:s19+$0x430]  }
0x3da: {  	v14 =	vand.u32 $0xFFFFFFFD, v13;
	[tilespmem:s13+$0xFFFFFFF0] =	vst v16;
	v18 =	vadd.f32 v19, v18;
	v19 =	vmul.f32 v21, v9;
	v13 =	vld [tilespmem:s19+$0x40]  }
0x3db: {  	s22 =	sadd.s32 $0x4, s22;
	s1 =	sadd.s32 $0x2, s2;
	v20 =	vbroadcast v14, $0x0;
	v16 =	vmul.f32 v22, v8;
	v14 =	vld [tilespmem:s19+$0x440]  }
0x3dc: {  	v22 =	vld [tilespmem:s19+$0x50]  }
0x3dd: {  	v24 =	vld [tilespmem:s19+$0x450]  }
0x3de: {  	s25 =	sadd.s32 $0x3, s2;
	v25 =	vld [tilespmem:s19+$0x60];
	s2 =	sadd.s32 $0x200, s3  }
0x3df: {  	v21 =	vmov s1;
	v26 =	vld [tilespmem:s19+$0x460];
	s3 =	sadd.s32 $0x100, s16;
	s1 =	sand.u32 $0x3800, s2  }
0x3e0: {  	v17 =	vld.idx.msk [tilespmem:v17+s20+$0x0], $0xffff;
	s15 =	sand.u32 $0x380, s3;
	s7 =	sor.u32 $0x18100, s1  }
0x3e1: {  	v20 =	vld.idx.msk [tilespmem:v20+s20+$0x0], $0xffff;
	s2 =	sadd.s32 $0xFFFFFF80, s3;
	s1 =	sadd.s32 s15, s7  }
0x3e2: {  	s2 =	sand.u32 $0x300, s2;
	v27 =	vld [tilespmem:s1+$0x70]  }
0x3e3: {  	s2 =	sadd.s32 s2, s7;
	v28 =	vld [tilespmem:s1+$0x470]  }
0x3e4: {  	v29 =	vld [tilespmem:s2+$0x0]  }
0x3e5: {  	v30 =	vld [tilespmem:s2+$0x400]  }
0x3e6: {  	v31 =	vld [tilespmem:s2+$0x10]  }
0x3e7: {  	v32 =	vld [tilespmem:s2+$0x410]  }
0x3e8: {  	v33 =	vld [tilespmem:s2+$0x20]  }
0x3e9: {  	v34 =	vld [tilespmem:s2+$0x420]  }
0x3ea: {  	v35 =	vld [tilespmem:s2+$0x30]  }
0x3eb: {  	v36 =	vld [tilespmem:s2+$0x430]  }
0x3ec: {  	v37 =	vld [tilespmem:s2+$0x40]  }
0x3ed: {  	v21 =	vand.u32 $0xFFFFFFFE, v21;
	v38 =	vld [tilespmem:s2+$0x440]  }
0x3ee: {  	v23 =	vmov s25;
	v21 =	vbroadcast v21, $0x0;
	v39 =	vld [tilespmem:s2+$0x50]  }
0x3ef: {  	v40 =	vld [tilespmem:s2+$0x450]  }
0x3f0: {  	v41 =	vld [tilespmem:s2+$0x60]  }
0x3f1: {  	v42 =	vld [tilespmem:s2+$0x460]  }
0x3f2: {  	v10 =	vmul.f32 v10, v9;
	v43 =	vld [tilespmem:s2+$0x70]  }
0x3f3: {  	v15 =	vadd.f32 v19, v15;
	v11 =	vmul.f32 v11, v8;
	v12 =	vmul.f32 v12, v9;
	v23 =	vld.idx.msk [tilespmem:v23+s20+$0x0], $0xffff  }
0x3f4: {  	v10 =	vadd.f32 v10, v16;
	v13 =	vmul.f32 v13, v8;
	v14 =	vmul.f32 v14, v9;
	v21 =	vld.idx.msk [tilespmem:v21+s20+$0x0], $0xffff  }
0x3f5: {  	[tilespmem:s13+$0x10] =	vst v15;
	v19 =	vld [tilespmem:s2+$0x470];
	v11 =	vadd.f32 v12, v11;
	v12 =	vmul.f32 v22, v8;
	v15 =	vmul.f32 v24, v9  }
0x3f6: {  	v16 =	vld [tilespmem:s1+$0x0];
	[tilespmem:s13+$0x20] =	vst v10;
	v8 =	vmul.f32 v25, v8;
	v9 =	vmul.f32 v26, v9;
	v10 =	vadd.f32 v14, v13  }
0x3f7: {  	[tilespmem:s13+$0x0] =	vst v18;
	v18 =	vld [tilespmem:s1+$0x400]  }
0x3f8: {  	v50 =	vld [tilespmem:s1+$0x420];
	v8 =	vadd.f32 v9, v8;
	[tilespmem:s13+$0x40] =	vst v10;
	v9 =	vmul.f32 v29, v17;
	v10 =	vmul.f32 v30, v20  }
0x3f9: {  	v51 =	vld [tilespmem:s1+$0x30];
	[tilespmem:s13+$0x30] =	vst v11;
	v11 =	vadd.f32 v15, v12;
	v14 =	vmul.f32 v28, v23;
	v12 =	vmul.f32 v27, v21  }
0x3fa: {  	v52 =	vld [tilespmem:s1+$0x430];
	[tilespmem:s13+$0x60] =	vst v8;
	v8 =	vadd.f32 v10, v9;
	v9 =	vmul.f32 v33, v17;
	v10 =	vmul.f32 v34, v20  }
0x3fb: {  	s16 =	sadd.s32 $0x100, s13;
	v53 =	vld [tilespmem:s1+$0x40];
	[tilespmem:s13+$0x50] =	vst v11;
	v11 =	vadd.f32 v14, v12;
	v12 =	vmul.f32 v31, v17;
	v14 =	vmul.f32 v32, v20  }
0x3fc: {  	v54 =	vld [tilespmem:s1+$0x440];
	[tilespmem:s16+$0xFFFFFF80] =	vst v8;
	v8 =	vadd.f32 v10, v9;
	v9 =	vmul.f32 v37, v17;
	v10 =	vmul.f32 v38, v20  }
0x3fd: {  	v13 =	vld [tilespmem:s1+$0x10];
	[tilespmem:s16+$0x70] =	vst v11;
	v11 =	vadd.f32 v14, v12;
	v12 =	vmul.f32 v35, v17;
	v14 =	vmul.f32 v36, v20  }
0x3fe: {  	v15 =	vld [tilespmem:s1+$0x410];
	[tilespmem:s16+$0xFFFFFFA0] =	vst v8;
	v8 =	vadd.f32 v10, v9;
	v9 =	vmul.f32 v41, v17;
	v10 =	vmul.f32 v42, v20  }
0x3ff: {  	v22 =	vld [tilespmem:s1+$0x20];
	[tilespmem:s16+$0xFFFFFF90] =	vst v11;
	v11 =	vadd.f32 v14, v12;
	v12 =	vmul.f32 v39, v17;
	v14 =	vmul.f32 v40, v20  }
0x400: {  	v55 =	vld [tilespmem:s1+$0x50];
	[tilespmem:s16+$0xFFFFFFC0] =	vst v8;
	v8 =	vadd.f32 v10, v9;
	v9 =	vmul.f32 v16, v21  }
0x401: {  	v16 =	vld [tilespmem:s1+$0x60];
	[tilespmem:s16+$0xFFFFFFB0] =	vst v11;
	v11 =	vadd.f32 v14, v12;
	v12 =	vmul.f32 v43, v17;
	v14 =	vmul.f32 v19, v20  }
0x402: {  	v10 =	vmul.f32 v18, v23;
	v17 =	vld [tilespmem:s1+$0x450]  }
0x403: {  	[tilespmem:s16+$0xFFFFFFD0] =	vst v11;
	v11 =	vadd.f32 v14, v12;
	v12 =	vmul.f32 v13, v21;
	v13 =	vmul.f32 v15, v23;
	v14 =	vld [tilespmem:s1+$0x460]  }
0x404: {  	[tilespmem:s16+$0xFFFFFFE0] =	vst v8;
	v8 =	vadd.f32 v10, v9;
	v9 =	vmul.f32 v22, v21;
	v10 =	vmul.f32 v50, v23  }
0x405: {  	[tilespmem:s16+$0xFFFFFFF0] =	vst v11;
	v11 =	vadd.f32 v13, v12;
	v12 =	vmul.f32 v51, v21;
	v13 =	vmul.f32 v52, v23  }
0x406: {  	[tilespmem:s16+$0x0] =	vst v8;
	v8 =	vadd.f32 v10, v9;
	v9 =	vmul.f32 v53, v21;
	v10 =	vmul.f32 v54, v23  }
0x407: {  	[tilespmem:s16+$0x10] =	vst v11;
	v11 =	vadd.f32 v13, v12;
	v12 =	vmul.f32 v55, v21;
	v13 =	vmul.f32 v17, v23  }
0x408: {  	[tilespmem:s16+$0x20] =	vst v8;
	v8 =	vadd.f32 v10, v9;
	v9 =	vmul.f32 v16, v21;
	v10 =	vmul.f32 v14, v23  }
0x409: {  	[tilespmem:s16+$0x30] =	vst v11;
	v11 =	vadd.f32 v13, v12  }
0x40a: {  	[tilespmem:s16+$0x40] =	vst v8;
	v8 =	vadd.f32 v10, v9  }
0x40b: {  	[tilespmem:s16+$0x50] =	vst v11  }
0x40c: {  	s19 =	simm.s32 $0x1FC00;
	s22 =	simm.s32 $0x28;
	[tilespmem:s16+$0x60] =	vst v8  }
0x40d: {  	[spmem:s26] =	stream.indirect.scatter.add.f32 [tilespmem:s31], [sflag:$0x4], $0x80, s19, s22, $0xb8;
	[tilespmem:$0x1FD00] =	vst v63  }
0x40e: {  	s23 =	rddreg [dreg:$0x11];
	s3 =	simm.s32 $0x0;
	s25 =	simm.s32 $0x1F900  }
0x40f: {  	[tilespmem:s25], [sflag:$0x1] =	stream.linear.gather [hbm4b:s23+s3], $0x28, $0x38;
	[tilespmem:$0x1FD00] =	vst v63  }
0x410: {  	s2 =	rddreg [dreg:$0x12]  }
0x411: {  	[tilespmem:s28], [sflag:$0x1] =	stream.linear.gather [hbm4b:s2+s3], $0x28, $0x38;
	[tilespmem:$0x1FD00] =	vst v63  }
0x412: {  	s7 =	rddreg [dreg:$0x13]  }
0x413: {  	[tilespmem:s20], [sflag:$0x1] =	stream.linear.gather [hbm4b:s7+s3], $0x50, $0x38;
	[tilespmem:$0x1FD00] =	vst v63  }
0x414: {  	_ =	swait.ge [sflag:s5], $0x28  }
0x415: {  	[sflag:s5] =	ssyncset.done $0x0  }
0x416: {  	[sflag:s5] =	ssyncadd.s32 $0xFFFFFFD8  }
0x417: {  	_ =	swait.ge [sflag:s5], $0x28  }
0x418: {  	[sflag:s5] =	ssyncset.done $0x0  }
0x419: {  	[sflag:s5] =	ssyncadd.s32 $0xFFFFFFD8  }
0x41a: {  	_ =	swait.ge [sflag:s5], $0x50  }
0x41b: {  	[sflag:s5] =	ssyncset.done $0x0  }
0x41c: {  	[sflag:s5] =	ssyncadd.s32 $0xFFFFFFB0  }
0x41d: {  	v8 =	vld [tilespmem:$0x1F900];
	_ =	sdelay $0x4  }
0x41e: {  	v9 =	vshll.u32 v8, $0x1  }
0x41f: {  	v8 =	vand.u32 $0x7, v8;
	v9 =	vand.u32 $0xFFFFFFF0, v9  }
0x420: {  	v8 =	vor.u32 v8, v9  }
0x421: {  	v9 =	vperm.xlane v8, v3;
	_ =	sdelay $0x1  }
0x422: {  	v8 =	vperm.xlane v8, v5;
	v9 =	vadd.s32 v4, v9;
	_ =	sdelay $0x1  }
0x423: {  	v8 =	vadd.s32 v4, v8;
	_ =	sdelay $0x2  }
0x424: {  	[tilespmem:s29], [sflag:$0x2] =	stream.indirect_vreg.gather [hbm4b:s9+s3], $0x80, v9, vm0, $0xb8;
	[tilespmem:$0x1FD00] =	vst v63  }
0x425: {  	s13 =	simm.s32 $0x18900  }
0x426: {  	[tilespmem:s13], [sflag:$0x2] =	stream.indirect_vreg.gather [hbm4b:s9+s3], $0x80, v8, vm0, $0xb8;
	[tilespmem:$0x1FD00] =	vst v63  }
0x427: {  	v8 =	vld [tilespmem:$0x1F910];
	_ =	sdelay $0x4  }
0x428: {  	v9 =	vshll.u32 v8, $0x1  }
0x429: {  	v8 =	vand.u32 $0x7, v8;
	v9 =	vand.u32 $0xFFFFFFF0, v9  }
0x42a: {  	v8 =	vor.u32 v8, v9  }
0x42b: {  	v9 =	vperm.xlane v8, v3;
	_ =	sdelay $0x1  }
0x42c: {  	v8 =	vperm.xlane v8, v5;
	v9 =	vadd.s32 v4, v9;
	_ =	sdelay $0x1  }
0x42d: {  	v8 =	vadd.s32 v4, v8;
	_ =	sdelay $0x1  }
0x42e: {  	s15 =	simm.s32 $0x19100  }
0x42f: {  	[tilespmem:s15], [sflag:$0x2] =	stream.indirect_vreg.gather [hbm4b:s9+s3], $0x80, v9, vm0, $0xb8;
	[tilespmem:$0x1FD00] =	vst v63  }
0x430: {  	s16 =	simm.s32 $0x19900  }
0x431: {  	[tilespmem:s16], [sflag:$0x2] =	stream.indirect_vreg.gather [hbm4b:s9+s3], $0x80, v8, vm0, $0xb8;
	[tilespmem:$0x1FD00] =	vst v63  }
0x432: {  	v8 =	vld.msk [tilespmem:$0x1F920], $0xff;
	_ =	sdelay $0x4  }
0x433: {  	v9 =	vshll.u32 v8, $0x1  }
0x434: {  	v8 =	vand.u32 $0x7, v8;
	v9 =	vand.u32 $0xFFFFFFF0, v9  }
0x435: {  	v8 =	vor.u32 v8, v9  }
0x436: {  	v8 =	vperm.xlane v8, v3;
	_ =	sdelay $0x1  }
0x437: {  	v8 =	vadd.s32 v4, v8;
	_ =	sdelay $0x3  }
0x438: {  	s22 =	simm.s32 $0x1A100;
	s23 =	simm.s32 $0x3  }
0x439: {  	[tilespmem:s22], [sflag:$0x2] =	stream.indirect_vreg.gather [hbm4b:s9+s3], $0x80, v8, vm0, $0xb8;
	[tilespmem:$0x1FD00] =	vst v63  }
0x43a: {  	_ =	swait.ge [sflag:s23], $0x2800  }
0x43b: {  	[sflag:s23] =	ssyncset.done $0x0  }
0x43c: {  	s19 =	simm.s32 $0x1;
	s13 =	simm.s32 $0x1FA80;
	[sflag:s23] =	ssyncadd.s32 $0xFFFFD800  }
0x43d: {  	s15 =	sand.u32 $0x3800, s3;
	s16 =	simm.s32 $0x80;
	v9 =	vmov s3;
	s22 =	simm.s32 $0x0;
	v11 =	vld [tilespmem:$0x1FA80]  }
0x43e: {  	s1 =	sadd.s32 $0x1A900, s15;
	v8 =	vand.u32 $0xFFFFFFFC, v9;
	v9 =	vmov s19;
	s19 =	sand.u32 $0x380, s16;
	s2 =	sand.u32 $0x300, s22;
	v13 =	vld [tilespmem:$0x1FA90]  }
0x43f: {  	s19 =	sadd.s32 s19, s1;
	s1 =	sadd.s32 s2, s1;
	v14 =	vld.idx.msk [tilespmem:v6+s13+$0x0], $0xffff  }
0x440: {  	s25 =	simm.s32 $0x2;
	v17 =	vld [tilespmem:s1+$0x0]  }
0x441: {  	v10 =	vmov s25;
	v18 =	vld [tilespmem:s1+$0x400]  }
0x442: {  	v10 =	vand.u32 $0xFFFFFFFE, v10;
	v8 =	vbroadcast v8, $0x0;
	v19 =	vld [tilespmem:s1+$0x10]  }
0x443: {  	v10 =	vbroadcast v10, $0x0;
	v20 =	vld [tilespmem:s1+$0x410]  }
0x444: {  	v9 =	vand.u32 $0xFFFFFFFD, v9;
	v21 =	vld [tilespmem:s1+$0x20]  }
0x445: {  	v9 =	vbroadcast v9, $0x0;
	v22 =	vld [tilespmem:s1+$0x420]  }
0x446: {  	s7 =	simm.s32 $0x3;
	v23 =	vld [tilespmem:s1+$0x30]  }
0x447: {  	v12 =	vmov s7;
	v56 =	vld [tilespmem:s1+$0x430]  }
0x448: {  	v15 =	vld.idx.msk [tilespmem:v8+s18+$0x0], $0xffff  }
0x449: {  	v8 =	vld.idx.msk [tilespmem:v10+s18+$0x0], $0xffff  }
0x44a: {  	v10 =	vld [tilespmem:s19+$0x470]  }
0x44b: {  	v16 =	vld.idx.msk [tilespmem:v9+s18+$0x0], $0xffff  }
0x44c: {  	v9 =	vld.idx.msk [tilespmem:v12+s18+$0x0], $0xffff  }
0x44d: {  	v12 =	vld [tilespmem:s19+$0x70]  }
0x44e: {  	v57 =	vld [tilespmem:s1+$0x40]  }
0x44f: {  	v58 =	vld [tilespmem:s1+$0x440]  }
0x450: {  	v59 =	vld [tilespmem:s1+$0x50]  }
0x451: {  	v60 =	vld [tilespmem:s1+$0x450];
	[tilespmem:$0x1FC80] =	vst v11  }
0x452: {  	s23 =	simm.s32 $0x1FC80;
	[tilespmem:$0x1FC90] =	vst v13;
	v11 =	vmul.f32 v12, v8;
	v10 =	vmul.f32 v10, v9;
	v12 =	vld [tilespmem:s1+$0x60]  }
0x453: {  	[tilespmem:v7+s23+$0x0] =	vst.idx.msk $0xff, v14;
	v13 =	vmul.f32 v17, v15;
	v17 =	vmul.f32 v18, v16;
	v18 =	vld [tilespmem:s1+$0x460]  }
0x454: {  	v14 =	vmul.f32 v19, v15;
	v19 =	vmul.f32 v20, v16;
	v20 =	vld [tilespmem:s1+$0x70];
	v10 =	vadd.f32 v10, v11  }
0x455: {  	s13 =	simm.s32 $0x1E580;
	v11 =	vmul.f32 v21, v15;
	v21 =	vmul.f32 v22, v16;
	v22 =	vld [tilespmem:s1+$0x470];
	v13 =	vadd.f32 v17, v13  }
0x456: {  	v61 =	vld [tilespmem:s19+$0x0];
	v17 =	vmul.f32 v23, v15;
	v23 =	vmul.f32 v56, v16;
	[tilespmem:s13+$0x70] =	vst v10;
	v10 =	vadd.f32 v19, v14  }
0x457: {  	v62 =	vld [tilespmem:s19+$0x400];
	v14 =	vmul.f32 v57, v15;
	v19 =	vmul.f32 v58, v16;
	[tilespmem:s13+$0xFFFFFF80] =	vst v13;
	v11 =	vadd.f32 v21, v11  }
0x458: {  	v63 =	vld [tilespmem:s19+$0x10];
	v13 =	vmul.f32 v59, v15;
	v21 =	vmul.f32 v60, v16;
	[tilespmem:s13+$0xFFFFFF90] =	vst v10;
	v10 =	vadd.f32 v23, v17  }
0x459: {  	v12 =	vmul.f32 v12, v15;
	v17 =	vmul.f32 v18, v16;
	v18 =	vld [tilespmem:s19+$0x410];
	[tilespmem:s13+$0xFFFFFFA0] =	vst v11;
	v11 =	vadd.f32 v19, v14  }
0x45a: {  	s2 =	simm.s32 $0x4;
	v14 =	vmul.f32 v20, v15;
	v13 =	vadd.f32 v21, v13;
	v15 =	vmul.f32 v22, v16;
	v16 =	vld [tilespmem:s19+$0x20];
	[tilespmem:s13+$0xFFFFFFB0] =	vst v10  }
0x45b: {  	s25 =	simm.s32 $0x5;
	v20 =	vmul.f32 v61, v8;
	v19 =	vadd.f32 v17, v12;
	v12 =	vmov s2;
	v10 =	vld [tilespmem:s19+$0x420];
	[tilespmem:s13+$0xFFFFFFC0] =	vst v11  }
0x45c: {  	v21 =	vmul.f32 v62, v9;
	v11 =	vld [tilespmem:s19+$0x30];
	[tilespmem:s13+$0xFFFFFFD0] =	vst v13;
	v13 =	vmov s25;
	v12 =	vand.u32 $0xFFFFFFFC, v12  }
0x45d: {  	v14 =	vadd.f32 v15, v14;
	v15 =	vmul.f32 v63, v8;
	v17 =	vbroadcast v12, $0x0;
	v12 =	vld [tilespmem:s19+$0x430]  }
0x45e: {  	v22 =	vand.u32 $0xFFFFFFFD, v13;
	v13 =	vld [tilespmem:s19+$0x40];
	[tilespmem:s13+$0xFFFFFFE0] =	vst v19;
	v19 =	vmul.f32 v18, v9;
	v18 =	vadd.f32 v21, v20  }
0x45f: {  	s22 =	simm.s32 $0x8;
	s1 =	simm.s32 $0x6;
	[tilespmem:s13+$0xFFFFFFF0] =	vst v14;
	v20 =	vbroadcast v22, $0x0;
	v14 =	vld [tilespmem:s19+$0x440];
	v16 =	vmul.f32 v16, v8  }
.LBB2_64:
0x460: {  	p0 =	sne.s32 s22, $0x4C;
	v21 =	vmov s1;
	s1 =	sadd.s32 $0x3, s2;
	[tilespmem:s13+$0x0] =	vst v18;
	v15 =	vadd.f32 v19, v15;
	v10 =	vmul.f32 v10, v9;
	v18 =	vld [tilespmem:s19+$0x50];
	s2 =	smov.u32 s22  }
0x461: {  	v19 =	vand.u32 $0xFFFFFFFE, v21;
	v21 =	vmov s1;
	v11 =	vmul.f32 v11, v8;
	v22 =	vld [tilespmem:s19+$0x450]  }
0x462: {  	v19 =	vbroadcast v19, $0x0;
	[tilespmem:s13+$0x10] =	vst v15;
	v10 =	vadd.f32 v10, v16;
	v12 =	vmul.f32 v12, v9;
	v15 =	vld [tilespmem:s19+$0x60]  }
0x463: {  	s3 =	sadd.s32 $0x200, s3;
	v13 =	vmul.f32 v13, v8;
	v16 =	vld [tilespmem:s19+$0x460]  }
0x464: {  	s16 =	sadd.s32 $0x100, s16;
	s1 =	sand.u32 $0x3800, s3;
	v17 =	vld.idx.msk [tilespmem:v17+s18+$0x0], $0xffff;
	[tilespmem:s13+$0x20] =	vst v10;
	v10 =	vadd.f32 v12, v11;
	v11 =	vmul.f32 v14, v9  }
0x465: {  	s15 =	sadd.s32 $0xFFFFFF80, s16;
	s1 =	sadd.s32 $0x1A900, s1;
	s19 =	sand.u32 $0x380, s16;
	v12 =	vld.idx.msk [tilespmem:v20+s18+$0x0], $0xffff;
	v14 =	vmul.f32 v18, v8  }
0x466: {  	s15 =	sand.u32 $0x300, s15;
	s19 =	sadd.s32 s19, s1;
	v18 =	vld.idx.msk [tilespmem:v21+s18+$0x0], $0xffff;
	[tilespmem:s13+$0x30] =	vst v10;
	v10 =	vadd.f32 v11, v13;
	v11 =	vmul.f32 v22, v9  }
0x467: {  	s1 =	sadd.s32 s15, s1;
	v13 =	vld [tilespmem:s19+$0x70];
	v15 =	vmul.f32 v15, v8  }
0x468: {  	v8 =	vld.idx.msk [tilespmem:v19+s18+$0x0], $0xffff;
	[tilespmem:s13+$0x40] =	vst v10;
	v10 =	vadd.f32 v11, v14;
	v9 =	vmul.f32 v16, v9  }
0x469: {  	v11 =	vld [tilespmem:s19+$0x470]  }
0x46a: {  	v14 =	vld [tilespmem:s1+$0x0];
	[tilespmem:s13+$0x50] =	vst v10;
	v16 =	vadd.f32 v9, v15  }
0x46b: {  	v10 =	vld [tilespmem:s1+$0x400]  }
0x46c: {  	v15 =	vld [tilespmem:s1+$0x10];
	[tilespmem:s13+$0x60] =	vst v16;
	v9 =	vmov v18  }
0x46d: {  	v16 =	vld [tilespmem:s1+$0x410]  }
0x46e: {  	v13 =	vmul.f32 v13, v8;
	v18 =	vld [tilespmem:s1+$0x20];
	v11 =	vmul.f32 v11, v9  }
0x46f: {  	v14 =	vmul.f32 v14, v17;
	v19 =	vld [tilespmem:s1+$0x420]  }
0x470: {  	v10 =	vmul.f32 v10, v12;
	v20 =	vld [tilespmem:s1+$0x30];
	v11 =	vadd.f32 v11, v13  }
0x471: {  	s13 =	sadd.s32 $0x100, s13;
	v13 =	vmul.f32 v15, v17;
	v15 =	vld [tilespmem:s1+$0x430]  }
0x472: {  	v10 =	vadd.f32 v10, v14;
	v14 =	vmul.f32 v16, v12;
	v16 =	vld [tilespmem:s1+$0x40];
	[tilespmem:s13+$0x70] =	vst v11  }
0x473: {  	v11 =	vmul.f32 v18, v17;
	v18 =	vld [tilespmem:s1+$0x440]  }
0x474: {  	[tilespmem:s13+$0xFFFFFF80] =	vst v10;
	v10 =	vadd.f32 v14, v13;
	v13 =	vmul.f32 v19, v12;
	v14 =	vld [tilespmem:s1+$0x50]  }
0x475: {  	v19 =	vmul.f32 v20, v17;
	v20 =	vld [tilespmem:s1+$0x450]  }
0x476: {  	[tilespmem:s13+$0xFFFFFF90] =	vst v10;
	v10 =	vadd.f32 v13, v11;
	v11 =	vmul.f32 v15, v12;
	v13 =	vld [tilespmem:s1+$0x60]  }
0x477: {  	v15 =	vmul.f32 v16, v17;
	v16 =	vld [tilespmem:s1+$0x460]  }
0x478: {  	[tilespmem:s13+$0xFFFFFFA0] =	vst v10;
	v10 =	vadd.f32 v11, v19;
	v11 =	vmul.f32 v18, v12;
	v18 =	vld [tilespmem:s1+$0x70]  }
0x479: {  	v14 =	vmul.f32 v14, v17;
	v19 =	vld [tilespmem:s1+$0x470]  }
0x47a: {  	[tilespmem:s13+$0xFFFFFFB0] =	vst v10;
	v10 =	vadd.f32 v11, v15;
	v11 =	vmul.f32 v20, v12;
	v15 =	vld [tilespmem:s19+$0x0]  }
0x47b: {  	v13 =	vmul.f32 v13, v17;
	v20 =	vld [tilespmem:s19+$0x400]  }
0x47c: {  	[tilespmem:s13+$0xFFFFFFC0] =	vst v10;
	v10 =	vadd.f32 v11, v14;
	v11 =	vmul.f32 v16, v12;
	v14 =	vld [tilespmem:s19+$0x10]  }
0x47d: {  	v16 =	vmul.f32 v18, v17;
	v21 =	vld [tilespmem:s19+$0x410]  }
0x47e: {  	[tilespmem:s13+$0xFFFFFFD0] =	vst v10;
	v11 =	vadd.f32 v11, v13;
	v12 =	vmul.f32 v19, v12;
	v22 =	vld [tilespmem:s19+$0x20]  }
.Ltmp31:
0x47f: {  	v13 =	vmov s22;
	v18 =	vmul.f32 v15, v8;
	v10 =	vld [tilespmem:s19+$0x420];
	(pc) =	sbr.rel @p0 .LBB2_64-.Ltmp31, $4  }
0x480: {  	s1 =	sadd.s32 $0x1, s22;
	v13 =	vand.u32 $0xFFFFFFFC, v13;
	[tilespmem:s13+$0xFFFFFFE0] =	vst v11;
	v16 =	vadd.f32 v12, v16;
	v19 =	vmul.f32 v20, v9;
	v11 =	vld [tilespmem:s19+$0x30]  }
0x481: {  	v17 =	vbroadcast v13, $0x0;
	v13 =	vmov s1;
	v15 =	vmul.f32 v14, v8;
	v12 =	vld [tilespmem:s19+$0x430]  }
0x482: {  	v14 =	vand.u32 $0xFFFFFFFD, v13;
	[tilespmem:s13+$0xFFFFFFF0] =	vst v16;
	v18 =	vadd.f32 v19, v18;
	v19 =	vmul.f32 v21, v9;
	v13 =	vld [tilespmem:s19+$0x40]  }
0x483: {  	s22 =	sadd.s32 $0x4, s22;
	s1 =	sadd.s32 $0x2, s2;
	v20 =	vbroadcast v14, $0x0;
	v16 =	vmul.f32 v22, v8;
	v14 =	vld [tilespmem:s19+$0x440]  }
0x484: {  	v22 =	vld [tilespmem:s19+$0x50]  }
0x485: {  	v24 =	vld [tilespmem:s19+$0x450]  }
0x486: {  	v25 =	vld [tilespmem:s19+$0x60];
	s3 =	sadd.s32 $0x200, s3  }
0x487: {  	v21 =	vmov s1;
	v26 =	vld [tilespmem:s19+$0x460];
	s7 =	sadd.s32 $0x100, s16;
	s1 =	sand.u32 $0x3800, s3  }
0x488: {  	s2 =	sadd.s32 $0x3, s2;
	v17 =	vld.idx.msk [tilespmem:v17+s18+$0x0], $0xffff;
	s16 =	sand.u32 $0x380, s7;
	s15 =	sadd.s32 $0x1A900, s1  }
0x489: {  	v23 =	vmov s2;
	v20 =	vld.idx.msk [tilespmem:v20+s18+$0x0], $0xffff;
	s2 =	sadd.s32 $0xFFFFFF80, s7;
	s1 =	sadd.s32 s16, s15  }
0x48a: {  	s2 =	sand.u32 $0x300, s2;
	v27 =	vld [tilespmem:s1+$0x70]  }
0x48b: {  	s2 =	sadd.s32 s2, s15;
	v28 =	vld [tilespmem:s1+$0x470]  }
0x48c: {  	v29 =	vld [tilespmem:s2+$0x0]  }
0x48d: {  	v30 =	vld [tilespmem:s2+$0x400]  }
0x48e: {  	v31 =	vld [tilespmem:s2+$0x10]  }
0x48f: {  	v32 =	vld [tilespmem:s2+$0x410]  }
0x490: {  	v33 =	vld [tilespmem:s2+$0x20]  }
0x491: {  	v34 =	vld [tilespmem:s2+$0x420]  }
0x492: {  	v35 =	vld [tilespmem:s2+$0x30]  }
0x493: {  	v36 =	vld [tilespmem:s2+$0x430]  }
0x494: {  	v37 =	vld [tilespmem:s2+$0x40]  }
0x495: {  	v38 =	vld [tilespmem:s2+$0x440]  }
0x496: {  	v39 =	vld [tilespmem:s2+$0x50]  }
0x497: {  	v40 =	vld [tilespmem:s2+$0x450]  }
0x498: {  	v41 =	vld [tilespmem:s2+$0x60]  }
0x499: {  	v42 =	vld [tilespmem:s2+$0x460]  }
0x49a: {  	v10 =	vmul.f32 v10, v9;
	v43 =	vld [tilespmem:s2+$0x70]  }
0x49b: {  	v15 =	vadd.f32 v19, v15;
	v21 =	vand.u32 $0xFFFFFFFE, v21;
	v11 =	vmul.f32 v11, v8;
	v19 =	vld [tilespmem:s2+$0x470]  }
0x49c: {  	v21 =	vbroadcast v21, $0x0;
	v12 =	vmul.f32 v12, v9;
	v10 =	vadd.f32 v10, v16;
	v16 =	vld [tilespmem:s1+$0x0]  }
0x49d: {  	[tilespmem:s13+$0x0] =	vst v18;
	v13 =	vmul.f32 v13, v8;
	v14 =	vmul.f32 v14, v9;
	v18 =	vld [tilespmem:s1+$0x400]  }
0x49e: {  	[tilespmem:s13+$0x10] =	vst v15;
	v15 =	vld [tilespmem:s1+$0x410];
	v63 =	vmul.f32 v22, v8;
	v22 =	vmul.f32 v24, v9  }
0x49f: {  	v11 =	vadd.f32 v12, v11;
	[tilespmem:s13+$0x20] =	vst v10;
	v51 =	vld [tilespmem:s1+$0x420];
	v8 =	vmul.f32 v25, v8;
	v25 =	vmul.f32 v26, v9  }
0x4a0: {  	v23 =	vld.idx.msk [tilespmem:v23+s18+$0x0], $0xffff;
	v24 =	vadd.f32 v14, v13;
	v26 =	vadd.f32 v22, v63;
	v46 =	vmul.f32 v29, v17  }
0x4a1: {  	v54 =	vld [tilespmem:s1+$0x30];
	[tilespmem:s13+$0x30] =	vst v11;
	v8 =	vadd.f32 v25, v8;
	v47 =	vmul.f32 v30, v20;
	v49 =	vmul.f32 v31, v17  }
0x4a2: {  	v21 =	vld.idx.msk [tilespmem:v21+s18+$0x0], $0xffff;
	[tilespmem:s13+$0x40] =	vst v24;
	v50 =	vmul.f32 v32, v20;
	v52 =	vmul.f32 v33, v17  }
0x4a3: {  	v58 =	vld [tilespmem:s1+$0x430];
	[tilespmem:s13+$0x60] =	vst v8;
	v56 =	vmul.f32 v35, v17;
	v57 =	vmul.f32 v36, v20;
	v8 =	vadd.f32 v47, v46  }
0x4a4: {  	s19 =	sadd.s32 $0x100, s13;
	v61 =	vld [tilespmem:s1+$0x40];
	[tilespmem:s13+$0x50] =	vst v26;
	v53 =	vmul.f32 v34, v20;
	v59 =	vmul.f32 v37, v17;
	v55 =	vadd.f32 v50, v49  }
0x4a5: {  	v13 =	vld [tilespmem:s1+$0x10];
	v63 =	vmul.f32 v39, v17;
	v32 =	vmul.f32 v40, v20;
	v62 =	vadd.f32 v57, v56;
	[tilespmem:s19+$0xFFFFFF80] =	vst v8  }
0x4a6: {  	v22 =	vld [tilespmem:s1+$0x20];
	v60 =	vmul.f32 v38, v20;
	v34 =	vmul.f32 v41, v17;
	v8 =	vadd.f32 v53, v52;
	[tilespmem:s19+$0xFFFFFF90] =	vst v55  }
0x4a7: {  	v36 =	vld [tilespmem:s1+$0x50];
	v45 =	vmul.f32 v28, v23;
	v37 =	vadd.f32 v32, v63;
	v44 =	vmul.f32 v27, v21;
	[tilespmem:s19+$0xFFFFFFB0] =	vst v62  }
0x4a8: {  	v35 =	vmul.f32 v42, v20;
	v38 =	vmul.f32 v43, v17;
	v40 =	vld [tilespmem:s1+$0x450];
	[tilespmem:s19+$0xFFFFFFA0] =	vst v8;
	v8 =	vadd.f32 v60, v59  }
0x4a9: {  	v33 =	vld [tilespmem:s1+$0x440];
	v39 =	vmul.f32 v19, v20;
	v42 =	vmul.f32 v18, v23;
	[tilespmem:s19+$0xFFFFFFD0] =	vst v37;
	v48 =	vadd.f32 v45, v44  }
0x4aa: {  	v43 =	vld [tilespmem:s1+$0x60];
	v49 =	vmul.f32 v51, v23;
	v41 =	vmul.f32 v16, v21;
	[tilespmem:s19+$0xFFFFFFC0] =	vst v8;
	v8 =	vadd.f32 v35, v34  }
0x4ab: {  	v47 =	vld [tilespmem:s1+$0x460];
	v51 =	vmul.f32 v54, v21;
	v52 =	vmul.f32 v58, v23;
	v44 =	vadd.f32 v39, v38;
	[tilespmem:s19+$0x70] =	vst v48  }
0x4ac: {  	v48 =	vmul.f32 v22, v21;
	[tilespmem:s19+$0xFFFFFFE0] =	vst v8;
	v8 =	vadd.f32 v42, v41  }
0x4ad: {  	v56 =	vmul.f32 v36, v21;
	v57 =	vmul.f32 v40, v23;
	v55 =	vadd.f32 v52, v51;
	[tilespmem:s19+$0xFFFFFFF0] =	vst v44  }
0x4ae: {  	v53 =	vmul.f32 v61, v21;
	v54 =	vmul.f32 v33, v23;
	[tilespmem:s19+$0x0] =	vst v8;
	v8 =	vadd.f32 v49, v48  }
0x4af: {  	v46 =	vmul.f32 v15, v23;
	v45 =	vmul.f32 v13, v21;
	v60 =	vadd.f32 v57, v56;
	[tilespmem:s19+$0x30] =	vst v55  }
0x4b0: {  	v58 =	vmul.f32 v43, v21;
	v59 =	vmul.f32 v47, v23;
	[tilespmem:s19+$0x20] =	vst v8;
	v8 =	vadd.f32 v54, v53  }
0x4b1: {  	v50 =	vadd.f32 v46, v45;
	[tilespmem:s19+$0x50] =	vst v60  }
0x4b2: {  	[tilespmem:s19+$0x40] =	vst v8;
	v8 =	vadd.f32 v59, v58  }
0x4b3: {  	[tilespmem:s19+$0x10] =	vst v50  }
0x4b4: {  	s22 =	simm.s32 $0x28;
	s23 =	simm.s32 $0x1FC80;
	s25 =	simm.s32 $0x1E500;
	[tilespmem:s19+$0x60] =	vst v8  }
0x4b5: {  	[spmem:s26] =	stream.indirect.scatter.add.f32 [tilespmem:s25], [sflag:$0x5], $0x80, s23, s22, $0xb8;
	[tilespmem:$0x1FD00] =	vst v63  }
0x4b6: {  	s3 =	simm.s32 $0x1F980;
	s16 =	simm.s32 $0x0;
	s2 =	rddreg [dreg:$0x14]  }
0x4b7: {  	[tilespmem:s3], [sflag:$0x1] =	stream.linear.gather [hbm4b:s2+s16], $0x28, $0x38;
	[tilespmem:$0x1FD00] =	vst v63  }
0x4b8: {  	s7 =	rddreg [dreg:$0x15];
	s13 =	simm.s32 $0x1FA80  }
0x4b9: {  	[tilespmem:s13], [sflag:$0x1] =	stream.linear.gather [hbm4b:s7+s16], $0x28, $0x38;
	[tilespmem:$0x1FD00] =	vst v63  }
0x4ba: {  	s15 =	rddreg [dreg:$0x16]  }
0x4bb: {  	[tilespmem:s18], [sflag:$0x1] =	stream.linear.gather [hbm4b:s15+s16], $0x50, $0x38;
	[tilespmem:$0x1FD00] =	vst v63  }
0x4bc: {  	_ =	swait.ge [sflag:s5], $0x28  }
0x4bd: {  	[sflag:s5] =	ssyncset.done $0x0  }
0x4be: {  	[sflag:s5] =	ssyncadd.s32 $0xFFFFFFD8  }
0x4bf: {  	_ =	swait.ge [sflag:s5], $0x28  }
0x4c0: {  	[sflag:s5] =	ssyncset.done $0x0  }
0x4c1: {  	[sflag:s5] =	ssyncadd.s32 $0xFFFFFFD8  }
0x4c2: {  	_ =	swait.ge [sflag:s5], $0x50  }
0x4c3: {  	[sflag:s5] =	ssyncset.done $0x0  }
0x4c4: {  	[sflag:s5] =	ssyncadd.s32 $0xFFFFFFB0  }
0x4c5: {  	v8 =	vld [tilespmem:$0x1F980];
	_ =	sdelay $0x4  }
0x4c6: {  	v61 =	vshll.u32 v8, $0x1  }
0x4c7: {  	v8 =	vand.u32 $0x7, v8;
	v9 =	vand.u32 $0xFFFFFFF0, v61  }
0x4c8: {  	v8 =	vor.u32 v8, v9  }
0x4c9: {  	v9 =	vperm.xlane v8, v3;
	_ =	sdelay $0x1  }
0x4ca: {  	v8 =	vperm.xlane v8, v5;
	v9 =	vadd.s32 v4, v9;
	_ =	sdelay $0x1  }
0x4cb: {  	v8 =	vadd.s32 v4, v8;
	_ =	sdelay $0x2  }
0x4cc: {  	[tilespmem:s6], [sflag:$0x3] =	stream.indirect_vreg.gather [hbm4b:s9+s16], $0x80, v9, vm0, $0xb8;
	[tilespmem:$0x1FD00] =	vst v63  }
0x4cd: {  	s19 =	simm.s32 $0x1B100  }
0x4ce: {  	[tilespmem:s19], [sflag:$0x3] =	stream.indirect_vreg.gather [hbm4b:s9+s16], $0x80, v8, vm0, $0xb8;
	[tilespmem:$0x1FD00] =	vst v63  }
0x4cf: {  	v8 =	vld [tilespmem:$0x1F990];
	_ =	sdelay $0x4  }
0x4d0: {  	v62 =	vshll.u32 v8, $0x1  }
0x4d1: {  	v8 =	vand.u32 $0x7, v8;
	v9 =	vand.u32 $0xFFFFFFF0, v62  }
0x4d2: {  	v8 =	vor.u32 v8, v9  }
0x4d3: {  	v9 =	vperm.xlane v8, v3;
	_ =	sdelay $0x1  }
0x4d4: {  	v8 =	vperm.xlane v8, v5;
	v9 =	vadd.s32 v4, v9;
	_ =	sdelay $0x1  }
0x4d5: {  	v8 =	vadd.s32 v4, v8;
	_ =	sdelay $0x1  }
0x4d6: {  	s22 =	simm.s32 $0x1B900  }
0x4d7: {  	[tilespmem:s22], [sflag:$0x3] =	stream.indirect_vreg.gather [hbm4b:s9+s16], $0x80, v9, vm0, $0xb8;
	[tilespmem:$0x1FD00] =	vst v63  }
0x4d8: {  	s23 =	simm.s32 $0x1C100  }
0x4d9: {  	[tilespmem:s23], [sflag:$0x3] =	stream.indirect_vreg.gather [hbm4b:s9+s16], $0x80, v8, vm0, $0xb8;
	[tilespmem:$0x1FD00] =	vst v63  }
0x4da: {  	v8 =	vld.msk [tilespmem:$0x1F9A0], $0xff;
	_ =	sdelay $0x4  }
0x4db: {  	v63 =	vshll.u32 v8, $0x1  }
0x4dc: {  	v8 =	vand.u32 $0x7, v8;
	v9 =	vand.u32 $0xFFFFFFF0, v63  }
0x4dd: {  	v8 =	vor.u32 v8, v9  }
0x4de: {  	v8 =	vperm.xlane v8, v3;
	_ =	sdelay $0x1  }
0x4df: {  	v8 =	vadd.s32 v4, v8;
	_ =	sdelay $0x3  }
0x4e0: {  	s25 =	simm.s32 $0x1C900;
	s3 =	simm.s32 $0x0  }
0x4e1: {  	[tilespmem:s25], [sflag:$0x3] =	stream.indirect_vreg.gather [hbm4b:s9+s16], $0x80, v8, vm0, $0xb8;
	[tilespmem:$0x1FD00] =	vst v63  }
.LBB2_66:
0x4e2: {  	s2 =	simm.s32 $0x2  }
0x4e3: {  	_ =	swait.ge [sflag:s2], $0x2800  }
0x4e4: {  	[sflag:s2] =	ssyncset.done $0x0  }
0x4e5: {  	s23 =	simm.s32 $0x4;
	[sflag:s2] =	ssyncadd.s32 $0xFFFFD800  }
0x4e6: {  	_ =	swait.ge [sflag:s23], $0x1400  }
0x4e7: {  	[sflag:s23] =	ssyncset.done $0x0  }
0x4e8: {  	s1 =	simm.s32 $0x1;
	s19 =	simm.s32 $0x80;
	[sflag:s23] =	ssyncadd.s32 $0xFFFFEC00  }
0x4e9: {  	s7 =	sand.u32 $0x3800, s16;
	s15 =	simm.s32 $0x0;
	s2 =	simm.s32 $0x3;
	v11 =	vld [tilespmem:$0x1FA00]  }
0x4ea: {  	v9 =	vmov s1;
	s1 =	sor.u32 $0x18100, s7;
	s13 =	sand.u32 $0x380, s19;
	v12 =	vmov s2;
	s2 =	sand.u32 $0x300, s15;
	v13 =	vld [tilespmem:$0x1FA10]  }
0x4eb: {  	s22 =	sadd.s32 s13, s1;
	s1 =	sadd.s32 s2, s1;
	v14 =	vld.idx.msk [tilespmem:v6+s28+$0x0], $0xffff  }
0x4ec: {  	v8 =	vmov s16;
	v17 =	vld [tilespmem:s1+$0x0]  }
0x4ed: {  	v8 =	vand.u32 $0xFFFFFFFC, v8;
	v18 =	vld [tilespmem:s1+$0x400]  }
0x4ee: {  	v8 =	vbroadcast v8, $0x0;
	v9 =	vand.u32 $0xFFFFFFFD, v9;
	v19 =	vld [tilespmem:s1+$0x10]  }
0x4ef: {  	s25 =	simm.s32 $0x2;
	v9 =	vbroadcast v9, $0x0;
	v20 =	vld [tilespmem:s1+$0x410]  }
0x4f0: {  	v10 =	vmov s25;
	v21 =	vld [tilespmem:s1+$0x20]  }
0x4f1: {  	v10 =	vand.u32 $0xFFFFFFFE, v10;
	v22 =	vld [tilespmem:s1+$0x420]  }
0x4f2: {  	v10 =	vbroadcast v10, $0x0;
	v23 =	vld [tilespmem:s1+$0x30]  }
0x4f3: {  	v24 =	vld [tilespmem:s1+$0x430]  }
0x4f4: {  	v15 =	vld.idx.msk [tilespmem:v8+s20+$0x0], $0xffff  }
0x4f5: {  	v16 =	vld.idx.msk [tilespmem:v9+s20+$0x0], $0xffff  }
0x4f6: {  	v9 =	vld.idx.msk [tilespmem:v12+s20+$0x0], $0xffff  }
0x4f7: {  	v12 =	vld [tilespmem:s22+$0x70]  }
0x4f8: {  	v8 =	vld.idx.msk [tilespmem:v10+s20+$0x0], $0xffff  }
0x4f9: {  	v10 =	vld [tilespmem:s22+$0x470]  }
0x4fa: {  	v25 =	vld [tilespmem:s1+$0x40]  }
0x4fb: {  	v26 =	vld [tilespmem:s1+$0x440]  }
0x4fc: {  	v27 =	vld [tilespmem:s1+$0x50]  }
0x4fd: {  	v28 =	vld [tilespmem:s1+$0x450];
	[tilespmem:$0x1FC00] =	vst v11  }
0x4fe: {  	s23 =	simm.s32 $0x1FC00;
	[tilespmem:$0x1FC10] =	vst v13;
	v11 =	vmul.f32 v12, v8;
	v10 =	vmul.f32 v10, v9;
	v12 =	vld [tilespmem:s1+$0x60]  }
0x4ff: {  	v13 =	vmul.f32 v17, v15;
	[tilespmem:v7+s23+$0x0] =	vst.idx.msk $0xff, v14;
	v17 =	vmul.f32 v18, v16;
	v18 =	vld [tilespmem:s1+$0x460]  }
0x500: {  	v14 =	vmul.f32 v19, v15;
	v19 =	vmul.f32 v20, v16;
	v20 =	vld [tilespmem:s1+$0x70];
	v10 =	vadd.f32 v10, v11  }
0x501: {  	s13 =	simm.s32 $0x1D180;
	v11 =	vmul.f32 v21, v15;
	v21 =	vmul.f32 v22, v16;
	v22 =	vld [tilespmem:s1+$0x470];
	v13 =	vadd.f32 v17, v13  }
0x502: {  	v61 =	vld [tilespmem:s22+$0x0];
	v17 =	vmul.f32 v23, v15;
	v23 =	vmul.f32 v24, v16;
	[tilespmem:s13+$0x70] =	vst v10;
	v10 =	vadd.f32 v19, v14  }
0x503: {  	v62 =	vld [tilespmem:s22+$0x400];
	v14 =	vmul.f32 v25, v15;
	v19 =	vmul.f32 v26, v16;
	[tilespmem:s13+$0xFFFFFF80] =	vst v13;
	v11 =	vadd.f32 v21, v11  }
0x504: {  	v63 =	vld [tilespmem:s22+$0x10];
	v13 =	vmul.f32 v27, v15;
	v21 =	vmul.f32 v28, v16;
	[tilespmem:s13+$0xFFFFFF90] =	vst v10;
	v10 =	vadd.f32 v23, v17  }
0x505: {  	v12 =	vmul.f32 v12, v15;
	v17 =	vmul.f32 v18, v16;
	v18 =	vld [tilespmem:s22+$0x410];
	[tilespmem:s13+$0xFFFFFFA0] =	vst v11;
	v11 =	vadd.f32 v19, v14  }
0x506: {  	s2 =	simm.s32 $0x4;
	v14 =	vmul.f32 v20, v15;
	v13 =	vadd.f32 v21, v13;
	v15 =	vmul.f32 v22, v16;
	v16 =	vld [tilespmem:s22+$0x20];
	[tilespmem:s13+$0xFFFFFFB0] =	vst v10  }
0x507: {  	s25 =	simm.s32 $0x5;
	v20 =	vmul.f32 v61, v8;
	v19 =	vadd.f32 v17, v12;
	v12 =	vmov s2;
	v10 =	vld [tilespmem:s22+$0x420];
	[tilespmem:s13+$0xFFFFFFC0] =	vst v11  }
0x508: {  	v21 =	vmul.f32 v62, v9;
	v11 =	vld [tilespmem:s22+$0x30];
	[tilespmem:s13+$0xFFFFFFD0] =	vst v13;
	v13 =	vmov s25;
	v12 =	vand.u32 $0xFFFFFFFC, v12  }
0x509: {  	v14 =	vadd.f32 v15, v14;
	v15 =	vmul.f32 v63, v8;
	v17 =	vbroadcast v12, $0x0;
	v12 =	vld [tilespmem:s22+$0x430]  }
0x50a: {  	v22 =	vand.u32 $0xFFFFFFFD, v13;
	v13 =	vld [tilespmem:s22+$0x40];
	[tilespmem:s13+$0xFFFFFFE0] =	vst v19;
	v19 =	vmul.f32 v18, v9;
	v18 =	vadd.f32 v21, v20  }
0x50b: {  	s23 =	simm.s32 $0x0;
	s1 =	simm.s32 $0x6;
	s25 =	simm.s32 $0x8;
	[tilespmem:s13+$0xFFFFFFF0] =	vst v14;
	v20 =	vbroadcast v22, $0x0;
	v14 =	vld [tilespmem:s22+$0x440];
	v16 =	vmul.f32 v16, v8  }
.LBB2_67:
0x50c: {  	p0 =	sne.s32 s25, $0x4C;
	v21 =	vmov s1;
	s1 =	sadd.s32 $0x3, s2;
	[tilespmem:s13+$0x0] =	vst v18;
	v15 =	vadd.f32 v19, v15;
	v10 =	vmul.f32 v10, v9;
	v18 =	vld [tilespmem:s22+$0x50];
	s2 =	smov.u32 s25  }
0x50d: {  	v19 =	vand.u32 $0xFFFFFFFE, v21;
	v21 =	vmov s1;
	v11 =	vmul.f32 v11, v8;
	v22 =	vld [tilespmem:s22+$0x450]  }
0x50e: {  	v19 =	vbroadcast v19, $0x0;
	[tilespmem:s13+$0x10] =	vst v15;
	v10 =	vadd.f32 v10, v16;
	v12 =	vmul.f32 v12, v9;
	v15 =	vld [tilespmem:s22+$0x60]  }
0x50f: {  	s23 =	sadd.s32 $0x200, s23;
	v13 =	vmul.f32 v13, v8;
	v16 =	vld [tilespmem:s22+$0x460]  }
0x510: {  	s19 =	sadd.s32 $0x100, s19;
	s1 =	sand.u32 $0x3800, s23;
	v17 =	vld.idx.msk [tilespmem:v17+s20+$0x0], $0xffff;
	[tilespmem:s13+$0x20] =	vst v10;
	v10 =	vadd.f32 v12, v11;
	v11 =	vmul.f32 v14, v9  }
0x511: {  	s15 =	sadd.s32 $0xFFFFFF80, s19;
	s1 =	sor.u32 $0x18100, s1;
	s22 =	sand.u32 $0x380, s19;
	v12 =	vld.idx.msk [tilespmem:v20+s20+$0x0], $0xffff;
	v14 =	vmul.f32 v18, v8  }
0x512: {  	s15 =	sand.u32 $0x300, s15;
	s22 =	sadd.s32 s22, s1;
	v18 =	vld.idx.msk [tilespmem:v21+s20+$0x0], $0xffff;
	[tilespmem:s13+$0x30] =	vst v10;
	v10 =	vadd.f32 v11, v13;
	v11 =	vmul.f32 v22, v9  }
0x513: {  	s1 =	sadd.s32 s15, s1;
	v13 =	vld [tilespmem:s22+$0x70];
	v15 =	vmul.f32 v15, v8  }
0x514: {  	v8 =	vld.idx.msk [tilespmem:v19+s20+$0x0], $0xffff;
	[tilespmem:s13+$0x40] =	vst v10;
	v10 =	vadd.f32 v11, v14;
	v9 =	vmul.f32 v16, v9  }
0x515: {  	v11 =	vld [tilespmem:s22+$0x470]  }
0x516: {  	v14 =	vld [tilespmem:s1+$0x0];
	[tilespmem:s13+$0x50] =	vst v10;
	v16 =	vadd.f32 v9, v15  }
0x517: {  	v10 =	vld [tilespmem:s1+$0x400]  }
0x518: {  	v15 =	vld [tilespmem:s1+$0x10];
	[tilespmem:s13+$0x60] =	vst v16;
	v9 =	vmov v18  }
0x519: {  	v16 =	vld [tilespmem:s1+$0x410]  }
0x51a: {  	v13 =	vmul.f32 v13, v8;
	v18 =	vld [tilespmem:s1+$0x20];
	v11 =	vmul.f32 v11, v9  }
0x51b: {  	v14 =	vmul.f32 v14, v17;
	v19 =	vld [tilespmem:s1+$0x420]  }
0x51c: {  	v10 =	vmul.f32 v10, v12;
	v20 =	vld [tilespmem:s1+$0x30];
	v11 =	vadd.f32 v11, v13  }
0x51d: {  	s13 =	sadd.s32 $0x100, s13;
	v13 =	vmul.f32 v15, v17;
	v15 =	vld [tilespmem:s1+$0x430]  }
0x51e: {  	v10 =	vadd.f32 v10, v14;
	v14 =	vmul.f32 v16, v12;
	v16 =	vld [tilespmem:s1+$0x40];
	[tilespmem:s13+$0x70] =	vst v11  }
0x51f: {  	v11 =	vmul.f32 v18, v17;
	v18 =	vld [tilespmem:s1+$0x440]  }
0x520: {  	[tilespmem:s13+$0xFFFFFF80] =	vst v10;
	v10 =	vadd.f32 v14, v13;
	v13 =	vmul.f32 v19, v12;
	v14 =	vld [tilespmem:s1+$0x50]  }
0x521: {  	v19 =	vmul.f32 v20, v17;
	v20 =	vld [tilespmem:s1+$0x450]  }
0x522: {  	[tilespmem:s13+$0xFFFFFF90] =	vst v10;
	v10 =	vadd.f32 v13, v11;
	v11 =	vmul.f32 v15, v12;
	v13 =	vld [tilespmem:s1+$0x60]  }
0x523: {  	v15 =	vmul.f32 v16, v17;
	v16 =	vld [tilespmem:s1+$0x460]  }
0x524: {  	[tilespmem:s13+$0xFFFFFFA0] =	vst v10;
	v10 =	vadd.f32 v11, v19;
	v11 =	vmul.f32 v18, v12;
	v18 =	vld [tilespmem:s1+$0x70]  }
0x525: {  	v14 =	vmul.f32 v14, v17;
	v19 =	vld [tilespmem:s1+$0x470]  }
0x526: {  	[tilespmem:s13+$0xFFFFFFB0] =	vst v10;
	v10 =	vadd.f32 v11, v15;
	v11 =	vmul.f32 v20, v12;
	v15 =	vld [tilespmem:s22+$0x0]  }
0x527: {  	v13 =	vmul.f32 v13, v17;
	v20 =	vld [tilespmem:s22+$0x400]  }
0x528: {  	[tilespmem:s13+$0xFFFFFFC0] =	vst v10;
	v10 =	vadd.f32 v11, v14;
	v11 =	vmul.f32 v16, v12;
	v14 =	vld [tilespmem:s22+$0x10]  }
0x529: {  	v16 =	vmul.f32 v18, v17;
	v21 =	vld [tilespmem:s22+$0x410]  }
0x52a: {  	[tilespmem:s13+$0xFFFFFFD0] =	vst v10;
	v11 =	vadd.f32 v11, v13;
	v12 =	vmul.f32 v19, v12;
	v22 =	vld [tilespmem:s22+$0x20]  }
.Ltmp32:
0x52b: {  	v13 =	vmov s25;
	v18 =	vmul.f32 v15, v8;
	v10 =	vld [tilespmem:s22+$0x420];
	(pc) =	sbr.rel @p0 .LBB2_67-.Ltmp32, $4  }
0x52c: {  	s1 =	sadd.s32 $0x1, s25;
	v13 =	vand.u32 $0xFFFFFFFC, v13;
	[tilespmem:s13+$0xFFFFFFE0] =	vst v11;
	v16 =	vadd.f32 v12, v16;
	v19 =	vmul.f32 v20, v9;
	v11 =	vld [tilespmem:s22+$0x30]  }
0x52d: {  	v17 =	vbroadcast v13, $0x0;
	v13 =	vmov s1;
	v15 =	vmul.f32 v14, v8;
	v12 =	vld [tilespmem:s22+$0x430]  }
0x52e: {  	v14 =	vand.u32 $0xFFFFFFFD, v13;
	[tilespmem:s13+$0xFFFFFFF0] =	vst v16;
	v18 =	vadd.f32 v19, v18;
	v19 =	vmul.f32 v21, v9;
	v13 =	vld [tilespmem:s22+$0x40]  }
0x52f: {  	s25 =	sadd.s32 $0x4, s25;
	s1 =	sadd.s32 $0x2, s2;
	v20 =	vbroadcast v14, $0x0;
	v16 =	vmul.f32 v22, v8;
	v14 =	vld [tilespmem:s22+$0x440]  }
0x530: {  	v22 =	vld [tilespmem:s22+$0x50]  }
0x531: {  	v24 =	vld [tilespmem:s22+$0x450]  }
0x532: {  	v25 =	vld [tilespmem:s22+$0x60];
	s23 =	sadd.s32 $0x200, s23  }
0x533: {  	v21 =	vmov s1;
	s15 =	sadd.s32 $0x3, s2;
	v26 =	vld [tilespmem:s22+$0x460];
	s25 =	sadd.s32 $0x100, s19;
	s1 =	sand.u32 $0x3800, s23  }
0x534: {  	v17 =	vld.idx.msk [tilespmem:v17+s20+$0x0], $0xffff;
	v23 =	vmov s15;
	s7 =	sand.u32 $0x380, s25;
	s15 =	sor.u32 $0x18100, s1  }
0x535: {  	v20 =	vld.idx.msk [tilespmem:v20+s20+$0x0], $0xffff;
	s2 =	sadd.s32 $0xFFFFFF80, s25;
	s1 =	sadd.s32 s7, s15  }
0x536: {  	s2 =	sand.u32 $0x300, s2;
	v27 =	vld [tilespmem:s1+$0x70]  }
0x537: {  	s2 =	sadd.s32 s2, s15;
	v28 =	vld [tilespmem:s1+$0x470]  }
0x538: {  	v29 =	vld [tilespmem:s2+$0x0]  }
0x539: {  	v30 =	vld [tilespmem:s2+$0x400]  }
0x53a: {  	v31 =	vld [tilespmem:s2+$0x10]  }
0x53b: {  	v32 =	vld [tilespmem:s2+$0x410]  }
0x53c: {  	v33 =	vld [tilespmem:s2+$0x20]  }
0x53d: {  	v34 =	vld [tilespmem:s2+$0x420]  }
0x53e: {  	v35 =	vld [tilespmem:s2+$0x30]  }
0x53f: {  	v36 =	vld [tilespmem:s2+$0x430]  }
0x540: {  	v37 =	vld [tilespmem:s2+$0x40]  }
0x541: {  	v21 =	vand.u32 $0xFFFFFFFE, v21;
	v38 =	vld [tilespmem:s2+$0x440]  }
0x542: {  	v21 =	vbroadcast v21, $0x0;
	v39 =	vld [tilespmem:s2+$0x50]  }
0x543: {  	v40 =	vld [tilespmem:s2+$0x450]  }
0x544: {  	v41 =	vld [tilespmem:s2+$0x60]  }
0x545: {  	v42 =	vld [tilespmem:s2+$0x460]  }
0x546: {  	v10 =	vmul.f32 v10, v9;
	v43 =	vld [tilespmem:s2+$0x70]  }
0x547: {  	v15 =	vadd.f32 v19, v15;
	v11 =	vmul.f32 v11, v8;
	v12 =	vmul.f32 v12, v9;
	v23 =	vld.idx.msk [tilespmem:v23+s20+$0x0], $0xffff  }
0x548: {  	v10 =	vadd.f32 v10, v16;
	v13 =	vmul.f32 v13, v8;
	v14 =	vmul.f32 v14, v9;
	v21 =	vld.idx.msk [tilespmem:v21+s20+$0x0], $0xffff  }
0x549: {  	[tilespmem:s13+$0x10] =	vst v15;
	v19 =	vld [tilespmem:s2+$0x470];
	v11 =	vadd.f32 v12, v11;
	v12 =	vmul.f32 v22, v8;
	v15 =	vmul.f32 v24, v9  }
0x54a: {  	v16 =	vld [tilespmem:s1+$0x0];
	[tilespmem:s13+$0x20] =	vst v10;
	v8 =	vmul.f32 v25, v8;
	v9 =	vmul.f32 v26, v9;
	v10 =	vadd.f32 v14, v13  }
0x54b: {  	[tilespmem:s13+$0x0] =	vst v18;
	v18 =	vld [tilespmem:s1+$0x400]  }
0x54c: {  	v50 =	vld [tilespmem:s1+$0x420];
	v8 =	vadd.f32 v9, v8;
	[tilespmem:s13+$0x40] =	vst v10;
	v9 =	vmul.f32 v29, v17;
	v10 =	vmul.f32 v30, v20  }
0x54d: {  	v51 =	vld [tilespmem:s1+$0x30];
	[tilespmem:s13+$0x30] =	vst v11;
	v11 =	vadd.f32 v15, v12;
	v14 =	vmul.f32 v28, v23;
	v12 =	vmul.f32 v27, v21  }
0x54e: {  	v52 =	vld [tilespmem:s1+$0x430];
	[tilespmem:s13+$0x60] =	vst v8;
	v8 =	vadd.f32 v10, v9;
	v9 =	vmul.f32 v33, v17;
	v10 =	vmul.f32 v34, v20  }
0x54f: {  	s19 =	sadd.s32 $0x100, s13;
	v53 =	vld [tilespmem:s1+$0x40];
	[tilespmem:s13+$0x50] =	vst v11;
	v11 =	vadd.f32 v14, v12;
	v12 =	vmul.f32 v31, v17;
	v14 =	vmul.f32 v32, v20  }
0x550: {  	v54 =	vld [tilespmem:s1+$0x440];
	[tilespmem:s19+$0xFFFFFF80] =	vst v8;
	v8 =	vadd.f32 v10, v9;
	v9 =	vmul.f32 v37, v17;
	v10 =	vmul.f32 v38, v20  }
0x551: {  	v13 =	vld [tilespmem:s1+$0x10];
	[tilespmem:s19+$0x70] =	vst v11;
	v11 =	vadd.f32 v14, v12;
	v12 =	vmul.f32 v35, v17;
	v14 =	vmul.f32 v36, v20  }
0x552: {  	v15 =	vld [tilespmem:s1+$0x410];
	[tilespmem:s19+$0xFFFFFFA0] =	vst v8;
	v8 =	vadd.f32 v10, v9;
	v9 =	vmul.f32 v41, v17;
	v10 =	vmul.f32 v42, v20  }
0x553: {  	v22 =	vld [tilespmem:s1+$0x20];
	[tilespmem:s19+$0xFFFFFF90] =	vst v11;
	v11 =	vadd.f32 v14, v12;
	v12 =	vmul.f32 v39, v17;
	v14 =	vmul.f32 v40, v20  }
0x554: {  	v55 =	vld [tilespmem:s1+$0x50];
	[tilespmem:s19+$0xFFFFFFC0] =	vst v8;
	v8 =	vadd.f32 v10, v9;
	v9 =	vmul.f32 v16, v21  }
0x555: {  	v16 =	vld [tilespmem:s1+$0x60];
	[tilespmem:s19+$0xFFFFFFB0] =	vst v11;
	v11 =	vadd.f32 v14, v12;
	v12 =	vmul.f32 v43, v17;
	v14 =	vmul.f32 v19, v20  }
0x556: {  	v10 =	vmul.f32 v18, v23;
	v17 =	vld [tilespmem:s1+$0x450]  }
0x557: {  	[tilespmem:s19+$0xFFFFFFD0] =	vst v11;
	v11 =	vadd.f32 v14, v12;
	v12 =	vmul.f32 v13, v21;
	v13 =	vmul.f32 v15, v23;
	v14 =	vld [tilespmem:s1+$0x460]  }
0x558: {  	[tilespmem:s19+$0xFFFFFFE0] =	vst v8;
	v8 =	vadd.f32 v10, v9;
	v9 =	vmul.f32 v22, v21;
	v10 =	vmul.f32 v50, v23  }
0x559: {  	[tilespmem:s19+$0xFFFFFFF0] =	vst v11;
	v11 =	vadd.f32 v13, v12;
	v12 =	vmul.f32 v51, v21;
	v13 =	vmul.f32 v52, v23  }
0x55a: {  	[tilespmem:s19+$0x0] =	vst v8;
	v8 =	vadd.f32 v10, v9;
	v9 =	vmul.f32 v53, v21;
	v10 =	vmul.f32 v54, v23  }
0x55b: {  	[tilespmem:s19+$0x10] =	vst v11;
	v11 =	vadd.f32 v13, v12;
	v12 =	vmul.f32 v55, v21;
	v13 =	vmul.f32 v17, v23  }
0x55c: {  	[tilespmem:s19+$0x20] =	vst v8;
	v8 =	vadd.f32 v10, v9;
	v9 =	vmul.f32 v16, v21;
	v10 =	vmul.f32 v14, v23  }
0x55d: {  	[tilespmem:s19+$0x30] =	vst v11;
	v11 =	vadd.f32 v13, v12  }
0x55e: {  	[tilespmem:s19+$0x40] =	vst v8;
	v8 =	vadd.f32 v10, v9  }
0x55f: {  	s22 =	simm.s32 $0x1FC00;
	[tilespmem:s19+$0x50] =	vst v11  }
0x560: {  	s23 =	simm.s32 $0x28;
	s25 =	rddreg [dreg:$0x17];
	[tilespmem:s19+$0x60] =	vst v8;
	s19 =	smul.u32 $0x50, s3  }
0x561: {  	[spmem:s26] =	stream.indirect.scatter.add.f32 [tilespmem:s31], [sflag:$0x4], $0x80, s22, s23, $0xb8;
	[tilespmem:$0x1FD00] =	vst v63  }
0x562: {  	s1 =	sadd.s32 s19, s25  }
0x563: {  	s7 =	smov.u32 s26;
	s26 =	sshrl.u32 s1, $0x3  }
0x564: {  	s13 =	simm.s32 $0x0;
	s23 =	simm.s32 $0x1F900;
	s22 =	sadd.s32 s12, s26  }
0x565: {  	[tilespmem:s23], [sflag:$0x1] =	stream.linear.gather [hbm4b:s22+s13], $0x28, $0x38;
	[tilespmem:$0x1FD00] =	vst v63  }
0x566: {  	s1 =	sshrl.u32 s1, $0x2;
	s2 =	sadd.s32 s0, s26  }
0x567: {  	[tilespmem:s28], [sflag:$0x1] =	stream.linear.gather [hbm4b:s2+s13], $0x28, $0x38;
	[tilespmem:$0x1FD00] =	vst v63  }
0x568: {  	s1 =	sadd.s32 s24, s1  }
0x569: {  	[tilespmem:s20], [sflag:$0x1] =	stream.linear.gather [hbm4b:s1+s13], $0x50, $0x38;
	[tilespmem:$0x1FD00] =	vst v63  }
0x56a: {  	_ =	swait.ge [sflag:s5], $0x28  }
0x56b: {  	[sflag:s5] =	ssyncset.done $0x0  }
0x56c: {  	[sflag:s5] =	ssyncadd.s32 $0xFFFFFFD8  }
0x56d: {  	_ =	swait.ge [sflag:s5], $0x28  }
0x56e: {  	[sflag:s5] =	ssyncset.done $0x0  }
0x56f: {  	[sflag:s5] =	ssyncadd.s32 $0xFFFFFFD8  }
0x570: {  	_ =	swait.ge [sflag:s5], $0x50  }
0x571: {  	[sflag:s5] =	ssyncset.done $0x0  }
0x572: {  	[sflag:s5] =	ssyncadd.s32 $0xFFFFFFB0  }
0x573: {  	v8 =	vld [tilespmem:$0x1F900];
	_ =	sdelay $0x4  }
0x574: {  	v9 =	vshll.u32 v8, $0x1  }
0x575: {  	v8 =	vand.u32 $0x7, v8;
	v9 =	vand.u32 $0xFFFFFFF0, v9  }
0x576: {  	v8 =	vor.u32 v8, v9  }
0x577: {  	v9 =	vperm.xlane v8, v3;
	_ =	sdelay $0x1  }
0x578: {  	v8 =	vperm.xlane v8, v5;
	v9 =	vadd.s32 v4, v9;
	_ =	sdelay $0x1  }
0x579: {  	v8 =	vadd.s32 v4, v8;
	_ =	sdelay $0x2  }
0x57a: {  	[tilespmem:s29], [sflag:$0x2] =	stream.indirect_vreg.gather [hbm4b:s9+s13], $0x80, v9, vm0, $0xb8;
	[tilespmem:$0x1FD00] =	vst v63  }
0x57b: {  	s28 =	smov.u32 s24;
	s24 =	simm.s32 $0x18900  }
0x57c: {  	[tilespmem:s24], [sflag:$0x2] =	stream.indirect_vreg.gather [hbm4b:s9+s13], $0x80, v8, vm0, $0xb8;
	[tilespmem:$0x1FD00] =	vst v63  }
0x57d: {  	v8 =	vld [tilespmem:$0x1F910];
	_ =	sdelay $0x4  }
0x57e: {  	v9 =	vshll.u32 v8, $0x1  }
0x57f: {  	v8 =	vand.u32 $0x7, v8;
	v9 =	vand.u32 $0xFFFFFFF0, v9  }
0x580: {  	v8 =	vor.u32 v8, v9  }
0x581: {  	v9 =	vperm.xlane v8, v3;
	_ =	sdelay $0x1  }
0x582: {  	v8 =	vperm.xlane v8, v5;
	v9 =	vadd.s32 v4, v9;
	_ =	sdelay $0x1  }
0x583: {  	v8 =	vadd.s32 v4, v8;
	_ =	sdelay $0x1  }
0x584: {  	s25 =	simm.s32 $0x19100  }
0x585: {  	[tilespmem:s25], [sflag:$0x2] =	stream.indirect_vreg.gather [hbm4b:s9+s13], $0x80, v9, vm0, $0xb8;
	[tilespmem:$0x1FD00] =	vst v63  }
0x586: {  	s26 =	simm.s32 $0x19900  }
0x587: {  	[tilespmem:s26], [sflag:$0x2] =	stream.indirect_vreg.gather [hbm4b:s9+s13], $0x80, v8, vm0, $0xb8;
	[tilespmem:$0x1FD00] =	vst v63  }
0x588: {  	v8 =	vld.msk [tilespmem:$0x1F920], $0xff;
	_ =	sdelay $0x4  }
0x589: {  	v9 =	vshll.u32 v8, $0x1  }
0x58a: {  	v8 =	vand.u32 $0x7, v8;
	v9 =	vand.u32 $0xFFFFFFF0, v9  }
0x58b: {  	v8 =	vor.u32 v8, v9  }
0x58c: {  	v8 =	vperm.xlane v8, v3;
	_ =	sdelay $0x1  }
0x58d: {  	v8 =	vadd.s32 v4, v8;
	_ =	sdelay $0x3  }
0x58e: {  	s15 =	simm.s32 $0x3;
	s2 =	simm.s32 $0x1A100  }
0x58f: {  	[tilespmem:s2], [sflag:$0x2] =	stream.indirect_vreg.gather [hbm4b:s9+s13], $0x80, v8, vm0, $0xb8;
	[tilespmem:$0x1FD00] =	vst v63  }
0x590: {  	s22 =	simm.s32 $0x1;
	_ =	swait.ge [sflag:s15], $0x2800  }
0x591: {  	v9 =	vmov s22;
	[sflag:s15] =	ssyncset.done $0x0  }
0x592: {  	s23 =	simm.s32 $0x5;
	v9 =	vand.u32 $0xFFFFFFFD, v9;
	[sflag:s15] =	ssyncadd.s32 $0xFFFFD800  }
0x593: {  	s24 =	simm.s32 $0x2;
	v9 =	vbroadcast v9, $0x0;
	v8 =	vmov s13;
	_ =	swait.ge [sflag:s23], $0x1400  }
0x594: {  	v10 =	vmov s24;
	s25 =	simm.s32 $0x3;
	v8 =	vand.u32 $0xFFFFFFFC, v8;
	[sflag:s23] =	ssyncset.done $0x0  }
0x595: {  	v10 =	vand.u32 $0xFFFFFFFE, v10;
	v12 =	vmov s25;
	v8 =	vbroadcast v8, $0x0;
	[sflag:s23] =	ssyncadd.s32 $0xFFFFEC00  }
0x596: {  	v10 =	vbroadcast v10, $0x0;
	v11 =	vld [tilespmem:$0x1FA80]  }
0x597: {  	s26 =	simm.s32 $0x1FA80;
	v13 =	vld [tilespmem:$0x1FA90]  }
0x598: {  	v14 =	vld.idx.msk [tilespmem:v6+s26+$0x0], $0xffff  }
0x599: {  	v16 =	vld.idx.msk [tilespmem:v9+s18+$0x0], $0xffff  }
0x59a: {  	s2 =	sand.u32 $0x3800, s13;
	s23 =	simm.s32 $0x80;
	v9 =	vld.idx.msk [tilespmem:v12+s18+$0x0], $0xffff  }
0x59b: {  	s1 =	sadd.s32 $0x1A900, s2;
	s15 =	sand.u32 $0x380, s23;
	v15 =	vld.idx.msk [tilespmem:v8+s18+$0x0], $0xffff  }
0x59c: {  	s22 =	simm.s32 $0x0;
	s25 =	sadd.s32 s15, s1;
	v8 =	vld.idx.msk [tilespmem:v10+s18+$0x0], $0xffff  }
0x59d: {  	s2 =	sand.u32 $0x300, s22;
	v12 =	vld [tilespmem:s25+$0x70]  }
0x59e: {  	s1 =	sadd.s32 s2, s1;
	v10 =	vld [tilespmem:s25+$0x470]  }
0x59f: {  	v17 =	vld [tilespmem:s1+$0x0]  }
0x5a0: {  	v18 =	vld [tilespmem:s1+$0x400]  }
0x5a1: {  	v19 =	vld [tilespmem:s1+$0x10]  }
0x5a2: {  	v20 =	vld [tilespmem:s1+$0x410]  }
0x5a3: {  	v21 =	vld [tilespmem:s1+$0x20]  }
0x5a4: {  	v22 =	vld [tilespmem:s1+$0x420]  }
0x5a5: {  	v23 =	vld [tilespmem:s1+$0x30]  }
0x5a6: {  	v56 =	vld [tilespmem:s1+$0x430]  }
0x5a7: {  	v57 =	vld [tilespmem:s1+$0x40]  }
0x5a8: {  	v58 =	vld [tilespmem:s1+$0x440]  }
0x5a9: {  	v59 =	vld [tilespmem:s1+$0x50]  }
0x5aa: {  	v60 =	vld [tilespmem:s1+$0x450]  }
0x5ab: {  	v61 =	vld [tilespmem:s25+$0x0]  }
0x5ac: {  	v62 =	vld [tilespmem:s25+$0x400];
	[tilespmem:$0x1FC80] =	vst v11;
	v11 =	vmul.f32 v12, v8;
	v10 =	vmul.f32 v10, v9  }
0x5ad: {  	s24 =	simm.s32 $0x1FC80;
	[tilespmem:$0x1FC90] =	vst v13;
	v12 =	vld [tilespmem:s1+$0x60];
	v13 =	vmul.f32 v17, v15;
	v17 =	vmul.f32 v18, v16  }
0x5ae: {  	[tilespmem:v7+s24+$0x0] =	vst.idx.msk $0xff, v14;
	v18 =	vld [tilespmem:s1+$0x460];
	v14 =	vmul.f32 v19, v15;
	v19 =	vmul.f32 v20, v16  }
0x5af: {  	v20 =	vld [tilespmem:s1+$0x70];
	v10 =	vadd.f32 v10, v11;
	v11 =	vmul.f32 v21, v15;
	v21 =	vmul.f32 v22, v16  }
0x5b0: {  	s22 =	simm.s32 $0x1E580;
	v22 =	vld [tilespmem:s1+$0x470];
	v13 =	vadd.f32 v17, v13;
	v17 =	vmul.f32 v23, v15;
	v23 =	vmul.f32 v56, v16  }
0x5b1: {  	[tilespmem:s22+$0x70] =	vst v10;
	v10 =	vadd.f32 v19, v14;
	v14 =	vmul.f32 v57, v15;
	v19 =	vmul.f32 v58, v16  }
0x5b2: {  	[tilespmem:s22+$0xFFFFFF80] =	vst v13;
	v11 =	vadd.f32 v21, v11;
	v13 =	vmul.f32 v59, v15;
	v21 =	vmul.f32 v60, v16  }
0x5b3: {  	v63 =	vld [tilespmem:s25+$0x10];
	v12 =	vmul.f32 v12, v15;
	[tilespmem:s22+$0xFFFFFF90] =	vst v10;
	v10 =	vadd.f32 v23, v17;
	v17 =	vmul.f32 v18, v16  }
0x5b4: {  	v18 =	vld [tilespmem:s25+$0x410];
	[tilespmem:s22+$0xFFFFFFA0] =	vst v11;
	v11 =	vadd.f32 v19, v14;
	v14 =	vmul.f32 v20, v15;
	v19 =	vmul.f32 v61, v8  }
0x5b5: {  	s2 =	simm.s32 $0x4;
	v13 =	vadd.f32 v21, v13;
	v21 =	vmul.f32 v62, v9;
	v15 =	vmul.f32 v22, v16;
	v16 =	vld [tilespmem:s25+$0x20]  }
0x5b6: {  	[tilespmem:s22+$0xFFFFFFB0] =	vst v10;
	v17 =	vadd.f32 v17, v12;
	v12 =	vmov s2;
	v10 =	vld [tilespmem:s25+$0x420]  }
0x5b7: {  	s26 =	simm.s32 $0x5;
	[tilespmem:s22+$0xFFFFFFC0] =	vst v11;
	v11 =	vld [tilespmem:s25+$0x30];
	v19 =	vadd.f32 v21, v19;
	v12 =	vand.u32 $0xFFFFFFFC, v12  }
0x5b8: {  	[tilespmem:s22+$0xFFFFFFD0] =	vst v13;
	v13 =	vld [tilespmem:s25+$0x430];
	v14 =	vadd.f32 v15, v14;
	v15 =	vmov s26;
	v12 =	vbroadcast v12, $0x0  }
0x5b9: {  	[tilespmem:s22+$0xFFFFFFE0] =	vst v17;
	v17 =	vmul.f32 v63, v8;
	v22 =	vand.u32 $0xFFFFFFFD, v15;
	v15 =	vld [tilespmem:s25+$0x40];
	v20 =	vmul.f32 v18, v9  }
0x5ba: {  	s15 =	simm.s32 $0x6;
	s1 =	simm.s32 $0x8;
	[tilespmem:s22+$0xFFFFFFF0] =	vst v14;
	v14 =	vbroadcast v22, $0x0;
	v18 =	vmul.f32 v16, v8;
	v16 =	vld [tilespmem:s25+$0x440]  }
.LBB2_69:
0x5bb: {  	p0 =	sne.s32 s1, $0x4C;
	v21 =	vmov s15;
	s15 =	sadd.s32 $0x3, s2;
	[tilespmem:s22+$0x0] =	vst v19;
	v17 =	vadd.f32 v20, v17;
	v10 =	vmul.f32 v10, v9;
	v19 =	vld [tilespmem:s25+$0x50];
	s2 =	smov.u32 s1  }
0x5bc: {  	v20 =	vand.u32 $0xFFFFFFFE, v21;
	v21 =	vmov s15;
	v11 =	vmul.f32 v11, v8;
	v22 =	vld [tilespmem:s25+$0x450]  }
0x5bd: {  	v20 =	vbroadcast v20, $0x0;
	[tilespmem:s22+$0x10] =	vst v17;
	v10 =	vadd.f32 v10, v18;
	v13 =	vmul.f32 v13, v9;
	v17 =	vld [tilespmem:s25+$0x60]  }
0x5be: {  	s13 =	sadd.s32 $0x200, s13;
	v15 =	vmul.f32 v15, v8;
	v18 =	vld [tilespmem:s25+$0x460]  }
0x5bf: {  	s23 =	sadd.s32 $0x100, s23;
	s15 =	sand.u32 $0x3800, s13;
	v12 =	vld.idx.msk [tilespmem:v12+s18+$0x0], $0xffff;
	[tilespmem:s22+$0x20] =	vst v10;
	v10 =	vadd.f32 v13, v11;
	v11 =	vmul.f32 v16, v9  }
0x5c0: {  	s24 =	sand.u32 $0x380, s23;
	s15 =	sadd.s32 $0x1A900, s15;
	s25 =	sadd.s32 $0xFFFFFF80, s23;
	v13 =	vld.idx.msk [tilespmem:v14+s18+$0x0], $0xffff;
	v14 =	vmul.f32 v19, v8  }
0x5c1: {  	s26 =	sand.u32 $0x300, s25;
	s25 =	sadd.s32 s24, s15;
	v16 =	vld.idx.msk [tilespmem:v21+s18+$0x0], $0xffff;
	[tilespmem:s22+$0x30] =	vst v10;
	v10 =	vadd.f32 v11, v15;
	v11 =	vmul.f32 v22, v9  }
0x5c2: {  	s15 =	sadd.s32 s26, s15;
	v15 =	vld [tilespmem:s25+$0x70];
	v17 =	vmul.f32 v17, v8  }
0x5c3: {  	v8 =	vld.idx.msk [tilespmem:v20+s18+$0x0], $0xffff;
	[tilespmem:s22+$0x40] =	vst v10;
	v10 =	vadd.f32 v11, v14;
	v9 =	vmul.f32 v18, v9  }
0x5c4: {  	v11 =	vld [tilespmem:s25+$0x470]  }
0x5c5: {  	v14 =	vld [tilespmem:s15+$0x0];
	[tilespmem:s22+$0x50] =	vst v10;
	v18 =	vadd.f32 v9, v17  }
0x5c6: {  	v10 =	vld [tilespmem:s15+$0x400]  }
0x5c7: {  	v17 =	vld [tilespmem:s15+$0x10];
	[tilespmem:s22+$0x60] =	vst v18;
	v9 =	vmov v16  }
0x5c8: {  	v16 =	vld [tilespmem:s15+$0x410]  }
0x5c9: {  	v15 =	vmul.f32 v15, v8;
	v18 =	vld [tilespmem:s15+$0x20];
	v11 =	vmul.f32 v11, v9  }
0x5ca: {  	v14 =	vmul.f32 v14, v12;
	v19 =	vld [tilespmem:s15+$0x420]  }
0x5cb: {  	v10 =	vmul.f32 v10, v13;
	v20 =	vld [tilespmem:s15+$0x30];
	v11 =	vadd.f32 v11, v15  }
0x5cc: {  	s22 =	sadd.s32 $0x100, s22;
	v15 =	vmul.f32 v17, v12;
	v17 =	vld [tilespmem:s15+$0x430]  }
0x5cd: {  	v10 =	vadd.f32 v10, v14;
	v14 =	vmul.f32 v16, v13;
	v16 =	vld [tilespmem:s15+$0x40];
	[tilespmem:s22+$0x70] =	vst v11  }
0x5ce: {  	v11 =	vmul.f32 v18, v12;
	v18 =	vld [tilespmem:s15+$0x440]  }
0x5cf: {  	[tilespmem:s22+$0xFFFFFF80] =	vst v10;
	v10 =	vadd.f32 v14, v15;
	v14 =	vmul.f32 v19, v13;
	v15 =	vld [tilespmem:s15+$0x50]  }
0x5d0: {  	v19 =	vmul.f32 v20, v12;
	v20 =	vld [tilespmem:s15+$0x450]  }
0x5d1: {  	[tilespmem:s22+$0xFFFFFF90] =	vst v10;
	v10 =	vadd.f32 v14, v11;
	v11 =	vmul.f32 v17, v13;
	v14 =	vld [tilespmem:s15+$0x60]  }
0x5d2: {  	v16 =	vmul.f32 v16, v12;
	v17 =	vld [tilespmem:s15+$0x460]  }
0x5d3: {  	[tilespmem:s22+$0xFFFFFFA0] =	vst v10;
	v10 =	vadd.f32 v11, v19;
	v11 =	vmul.f32 v18, v13;
	v18 =	vld [tilespmem:s15+$0x70]  }
0x5d4: {  	v15 =	vmul.f32 v15, v12;
	v19 =	vld [tilespmem:s15+$0x470]  }
0x5d5: {  	[tilespmem:s22+$0xFFFFFFB0] =	vst v10;
	v10 =	vadd.f32 v11, v16;
	v11 =	vmul.f32 v20, v13;
	v16 =	vld [tilespmem:s25+$0x0]  }
0x5d6: {  	v14 =	vmul.f32 v14, v12;
	v20 =	vld [tilespmem:s25+$0x400]  }
0x5d7: {  	[tilespmem:s22+$0xFFFFFFC0] =	vst v10;
	v10 =	vadd.f32 v11, v15;
	v11 =	vmul.f32 v17, v13;
	v15 =	vld [tilespmem:s25+$0x10]  }
0x5d8: {  	v12 =	vmul.f32 v18, v12;
	v18 =	vld [tilespmem:s25+$0x410]  }
0x5d9: {  	[tilespmem:s22+$0xFFFFFFD0] =	vst v10;
	v11 =	vadd.f32 v11, v14;
	v13 =	vmul.f32 v19, v13;
	v21 =	vld [tilespmem:s25+$0x20]  }
.Ltmp33:
0x5da: {  	v14 =	vmov s1;
	v16 =	vmul.f32 v16, v8;
	v10 =	vld [tilespmem:s25+$0x420];
	(pc) =	sbr.rel @p0 .LBB2_69-.Ltmp33, $4  }
0x5db: {  	s15 =	sadd.s32 $0x1, s1;
	v14 =	vand.u32 $0xFFFFFFFC, v14;
	[tilespmem:s22+$0xFFFFFFE0] =	vst v11;
	v19 =	vadd.f32 v13, v12;
	v20 =	vmul.f32 v20, v9;
	v11 =	vld [tilespmem:s25+$0x30]  }
0x5dc: {  	v12 =	vbroadcast v14, $0x0;
	v14 =	vmov s15;
	v17 =	vmul.f32 v15, v8;
	v13 =	vld [tilespmem:s25+$0x430]  }
0x5dd: {  	v14 =	vand.u32 $0xFFFFFFFD, v14;
	[tilespmem:s22+$0xFFFFFFF0] =	vst v19;
	v19 =	vadd.f32 v20, v16;
	v20 =	vmul.f32 v18, v9;
	v15 =	vld [tilespmem:s25+$0x40]  }
0x5de: {  	s1 =	sadd.s32 $0x4, s1;
	s15 =	sadd.s32 $0x2, s2;
	v14 =	vbroadcast v14, $0x0;
	v18 =	vmul.f32 v21, v8;
	v16 =	vld [tilespmem:s25+$0x440]  }
0x5df: {  	v21 =	vld [tilespmem:s25+$0x50]  }
0x5e0: {  	v22 =	vld [tilespmem:s25+$0x450]  }
0x5e1: {  	s1 =	sadd.s32 $0x200, s13;
	s24 =	sadd.s32 $0x100, s23;
	v23 =	vld [tilespmem:s25+$0x60]  }
0x5e2: {  	v24 =	vld [tilespmem:s25+$0x460];
	s1 =	sand.u32 $0x3800, s1;
	s23 =	sadd.s32 $0xFFFFFF80, s24  }
0x5e3: {  	v12 =	vld.idx.msk [tilespmem:v12+s18+$0x0], $0xffff;
	s1 =	sadd.s32 $0x1A900, s1;
	s23 =	sand.u32 $0x300, s23  }
0x5e4: {  	v14 =	vld.idx.msk [tilespmem:v14+s18+$0x0], $0xffff;
	s23 =	sadd.s32 s23, s1  }
0x5e5: {  	v25 =	vld [tilespmem:s23+$0x0]  }
0x5e6: {  	v26 =	vld [tilespmem:s23+$0x400]  }
0x5e7: {  	v27 =	vld [tilespmem:s23+$0x10]  }
0x5e8: {  	v28 =	vld [tilespmem:s23+$0x410]  }
0x5e9: {  	v29 =	vld [tilespmem:s23+$0x20]  }
0x5ea: {  	v30 =	vld [tilespmem:s23+$0x420]  }
0x5eb: {  	v31 =	vld [tilespmem:s23+$0x30]  }
0x5ec: {  	v32 =	vld [tilespmem:s23+$0x430]  }
0x5ed: {  	v33 =	vld [tilespmem:s23+$0x40]  }
0x5ee: {  	v34 =	vld [tilespmem:s23+$0x440]  }
0x5ef: {  	v35 =	vld [tilespmem:s23+$0x50]  }
0x5f0: {  	v37 =	vld [tilespmem:s23+$0x450]  }
0x5f1: {  	v39 =	vld [tilespmem:s23+$0x60]  }
0x5f2: {  	v40 =	vld [tilespmem:s23+$0x460]  }
0x5f3: {  	s25 =	sand.u32 $0x380, s24;
	v41 =	vld [tilespmem:s23+$0x70]  }
0x5f4: {  	s1 =	sadd.s32 s25, s1;
	v42 =	vld [tilespmem:s23+$0x470]  }
0x5f5: {  	v36 =	vmov s15;
	s2 =	sadd.s32 $0x3, s2;
	v10 =	vmul.f32 v10, v9;
	v17 =	vadd.f32 v20, v17;
	v43 =	vld [tilespmem:s1+$0x70]  }
0x5f6: {  	v38 =	vmov s2;
	v36 =	vand.u32 $0xFFFFFFFE, v36;
	v11 =	vmul.f32 v11, v8;
	v44 =	vld [tilespmem:s1+$0x470]  }
0x5f7: {  	v36 =	vbroadcast v36, $0x0;
	v13 =	vmul.f32 v13, v9;
	v10 =	vadd.f32 v10, v18;
	v18 =	vld [tilespmem:s1+$0x0]  }
0x5f8: {  	[tilespmem:s22+$0x0] =	vst v19;
	v15 =	vmul.f32 v15, v8;
	v16 =	vmul.f32 v16, v9;
	v19 =	vld [tilespmem:s1+$0x400]  }
0x5f9: {  	[tilespmem:s22+$0x10] =	vst v17;
	v47 =	vld [tilespmem:s1+$0x410];
	v63 =	vmul.f32 v21, v8;
	v21 =	vmul.f32 v22, v9  }
0x5fa: {  	v11 =	vadd.f32 v13, v11;
	[tilespmem:s22+$0x20] =	vst v10;
	v50 =	vld [tilespmem:s1+$0x20];
	v8 =	vmul.f32 v23, v8;
	v23 =	vmul.f32 v24, v9  }
0x5fb: {  	v38 =	vld.idx.msk [tilespmem:v38+s18+$0x0], $0xffff;
	v22 =	vadd.f32 v16, v15;
	v24 =	vadd.f32 v21, v63;
	v48 =	vmul.f32 v25, v12  }
0x5fc: {  	v54 =	vld [tilespmem:s1+$0x420];
	[tilespmem:s22+$0x30] =	vst v11;
	v8 =	vadd.f32 v23, v8;
	v49 =	vmul.f32 v26, v14;
	v52 =	vmul.f32 v27, v12  }
0x5fd: {  	v36 =	vld.idx.msk [tilespmem:v36+s18+$0x0], $0xffff;
	[tilespmem:s22+$0x40] =	vst v22;
	v53 =	vmul.f32 v28, v14;
	v55 =	vmul.f32 v29, v12  }
0x5fe: {  	v57 =	vld [tilespmem:s1+$0x30];
	[tilespmem:s22+$0x60] =	vst v8;
	v59 =	vmul.f32 v31, v12;
	v60 =	vmul.f32 v32, v14;
	v8 =	vadd.f32 v49, v48  }
0x5ff: {  	s26 =	sadd.s32 $0x100, s22;
	v61 =	vld [tilespmem:s1+$0x430];
	[tilespmem:s22+$0x50] =	vst v24;
	v56 =	vmul.f32 v30, v14;
	v62 =	vmul.f32 v33, v12;
	v58 =	vadd.f32 v53, v52  }
0x600: {  	v15 =	vld [tilespmem:s1+$0x10];
	v30 =	vmul.f32 v35, v12;
	v31 =	vmul.f32 v37, v14;
	v29 =	vadd.f32 v60, v59;
	[tilespmem:s26+$0xFFFFFF80] =	vst v8  }
0x601: {  	v63 =	vmul.f32 v34, v14;
	v28 =	vld [tilespmem:s1+$0x40];
	v33 =	vmul.f32 v39, v12;
	v8 =	vadd.f32 v56, v55;
	[tilespmem:s26+$0xFFFFFF90] =	vst v58  }
0x602: {  	v32 =	vld [tilespmem:s1+$0x440];
	v12 =	vmul.f32 v41, v12;
	v39 =	vmul.f32 v42, v14;
	v37 =	vadd.f32 v31, v30;
	[tilespmem:s26+$0xFFFFFFB0] =	vst v29  }
0x603: {  	v34 =	vmul.f32 v40, v14;
	v35 =	vld [tilespmem:s1+$0x50];
	[tilespmem:s26+$0xFFFFFFA0] =	vst v8;
	v8 =	vadd.f32 v63, v62  }
0x604: {  	v40 =	vld [tilespmem:s1+$0x450];
	v46 =	vmul.f32 v44, v38;
	v44 =	vadd.f32 v39, v12;
	v45 =	vmul.f32 v43, v36;
	[tilespmem:s26+$0xFFFFFFD0] =	vst v37  }
0x605: {  	v42 =	vmul.f32 v19, v38;
	v41 =	vmul.f32 v18, v36;
	v43 =	vld [tilespmem:s1+$0x60];
	[tilespmem:s26+$0xFFFFFFC0] =	vst v8;
	v8 =	vadd.f32 v34, v33  }
0x606: {  	[tilespmem:s26+$0xFFFFFFF0] =	vst v44;
	v51 =	vadd.f32 v46, v45;
	v45 =	vmul.f32 v15, v36;
	v46 =	vmul.f32 v47, v38;
	v47 =	vld [tilespmem:s1+$0x460]  }
0x607: {  	v49 =	vmul.f32 v54, v38;
	v48 =	vmul.f32 v50, v36;
	[tilespmem:s26+$0xFFFFFFE0] =	vst v8;
	v8 =	vadd.f32 v42, v41  }
0x608: {  	v52 =	vmul.f32 v61, v38;
	[tilespmem:s26+$0x70] =	vst v51;
	v50 =	vadd.f32 v46, v45;
	v51 =	vmul.f32 v57, v36  }
0x609: {  	v53 =	vmul.f32 v28, v36;
	v54 =	vmul.f32 v32, v38;
	[tilespmem:s26+$0x0] =	vst v8;
	v8 =	vadd.f32 v49, v48  }
0x60a: {  	v56 =	vmul.f32 v35, v36;
	v57 =	vmul.f32 v40, v38;
	[tilespmem:s26+$0x10] =	vst v50;
	v55 =	vadd.f32 v52, v51  }
0x60b: {  	v58 =	vmul.f32 v43, v36;
	v59 =	vmul.f32 v47, v38;
	[tilespmem:s26+$0x20] =	vst v8;
	v8 =	vadd.f32 v54, v53  }
0x60c: {  	v60 =	vadd.f32 v57, v56;
	[tilespmem:s26+$0x30] =	vst v55  }
0x60d: {  	s22 =	rddreg [dreg:$0x18];
	[tilespmem:s26+$0x40] =	vst v8;
	v8 =	vadd.f32 v59, v58  }
0x60e: {  	s13 =	simm.s32 $0x1FC80;
	s15 =	simm.s32 $0x1E500;
	s1 =	sadd.s32 s19, s22;
	[tilespmem:s26+$0x50] =	vst v60  }
0x60f: {  	s23 =	sshrl.u32 s1, $0x3;
	[tilespmem:s26+$0x60] =	vst v8;
	s26 =	smov.u32 s7;
	s7 =	simm.s32 $0x28  }
0x610: {  	[spmem:s26] =	stream.indirect.scatter.add.f32 [tilespmem:s15], [sflag:$0x5], $0x80, s13, s7, $0xb8;
	[tilespmem:$0x1FD00] =	vst v63  }
0x611: {  	s25 =	simm.s32 $0x1F980;
	s24 =	sadd.s32 s12, s23  }
0x612: {  	[tilespmem:s25], [sflag:$0x1] =	stream.linear.gather [hbm4b:s24+s11], $0x28, $0x38;
	[tilespmem:$0x1FD00] =	vst v63  }
0x613: {  	s1 =	sshrl.u32 s1, $0x2;
	s2 =	sadd.s32 s0, s23;
	s15 =	simm.s32 $0x1FA80  }
0x614: {  	[tilespmem:s15], [sflag:$0x1] =	stream.linear.gather [hbm4b:s2+s11], $0x28, $0x38;
	[tilespmem:$0x1FD00] =	vst v63  }
0x615: {  	s1 =	sadd.s32 s28, s1  }
0x616: {  	[tilespmem:s18], [sflag:$0x1] =	stream.linear.gather [hbm4b:s1+s11], $0x50, $0x38;
	[tilespmem:$0x1FD00] =	vst v63  }
0x617: {  	_ =	swait.ge [sflag:s5], $0x28  }
0x618: {  	[sflag:s5] =	ssyncset.done $0x0  }
0x619: {  	[sflag:s5] =	ssyncadd.s32 $0xFFFFFFD8  }
0x61a: {  	_ =	swait.ge [sflag:s5], $0x28  }
0x61b: {  	[sflag:s5] =	ssyncset.done $0x0  }
0x61c: {  	[sflag:s5] =	ssyncadd.s32 $0xFFFFFFD8  }
0x61d: {  	_ =	swait.ge [sflag:s5], $0x50  }
0x61e: {  	[sflag:s5] =	ssyncset.done $0x0  }
0x61f: {  	[sflag:s5] =	ssyncadd.s32 $0xFFFFFFB0  }
0x620: {  	v8 =	vld [tilespmem:$0x1F980];
	_ =	sdelay $0x4  }
0x621: {  	v61 =	vshll.u32 v8, $0x1  }
0x622: {  	v8 =	vand.u32 $0x7, v8;
	v9 =	vand.u32 $0xFFFFFFF0, v61  }
0x623: {  	v8 =	vor.u32 v8, v9  }
0x624: {  	v9 =	vperm.xlane v8, v3;
	_ =	sdelay $0x1  }
0x625: {  	v8 =	vperm.xlane v8, v5;
	v9 =	vadd.s32 v4, v9;
	_ =	sdelay $0x1  }
0x626: {  	v8 =	vadd.s32 v4, v8;
	_ =	sdelay $0x2  }
0x627: {  	[tilespmem:s6], [sflag:$0x3] =	stream.indirect_vreg.gather [hbm4b:s9+s11], $0x80, v9, vm0, $0xb8;
	[tilespmem:$0x1FD00] =	vst v63  }
0x628: {  	s19 =	simm.s32 $0x1B100  }
0x629: {  	[tilespmem:s19], [sflag:$0x3] =	stream.indirect_vreg.gather [hbm4b:s9+s11], $0x80, v8, vm0, $0xb8;
	[tilespmem:$0x1FD00] =	vst v63  }
0x62a: {  	v8 =	vld [tilespmem:$0x1F990];
	_ =	sdelay $0x4  }
0x62b: {  	v62 =	vshll.u32 v8, $0x1  }
0x62c: {  	v8 =	vand.u32 $0x7, v8;
	v9 =	vand.u32 $0xFFFFFFF0, v62  }
0x62d: {  	v8 =	vor.u32 v8, v9  }
0x62e: {  	v9 =	vperm.xlane v8, v3;
	_ =	sdelay $0x1  }
0x62f: {  	v8 =	vperm.xlane v8, v5;
	v9 =	vadd.s32 v4, v9;
	_ =	sdelay $0x1  }
0x630: {  	v8 =	vadd.s32 v4, v8;
	_ =	sdelay $0x1  }
0x631: {  	s22 =	simm.s32 $0x1B900  }
0x632: {  	[tilespmem:s22], [sflag:$0x3] =	stream.indirect_vreg.gather [hbm4b:s9+s11], $0x80, v9, vm0, $0xb8;
	[tilespmem:$0x1FD00] =	vst v63  }
0x633: {  	s23 =	simm.s32 $0x1C100  }
0x634: {  	[tilespmem:s23], [sflag:$0x3] =	stream.indirect_vreg.gather [hbm4b:s9+s11], $0x80, v8, vm0, $0xb8;
	[tilespmem:$0x1FD00] =	vst v63  }
0x635: {  	v8 =	vld.msk [tilespmem:$0x1F9A0], $0xff;
	_ =	sdelay $0x4  }
0x636: {  	v63 =	vshll.u32 v8, $0x1  }
0x637: {  	v8 =	vand.u32 $0x7, v8;
	v9 =	vand.u32 $0xFFFFFFF0, v63  }
0x638: {  	v8 =	vor.u32 v8, v9  }
0x639: {  	v8 =	vperm.xlane v8, v3  }
0x63a: {  	s3 =	sadd.s32 $0x1, s3  }
0x63b: {  	p0 =	sne.s32 s3, $0x7B;
	v8 =	vadd.s32 v4, v8  }
.Ltmp34:
0x63c: {  	_ = 	snop;
	(pc) =	sbr.rel @p0 .LBB2_66-.Ltmp34, $3  }
0x63d: {  	_ =	sdelay $0x1  }
0x63e: {  	s24 =	smov.u32 s28;
	s25 =	simm.s32 $0x1C900;
	s28 =	simm.s32 $0x1FA00  }
0x63f: {  	[tilespmem:s25], [sflag:$0x3] =	stream.indirect_vreg.gather [hbm4b:s9+s11], $0x80, v8, vm0, $0xb8;
	[tilespmem:$0x1FD00] =	vst v63  }
0x640: {  	s2 =	simm.s32 $0x2  }
0x641: {  	_ =	swait.ge [sflag:s2], $0x2800  }
0x642: {  	s1 =	simm.s32 $0x1;
	[sflag:s2] =	ssyncset.done $0x0  }
0x643: {  	v9 =	vmov s1;
	s1 =	simm.s32 $0x4;
	[sflag:s2] =	ssyncadd.s32 $0xFFFFD800  }
0x644: {  	_ =	swait.ge [sflag:s1], $0x1400  }
0x645: {  	[sflag:s1] =	ssyncset.done $0x0  }
0x646: {  	s13 =	simm.s32 $0x0;
	[sflag:s1] =	ssyncadd.s32 $0xFFFFEC00  }
0x647: {  	s16 =	simm.s32 $0x80;
	s22 =	simm.s32 $0x0;
	s15 =	sand.u32 $0x3800, s13;
	v11 =	vld [tilespmem:$0x1FA00]  }
0x648: {  	s19 =	sand.u32 $0x380, s16;
	s2 =	sand.u32 $0x300, s22;
	s1 =	sor.u32 $0x18100, s15;
	v13 =	vld [tilespmem:$0x1FA10]  }
0x649: {  	v14 =	vld.idx.msk [tilespmem:v6+s28+$0x0], $0xffff;
	s19 =	sadd.s32 s19, s1;
	s1 =	sadd.s32 s2, s1  }
0x64a: {  	v8 =	vmov s13;
	v17 =	vld [tilespmem:s1+$0x0]  }
0x64b: {  	v8 =	vand.u32 $0xFFFFFFFC, v8;
	v18 =	vld [tilespmem:s1+$0x400]  }
0x64c: {  	v9 =	vand.u32 $0xFFFFFFFD, v9;
	v8 =	vbroadcast v8, $0x0;
	v19 =	vld [tilespmem:s1+$0x10]  }
0x64d: {  	s3 =	simm.s32 $0x2;
	v9 =	vbroadcast v9, $0x0;
	v20 =	vld [tilespmem:s1+$0x410]  }
0x64e: {  	s7 =	simm.s32 $0x3;
	v10 =	vmov s3;
	v21 =	vld [tilespmem:s1+$0x20]  }
0x64f: {  	v12 =	vmov s7;
	v10 =	vand.u32 $0xFFFFFFFE, v10;
	v22 =	vld [tilespmem:s1+$0x420]  }
0x650: {  	v10 =	vbroadcast v10, $0x0;
	v23 =	vld [tilespmem:s1+$0x30]  }
0x651: {  	v24 =	vld [tilespmem:s1+$0x430]  }
0x652: {  	v15 =	vld.idx.msk [tilespmem:v8+s20+$0x0], $0xffff  }
0x653: {  	v16 =	vld.idx.msk [tilespmem:v9+s20+$0x0], $0xffff  }
0x654: {  	v9 =	vld.idx.msk [tilespmem:v12+s20+$0x0], $0xffff  }
0x655: {  	v12 =	vld [tilespmem:s19+$0x70]  }
0x656: {  	v8 =	vld.idx.msk [tilespmem:v10+s20+$0x0], $0xffff  }
0x657: {  	v10 =	vld [tilespmem:s19+$0x470]  }
0x658: {  	v25 =	vld [tilespmem:s1+$0x40]  }
0x659: {  	v26 =	vld [tilespmem:s1+$0x440]  }
0x65a: {  	v27 =	vld [tilespmem:s1+$0x50]  }
0x65b: {  	v28 =	vld [tilespmem:s1+$0x450];
	[tilespmem:$0x1FC00] =	vst v11  }
0x65c: {  	s23 =	simm.s32 $0x1FC00;
	[tilespmem:$0x1FC10] =	vst v13;
	v11 =	vmul.f32 v12, v8;
	v10 =	vmul.f32 v10, v9;
	v12 =	vld [tilespmem:s1+$0x60]  }
0x65d: {  	[tilespmem:v7+s23+$0x0] =	vst.idx.msk $0xff, v14;
	v13 =	vmul.f32 v17, v15;
	v17 =	vmul.f32 v18, v16;
	v18 =	vld [tilespmem:s1+$0x460]  }
0x65e: {  	v14 =	vmul.f32 v19, v15;
	v19 =	vmul.f32 v20, v16;
	v20 =	vld [tilespmem:s1+$0x70];
	v10 =	vadd.f32 v10, v11  }
0x65f: {  	s3 =	simm.s32 $0x1D180;
	v11 =	vmul.f32 v21, v15;
	v21 =	vmul.f32 v22, v16;
	v22 =	vld [tilespmem:s1+$0x470];
	v13 =	vadd.f32 v17, v13  }
0x660: {  	v61 =	vld [tilespmem:s19+$0x0];
	v17 =	vmul.f32 v23, v15;
	v23 =	vmul.f32 v24, v16;
	[tilespmem:s3+$0x70] =	vst v10;
	v10 =	vadd.f32 v19, v14  }
0x661: {  	v62 =	vld [tilespmem:s19+$0x400];
	v14 =	vmul.f32 v25, v15;
	v19 =	vmul.f32 v26, v16;
	[tilespmem:s3+$0xFFFFFF80] =	vst v13;
	v11 =	vadd.f32 v21, v11  }
0x662: {  	v63 =	vld [tilespmem:s19+$0x10];
	v13 =	vmul.f32 v27, v15;
	v21 =	vmul.f32 v28, v16;
	[tilespmem:s3+$0xFFFFFF90] =	vst v10;
	v10 =	vadd.f32 v23, v17  }
0x663: {  	v12 =	vmul.f32 v12, v15;
	v17 =	vmul.f32 v18, v16;
	v18 =	vld [tilespmem:s19+$0x410];
	[tilespmem:s3+$0xFFFFFFA0] =	vst v11;
	v11 =	vadd.f32 v19, v14  }
0x664: {  	s2 =	simm.s32 $0x4;
	v14 =	vmul.f32 v20, v15;
	v13 =	vadd.f32 v21, v13;
	v15 =	vmul.f32 v22, v16;
	v16 =	vld [tilespmem:s19+$0x20];
	[tilespmem:s3+$0xFFFFFFB0] =	vst v10  }
0x665: {  	s25 =	simm.s32 $0x5;
	v20 =	vmul.f32 v61, v8;
	v19 =	vadd.f32 v17, v12;
	v12 =	vmov s2;
	v10 =	vld [tilespmem:s19+$0x420];
	[tilespmem:s3+$0xFFFFFFC0] =	vst v11  }
0x666: {  	v21 =	vmul.f32 v62, v9;
	v11 =	vld [tilespmem:s19+$0x30];
	[tilespmem:s3+$0xFFFFFFD0] =	vst v13;
	v13 =	vmov s25;
	v12 =	vand.u32 $0xFFFFFFFC, v12  }
0x667: {  	v14 =	vadd.f32 v15, v14;
	v15 =	vmul.f32 v63, v8;
	v17 =	vbroadcast v12, $0x0;
	v12 =	vld [tilespmem:s19+$0x430]  }
0x668: {  	v22 =	vand.u32 $0xFFFFFFFD, v13;
	v13 =	vld [tilespmem:s19+$0x40];
	[tilespmem:s3+$0xFFFFFFE0] =	vst v19;
	v19 =	vmul.f32 v18, v9;
	v18 =	vadd.f32 v21, v20  }
0x669: {  	s15 =	simm.s32 $0x6;
	s1 =	simm.s32 $0x8;
	[tilespmem:s3+$0xFFFFFFF0] =	vst v14;
	v20 =	vbroadcast v22, $0x0;
	v14 =	vld [tilespmem:s19+$0x440];
	v16 =	vmul.f32 v16, v8  }
.LBB2_72:
0x66a: {  	p0 =	sne.s32 s1, $0x4C;
	v21 =	vmov s15;
	s15 =	sadd.s32 $0x3, s2;
	[tilespmem:s3+$0x0] =	vst v18;
	v15 =	vadd.f32 v19, v15;
	v10 =	vmul.f32 v10, v9;
	v18 =	vld [tilespmem:s19+$0x50];
	s2 =	smov.u32 s1  }
0x66b: {  	v19 =	vand.u32 $0xFFFFFFFE, v21;
	v21 =	vmov s15;
	v11 =	vmul.f32 v11, v8;
	v22 =	vld [tilespmem:s19+$0x450]  }
0x66c: {  	v19 =	vbroadcast v19, $0x0;
	[tilespmem:s3+$0x10] =	vst v15;
	v10 =	vadd.f32 v10, v16;
	v12 =	vmul.f32 v12, v9;
	v15 =	vld [tilespmem:s19+$0x60]  }
0x66d: {  	s13 =	sadd.s32 $0x200, s13;
	v13 =	vmul.f32 v13, v8;
	v16 =	vld [tilespmem:s19+$0x460]  }
0x66e: {  	s16 =	sadd.s32 $0x100, s16;
	s15 =	sand.u32 $0x3800, s13;
	v17 =	vld.idx.msk [tilespmem:v17+s20+$0x0], $0xffff;
	[tilespmem:s3+$0x20] =	vst v10;
	v10 =	vadd.f32 v12, v11;
	v11 =	vmul.f32 v14, v9  }
0x66f: {  	s22 =	sand.u32 $0x380, s16;
	s15 =	sor.u32 $0x18100, s15;
	s19 =	sadd.s32 $0xFFFFFF80, s16;
	v12 =	vld.idx.msk [tilespmem:v20+s20+$0x0], $0xffff;
	v14 =	vmul.f32 v18, v8  }
0x670: {  	s23 =	sand.u32 $0x300, s19;
	s19 =	sadd.s32 s22, s15;
	v18 =	vld.idx.msk [tilespmem:v21+s20+$0x0], $0xffff;
	[tilespmem:s3+$0x30] =	vst v10;
	v10 =	vadd.f32 v11, v13;
	v11 =	vmul.f32 v22, v9  }
0x671: {  	s15 =	sadd.s32 s23, s15;
	v13 =	vld [tilespmem:s19+$0x70];
	v15 =	vmul.f32 v15, v8  }
0x672: {  	v8 =	vld.idx.msk [tilespmem:v19+s20+$0x0], $0xffff;
	[tilespmem:s3+$0x40] =	vst v10;
	v10 =	vadd.f32 v11, v14;
	v9 =	vmul.f32 v16, v9  }
0x673: {  	v11 =	vld [tilespmem:s19+$0x470]  }
0x674: {  	v14 =	vld [tilespmem:s15+$0x0];
	[tilespmem:s3+$0x50] =	vst v10;
	v16 =	vadd.f32 v9, v15  }
0x675: {  	v10 =	vld [tilespmem:s15+$0x400]  }
0x676: {  	v15 =	vld [tilespmem:s15+$0x10];
	[tilespmem:s3+$0x60] =	vst v16;
	v9 =	vmov v18  }
0x677: {  	v16 =	vld [tilespmem:s15+$0x410]  }
0x678: {  	v13 =	vmul.f32 v13, v8;
	v18 =	vld [tilespmem:s15+$0x20];
	v11 =	vmul.f32 v11, v9  }
0x679: {  	v14 =	vmul.f32 v14, v17;
	v19 =	vld [tilespmem:s15+$0x420]  }
0x67a: {  	v10 =	vmul.f32 v10, v12;
	v20 =	vld [tilespmem:s15+$0x30];
	v11 =	vadd.f32 v11, v13  }
0x67b: {  	s3 =	sadd.s32 $0x100, s3;
	v13 =	vmul.f32 v15, v17;
	v15 =	vld [tilespmem:s15+$0x430]  }
0x67c: {  	v10 =	vadd.f32 v10, v14;
	v14 =	vmul.f32 v16, v12;
	v16 =	vld [tilespmem:s15+$0x40];
	[tilespmem:s3+$0x70] =	vst v11  }
0x67d: {  	v11 =	vmul.f32 v18, v17;
	v18 =	vld [tilespmem:s15+$0x440]  }
0x67e: {  	[tilespmem:s3+$0xFFFFFF80] =	vst v10;
	v10 =	vadd.f32 v14, v13;
	v13 =	vmul.f32 v19, v12;
	v14 =	vld [tilespmem:s15+$0x50]  }
0x67f: {  	v19 =	vmul.f32 v20, v17;
	v20 =	vld [tilespmem:s15+$0x450]  }
0x680: {  	[tilespmem:s3+$0xFFFFFF90] =	vst v10;
	v10 =	vadd.f32 v13, v11;
	v11 =	vmul.f32 v15, v12;
	v13 =	vld [tilespmem:s15+$0x60]  }
0x681: {  	v15 =	vmul.f32 v16, v17;
	v16 =	vld [tilespmem:s15+$0x460]  }
0x682: {  	[tilespmem:s3+$0xFFFFFFA0] =	vst v10;
	v10 =	vadd.f32 v11, v19;
	v11 =	vmul.f32 v18, v12;
	v18 =	vld [tilespmem:s15+$0x70]  }
0x683: {  	v14 =	vmul.f32 v14, v17;
	v19 =	vld [tilespmem:s15+$0x470]  }
0x684: {  	[tilespmem:s3+$0xFFFFFFB0] =	vst v10;
	v10 =	vadd.f32 v11, v15;
	v11 =	vmul.f32 v20, v12;
	v15 =	vld [tilespmem:s19+$0x0]  }
0x685: {  	v13 =	vmul.f32 v13, v17;
	v20 =	vld [tilespmem:s19+$0x400]  }
0x686: {  	[tilespmem:s3+$0xFFFFFFC0] =	vst v10;
	v10 =	vadd.f32 v11, v14;
	v11 =	vmul.f32 v16, v12;
	v14 =	vld [tilespmem:s19+$0x10]  }
0x687: {  	v16 =	vmul.f32 v18, v17;
	v21 =	vld [tilespmem:s19+$0x410]  }
0x688: {  	[tilespmem:s3+$0xFFFFFFD0] =	vst v10;
	v11 =	vadd.f32 v11, v13;
	v12 =	vmul.f32 v19, v12;
	v22 =	vld [tilespmem:s19+$0x20]  }
.Ltmp35:
0x689: {  	v13 =	vmov s1;
	v18 =	vmul.f32 v15, v8;
	v10 =	vld [tilespmem:s19+$0x420];
	(pc) =	sbr.rel @p0 .LBB2_72-.Ltmp35, $4  }
0x68a: {  	s15 =	sadd.s32 $0x1, s1;
	v13 =	vand.u32 $0xFFFFFFFC, v13;
	[tilespmem:s3+$0xFFFFFFE0] =	vst v11;
	v16 =	vadd.f32 v12, v16;
	v19 =	vmul.f32 v20, v9;
	v11 =	vld [tilespmem:s19+$0x30]  }
0x68b: {  	v17 =	vbroadcast v13, $0x0;
	v13 =	vmov s15;
	v15 =	vmul.f32 v14, v8;
	v12 =	vld [tilespmem:s19+$0x430]  }
0x68c: {  	v14 =	vand.u32 $0xFFFFFFFD, v13;
	[tilespmem:s3+$0xFFFFFFF0] =	vst v16;
	v18 =	vadd.f32 v19, v18;
	v19 =	vmul.f32 v21, v9;
	v13 =	vld [tilespmem:s19+$0x40]  }
0x68d: {  	s1 =	sadd.s32 $0x4, s1;
	s15 =	sadd.s32 $0x2, s2;
	v20 =	vbroadcast v14, $0x0;
	v16 =	vmul.f32 v22, v8;
	v14 =	vld [tilespmem:s19+$0x440]  }
0x68e: {  	v22 =	vld [tilespmem:s19+$0x50]  }
0x68f: {  	v24 =	vld [tilespmem:s19+$0x450]  }
0x690: {  	s1 =	sadd.s32 $0x3, s2;
	v25 =	vld [tilespmem:s19+$0x60];
	s22 =	sadd.s32 $0x200, s13  }
0x691: {  	v26 =	vld [tilespmem:s19+$0x460];
	s23 =	sadd.s32 $0x100, s16;
	v23 =	vmov s1;
	s1 =	sand.u32 $0x3800, s22  }
0x692: {  	v17 =	vld.idx.msk [tilespmem:v17+s20+$0x0], $0xffff;
	s7 =	sand.u32 $0x380, s23;
	s25 =	sor.u32 $0x18100, s1  }
0x693: {  	v20 =	vld.idx.msk [tilespmem:v20+s20+$0x0], $0xffff;
	s2 =	sadd.s32 $0xFFFFFF80, s23;
	s1 =	sadd.s32 s7, s25  }
0x694: {  	s2 =	sand.u32 $0x300, s2;
	v27 =	vld [tilespmem:s1+$0x70]  }
0x695: {  	s2 =	sadd.s32 s2, s25;
	v28 =	vld [tilespmem:s1+$0x470]  }
0x696: {  	v29 =	vld [tilespmem:s2+$0x0]  }
0x697: {  	v30 =	vld [tilespmem:s2+$0x400]  }
0x698: {  	v31 =	vld [tilespmem:s2+$0x10]  }
0x699: {  	v32 =	vld [tilespmem:s2+$0x410]  }
0x69a: {  	v33 =	vld [tilespmem:s2+$0x20]  }
0x69b: {  	v34 =	vld [tilespmem:s2+$0x420]  }
0x69c: {  	v35 =	vld [tilespmem:s2+$0x30]  }
0x69d: {  	v36 =	vld [tilespmem:s2+$0x430]  }
0x69e: {  	v21 =	vmov s15;
	v37 =	vld [tilespmem:s2+$0x40]  }
0x69f: {  	v21 =	vand.u32 $0xFFFFFFFE, v21;
	v38 =	vld [tilespmem:s2+$0x440]  }
0x6a0: {  	v21 =	vbroadcast v21, $0x0;
	v39 =	vld [tilespmem:s2+$0x50]  }
0x6a1: {  	v40 =	vld [tilespmem:s2+$0x450]  }
0x6a2: {  	v41 =	vld [tilespmem:s2+$0x60]  }
0x6a3: {  	v42 =	vld [tilespmem:s2+$0x460]  }
0x6a4: {  	v10 =	vmul.f32 v10, v9;
	v43 =	vld [tilespmem:s2+$0x70]  }
0x6a5: {  	v15 =	vadd.f32 v19, v15;
	v11 =	vmul.f32 v11, v8;
	v12 =	vmul.f32 v12, v9;
	v23 =	vld.idx.msk [tilespmem:v23+s20+$0x0], $0xffff  }
0x6a6: {  	v10 =	vadd.f32 v10, v16;
	v13 =	vmul.f32 v13, v8;
	v14 =	vmul.f32 v14, v9;
	v21 =	vld.idx.msk [tilespmem:v21+s20+$0x0], $0xffff  }
0x6a7: {  	[tilespmem:s3+$0x10] =	vst v15;
	v19 =	vld [tilespmem:s2+$0x470];
	v11 =	vadd.f32 v12, v11;
	v12 =	vmul.f32 v22, v8;
	v15 =	vmul.f32 v24, v9  }
0x6a8: {  	v16 =	vld [tilespmem:s1+$0x0];
	[tilespmem:s3+$0x20] =	vst v10;
	v8 =	vmul.f32 v25, v8;
	v9 =	vmul.f32 v26, v9;
	v10 =	vadd.f32 v14, v13  }
0x6a9: {  	[tilespmem:s3+$0x0] =	vst v18;
	v18 =	vld [tilespmem:s1+$0x400]  }
0x6aa: {  	v50 =	vld [tilespmem:s1+$0x420];
	v8 =	vadd.f32 v9, v8;
	[tilespmem:s3+$0x40] =	vst v10;
	v9 =	vmul.f32 v29, v17;
	v10 =	vmul.f32 v30, v20  }
0x6ab: {  	v51 =	vld [tilespmem:s1+$0x30];
	[tilespmem:s3+$0x30] =	vst v11;
	v11 =	vadd.f32 v15, v12;
	v14 =	vmul.f32 v28, v23;
	v12 =	vmul.f32 v27, v21  }
0x6ac: {  	v52 =	vld [tilespmem:s1+$0x430];
	[tilespmem:s3+$0x60] =	vst v8;
	v8 =	vadd.f32 v10, v9;
	v9 =	vmul.f32 v33, v17;
	v10 =	vmul.f32 v34, v20  }
0x6ad: {  	s13 =	sadd.s32 $0x100, s3;
	v53 =	vld [tilespmem:s1+$0x40];
	[tilespmem:s3+$0x50] =	vst v11;
	v11 =	vadd.f32 v14, v12;
	v12 =	vmul.f32 v31, v17;
	v14 =	vmul.f32 v32, v20  }
0x6ae: {  	v54 =	vld [tilespmem:s1+$0x440];
	[tilespmem:s13+$0xFFFFFF80] =	vst v8;
	v8 =	vadd.f32 v10, v9;
	v9 =	vmul.f32 v37, v17;
	v10 =	vmul.f32 v38, v20  }
0x6af: {  	v13 =	vld [tilespmem:s1+$0x10];
	[tilespmem:s13+$0x70] =	vst v11;
	v11 =	vadd.f32 v14, v12;
	v12 =	vmul.f32 v35, v17;
	v14 =	vmul.f32 v36, v20  }
0x6b0: {  	v15 =	vld [tilespmem:s1+$0x410];
	[tilespmem:s13+$0xFFFFFFA0] =	vst v8;
	v8 =	vadd.f32 v10, v9;
	v9 =	vmul.f32 v41, v17;
	v10 =	vmul.f32 v42, v20  }
0x6b1: {  	v22 =	vld [tilespmem:s1+$0x20];
	[tilespmem:s13+$0xFFFFFF90] =	vst v11;
	v11 =	vadd.f32 v14, v12;
	v12 =	vmul.f32 v39, v17;
	v14 =	vmul.f32 v40, v20  }
0x6b2: {  	v55 =	vld [tilespmem:s1+$0x50];
	[tilespmem:s13+$0xFFFFFFC0] =	vst v8;
	v8 =	vadd.f32 v10, v9;
	v9 =	vmul.f32 v16, v21  }
0x6b3: {  	v16 =	vld [tilespmem:s1+$0x60];
	[tilespmem:s13+$0xFFFFFFB0] =	vst v11;
	v11 =	vadd.f32 v14, v12;
	v12 =	vmul.f32 v43, v17;
	v14 =	vmul.f32 v19, v20  }
0x6b4: {  	v10 =	vmul.f32 v18, v23;
	v17 =	vld [tilespmem:s1+$0x450]  }
0x6b5: {  	[tilespmem:s13+$0xFFFFFFD0] =	vst v11;
	v11 =	vadd.f32 v14, v12;
	v12 =	vmul.f32 v13, v21;
	v13 =	vmul.f32 v15, v23;
	v14 =	vld [tilespmem:s1+$0x460]  }
0x6b6: {  	[tilespmem:s13+$0xFFFFFFE0] =	vst v8;
	v8 =	vadd.f32 v10, v9;
	v9 =	vmul.f32 v22, v21;
	v10 =	vmul.f32 v50, v23  }
0x6b7: {  	[tilespmem:s13+$0xFFFFFFF0] =	vst v11;
	v11 =	vadd.f32 v13, v12;
	v12 =	vmul.f32 v51, v21;
	v13 =	vmul.f32 v52, v23  }
0x6b8: {  	[tilespmem:s13+$0x0] =	vst v8;
	v8 =	vadd.f32 v10, v9;
	v9 =	vmul.f32 v53, v21;
	v10 =	vmul.f32 v54, v23  }
0x6b9: {  	[tilespmem:s13+$0x10] =	vst v11;
	v11 =	vadd.f32 v13, v12;
	v12 =	vmul.f32 v55, v21;
	v13 =	vmul.f32 v17, v23  }
0x6ba: {  	[tilespmem:s13+$0x20] =	vst v8;
	v8 =	vadd.f32 v10, v9;
	v9 =	vmul.f32 v16, v21;
	v10 =	vmul.f32 v14, v23  }
0x6bb: {  	[tilespmem:s13+$0x30] =	vst v11;
	v11 =	vadd.f32 v13, v12  }
0x6bc: {  	[tilespmem:s13+$0x40] =	vst v8;
	v8 =	vadd.f32 v10, v9  }
0x6bd: {  	[tilespmem:s13+$0x50] =	vst v11  }
0x6be: {  	s15 =	simm.s32 $0x1FC00;
	s16 =	simm.s32 $0x28;
	s19 =	simm.s32 $0x3;
	[tilespmem:s13+$0x60] =	vst v8  }
0x6bf: {  	[spmem:s26] =	stream.indirect.scatter.add.f32 [tilespmem:s31], [sflag:$0x4], $0x80, s15, s16, $0xb8;
	[tilespmem:$0x1FD00] =	vst v63  }
0x6c0: {  	s22 =	simm.s32 $0x1;
	_ =	swait.ge [sflag:s19], $0x2800  }
0x6c1: {  	v9 =	vmov s22;
	[sflag:s19] =	ssyncset.done $0x0  }
0x6c2: {  	s23 =	simm.s32 $0x5;
	v9 =	vand.u32 $0xFFFFFFFD, v9;
	[sflag:s19] =	ssyncadd.s32 $0xFFFFD800  }
0x6c3: {  	v9 =	vbroadcast v9, $0x0;
	_ =	swait.ge [sflag:s23], $0x1400  }
0x6c4: {  	s3 =	simm.s32 $0x3;
	[sflag:s23] =	ssyncset.done $0x0  }
0x6c5: {  	v12 =	vmov s3;
	[sflag:s23] =	ssyncadd.s32 $0xFFFFEC00  }
0x6c6: {  	v11 =	vld [tilespmem:$0x1FA80]  }
0x6c7: {  	s7 =	simm.s32 $0x1FA80;
	s13 =	simm.s32 $0x0;
	v13 =	vld [tilespmem:$0x1FA90]  }
0x6c8: {  	s16 =	simm.s32 $0x80;
	s15 =	sand.u32 $0x3800, s13;
	v14 =	vld.idx.msk [tilespmem:v6+s7+$0x0], $0xffff  }
0x6c9: {  	s22 =	simm.s32 $0x0;
	s1 =	sadd.s32 $0x1A900, s15;
	s19 =	sand.u32 $0x380, s16;
	v16 =	vld.idx.msk [tilespmem:v9+s18+$0x0], $0xffff  }
0x6ca: {  	s2 =	sand.u32 $0x300, s22;
	s19 =	sadd.s32 s19, s1;
	v9 =	vld.idx.msk [tilespmem:v12+s18+$0x0], $0xffff  }
0x6cb: {  	s1 =	sadd.s32 s2, s1;
	v12 =	vld [tilespmem:s19+$0x70]  }
0x6cc: {  	s25 =	simm.s32 $0x2;
	v8 =	vmov s13;
	v17 =	vld [tilespmem:s1+$0x0]  }
0x6cd: {  	v10 =	vmov s25;
	v8 =	vand.u32 $0xFFFFFFFC, v8;
	v18 =	vld [tilespmem:s1+$0x400]  }
0x6ce: {  	v10 =	vand.u32 $0xFFFFFFFE, v10;
	v8 =	vbroadcast v8, $0x0;
	v19 =	vld [tilespmem:s1+$0x10]  }
0x6cf: {  	v10 =	vbroadcast v10, $0x0;
	v20 =	vld [tilespmem:s1+$0x410]  }
0x6d0: {  	v21 =	vld [tilespmem:s1+$0x20]  }
0x6d1: {  	v22 =	vld [tilespmem:s1+$0x420]  }
0x6d2: {  	v23 =	vld [tilespmem:s1+$0x30]  }
0x6d3: {  	v56 =	vld [tilespmem:s1+$0x430]  }
0x6d4: {  	v15 =	vld.idx.msk [tilespmem:v8+s18+$0x0], $0xffff  }
0x6d5: {  	v8 =	vld.idx.msk [tilespmem:v10+s18+$0x0], $0xffff  }
0x6d6: {  	v10 =	vld [tilespmem:s19+$0x470]  }
0x6d7: {  	v57 =	vld [tilespmem:s1+$0x40]  }
0x6d8: {  	v58 =	vld [tilespmem:s1+$0x440]  }
0x6d9: {  	v59 =	vld [tilespmem:s1+$0x50]  }
0x6da: {  	v60 =	vld [tilespmem:s1+$0x450];
	[tilespmem:$0x1FC80] =	vst v11  }
0x6db: {  	s23 =	simm.s32 $0x1FC80;
	[tilespmem:$0x1FC90] =	vst v13;
	v11 =	vmul.f32 v12, v8;
	v10 =	vmul.f32 v10, v9;
	v12 =	vld [tilespmem:s1+$0x60]  }
0x6dc: {  	v13 =	vmul.f32 v17, v15;
	v17 =	vmul.f32 v18, v16;
	v18 =	vld [tilespmem:s1+$0x460];
	[tilespmem:v7+s23+$0x0] =	vst.idx.msk $0xff, v14  }
0x6dd: {  	v14 =	vmul.f32 v19, v15;
	v19 =	vmul.f32 v20, v16;
	v20 =	vld [tilespmem:s1+$0x70];
	v10 =	vadd.f32 v10, v11  }
0x6de: {  	s3 =	simm.s32 $0x1E580;
	v11 =	vmul.f32 v21, v15;
	v21 =	vmul.f32 v22, v16;
	v22 =	vld [tilespmem:s1+$0x470];
	v13 =	vadd.f32 v17, v13  }
0x6df: {  	v61 =	vld [tilespmem:s19+$0x0];
	v17 =	vmul.f32 v23, v15;
	v23 =	vmul.f32 v56, v16;
	[tilespmem:s3+$0x70] =	vst v10;
	v10 =	vadd.f32 v19, v14  }
0x6e0: {  	v62 =	vld [tilespmem:s19+$0x400];
	v14 =	vmul.f32 v57, v15;
	v19 =	vmul.f32 v58, v16;
	[tilespmem:s3+$0xFFFFFF80] =	vst v13;
	v11 =	vadd.f32 v21, v11  }
0x6e1: {  	v63 =	vld [tilespmem:s19+$0x10];
	v13 =	vmul.f32 v59, v15;
	v21 =	vmul.f32 v60, v16;
	[tilespmem:s3+$0xFFFFFF90] =	vst v10;
	v10 =	vadd.f32 v23, v17  }
0x6e2: {  	v12 =	vmul.f32 v12, v15;
	v17 =	vmul.f32 v18, v16;
	v18 =	vld [tilespmem:s19+$0x410];
	[tilespmem:s3+$0xFFFFFFA0] =	vst v11;
	v11 =	vadd.f32 v19, v14  }
0x6e3: {  	s2 =	simm.s32 $0x4;
	v14 =	vmul.f32 v20, v15;
	v13 =	vadd.f32 v21, v13;
	v15 =	vmul.f32 v22, v16;
	v16 =	vld [tilespmem:s19+$0x20];
	[tilespmem:s3+$0xFFFFFFB0] =	vst v10  }
0x6e4: {  	s25 =	simm.s32 $0x5;
	v20 =	vmul.f32 v61, v8;
	v19 =	vadd.f32 v17, v12;
	v12 =	vmov s2;
	v10 =	vld [tilespmem:s19+$0x420];
	[tilespmem:s3+$0xFFFFFFC0] =	vst v11  }
0x6e5: {  	v21 =	vmul.f32 v62, v9;
	v11 =	vld [tilespmem:s19+$0x30];
	[tilespmem:s3+$0xFFFFFFD0] =	vst v13;
	v13 =	vmov s25;
	v12 =	vand.u32 $0xFFFFFFFC, v12  }
0x6e6: {  	v14 =	vadd.f32 v15, v14;
	v15 =	vmul.f32 v63, v8;
	v17 =	vbroadcast v12, $0x0;
	v12 =	vld [tilespmem:s19+$0x430]  }
0x6e7: {  	v22 =	vand.u32 $0xFFFFFFFD, v13;
	v13 =	vld [tilespmem:s19+$0x40];
	[tilespmem:s3+$0xFFFFFFE0] =	vst v19;
	v19 =	vmul.f32 v18, v9;
	v18 =	vadd.f32 v21, v20  }
0x6e8: {  	s15 =	simm.s32 $0x6;
	s7 =	simm.s32 $0x800;
	s1 =	simm.s32 $0x8;
	[tilespmem:s3+$0xFFFFFFF0] =	vst v14;
	v20 =	vbroadcast v22, $0x0;
	v14 =	vld [tilespmem:s19+$0x440];
	v16 =	vmul.f32 v16, v8  }
.LBB2_74:
0x6e9: {  	p0 =	sne.s32 s1, $0x4C;
	v21 =	vmov s15;
	s15 =	sadd.s32 $0x3, s2;
	[tilespmem:s3+$0x0] =	vst v18;
	v15 =	vadd.f32 v19, v15;
	v10 =	vmul.f32 v10, v9;
	v18 =	vld [tilespmem:s19+$0x50];
	s2 =	smov.u32 s1  }
0x6ea: {  	v19 =	vand.u32 $0xFFFFFFFE, v21;
	v21 =	vmov s15;
	v11 =	vmul.f32 v11, v8;
	v22 =	vld [tilespmem:s19+$0x450]  }
0x6eb: {  	v19 =	vbroadcast v19, $0x0;
	[tilespmem:s3+$0x10] =	vst v15;
	v10 =	vadd.f32 v10, v16;
	v12 =	vmul.f32 v12, v9;
	v15 =	vld [tilespmem:s19+$0x60]  }
0x6ec: {  	s13 =	sadd.s32 $0x200, s13;
	v13 =	vmul.f32 v13, v8;
	v16 =	vld [tilespmem:s19+$0x460]  }
0x6ed: {  	s16 =	sadd.s32 $0x100, s16;
	s15 =	sand.u32 $0x3800, s13;
	v17 =	vld.idx.msk [tilespmem:v17+s18+$0x0], $0xffff;
	[tilespmem:s3+$0x20] =	vst v10;
	v10 =	vadd.f32 v12, v11;
	v11 =	vmul.f32 v14, v9  }
0x6ee: {  	s22 =	sand.u32 $0x380, s16;
	s15 =	sadd.s32 $0x1A900, s15;
	s19 =	sadd.s32 $0xFFFFFF80, s16;
	v12 =	vld.idx.msk [tilespmem:v20+s18+$0x0], $0xffff;
	v14 =	vmul.f32 v18, v8  }
0x6ef: {  	s23 =	sand.u32 $0x300, s19;
	s19 =	sadd.s32 s22, s15;
	v18 =	vld.idx.msk [tilespmem:v21+s18+$0x0], $0xffff;
	[tilespmem:s3+$0x30] =	vst v10;
	v10 =	vadd.f32 v11, v13;
	v11 =	vmul.f32 v22, v9  }
0x6f0: {  	s15 =	sadd.s32 s23, s15;
	v13 =	vld [tilespmem:s19+$0x70];
	v15 =	vmul.f32 v15, v8  }
0x6f1: {  	v8 =	vld.idx.msk [tilespmem:v19+s18+$0x0], $0xffff;
	[tilespmem:s3+$0x40] =	vst v10;
	v10 =	vadd.f32 v11, v14;
	v9 =	vmul.f32 v16, v9  }
0x6f2: {  	v11 =	vld [tilespmem:s19+$0x470]  }
0x6f3: {  	v14 =	vld [tilespmem:s15+$0x0];
	[tilespmem:s3+$0x50] =	vst v10;
	v16 =	vadd.f32 v9, v15  }
0x6f4: {  	v10 =	vld [tilespmem:s15+$0x400]  }
0x6f5: {  	v15 =	vld [tilespmem:s15+$0x10];
	[tilespmem:s3+$0x60] =	vst v16;
	v9 =	vmov v18  }
0x6f6: {  	v16 =	vld [tilespmem:s15+$0x410]  }
0x6f7: {  	v13 =	vmul.f32 v13, v8;
	v18 =	vld [tilespmem:s15+$0x20];
	v11 =	vmul.f32 v11, v9  }
0x6f8: {  	v14 =	vmul.f32 v14, v17;
	v19 =	vld [tilespmem:s15+$0x420]  }
0x6f9: {  	v10 =	vmul.f32 v10, v12;
	v20 =	vld [tilespmem:s15+$0x30];
	v11 =	vadd.f32 v11, v13  }
0x6fa: {  	s3 =	sadd.s32 $0x100, s3;
	v13 =	vmul.f32 v15, v17;
	v15 =	vld [tilespmem:s15+$0x430]  }
0x6fb: {  	v10 =	vadd.f32 v10, v14;
	v14 =	vmul.f32 v16, v12;
	v16 =	vld [tilespmem:s15+$0x40];
	[tilespmem:s3+$0x70] =	vst v11  }
0x6fc: {  	v11 =	vmul.f32 v18, v17;
	v18 =	vld [tilespmem:s15+$0x440]  }
0x6fd: {  	[tilespmem:s3+$0xFFFFFF80] =	vst v10;
	v10 =	vadd.f32 v14, v13;
	v13 =	vmul.f32 v19, v12;
	v14 =	vld [tilespmem:s15+$0x50]  }
0x6fe: {  	v19 =	vmul.f32 v20, v17;
	v20 =	vld [tilespmem:s15+$0x450]  }
0x6ff: {  	[tilespmem:s3+$0xFFFFFF90] =	vst v10;
	v10 =	vadd.f32 v13, v11;
	v11 =	vmul.f32 v15, v12;
	v13 =	vld [tilespmem:s15+$0x60]  }
0x700: {  	v15 =	vmul.f32 v16, v17;
	v16 =	vld [tilespmem:s15+$0x460]  }
0x701: {  	[tilespmem:s3+$0xFFFFFFA0] =	vst v10;
	v10 =	vadd.f32 v11, v19;
	v11 =	vmul.f32 v18, v12;
	v18 =	vld [tilespmem:s15+$0x70]  }
0x702: {  	v14 =	vmul.f32 v14, v17;
	v19 =	vld [tilespmem:s15+$0x470]  }
0x703: {  	[tilespmem:s3+$0xFFFFFFB0] =	vst v10;
	v10 =	vadd.f32 v11, v15;
	v11 =	vmul.f32 v20, v12;
	v15 =	vld [tilespmem:s19+$0x0]  }
0x704: {  	v13 =	vmul.f32 v13, v17;
	v20 =	vld [tilespmem:s19+$0x400]  }
0x705: {  	[tilespmem:s3+$0xFFFFFFC0] =	vst v10;
	v10 =	vadd.f32 v11, v14;
	v11 =	vmul.f32 v16, v12;
	v14 =	vld [tilespmem:s19+$0x10]  }
0x706: {  	v16 =	vmul.f32 v18, v17;
	v21 =	vld [tilespmem:s19+$0x410]  }
0x707: {  	[tilespmem:s3+$0xFFFFFFD0] =	vst v10;
	v11 =	vadd.f32 v11, v13;
	v12 =	vmul.f32 v19, v12;
	v22 =	vld [tilespmem:s19+$0x20]  }
.Ltmp36:
0x708: {  	v13 =	vmov s1;
	v18 =	vmul.f32 v15, v8;
	v10 =	vld [tilespmem:s19+$0x420];
	(pc) =	sbr.rel @p0 .LBB2_74-.Ltmp36, $4  }
0x709: {  	s15 =	sadd.s32 $0x1, s1;
	v13 =	vand.u32 $0xFFFFFFFC, v13;
	[tilespmem:s3+$0xFFFFFFE0] =	vst v11;
	v16 =	vadd.f32 v12, v16;
	v19 =	vmul.f32 v20, v9;
	v11 =	vld [tilespmem:s19+$0x30]  }
0x70a: {  	v17 =	vbroadcast v13, $0x0;
	v13 =	vmov s15;
	v15 =	vmul.f32 v14, v8;
	v12 =	vld [tilespmem:s19+$0x430]  }
0x70b: {  	v14 =	vand.u32 $0xFFFFFFFD, v13;
	[tilespmem:s3+$0xFFFFFFF0] =	vst v16;
	v18 =	vadd.f32 v19, v18;
	v19 =	vmul.f32 v21, v9;
	v13 =	vld [tilespmem:s19+$0x40]  }
0x70c: {  	s1 =	sadd.s32 $0x4, s1;
	s15 =	sadd.s32 $0x2, s2;
	v20 =	vbroadcast v14, $0x0;
	v16 =	vmul.f32 v22, v8;
	v14 =	vld [tilespmem:s19+$0x440]  }
0x70d: {  	v22 =	vld [tilespmem:s19+$0x50]  }
0x70e: {  	v24 =	vld [tilespmem:s19+$0x450]  }
0x70f: {  	s1 =	sadd.s32 $0x3, s2;
	v25 =	vld [tilespmem:s19+$0x60];
	s2 =	sadd.s32 $0x200, s13  }
0x710: {  	v26 =	vld [tilespmem:s19+$0x460];
	s13 =	sadd.s32 $0x100, s16;
	v23 =	vmov s1;
	s1 =	sand.u32 $0x3800, s2  }
0x711: {  	v21 =	vmov s15;
	v17 =	vld.idx.msk [tilespmem:v17+s18+$0x0], $0xffff;
	s16 =	sand.u32 $0x380, s13;
	s15 =	sadd.s32 $0x1A900, s1  }
0x712: {  	v20 =	vld.idx.msk [tilespmem:v20+s18+$0x0], $0xffff;
	s2 =	sadd.s32 $0xFFFFFF80, s13;
	s1 =	sadd.s32 s16, s15  }
0x713: {  	s2 =	sand.u32 $0x300, s2;
	v27 =	vld [tilespmem:s1+$0x70]  }
0x714: {  	s2 =	sadd.s32 s2, s15;
	v28 =	vld [tilespmem:s1+$0x470]  }
0x715: {  	v29 =	vld [tilespmem:s2+$0x0]  }
0x716: {  	v30 =	vld [tilespmem:s2+$0x400]  }
0x717: {  	v31 =	vld [tilespmem:s2+$0x10]  }
0x718: {  	v32 =	vld [tilespmem:s2+$0x410]  }
0x719: {  	v33 =	vld [tilespmem:s2+$0x20]  }
0x71a: {  	v34 =	vld [tilespmem:s2+$0x420]  }
0x71b: {  	v35 =	vld [tilespmem:s2+$0x30]  }
0x71c: {  	v36 =	vld [tilespmem:s2+$0x430]  }
0x71d: {  	v37 =	vld [tilespmem:s2+$0x40]  }
0x71e: {  	v38 =	vld [tilespmem:s2+$0x440]  }
0x71f: {  	v39 =	vld [tilespmem:s2+$0x50]  }
0x720: {  	v40 =	vld [tilespmem:s2+$0x450]  }
0x721: {  	v41 =	vld [tilespmem:s2+$0x60]  }
0x722: {  	v42 =	vld [tilespmem:s2+$0x460]  }
0x723: {  	v10 =	vmul.f32 v10, v9;
	v43 =	vld [tilespmem:s2+$0x70]  }
0x724: {  	v15 =	vadd.f32 v19, v15;
	v21 =	vand.u32 $0xFFFFFFFE, v21;
	v11 =	vmul.f32 v11, v8;
	v19 =	vld [tilespmem:s2+$0x470]  }
0x725: {  	v21 =	vbroadcast v21, $0x0;
	v12 =	vmul.f32 v12, v9;
	v10 =	vadd.f32 v10, v16;
	v16 =	vld [tilespmem:s1+$0x0]  }
0x726: {  	[tilespmem:s3+$0x0] =	vst v18;
	v13 =	vmul.f32 v13, v8;
	v14 =	vmul.f32 v14, v9;
	v18 =	vld [tilespmem:s1+$0x400]  }
0x727: {  	[tilespmem:s3+$0x10] =	vst v15;
	v15 =	vld [tilespmem:s1+$0x410];
	v22 =	vmul.f32 v22, v8;
	v24 =	vmul.f32 v24, v9  }
0x728: {  	v11 =	vadd.f32 v12, v11;
	[tilespmem:s3+$0x20] =	vst v10;
	v54 =	vld [tilespmem:s1+$0x420];
	v8 =	vmul.f32 v25, v8;
	v45 =	vmul.f32 v26, v9  }
0x729: {  	v23 =	vld.idx.msk [tilespmem:v23+s18+$0x0], $0xffff;
	v44 =	vadd.f32 v14, v13;
	v46 =	vadd.f32 v24, v22;
	v49 =	vmul.f32 v29, v17  }
0x72a: {  	v57 =	vld [tilespmem:s1+$0x30];
	[tilespmem:s3+$0x30] =	vst v11;
	v8 =	vadd.f32 v45, v8;
	v50 =	vmul.f32 v30, v20;
	v52 =	vmul.f32 v31, v17  }
0x72b: {  	v21 =	vld.idx.msk [tilespmem:v21+s18+$0x0], $0xffff;
	[tilespmem:s3+$0x40] =	vst v44;
	v53 =	vmul.f32 v32, v20;
	v55 =	vmul.f32 v33, v17  }
0x72c: {  	v61 =	vld [tilespmem:s1+$0x430];
	[tilespmem:s3+$0x60] =	vst v8;
	v59 =	vmul.f32 v35, v17;
	v60 =	vmul.f32 v36, v20;
	v8 =	vadd.f32 v50, v49  }
0x72d: {  	s19 =	sadd.s32 $0x100, s3;
	v13 =	vld [tilespmem:s1+$0x10];
	[tilespmem:s3+$0x50] =	vst v46;
	v56 =	vmul.f32 v34, v20;
	v62 =	vmul.f32 v37, v17;
	v58 =	vadd.f32 v53, v52  }
0x72e: {  	v22 =	vld [tilespmem:s1+$0x20];
	v34 =	vmul.f32 v39, v17;
	v35 =	vmul.f32 v40, v20;
	v33 =	vadd.f32 v60, v59;
	[tilespmem:s19+$0xFFFFFF80] =	vst v8  }
0x72f: {  	v63 =	vmul.f32 v38, v20;
	v32 =	vld [tilespmem:s1+$0x40];
	v37 =	vmul.f32 v41, v17;
	v8 =	vadd.f32 v56, v55;
	[tilespmem:s19+$0xFFFFFF90] =	vst v58  }
0x730: {  	v39 =	vld [tilespmem:s1+$0x50];
	v48 =	vmul.f32 v28, v23;
	v40 =	vadd.f32 v35, v34;
	v47 =	vmul.f32 v27, v21;
	[tilespmem:s19+$0xFFFFFFB0] =	vst v33  }
0x731: {  	v38 =	vmul.f32 v42, v20;
	v41 =	vmul.f32 v43, v17;
	v43 =	vld [tilespmem:s1+$0x450];
	[tilespmem:s19+$0xFFFFFFA0] =	vst v8;
	v8 =	vadd.f32 v63, v62  }
0x732: {  	v36 =	vld [tilespmem:s1+$0x440];
	v42 =	vmul.f32 v19, v20;
	v45 =	vmul.f32 v18, v23;
	[tilespmem:s19+$0xFFFFFFD0] =	vst v40;
	v51 =	vadd.f32 v48, v47  }
0x733: {  	v46 =	vld [tilespmem:s1+$0x60];
	v52 =	vmul.f32 v54, v23;
	v44 =	vmul.f32 v16, v21;
	[tilespmem:s19+$0xFFFFFFC0] =	vst v8;
	v8 =	vadd.f32 v38, v37  }
0x734: {  	v50 =	vld [tilespmem:s1+$0x460];
	v54 =	vmul.f32 v57, v21;
	v55 =	vmul.f32 v61, v23;
	v47 =	vadd.f32 v42, v41;
	[tilespmem:s19+$0x70] =	vst v51  }
0x735: {  	v51 =	vmul.f32 v22, v21;
	[tilespmem:s19+$0xFFFFFFE0] =	vst v8;
	v8 =	vadd.f32 v45, v44  }
0x736: {  	v59 =	vmul.f32 v39, v21;
	v60 =	vmul.f32 v43, v23;
	v58 =	vadd.f32 v55, v54;
	[tilespmem:s19+$0xFFFFFFF0] =	vst v47  }
0x737: {  	v56 =	vmul.f32 v32, v21;
	v57 =	vmul.f32 v36, v23;
	[tilespmem:s19+$0x0] =	vst v8;
	v8 =	vadd.f32 v52, v51  }
0x738: {  	v49 =	vmul.f32 v15, v23;
	v48 =	vmul.f32 v13, v21;
	v63 =	vadd.f32 v60, v59;
	[tilespmem:s19+$0x30] =	vst v58  }
0x739: {  	v61 =	vmul.f32 v46, v21;
	v62 =	vmul.f32 v50, v23;
	[tilespmem:s19+$0x20] =	vst v8;
	v8 =	vadd.f32 v57, v56  }
0x73a: {  	v53 =	vadd.f32 v49, v48;
	[tilespmem:s19+$0x50] =	vst v63  }
0x73b: {  	[tilespmem:s19+$0x40] =	vst v8;
	v8 =	vadd.f32 v62, v61  }
0x73c: {  	s22 =	simm.s32 $0x28;
	[tilespmem:s19+$0x10] =	vst v53  }
0x73d: {  	s23 =	simm.s32 $0x1FC80;
	s25 =	simm.s32 $0x1E500;
	s3 =	simm.s32 $0x4;
	[tilespmem:s19+$0x60] =	vst v8  }
0x73e: {  	[spmem:s26] =	stream.indirect.scatter.add.f32 [tilespmem:s25], [sflag:$0x5], $0x80, s23, s22, $0xb8;
	[tilespmem:$0x1FD00] =	vst v63  }
0x73f: {  	_ =	swait.ge [sflag:s3], $0x1400  }
0x740: {  	[sflag:s3] =	ssyncset.done $0x0  }
0x741: {  	s13 =	simm.s32 $0x5;
	[sflag:s3] =	ssyncadd.s32 $0xFFFFEC00  }
0x742: {  	_ =	swait.ge [sflag:s13], $0x1400  }
0x743: {  	[sflag:s13] =	ssyncset.done $0x0  }
0x744: {  	[sflag:s13] =	ssyncadd.s32 $0xFFFFEC00  }
0x745: {  	[bflag:$0x0] =	sbarrier.arrive $0xFFFF  }
0x746: {  	s15 =	sshll.u32 s8, $0x6;
	s19 =	rddreg [dreg:$0xa]  }
0x747: {  	s1 =	sor.u32 $0x1C06, s15;
	s22 =	rddreg [dreg:$0x19];
	s16 =	sshrl.u32 s19, $0x3  }
0x748: {  	[hbm:s22], [sflag:s1] =	dma.local [spmem:s16], $0x2800  }
0x749: {  	_ =	swait.ge [sflag:s30], $0x2800  }
0x74a: {  	s23 =	sld [smem:$0x7F3];
	_ =	sdelay $0x2  }
0x74b: {  	s25 =	rddreg [dreg:$0x1a];
	s2 =	sadd.s32 $0x1, s23  }
0x74c: {  	p0 =	sne.s32 s2, s25  }
.Ltmp37:
0x74d: {  	_ = 	snop;
	(pc) =	sbr.rel @p0 .LBB2_1-.Ltmp37, $4  }
0x74e: {  	_ = 	snop  }
0x74f: {  	[sflag:s30] =	ssyncset.done $0x0  }
0x750: {  	[sflag:s30] =	ssyncadd.s32 $0xFFFFD800  }
0x751: {  	s16 =	simm.s32 $0x2D00;
	s22 =	simm.s32 $0x1000;
	s23 =	rddreg [dreg:$0x2]  }
0x752: {  	_ =	sfence.sel $0x180000  }
0x753: {  	[bflag:$0x0] =	sbarrier.arrive $0xFFFF  }
0x754: {  	_ =	strace $0x90000047  }
0x755: {  	[bflag:$0x2] =	sbarrier.arrive $0xFFFF  }
0x756: {  	p0 =	sne.s32 s8, $0x0;
	s0 =	rddreg [dreg:$0x9]  }
0x757: {  	s0 =	sadd.s32 @!p0 $0x100000, s0  }
0x758: {  	[sflag:s0] =	ssyncadd.tile.s32 @!p0 $0x1;
	_ =	shalt  }
.Lfunc_end2:
_tile_overlayer_lowered:
.L_overlay_start_2:
0x759: {  	(tag) =	ssettag $0x2  }
0x75a: {  	s0 =	rddreg [dreg:$0x0];
	s2 =	stileid.u32  }
0x75b: {  	s1 =	rddreg [dreg:$0x1];
	p0 =	sne.s32 s2, $0x0  }
0x75c: {  	s3 =	rddreg [dreg:$0x2];
	[bflag:$0x3] =	sbarrier.arrive $0xFFFF;
	s2 =	simm.s32 @!p0 $0x1C06  }
0x75d: {  	[timem:s3], [sflag:s2] =	dma.local @!p0 [hbm:s0], s1  }
0x75e: {  	s0 =	simm.s32 @!p0 $0x6  }
0x75f: {  	_ =	swait.ge @!p0 [sflag:s0], s1  }
0x760: {  	s1 =	ssub.s32 @!p0 $0x0, s1;
	[sflag:s0] =	ssyncset.done @!p0 $0x0  }
0x761: {  	[sflag:s0] =	ssyncadd.s32 @!p0 s1  }
0x762: {  	[bflag:$0x3] =	sbarrier.arrive $0xFFFF  }
0x763: {  	_ =	shalt  }

</sc_bundles>
